<compile_context>
chip_gen: v7x
topology: tpu7x:2x2x1
jax: 0.10.2.dev20260603
libtpu: 0.0.44.dev20260713+nightly
codegen_flags: <defaults>
</compile_context>

<pallas_src>
import functools

import jax
import jax.numpy as jnp
from jax import lax
from jax.experimental import pallas as pl
from jax.experimental.pallas import tpu as pltpu
from jax.experimental.pallas import tpu_sc as plsc

K = 2
BLK = 256

_NC = 2
_NS = 16
_NW = _NC * _NS
_L = 16


def _sc_mesh():
    return plsc.VectorSubcoreMesh(core_axis_name="c", subcore_axis_name="s")


def _num_items(a, e):
    t = a // BLK + e - 1
    return (t + 7) // 8 * 8


def _gate_body(x_ref, wg_ref, w1_ref, w2_ref, p1_ref, p2_ref,
               et_ref, bt_ref, lo_ref, hi_ref, ft_ref):
    logits = jnp.dot(x_ref[...], wg_ref[...], preferred_element_type=jnp.float32)
    tok, e = logits.shape
    n_items = et_ref.shape[0]
    col = lax.broadcasted_iota(jnp.int32, logits.shape, 1)
    m1 = jnp.max(logits, axis=1)
    a1 = jnp.min(jnp.where(logits == m1[:, None], col, e), axis=1)
    oh1 = col == a1[:, None]
    masked = jnp.where(oh1, -jnp.inf, logits)
    m2 = jnp.max(masked, axis=1)
    a2 = jnp.min(jnp.where(masked == m2[:, None], col, e), axis=1)
    oh2 = col == a2[:, None]
    e2 = jnp.exp(m2 - m1)
    denom = 1.0 + e2
    w1_ref[...] = 1.0 / denom
    w2_ref[...] = e2 / denom

    cum = (oh1 | oh2).astype(jnp.float32)
    k = 1
    while k < tok:
        shifted = jnp.concatenate(
            [jnp.zeros((k, e), jnp.float32), cum[:-k, :]], axis=0)
        cum = cum + shifted
        k *= 2
    sizes = cum[-1:, :]
    rr = lax.broadcasted_iota(jnp.int32, (e, e), 0)
    cc = lax.broadcasted_iota(jnp.int32, (e, e), 1)
    tri = (rr <= cc).astype(jnp.float32)
    inc = jnp.dot(sizes, tri, preferred_element_type=jnp.float32)
    excl = inc - sizes
    base = excl + cum
    p1_ref[...] = (jnp.sum(base * oh1.astype(jnp.float32), axis=1) - 1.0
                   ).astype(jnp.int32)
    p2_ref[...] = (jnp.sum(base * oh2.astype(jnp.float32), axis=1) - 1.0
                   ).astype(jnp.int32)

    sizes_i = sizes.astype(jnp.int32)
    inc_i = inc.astype(jnp.int32)
    excl_i = excl.astype(jnp.int32)
    nonempty = sizes_i > 0
    first_blk = excl_i // BLK
    last_blk = jnp.where(nonempty, inc_i - 1, excl_i) // BLK
    nspan = jnp.where(nonempty, last_blk - first_blk + 1, 0)
    cum_n = jnp.dot(nspan.astype(jnp.float32), tri,
                    preferred_element_type=jnp.float32).astype(jnp.int32)
    total = cum_n[:, -1:]

    tcol = lax.broadcasted_iota(jnp.int32, (n_items, 1), 0)
    below = (cum_n <= tcol).astype(jnp.int32)
    g_t = jnp.minimum(jnp.sum(below, axis=1, keepdims=True), e - 1)
    lane = lax.broadcasted_iota(jnp.int32, (n_items, e), 1)
    onehot_t = (lane == g_t).astype(jnp.float32)

    def sel(row):
        return jnp.sum(onehot_t * row.astype(jnp.float32), axis=1,
                       keepdims=True).astype(jnp.int32)

    fb_t = sel(first_blk)
    cn_t = sel(cum_n)
    ns_t = sel(nspan)
    ex_t = sel(excl_i)
    ic_t = sel(inc_i)
    blk_t = fb_t + tcol - (cn_t - ns_t)

    g_last = jnp.minimum(jnp.sum((cum_n <= total - 1).astype(jnp.int32),
                                 axis=1, keepdims=True), e - 1)
    onehot_l = (lax.broadcasted_iota(jnp.int32, (1, e), 1) == g_last
                ).astype(jnp.float32)
    lb_last = jnp.sum(onehot_l * last_blk.astype(jnp.float32), axis=1,
                      keepdims=True).astype(jnp.int32)

    valid = tcol < total
    expert_t = jnp.where(valid, g_t, g_last)
    block_t = jnp.where(valid, blk_t, lb_last)
    lo_t = jnp.where(valid, jnp.maximum(ex_t, block_t * BLK), 0)
    hi_t = jnp.where(valid, jnp.minimum(ic_t, (block_t + 1) * BLK), 0)
    prev = jnp.concatenate(
        [jnp.full((1, 1), -1, jnp.int32), block_t[:-1, :]], axis=0)
    first_t = (block_t != prev).astype(jnp.int32)

    et_ref[...] = expert_t[:, 0]
    bt_ref[...] = block_t[:, 0]
    lo_ref[...] = lo_t[:, 0]
    hi_ref[...] = hi_t[:, 0]
    ft_ref[...] = first_t[:, 0]


def _gate(x, Wg):
    tok = x.shape[0]
    e = Wg.shape[1]
    n_items = _num_items(K * tok, e)
    sds = jax.ShapeDtypeStruct
    return pl.pallas_call(
        _gate_body,
        out_shape=(
            sds((tok,), jnp.float32),
            sds((tok,), jnp.float32),
            sds((tok,), jnp.int32),
            sds((tok,), jnp.int32),
            sds((n_items,), jnp.int32),
            sds((n_items,), jnp.int32),
            sds((n_items,), jnp.int32),
            sds((n_items,), jnp.int32),
            sds((n_items,), jnp.int32),
        ),
    )(x, Wg)


def _dispatch_sc(x, p1, p2, w1, w2):
    tok, d = x.shape
    a = K * tok
    per_w = tok // _NW

    @functools.partial(
        pl.kernel,
        out_type=(
            jax.ShapeDtypeStruct((a, d), jnp.float32),
            jax.ShapeDtypeStruct((a,), jnp.float32),
        ),
        mesh=_sc_mesh(),
        scratch_types=[
            pltpu.VMEM((per_w,), jnp.int32),
            pltpu.VMEM((per_w,), jnp.int32),
            pltpu.VMEM((per_w,), jnp.float32),
            pltpu.VMEM((per_w,), jnp.float32),
            pltpu.VMEM((per_w, d), jnp.float32),
            pltpu.SemaphoreType.DMA,
            pltpu.SemaphoreType.DMA,
            pltpu.SemaphoreType.DMA,
            pltpu.SemaphoreType.DMA,
            pltpu.SemaphoreType.DMA,
        ],
    )
    def run(x_hbm, p1_hbm, p2_hbm, w1_hbm, w2_hbm, xs_hbm, ws_hbm,
            p1_v, p2_v, w1_v, w2_v, rows_v, sem0, sem1, sem2, sem3, sem4):
        wid = lax.axis_index("s") * _NC + lax.axis_index("c")
        base = wid * per_w
        rows_cp = pltpu.async_copy(x_hbm.at[pl.ds(base, per_w)], rows_v, sem0)
        pltpu.sync_copy(p1_hbm.at[pl.ds(base, per_w)], p1_v)
        pltpu.sync_copy(p2_hbm.at[pl.ds(base, per_w)], p2_v)
        pltpu.sync_copy(w1_hbm.at[pl.ds(base, per_w)], w1_v)
        pltpu.sync_copy(w2_hbm.at[pl.ds(base, per_w)], w2_v)
        c3 = pltpu.async_copy(w1_v, ws_hbm.at[p1_v], sem3)
        c4 = pltpu.async_copy(w2_v, ws_hbm.at[p2_v], sem4)
        rows_cp.wait()
        c1 = pltpu.async_copy(rows_v, xs_hbm.at[p1_v], sem1)
        c2 = pltpu.async_copy(rows_v, xs_hbm.at[p2_v], sem2)
        c1.wait()
        c2.wait()
        c3.wait()
        c4.wait()

    return run(x, p1, p2, w1, w2)


def _combine_sc(ys, p1, p2):
    a, d = ys.shape
    tok = a // K
    per_w = tok // _NW
    half = per_w // 2

    @functools.partial(
        pl.kernel,
        out_type=jax.ShapeDtypeStruct((tok, d), jnp.float32),
        mesh=_sc_mesh(),
        scratch_types=[
            pltpu.VMEM((per_w,), jnp.int32),
            pltpu.VMEM((per_w,), jnp.int32),
            pltpu.VMEM((half, d), jnp.float32),
            pltpu.VMEM((half, d), jnp.float32),
            pltpu.VMEM((half, d), jnp.float32),
            pltpu.VMEM((half, d), jnp.float32),
            pltpu.SemaphoreType.DMA,
            pltpu.SemaphoreType.DMA,
            pltpu.SemaphoreType.DMA,
        ],
    )
    def run(ys_hbm, p1_hbm, p2_hbm, out_hbm,
            idx1_v, idx2_v, b1a, b2a, b1b, b2b, sem_a, sem_b, sem_o):
        wid = lax.axis_index("s") * _NC + lax.axis_index("c")
        base = wid * per_w
        pltpu.sync_copy(p1_hbm.at[pl.ds(base, per_w)], idx1_v)
        pltpu.sync_copy(p2_hbm.at[pl.ds(base, per_w)], idx2_v)
        g1a = pltpu.async_copy(ys_hbm.at[idx1_v.at[pl.ds(0, half)]], b1a, sem_a)
        g2a = pltpu.async_copy(ys_hbm.at[idx2_v.at[pl.ds(0, half)]], b2a, sem_a)
        g1b = pltpu.async_copy(ys_hbm.at[idx1_v.at[pl.ds(half, half)]], b1b, sem_b)
        g2b = pltpu.async_copy(ys_hbm.at[idx2_v.at[pl.ds(half, half)]], b2b, sem_b)
        g1a.wait()
        g2a.wait()

        @plsc.parallel_loop(0, half, 1)
        def _(j):
            for c in range(0, d, _L):
                b1a[j, pl.ds(c, _L)] = b1a[j, pl.ds(c, _L)] + b2a[j, pl.ds(c, _L)]

        oa = pltpu.async_copy(b1a, out_hbm.at[pl.ds(base, half)], sem_o)
        g1b.wait()
        g2b.wait()

        @plsc.parallel_loop(0, half, 1)
        def _(j):
            for c in range(0, d, _L):
                b1b[j, pl.ds(c, _L)] = b1b[j, pl.ds(c, _L)] + b2b[j, pl.ds(c, _L)]

        oa.wait()
        pltpu.sync_copy(b1b, out_hbm.at[pl.ds(base + half, half)])

    return run(ys, p1, p2)


def _gmm_body(e_ref, b_ref, lo_ref, hi_ref, first_ref,
              xs_ref, we_ref, be_ref, ws_ref, out_ref):
    t = pl.program_id(0)
    rows = lax.broadcasted_iota(jnp.int32, (BLK, 1), 0) + b_ref[t] * BLK
    mask = (rows >= lo_ref[t]) & (rows < hi_ref[t])
    wm = jnp.where(mask, ws_ref[0, 0, :][:, None], 0.0)
    acc = lax.dot_general(
        xs_ref[...], we_ref[0], (((1,), (1,)), ((), ())),
        preferred_element_type=jnp.float32)
    contrib = wm * (acc + be_ref[0, 0, :][None, :])

    @pl.when(first_ref[t] == 1)
    def _():
        out_ref[...] = contrib

    @pl.when(first_ref[t] == 0)
    def _():
        out_ref[...] += contrib


def _gmm(xs, We, be, ws, expert_t, block_t, lo_t, hi_t, first_t):
    a, d = xs.shape
    e = We.shape[0]
    n_items = expert_t.shape[0]
    tiles_m = a // BLK
    be3 = be.reshape(e, 1, d)
    ws3 = ws.reshape(tiles_m, 1, BLK)
    grid_spec = pltpu.PrefetchScalarGridSpec(
        num_scalar_prefetch=5,
        grid=(n_items,),
        in_specs=[
            pl.BlockSpec((BLK, d), lambda t, e_, b_, *_: (b_[t], 0)),
            pl.BlockSpec((1, d, d), lambda t, e_, b_, *_: (e_[t], 0, 0)),
            pl.BlockSpec((1, 1, d), lambda t, e_, b_, *_: (e_[t], 0, 0)),
            pl.BlockSpec((1, 1, BLK), lambda t, e_, b_, *_: (b_[t], 0, 0)),
        ],
        out_specs=pl.BlockSpec((BLK, d), lambda t, e_, b_, *_: (b_[t], 0)),
    )
    return pl.pallas_call(
        _gmm_body,
        grid_spec=grid_spec,
        out_shape=jax.ShapeDtypeStruct((a, d), jnp.float32),
    )(expert_t, block_t, lo_t, hi_t, first_t, xs, We, be3, ws3)


@jax.jit
def kernel(x, Wg, We, be):
    w1, w2, p1, p2, et, bt, lo, hi, ft = _gate(x, Wg)
    xs, ws = _dispatch_sc(x, p1, p2, w1, w2)
    ys = _gmm(xs, We, be, ws, et, bt, lo, hi, ft)
    out = _combine_sc(ys, p1, p2)
    return out

# --- scband reference (transcript-rebuilt; emitter-appended) ---
"""Pipeline reference for scband-moe-layer-14869176779218 (READ-ONLY COPY).

The authoritative reference and input builder live on the scoring server;
editing this copy changes nothing except your own understanding.
"""

import jax, jax.numpy as jnp
import numpy as np

E = 64
K = 2
D = 768
TOK = 2048

def setup_inputs(seed: int = 0) -> dict:
    key = jax.random.key(seed)
    k1, k2, k3, k4 = jax.random.split(key, 4)
    x = jax.random.normal(k1, (TOK, D), dtype=jnp.float32)
    Wg = jax.random.normal(k2, (D, E), dtype=jnp.float32) * 0.02
    We = jax.random.normal(k3, (E, D, D), dtype=jnp.float32) * 0.02
    be = jnp.zeros((E, D), dtype=jnp.float32)
    return {"x": x, "Wg": Wg, "We": We, "be": be}

def reference(x, Wg, We, be):
    # gate: Linear(D, E, bias=False)
    gate_logits = x @ Wg
    weights, selected = jax.lax.top_k(gate_logits, K)
    weights = jax.nn.softmax(weights.astype(jnp.float32), axis=1).astype(x.dtype)
    results = jnp.zeros_like(x)
    for i in range(E):
        match = (selected == i).astype(weights.dtype)
        w = (weights * match).sum(axis=1)
        expert_out = x @ We[i].T + be[i]
        results = results + w[:, None] * expert_out
    return results

if __name__ == "__main__":
    import jax
    _d = setup_inputs()
    print(jax.jit(kernel)(*tuple(_d.values())))

</pallas_src>

<mosaic_0001>
#map = affine_map<(d0, d1) -> (0, 0)>
#map1 = affine_map<(d0, d1) -> (0)>
module attributes {stable_mosaic.version = 14 : i64} {
  func.func @run(%arg0: i32, %arg1: i32, %arg2: memref<4096x768xf32, #tpu.memory_space<hbm>>, %arg3: memref<2048xi32, #tpu.memory_space<hbm>>, %arg4: memref<2048xi32, #tpu.memory_space<hbm>>, %arg5: memref<2048x768xf32, #tpu.memory_space<hbm>>, %arg6: memref<64xi32, #tpu.memory_space<vmem>>, %arg7: memref<64xi32, #tpu.memory_space<vmem>>, %arg8: memref<32x768xf32, #tpu.memory_space<vmem>>, %arg9: memref<32x768xf32, #tpu.memory_space<vmem>>, %arg10: memref<32x768xf32, #tpu.memory_space<vmem>>, %arg11: memref<32x768xf32, #tpu.memory_space<vmem>>, %arg12: memref<!tpu.dma_semaphore, #tpu.memory_space<semaphore_mem>>, %arg13: memref<!tpu.dma_semaphore, #tpu.memory_space<semaphore_mem>>, %arg14: memref<!tpu.dma_semaphore, #tpu.memory_space<semaphore_mem>>) attributes {dimension_semantics = [#tpu.dimension_semantics<core_parallel>, #tpu.dimension_semantics<subcore_parallel>], iteration_bounds = array<i64: 2, 16>, scalar_prefetch = 0 : i64, scratch_operands = 9 : i64, tpu.core_type = #tpu.core_type<sc_vector_subcore>, window_params = [{transform_indices = #map}, {transform_indices = #map1}, {transform_indices = #map1}, {transform_indices = #map}]} {
    %mul3A = arith.constant 2 : i32
    %mul3A_0 = arith.muli %arg1, %mul3A : i32
    %add3A = arith.addi %mul3A_0, %arg0 : i32
    %mul3A_1 = arith.constant 64 : i32
    %mul3A_2 = arith.muli %add3A, %mul3A_1 : i32
    "tpu.region"() ({
      %run_scoped3A = tpu.sem_alloc : memref<!tpu.dma_semaphore, #tpu.memory_space<semaphore_mem>>
      %dma_start3A_56 = tpu.memref_slice %arg3[%mul3A_2] : memref<2048xi32, #tpu.memory_space<hbm>> -> memref<64xi32, #tpu.memory_space<hbm>>
      %dma_start3A_57 = tpu.memref_slice %arg3[%mul3A_2] : memref<2048xi32, #tpu.memory_space<hbm>> -> memref<64xi32, #tpu.memory_space<hbm>>
      tpu.enqueue_dma source(%dma_start3A_57 : memref<64xi32, #tpu.memory_space<hbm>>) target(%arg6 : memref<64xi32, #tpu.memory_space<vmem>>) target_semaphore(%run_scoped3A : memref<!tpu.dma_semaphore, #tpu.memory_space<semaphore_mem>>)
      %dma_wait3A_58 = tpu.memref_slice %arg3[%mul3A_2] : memref<2048xi32, #tpu.memory_space<hbm>> -> memref<64xi32, #tpu.memory_space<hbm>>
      %dma_wait3A_59 = tpu.memref_slice %arg3[%mul3A_2] : memref<2048xi32, #tpu.memory_space<hbm>> -> memref<64xi32, #tpu.memory_space<hbm>>
      tpu.wait_dma2 semaphore(%run_scoped3A : memref<!tpu.dma_semaphore, #tpu.memory_space<semaphore_mem>>) src(%dma_wait3A_59 : memref<64xi32, #tpu.memory_space<hbm>>) dst(%arg6 : memref<64xi32, #tpu.memory_space<vmem>>)
      tpu.yield
    }) : () -> ()
    "tpu.region"() ({
      %run_scoped3A = tpu.sem_alloc : memref<!tpu.dma_semaphore, #tpu.memory_space<semaphore_mem>>
      %dma_start3A_56 = tpu.memref_slice %arg4[%mul3A_2] : memref<2048xi32, #tpu.memory_space<hbm>> -> memref<64xi32, #tpu.memory_space<hbm>>
      %dma_start3A_57 = tpu.memref_slice %arg4[%mul3A_2] : memref<2048xi32, #tpu.memory_space<hbm>> -> memref<64xi32, #tpu.memory_space<hbm>>
      tpu.enqueue_dma source(%dma_start3A_57 : memref<64xi32, #tpu.memory_space<hbm>>) target(%arg7 : memref<64xi32, #tpu.memory_space<vmem>>) target_semaphore(%run_scoped3A : memref<!tpu.dma_semaphore, #tpu.memory_space<semaphore_mem>>)
      %dma_wait3A_58 = tpu.memref_slice %arg4[%mul3A_2] : memref<2048xi32, #tpu.memory_space<hbm>> -> memref<64xi32, #tpu.memory_space<hbm>>
      %dma_wait3A_59 = tpu.memref_slice %arg4[%mul3A_2] : memref<2048xi32, #tpu.memory_space<hbm>> -> memref<64xi32, #tpu.memory_space<hbm>>
      tpu.wait_dma2 semaphore(%run_scoped3A : memref<!tpu.dma_semaphore, #tpu.memory_space<semaphore_mem>>) src(%dma_wait3A_59 : memref<64xi32, #tpu.memory_space<hbm>>) dst(%arg7 : memref<64xi32, #tpu.memory_space<vmem>>)
      tpu.yield
    }) : () -> ()
    %dma_start3A = arith.constant 0 : i32
    %dma_start3A_3 = tpu.memref_slice %arg6[%dma_start3A] : memref<64xi32, #tpu.memory_space<vmem>> -> memref<32xi32, #tpu.memory_space<vmem>>
    %dma_start3A_4 = arith.constant 0 : i32
    %dma_start3A_5 = arith.constant 0 : i32
    %dma_start3A_6 = tpu.memref_slice %arg2[%dma_start3A_4, %dma_start3A_5] : memref<4096x768xf32, #tpu.memory_space<hbm>> -> memref<4096x768xf32, #tpu.memory_space<hbm>>
    tpu.enqueue_indirect_dma source(%dma_start3A_6 : memref<4096x768xf32, #tpu.memory_space<hbm>>) target(%arg8 : memref<32x768xf32, #tpu.memory_space<vmem>>) offsets(%dma_start3A_3 : memref<32xi32, #tpu.memory_space<vmem>>) semaphore(%arg12 : memref<!tpu.dma_semaphore, #tpu.memory_space<semaphore_mem>>)
    %dma_start3A_7 = arith.constant 0 : i32
    %dma_start3A_8 = tpu.memref_slice %arg7[%dma_start3A_7] : memref<64xi32, #tpu.memory_space<vmem>> -> memref<32xi32, #tpu.memory_space<vmem>>
    %dma_start3A_9 = arith.constant 0 : i32
    %dma_start3A_10 = arith.constant 0 : i32
    %dma_start3A_11 = tpu.memref_slice %arg2[%dma_start3A_9, %dma_start3A_10] : memref<4096x768xf32, #tpu.memory_space<hbm>> -> memref<4096x768xf32, #tpu.memory_space<hbm>>
    tpu.enqueue_indirect_dma source(%dma_start3A_11 : memref<4096x768xf32, #tpu.memory_space<hbm>>) target(%arg9 : memref<32x768xf32, #tpu.memory_space<vmem>>) offsets(%dma_start3A_8 : memref<32xi32, #tpu.memory_space<vmem>>) semaphore(%arg12 : memref<!tpu.dma_semaphore, #tpu.memory_space<semaphore_mem>>)
    %dma_start3A_12 = arith.constant 32 : i32
    %dma_start3A_13 = tpu.memref_slice %arg6[%dma_start3A_12] : memref<64xi32, #tpu.memory_space<vmem>> -> memref<32xi32, #tpu.memory_space<vmem>>
    %dma_start3A_14 = arith.constant 0 : i32
    %dma_start3A_15 = arith.constant 0 : i32
    %dma_start3A_16 = tpu.memref_slice %arg2[%dma_start3A_14, %dma_start3A_15] : memref<4096x768xf32, #tpu.memory_space<hbm>> -> memref<4096x768xf32, #tpu.memory_space<hbm>>
    tpu.enqueue_indirect_dma source(%dma_start3A_16 : memref<4096x768xf32, #tpu.memory_space<hbm>>) target(%arg10 : memref<32x768xf32, #tpu.memory_space<vmem>>) offsets(%dma_start3A_13 : memref<32xi32, #tpu.memory_space<vmem>>) semaphore(%arg13 : memref<!tpu.dma_semaphore, #tpu.memory_space<semaphore_mem>>)
    %dma_start3A_17 = arith.constant 32 : i32
    %dma_start3A_18 = tpu.memref_slice %arg7[%dma_start3A_17] : memref<64xi32, #tpu.memory_space<vmem>> -> memref<32xi32, #tpu.memory_space<vmem>>
    %dma_start3A_19 = arith.constant 0 : i32
    %dma_start3A_20 = arith.constant 0 : i32
    %dma_start3A_21 = tpu.memref_slice %arg2[%dma_start3A_19, %dma_start3A_20] : memref<4096x768xf32, #tpu.memory_space<hbm>> -> memref<4096x768xf32, #tpu.memory_space<hbm>>
    tpu.enqueue_indirect_dma source(%dma_start3A_21 : memref<4096x768xf32, #tpu.memory_space<hbm>>) target(%arg11 : memref<32x768xf32, #tpu.memory_space<vmem>>) offsets(%dma_start3A_18 : memref<32xi32, #tpu.memory_space<vmem>>) semaphore(%arg13 : memref<!tpu.dma_semaphore, #tpu.memory_space<semaphore_mem>>)
    %dma_wait3A = arith.constant 0 : i32
    %dma_wait3A_22 = tpu.memref_slice %arg6[%dma_wait3A] : memref<64xi32, #tpu.memory_space<vmem>> -> memref<32xi32, #tpu.memory_space<vmem>>
    %dma_wait3A_23 = arith.constant 0 : i32
    %dma_wait3A_24 = arith.constant 0 : i32
    %dma_wait3A_25 = tpu.memref_slice %arg2[%dma_wait3A_23, %dma_wait3A_24] : memref<4096x768xf32, #tpu.memory_space<hbm>> -> memref<4096x768xf32, #tpu.memory_space<hbm>>
    tpu.wait_indirect_dma semaphore(%arg12 : memref<!tpu.dma_semaphore, #tpu.memory_space<semaphore_mem>>) src(%dma_wait3A_25 : memref<4096x768xf32, #tpu.memory_space<hbm>>) dst(%arg8 : memref<32x768xf32, #tpu.memory_space<vmem>>)
    %dma_wait3A_26 = arith.constant 0 : i32
    %dma_wait3A_27 = tpu.memref_slice %arg7[%dma_wait3A_26] : memref<64xi32, #tpu.memory_space<vmem>> -> memref<32xi32, #tpu.memory_space<vmem>>
    %dma_wait3A_28 = arith.constant 0 : i32
    %dma_wait3A_29 = arith.constant 0 : i32
    %dma_wait3A_30 = tpu.memref_slice %arg2[%dma_wait3A_28, %dma_wait3A_29] : memref<4096x768xf32, #tpu.memory_space<hbm>> -> memref<4096x768xf32, #tpu.memory_space<hbm>>
    tpu.wait_indirect_dma semaphore(%arg12 : memref<!tpu.dma_semaphore, #tpu.memory_space<semaphore_mem>>) src(%dma_wait3A_30 : memref<4096x768xf32, #tpu.memory_space<hbm>>) dst(%arg9 : memref<32x768xf32, #tpu.memory_space<vmem>>)
    %parallel_loop3A = arith.constant 0 : i32
    %parallel_loop3A_31 = arith.constant 32 : i32
    %parallel_loop3A_32 = arith.constant 1 : i32
    scf.for %parallel_loop3A_56 = %parallel_loop3A to %parallel_loop3A_31 step %parallel_loop3A_32  : i32 {
      %parallel_loop3A_57 = arith.index_cast %parallel_loop3A_56 : i32 to index
      %parallel_loop3A_58 = arith.constant 0 : index
      %parallel_loop3A_59 = tpu.vector_load %arg8[%parallel_loop3A_57, %parallel_loop3A_58] {strides = array<i32>} : memref<32x768xf32, #tpu.memory_space<vmem>>, vector<1x16xf32>,
      %parallel_loop3A_60 = vector.shape_cast %parallel_loop3A_59 : vector<1x16xf32> to vector<16xf32>
      %parallel_loop3A_61 = arith.index_cast %parallel_loop3A_56 : i32 to index
      %parallel_loop3A_62 = arith.constant 0 : index
      %parallel_loop3A_63 = tpu.vector_load %arg9[%parallel_loop3A_61, %parallel_loop3A_62] {strides = array<i32>} : memref<32x768xf32, #tpu.memory_space<vmem>>, vector<1x16xf32>,
      %parallel_loop3A_64 = vector.shape_cast %parallel_loop3A_63 : vector<1x16xf32> to vector<16xf32>
      %parallel_loop3A_65 = arith.addf %parallel_loop3A_60, %parallel_loop3A_64 : vector<16xf32>
      %parallel_loop3A_66 = arith.index_cast %parallel_loop3A_56 : i32 to index
      %parallel_loop3A_67 = arith.constant 0 : index
      %parallel_loop3A_68 = tpu.vector_load %arg8[%parallel_loop3A_66, %parallel_loop3A_67] {strides = array<i32>} : memref<32x768xf32, #tpu.memory_space<vmem>>, vector<1x16xf32>,
      %parallel_loop3A_69 = vector.shape_cast %parallel_loop3A_68 : vector<1x16xf32> to vector<16xf32>
      %parallel_loop3A_70 = vector.shape_cast %parallel_loop3A_65 : vector<16xf32> to vector<1x16xf32>
      tpu.vector_store %arg8[%parallel_loop3A_66, %parallel_loop3A_67], %parallel_loop3A_70 {strides = array<i32>} : memref<32x768xf32, #tpu.memory_space<vmem>>, vector<1x16xf32>,
      %parallel_loop3A_71 = arith.index_cast %parallel_loop3A_56 : i32 to index
      %parallel_loop3A_72 = arith.constant 16 : index
      %parallel_loop3A_73 = tpu.vector_load %arg8[%parallel_loop3A_71, %parallel_loop3A_72] {strides = array<i32>} : memref<32x768xf32, #tpu.memory_space<vmem>>, vector<1x16xf32>,
      %parallel_loop3A_74 = vector.shape_cast %parallel_loop3A_73 : vector<1x16xf32> to vector<16xf32>
      %parallel_loop3A_75 = arith.index_cast %parallel_loop3A_56 : i32 to index
      %parallel_loop3A_76 = arith.constant 16 : index
      %parallel_loop3A_77 = tpu.vector_load %arg9[%parallel_loop3A_75, %parallel_loop3A_76] {strides = array<i32>} : memref<32x768xf32, #tpu.memory_space<vmem>>, vector<1x16xf32>,
      %parallel_loop3A_78 = vector.shape_cast %parallel_loop3A_77 : vector<1x16xf32> to vector<16xf32>
      %parallel_loop3A_79 = arith.addf %parallel_loop3A_74, %parallel_loop3A_78 : vector<16xf32>
      %parallel_loop3A_80 = arith.index_cast %parallel_loop3A_56 : i32 to index
      %parallel_loop3A_81 = arith.constant 16 : index
      %parallel_loop3A_82 = tpu.vector_load %arg8[%parallel_loop3A_80, %parallel_loop3A_81] {strides = array<i32>} : memref<32x768xf32, #tpu.memory_space<vmem>>, vector<1x16xf32>,
      %parallel_loop3A_83 = vector.shape_cast %parallel_loop3A_82 : vector<1x16xf32> to vector<16xf32>
      %parallel_loop3A_84 = vector.shape_cast %parallel_loop3A_79 : vector<16xf32> to vector<1x16xf32>
      tpu.vector_store %arg8[%parallel_loop3A_80, %parallel_loop3A_81], %parallel_loop3A_84 {strides = array<i32>} : memref<32x768xf32, #tpu.memory_space<vmem>>, vector<1x16xf32>,
      %parallel_loop3A_85 = arith.index_cast %parallel_loop3A_56 : i32 to index
      %parallel_loop3A_86 = arith.constant 32 : index
      %parallel_loop3A_87 = tpu.vector_load %arg8[%parallel_loop3A_85, %parallel_loop3A_86] {strides = array<i32>} : memref<32x768xf32, #tpu.memory_space<vmem>>, vector<1x16xf32>,
      %parallel_loop3A_88 = vector.shape_cast %parallel_loop3A_87 : vector<1x16xf32> to vector<16xf32>
      %parallel_loop3A_89 = arith.index_cast %parallel_loop3A_56 : i32 to index
      %parallel_loop3A_90 = arith.constant 32 : index
      %parallel_loop3A_91 = tpu.vector_load %arg9[%parallel_loop3A_89, %parallel_loop3A_90] {strides = array<i32>} : memref<32x768xf32, #tpu.memory_space<vmem>>, vector<1x16xf32>,
      %parallel_loop3A_92 = vector.shape_cast %parallel_loop3A_91 : vector<1x16xf32> to vector<16xf32>
      %parallel_loop3A_93 = arith.addf %parallel_loop3A_88, %parallel_loop3A_92 : vector<16xf32>
      %parallel_loop3A_94 = arith.index_cast %parallel_loop3A_56 : i32 to index
      %parallel_loop3A_95 = arith.constant 32 : index
      %parallel_loop3A_96 = tpu.vector_load %arg8[%parallel_loop3A_94, %parallel_loop3A_95] {strides = array<i32>} : memref<32x768xf32, #tpu.memory_space<vmem>>, vector<1x16xf32>,
      %parallel_loop3A_97 = vector.shape_cast %parallel_loop3A_96 : vector<1x16xf32> to vector<16xf32>
      %parallel_loop3A_98 = vector.shape_cast %parallel_loop3A_93 : vector<16xf32> to vector<1x16xf32>
      tpu.vector_store %arg8[%parallel_loop3A_94, %parallel_loop3A_95], %parallel_loop3A_98 {strides = array<i32>} : memref<32x768xf32, #tpu.memory_space<vmem>>, vector<1x16xf32>,
      %parallel_loop3A_99 = arith.index_cast %parallel_loop3A_56 : i32 to index
      %parallel_loop3A_100 = arith.constant 48 : index
      %parallel_loop3A_101 = tpu.vector_load %arg8[%parallel_loop3A_99, %parallel_loop3A_100] {strides = array<i32>} : memref<32x768xf32, #tpu.memory_space<vmem>>, vector<1x16xf32>,
      %parallel_loop3A_102 = vector.shape_cast %parallel_loop3A_101 : vector<1x16xf32> to vector<16xf32>
      %parallel_loop3A_103 = arith.index_cast %parallel_loop3A_56 : i32 to index
      %parallel_loop3A_104 = arith.constant 48 : index
      %parallel_loop3A_105 = tpu.vector_load %arg9[%parallel_loop3A_103, %parallel_loop3A_104] {strides = array<i32>} : memref<32x768xf32, #tpu.memory_space<vmem>>, vector<1x16xf32>,
      %parallel_loop3A_106 = vector.shape_cast %parallel_loop3A_105 : vector<1x16xf32> to vector<16xf32>
      %parallel_loop3A_107 = arith.addf %parallel_loop3A_102, %parallel_loop3A_106 : vector<16xf32>
      %parallel_loop3A_108 = arith.index_cast %parallel_loop3A_56 : i32 to index
      %parallel_loop3A_109 = arith.constant 48 : index
      %parallel_loop3A_110 = tpu.vector_load %arg8[%parallel_loop3A_108, %parallel_loop3A_109] {strides = array<i32>} : memref<32x768xf32, #tpu.memory_space<vmem>>, vector<1x16xf32>,
      %parallel_loop3A_111 = vector.shape_cast %parallel_loop3A_110 : vector<1x16xf32> to vector<16xf32>
      %parallel_loop3A_112 = vector.shape_cast %parallel_loop3A_107 : vector<16xf32> to vector<1x16xf32>
      tpu.vector_store %arg8[%parallel_loop3A_108, %parallel_loop3A_109], %parallel_loop3A_112 {strides = array<i32>} : memref<32x768xf32, #tpu.memory_space<vmem>>, vector<1x16xf32>,
      %parallel_loop3A_113 = arith.index_cast %parallel_loop3A_56 : i32 to index
      %parallel_loop3A_114 = arith.constant 64 : index
      %parallel_loop3A_115 = tpu.vector_load %arg8[%parallel_loop3A_113, %parallel_loop3A_114] {strides = array<i32>} : memref<32x768xf32, #tpu.memory_space<vmem>>, vector<1x16xf32>,
      %parallel_loop3A_116 = vector.shape_cast %parallel_loop3A_115 : vector<1x16xf32> to vector<16xf32>
      %parallel_loop3A_117 = arith.index_cast %parallel_loop3A_56 : i32 to index
      %parallel_loop3A_118 = arith.constant 64 : index
      %parallel_loop3A_119 = tpu.vector_load %arg9[%parallel_loop3A_117, %parallel_loop3A_118] {strides = array<i32>} : memref<32x768xf32, #tpu.memory_space<vmem>>, vector<1x16xf32>,
      %parallel_loop3A_120 = vector.shape_cast %parallel_loop3A_119 : vector<1x16xf32> to vector<16xf32>
      %parallel_loop3A_121 = arith.addf %parallel_loop3A_116, %parallel_loop3A_120 : vector<16xf32>
      %parallel_loop3A_122 = arith.index_cast %parallel_loop3A_56 : i32 to index
      %parallel_loop3A_123 = arith.constant 64 : index
      %parallel_loop3A_124 = tpu.vector_load %arg8[%parallel_loop3A_122, %parallel_loop3A_123] {strides = array<i32>} : memref<32x768xf32, #tpu.memory_space<vmem>>, vector<1x16xf32>,
      %parallel_loop3A_125 = vector.shape_cast %parallel_loop3A_124 : vector<1x16xf32> to vector<16xf32>
      %parallel_loop3A_126 = vector.shape_cast %parallel_loop3A_121 : vector<16xf32> to vector<1x16xf32>
      tpu.vector_store %arg8[%parallel_loop3A_122, %parallel_loop3A_123], %parallel_loop3A_126 {strides = array<i32>} : memref<32x768xf32, #tpu.memory_space<vmem>>, vector<1x16xf32>,
      %parallel_loop3A_127 = arith.index_cast %parallel_loop3A_56 : i32 to index
      %parallel_loop3A_128 = arith.constant 80 : index
      %parallel_loop3A_129 = tpu.vector_load %arg8[%parallel_loop3A_127, %parallel_loop3A_128] {strides = array<i32>} : memref<32x768xf32, #tpu.memory_space<vmem>>, vector<1x16xf32>,
      %parallel_loop3A_130 = vector.shape_cast %parallel_loop3A_129 : vector<1x16xf32> to vector<16xf32>
      %parallel_loop3A_131 = arith.index_cast %parallel_loop3A_56 : i32 to index
      %parallel_loop3A_132 = arith.constant 80 : index
      %parallel_loop3A_133 = tpu.vector_load %arg9[%parallel_loop3A_131, %parallel_loop3A_132] {strides = array<i32>} : memref<32x768xf32, #tpu.memory_space<vmem>>, vector<1x16xf32>,
      %parallel_loop3A_134 = vector.shape_cast %parallel_loop3A_133 : vector<1x16xf32> to vector<16xf32>
      %parallel_loop3A_135 = arith.addf %parallel_loop3A_130, %parallel_loop3A_134 : vector<16xf32>
      %parallel_loop3A_136 = arith.index_cast %parallel_loop3A_56 : i32 to index
      %parallel_loop3A_137 = arith.constant 80 : index
      %parallel_loop3A_138 = tpu.vector_load %arg8[%parallel_loop3A_136, %parallel_loop3A_137] {strides = array<i32>} : memref<32x768xf32, #tpu.memory_space<vmem>>, vector<1x16xf32>,
      %parallel_loop3A_139 = vector.shape_cast %parallel_loop3A_138 : vector<1x16xf32> to vector<16xf32>
      %parallel_loop3A_140 = vector.shape_cast %parallel_loop3A_135 : vector<16xf32> to vector<1x16xf32>
      tpu.vector_store %arg8[%parallel_loop3A_136, %parallel_loop3A_137], %parallel_loop3A_140 {strides = array<i32>} : memref<32x768xf32, #tpu.memory_space<vmem>>, vector<1x16xf32>,
      %parallel_loop3A_141 = arith.index_cast %parallel_loop3A_56 : i32 to index
      %parallel_loop3A_142 = arith.constant 96 : index
      %parallel_loop3A_143 = tpu.vector_load %arg8[%parallel_loop3A_141, %parallel_loop3A_142] {strides = array<i32>} : memref<32x768xf32, #tpu.memory_space<vmem>>, vector<1x16xf32>,
      %parallel_loop3A_144 = vector.shape_cast %parallel_loop3A_143 : vector<1x16xf32> to vector<16xf32>
      %parallel_loop3A_145 = arith.index_cast %parallel_loop3A_56 : i32 to index
      %parallel_loop3A_146 = arith.constant 96 : index
      %parallel_loop3A_147 = tpu.vector_load %arg9[%parallel_loop3A_145, %parallel_loop3A_146] {strides = array<i32>} : memref<32x768xf32, #tpu.memory_space<vmem>>, vector<1x16xf32>,
      %parallel_loop3A_148 = vector.shape_cast %parallel_loop3A_147 : vector<1x16xf32> to vector<16xf32>
      %parallel_loop3A_149 = arith.addf %parallel_loop3A_144, %parallel_loop3A_148 : vector<16xf32>
      %parallel_loop3A_150 = arith.index_cast %parallel_loop3A_56 : i32 to index
      %parallel_loop3A_151 = arith.constant 96 : index
      %parallel_loop3A_152 = tpu.vector_load %arg8[%parallel_loop3A_150, %parallel_loop3A_151] {strides = array<i32>} : memref<32x768xf32, #tpu.memory_space<vmem>>, vector<1x16xf32>,
      %parallel_loop3A_153 = vector.shape_cast %parallel_loop3A_152 : vector<1x16xf32> to vector<16xf32>
      %parallel_loop3A_154 = vector.shape_cast %parallel_loop3A_149 : vector<16xf32> to vector<1x16xf32>
      tpu.vector_store %arg8[%parallel_loop3A_150, %parallel_loop3A_151], %parallel_loop3A_154 {strides = array<i32>} : memref<32x768xf32, #tpu.memory_space<vmem>>, vector<1x16xf32>,
      %parallel_loop3A_155 = arith.index_cast %parallel_loop3A_56 : i32 to index
      %parallel_loop3A_156 = arith.constant 112 : index
      %parallel_loop3A_157 = tpu.vector_load %arg8[%parallel_loop3A_155, %parallel_loop3A_156] {strides = array<i32>} : memref<32x768xf32, #tpu.memory_space<vmem>>, vector<1x16xf32>,
      %parallel_loop3A_158 = vector.shape_cast %parallel_loop3A_157 : vector<1x16xf32> to vector<16xf32>
      %parallel_loop3A_159 = arith.index_cast %parallel_loop3A_56 : i32 to index
      %parallel_loop3A_160 = arith.constant 112 : index
      %parallel_loop3A_161 = tpu.vector_load %arg9[%parallel_loop3A_159, %parallel_loop3A_160] {strides = array<i32>} : memref<32x768xf32, #tpu.memory_space<vmem>>, vector<1x16xf32>,
      %parallel_loop3A_162 = vector.shape_cast %parallel_loop3A_161 : vector<1x16xf32> to vector<16xf32>
      %parallel_loop3A_163 = arith.addf %parallel_loop3A_158, %parallel_loop3A_162 : vector<16xf32>
      %parallel_loop3A_164 = arith.index_cast %parallel_loop3A_56 : i32 to index
      %parallel_loop3A_165 = arith.constant 112 : index
      %parallel_loop3A_166 = tpu.vector_load %arg8[%parallel_loop3A_164, %parallel_loop3A_165] {strides = array<i32>} : memref<32x768xf32, #tpu.memory_space<vmem>>, vector<1x16xf32>,
      %parallel_loop3A_167 = vector.shape_cast %parallel_loop3A_166 : vector<1x16xf32> to vector<16xf32>
      %parallel_loop3A_168 = vector.shape_cast %parallel_loop3A_163 : vector<16xf32> to vector<1x16xf32>
      tpu.vector_store %arg8[%parallel_loop3A_164, %parallel_loop3A_165], %parallel_loop3A_168 {strides = array<i32>} : memref<32x768xf32, #tpu.memory_space<vmem>>, vector<1x16xf32>,
      %parallel_loop3A_169 = arith.index_cast %parallel_loop3A_56 : i32 to index
      %parallel_loop3A_170 = arith.constant 128 : index
      %parallel_loop3A_171 = tpu.vector_load %arg8[%parallel_loop3A_169, %parallel_loop3A_170] {strides = array<i32>} : memref<32x768xf32, #tpu.memory_space<vmem>>, vector<1x16xf32>,
      %parallel_loop3A_172 = vector.shape_cast %parallel_loop3A_171 : vector<1x16xf32> to vector<16xf32>
      %parallel_loop3A_173 = arith.index_cast %parallel_loop3A_56 : i32 to index
      %parallel_loop3A_174 = arith.constant 128 : index
      %parallel_loop3A_175 = tpu.vector_load %arg9[%parallel_loop3A_173, %parallel_loop3A_174] {strides = array<i32>} : memref<32x768xf32, #tpu.memory_space<vmem>>, vector<1x16xf32>,
      %parallel_loop3A_176 = vector.shape_cast %parallel_loop3A_175 : vector<1x16xf32> to vector<16xf32>
      %parallel_loop3A_177 = arith.addf %parallel_loop3A_172, %parallel_loop3A_176 : vector<16xf32>
      %parallel_loop3A_178 = arith.index_cast %parallel_loop3A_56 : i32 to index
      %parallel_loop3A_179 = arith.constant 128 : index
      %parallel_loop3A_180 = tpu.vector_load %arg8[%parallel_loop3A_178, %parallel_loop3A_179] {strides = array<i32>} : memref<32x768xf32, #tpu.memory_space<vmem>>, vector<1x16xf32>,
      %parallel_loop3A_181 = vector.shape_cast %parallel_loop3A_180 : vector<1x16xf32> to vector<16xf32>
      %parallel_loop3A_182 = vector.shape_cast %parallel_loop3A_177 : vector<16xf32> to vector<1x16xf32>
      tpu.vector_store %arg8[%parallel_loop3A_178, %parallel_loop3A_179], %parallel_loop3A_182 {strides = array<i32>} : memref<32x768xf32, #tpu.memory_space<vmem>>, vector<1x16xf32>,
      %parallel_loop3A_183 = arith.index_cast %parallel_loop3A_56 : i32 to index
      %parallel_loop3A_184 = arith.constant 144 : index
      %parallel_loop3A_185 = tpu.vector_load %arg8[%parallel_loop3A_183, %parallel_loop3A_184] {strides = array<i32>} : memref<32x768xf32, #tpu.memory_space<vmem>>, vector<1x16xf32>,
      %parallel_loop3A_186 = vector.shape_cast %parallel_loop3A_185 : vector<1x16xf32> to vector<16xf32>
      %parallel_loop3A_187 = arith.index_cast %parallel_loop3A_56 : i32 to index
      %parallel_loop3A_188 = arith.constant 144 : index
      %parallel_loop3A_189 = tpu.vector_load %arg9[%parallel_loop3A_187, %parallel_loop3A_188] {strides = array<i32>} : memref<32x768xf32, #tpu.memory_space<vmem>>, vector<1x16xf32>,
      %parallel_loop3A_190 = vector.shape_cast %parallel_loop3A_189 : vector<1x16xf32> to vector<16xf32>
      %parallel_loop3A_191 = arith.addf %parallel_loop3A_186, %parallel_loop3A_190 : vector<16xf32>
      %parallel_loop3A_192 = arith.index_cast %parallel_loop3A_56 : i32 to index
      %parallel_loop3A_193 = arith.constant 144 : index
      %parallel_loop3A_194 = tpu.vector_load %arg8[%parallel_loop3A_192, %parallel_loop3A_193] {strides = array<i32>} : memref<32x768xf32, #tpu.memory_space<vmem>>, vector<1x16xf32>,
      %parallel_loop3A_195 = vector.shape_cast %parallel_loop3A_194 : vector<1x16xf32> to vector<16xf32>
      %parallel_loop3A_196 = vector.shape_cast %parallel_loop3A_191 : vector<16xf32> to vector<1x16xf32>
      tpu.vector_store %arg8[%parallel_loop3A_192, %parallel_loop3A_193], %parallel_loop3A_196 {strides = array<i32>} : memref<32x768xf32, #tpu.memory_space<vmem>>, vector<1x16xf32>,
      %parallel_loop3A_197 = arith.index_cast %parallel_loop3A_56 : i32 to index
      %parallel_loop3A_198 = arith.constant 160 : index
      %parallel_loop3A_199 = tpu.vector_load %arg8[%parallel_loop3A_197, %parallel_loop3A_198] {strides = array<i32>} : memref<32x768xf32, #tpu.memory_space<vmem>>, vector<1x16xf32>,
      %parallel_loop3A_200 = vector.shape_cast %parallel_loop3A_199 : vector<1x16xf32> to vector<16xf32>
      %parallel_loop3A_201 = arith.index_cast %parallel_loop3A_56 : i32 to index
      %parallel_loop3A_202 = arith.constant 160 : index
      %parallel_loop3A_203 = tpu.vector_load %arg9[%parallel_loop3A_201, %parallel_loop3A_202] {strides = array<i32>} : memref<32x768xf32, #tpu.memory_space<vmem>>, vector<1x16xf32>,
      %parallel_loop3A_204 = vector.shape_cast %parallel_loop3A_203 : vector<1x16xf32> to vector<16xf32>
      %parallel_loop3A_205 = arith.addf %parallel_loop3A_200, %parallel_loop3A_204 : vector<16xf32>
      %parallel_loop3A_206 = arith.index_cast %parallel_loop3A_56 : i32 to index
      %parallel_loop3A_207 = arith.constant 160 : index
      %parallel_loop3A_208 = tpu.vector_load %arg8[%parallel_loop3A_206, %parallel_loop3A_207] {strides = array<i32>} : memref<32x768xf32, #tpu.memory_space<vmem>>, vector<1x16xf32>,
      %parallel_loop3A_209 = vector.shape_cast %parallel_loop3A_208 : vector<1x16xf32> to vector<16xf32>
      %parallel_loop3A_210 = vector.shape_cast %parallel_loop3A_205 : vector<16xf32> to vector<1x16xf32>
      tpu.vector_store %arg8[%parallel_loop3A_206, %parallel_loop3A_207], %parallel_loop3A_210 {strides = array<i32>} : memref<32x768xf32, #tpu.memory_space<vmem>>, vector<1x16xf32>,
      %parallel_loop3A_211 = arith.index_cast %parallel_loop3A_56 : i32 to index
      %parallel_loop3A_212 = arith.constant 176 : index
      %parallel_loop3A_213 = tpu.vector_load %arg8[%parallel_loop3A_211, %parallel_loop3A_212] {strides = array<i32>} : memref<32x768xf32, #tpu.memory_space<vmem>>, vector<1x16xf32>,
      %parallel_loop3A_214 = vector.shape_cast %parallel_loop3A_213 : vector<1x16xf32> to vector<16xf32>
      %parallel_loop3A_215 = arith.index_cast %parallel_loop3A_56 : i32 to index
      %parallel_loop3A_216 = arith.constant 176 : index
      %parallel_loop3A_217 = tpu.vector_load %arg9[%parallel_loop3A_215, %parallel_loop3A_216] {strides = array<i32>} : memref<32x768xf32, #tpu.memory_space<vmem>>, vector<1x16xf32>,
      %parallel_loop3A_218 = vector.shape_cast %parallel_loop3A_217 : vector<1x16xf32> to vector<16xf32>
      %parallel_loop3A_219 = arith.addf %parallel_loop3A_214, %parallel_loop3A_218 : vector<16xf32>
      %parallel_loop3A_220 = arith.index_cast %parallel_loop3A_56 : i32 to index
      %parallel_loop3A_221 = arith.constant 176 : index
      %parallel_loop3A_222 = tpu.vector_load %arg8[%parallel_loop3A_220, %parallel_loop3A_221] {strides = array<i32>} : memref<32x768xf32, #tpu.memory_space<vmem>>, vector<1x16xf32>,
      %parallel_loop3A_223 = vector.shape_cast %parallel_loop3A_222 : vector<1x16xf32> to vector<16xf32>
      %parallel_loop3A_224 = vector.shape_cast %parallel_loop3A_219 : vector<16xf32> to vector<1x16xf32>
      tpu.vector_store %arg8[%parallel_loop3A_220, %parallel_loop3A_221], %parallel_loop3A_224 {strides = array<i32>} : memref<32x768xf32, #tpu.memory_space<vmem>>, vector<1x16xf32>,
      %parallel_loop3A_225 = arith.index_cast %parallel_loop3A_56 : i32 to index
      %parallel_loop3A_226 = arith.constant 192 : index
      %parallel_loop3A_227 = tpu.vector_load %arg8[%parallel_loop3A_225, %parallel_loop3A_226] {strides = array<i32>} : memref<32x768xf32, #tpu.memory_space<vmem>>, vector<1x16xf32>,
      %parallel_loop3A_228 = vector.shape_cast %parallel_loop3A_227 : vector<1x16xf32> to vector<16xf32>
      %parallel_loop3A_229 = arith.index_cast %parallel_loop3A_56 : i32 to index
      %parallel_loop3A_230 = arith.constant 192 : index
      %parallel_loop3A_231 = tpu.vector_load %arg9[%parallel_loop3A_229, %parallel_loop3A_230] {strides = array<i32>} : memref<32x768xf32, #tpu.memory_space<vmem>>, vector<1x16xf32>,
      %parallel_loop3A_232 = vector.shape_cast %parallel_loop3A_231 : vector<1x16xf32> to vector<16xf32>
      %parallel_loop3A_233 = arith.addf %parallel_loop3A_228, %parallel_loop3A_232 : vector<16xf32>
      %parallel_loop3A_234 = arith.index_cast %parallel_loop3A_56 : i32 to index
      %parallel_loop3A_235 = arith.constant 192 : index
      %parallel_loop3A_236 = tpu.vector_load %arg8[%parallel_loop3A_234, %parallel_loop3A_235] {strides = array<i32>} : memref<32x768xf32, #tpu.memory_space<vmem>>, vector<1x16xf32>,
      %parallel_loop3A_237 = vector.shape_cast %parallel_loop3A_236 : vector<1x16xf32> to vector<16xf32>
      %parallel_loop3A_238 = vector.shape_cast %parallel_loop3A_233 : vector<16xf32> to vector<1x16xf32>
      tpu.vector_store %arg8[%parallel_loop3A_234, %parallel_loop3A_235], %parallel_loop3A_238 {strides = array<i32>} : memref<32x768xf32, #tpu.memory_space<vmem>>, vector<1x16xf32>,
      %parallel_loop3A_239 = arith.index_cast %parallel_loop3A_56 : i32 to index
      %parallel_loop3A_240 = arith.constant 208 : index
      %parallel_loop3A_241 = tpu.vector_load %arg8[%parallel_loop3A_239, %parallel_loop3A_240] {strides = array<i32>} : memref<32x768xf32, #tpu.memory_space<vmem>>, vector<1x16xf32>,
      %parallel_loop3A_242 = vector.shape_cast %parallel_loop3A_241 : vector<1x16xf32> to vector<16xf32>
      %parallel_loop3A_243 = arith.index_cast %parallel_loop3A_56 : i32 to index
      %parallel_loop3A_244 = arith.constant 208 : index
      %parallel_loop3A_245 = tpu.vector_load %arg9[%parallel_loop3A_243, %parallel_loop3A_244] {strides = array<i32>} : memref<32x768xf32, #tpu.memory_space<vmem>>, vector<1x16xf32>,
      %parallel_loop3A_246 = vector.shape_cast %parallel_loop3A_245 : vector<1x16xf32> to vector<16xf32>
      %parallel_loop3A_247 = arith.addf %parallel_loop3A_242, %parallel_loop3A_246 : vector<16xf32>
      %parallel_loop3A_248 = arith.index_cast %parallel_loop3A_56 : i32 to index
      %parallel_loop3A_249 = arith.constant 208 : index
      %parallel_loop3A_250 = tpu.vector_load %arg8[%parallel_loop3A_248, %parallel_loop3A_249] {strides = array<i32>} : memref<32x768xf32, #tpu.memory_space<vmem>>, vector<1x16xf32>,
      %parallel_loop3A_251 = vector.shape_cast %parallel_loop3A_250 : vector<1x16xf32> to vector<16xf32>
      %parallel_loop3A_252 = vector.shape_cast %parallel_loop3A_247 : vector<16xf32> to vector<1x16xf32>
      tpu.vector_store %arg8[%parallel_loop3A_248, %parallel_loop3A_249], %parallel_loop3A_252 {strides = array<i32>} : memref<32x768xf32, #tpu.memory_space<vmem>>, vector<1x16xf32>,
      %parallel_loop3A_253 = arith.index_cast %parallel_loop3A_56 : i32 to index
      %parallel_loop3A_254 = arith.constant 224 : index
      %parallel_loop3A_255 = tpu.vector_load %arg8[%parallel_loop3A_253, %parallel_loop3A_254] {strides = array<i32>} : memref<32x768xf32, #tpu.memory_space<vmem>>, vector<1x16xf32>,
      %parallel_loop3A_256 = vector.shape_cast %parallel_loop3A_255 : vector<1x16xf32> to vector<16xf32>
      %parallel_loop3A_257 = arith.index_cast %parallel_loop3A_56 : i32 to index
      %parallel_loop3A_258 = arith.constant 224 : index
      %parallel_loop3A_259 = tpu.vector_load %arg9[%parallel_loop3A_257, %parallel_loop3A_258] {strides = array<i32>} : memref<32x768xf32, #tpu.memory_space<vmem>>, vector<1x16xf32>,
      %parallel_loop3A_260 = vector.shape_cast %parallel_loop3A_259 : vector<1x16xf32> to vector<16xf32>
      %parallel_loop3A_261 = arith.addf %parallel_loop3A_256, %parallel_loop3A_260 : vector<16xf32>
      %parallel_loop3A_262 = arith.index_cast %parallel_loop3A_56 : i32 to index
      %parallel_loop3A_263 = arith.constant 224 : index
      %parallel_loop3A_264 = tpu.vector_load %arg8[%parallel_loop3A_262, %parallel_loop3A_263] {strides = array<i32>} : memref<32x768xf32, #tpu.memory_space<vmem>>, vector<1x16xf32>,
      %parallel_loop3A_265 = vector.shape_cast %parallel_loop3A_264 : vector<1x16xf32> to vector<16xf32>
      %parallel_loop3A_266 = vector.shape_cast %parallel_loop3A_261 : vector<16xf32> to vector<1x16xf32>
      tpu.vector_store %arg8[%parallel_loop3A_262, %parallel_loop3A_263], %parallel_loop3A_266 {strides = array<i32>} : memref<32x768xf32, #tpu.memory_space<vmem>>, vector<1x16xf32>,
      %parallel_loop3A_267 = arith.index_cast %parallel_loop3A_56 : i32 to index
      %parallel_loop3A_268 = arith.constant 240 : index
      %parallel_loop3A_269 = tpu.vector_load %arg8[%parallel_loop3A_267, %parallel_loop3A_268] {strides = array<i32>} : memref<32x768xf32, #tpu.memory_space<vmem>>, vector<1x16xf32>,
      %parallel_loop3A_270 = vector.shape_cast %parallel_loop3A_269 : vector<1x16xf32> to vector<16xf32>
      %parallel_loop3A_271 = arith.index_cast %parallel_loop3A_56 : i32 to index
      %parallel_loop3A_272 = arith.constant 240 : index
      %parallel_loop3A_273 = tpu.vector_load %arg9[%parallel_loop3A_271, %parallel_loop3A_272] {strides = array<i32>} : memref<32x768xf32, #tpu.memory_space<vmem>>, vector<1x16xf32>,
      %parallel_loop3A_274 = vector.shape_cast %parallel_loop3A_273 : vector<1x16xf32> to vector<16xf32>
      %parallel_loop3A_275 = arith.addf %parallel_loop3A_270, %parallel_loop3A_274 : vector<16xf32>
      %parallel_loop3A_276 = arith.index_cast %parallel_loop3A_56 : i32 to index
      %parallel_loop3A_277 = arith.constant 240 : index
      %parallel_loop3A_278 = tpu.vector_load %arg8[%parallel_loop3A_276, %parallel_loop3A_277] {strides = array<i32>} : memref<32x768xf32, #tpu.memory_space<vmem>>, vector<1x16xf32>,
      %parallel_loop3A_279 = vector.shape_cast %parallel_loop3A_278 : vector<1x16xf32> to vector<16xf32>
      %parallel_loop3A_280 = vector.shape_cast %parallel_loop3A_275 : vector<16xf32> to vector<1x16xf32>
      tpu.vector_store %arg8[%parallel_loop3A_276, %parallel_loop3A_277], %parallel_loop3A_280 {strides = array<i32>} : memref<32x768xf32, #tpu.memory_space<vmem>>, vector<1x16xf32>,
      %parallel_loop3A_281 = arith.index_cast %parallel_loop3A_56 : i32 to index
      %parallel_loop3A_282 = arith.constant 256 : index
      %parallel_loop3A_283 = tpu.vector_load %arg8[%parallel_loop3A_281, %parallel_loop3A_282] {strides = array<i32>} : memref<32x768xf32, #tpu.memory_space<vmem>>, vector<1x16xf32>,
      %parallel_loop3A_284 = vector.shape_cast %parallel_loop3A_283 : vector<1x16xf32> to vector<16xf32>
      %parallel_loop3A_285 = arith.index_cast %parallel_loop3A_56 : i32 to index
      %parallel_loop3A_286 = arith.constant 256 : index
      %parallel_loop3A_287 = tpu.vector_load %arg9[%parallel_loop3A_285, %parallel_loop3A_286] {strides = array<i32>} : memref<32x768xf32, #tpu.memory_space<vmem>>, vector<1x16xf32>,
      %parallel_loop3A_288 = vector.shape_cast %parallel_loop3A_287 : vector<1x16xf32> to vector<16xf32>
      %parallel_loop3A_289 = arith.addf %parallel_loop3A_284, %parallel_loop3A_288 : vector<16xf32>
      %parallel_loop3A_290 = arith.index_cast %parallel_loop3A_56 : i32 to index
      %parallel_loop3A_291 = arith.constant 256 : index
      %parallel_loop3A_292 = tpu.vector_load %arg8[%parallel_loop3A_290, %parallel_loop3A_291] {strides = array<i32>} : memref<32x768xf32, #tpu.memory_space<vmem>>, vector<1x16xf32>,
      %parallel_loop3A_293 = vector.shape_cast %parallel_loop3A_292 : vector<1x16xf32> to vector<16xf32>
      %parallel_loop3A_294 = vector.shape_cast %parallel_loop3A_289 : vector<16xf32> to vector<1x16xf32>
      tpu.vector_store %arg8[%parallel_loop3A_290, %parallel_loop3A_291], %parallel_loop3A_294 {strides = array<i32>} : memref<32x768xf32, #tpu.memory_space<vmem>>, vector<1x16xf32>,
      %parallel_loop3A_295 = arith.index_cast %parallel_loop3A_56 : i32 to index
      %parallel_loop3A_296 = arith.constant 272 : index
      %parallel_loop3A_297 = tpu.vector_load %arg8[%parallel_loop3A_295, %parallel_loop3A_296] {strides = array<i32>} : memref<32x768xf32, #tpu.memory_space<vmem>>, vector<1x16xf32>,
      %parallel_loop3A_298 = vector.shape_cast %parallel_loop3A_297 : vector<1x16xf32> to vector<16xf32>
      %parallel_loop3A_299 = arith.index_cast %parallel_loop3A_56 : i32 to index
      %parallel_loop3A_300 = arith.constant 272 : index
      %parallel_loop3A_301 = tpu.vector_load %arg9[%parallel_loop3A_299, %parallel_loop3A_300] {strides = array<i32>} : memref<32x768xf32, #tpu.memory_space<vmem>>, vector<1x16xf32>,
      %parallel_loop3A_302 = vector.shape_cast %parallel_loop3A_301 : vector<1x16xf32> to vector<16xf32>
      %parallel_loop3A_303 = arith.addf %parallel_loop3A_298, %parallel_loop3A_302 : vector<16xf32>
      %parallel_loop3A_304 = arith.index_cast %parallel_loop3A_56 : i32 to index
      %parallel_loop3A_305 = arith.constant 272 : index
      %parallel_loop3A_306 = tpu.vector_load %arg8[%parallel_loop3A_304, %parallel_loop3A_305] {strides = array<i32>} : memref<32x768xf32, #tpu.memory_space<vmem>>, vector<1x16xf32>,
      %parallel_loop3A_307 = vector.shape_cast %parallel_loop3A_306 : vector<1x16xf32> to vector<16xf32>
      %parallel_loop3A_308 = vector.shape_cast %parallel_loop3A_303 : vector<16xf32> to vector<1x16xf32>
      tpu.vector_store %arg8[%parallel_loop3A_304, %parallel_loop3A_305], %parallel_loop3A_308 {strides = array<i32>} : memref<32x768xf32, #tpu.memory_space<vmem>>, vector<1x16xf32>,
      %parallel_loop3A_309 = arith.index_cast %parallel_loop3A_56 : i32 to index
      %parallel_loop3A_310 = arith.constant 288 : index
      %parallel_loop3A_311 = tpu.vector_load %arg8[%parallel_loop3A_309, %parallel_loop3A_310] {strides = array<i32>} : memref<32x768xf32, #tpu.memory_space<vmem>>, vector<1x16xf32>,
      %parallel_loop3A_312 = vector.shape_cast %parallel_loop3A_311 : vector<1x16xf32> to vector<16xf32>
      %parallel_loop3A_313 = arith.index_cast %parallel_loop3A_56 : i32 to index
      %parallel_loop3A_314 = arith.constant 288 : index
      %parallel_loop3A_315 = tpu.vector_load %arg9[%parallel_loop3A_313, %parallel_loop3A_314] {strides = array<i32>} : memref<32x768xf32, #tpu.memory_space<vmem>>, vector<1x16xf32>,
      %parallel_loop3A_316 = vector.shape_cast %parallel_loop3A_315 : vector<1x16xf32> to vector<16xf32>
      %parallel_loop3A_317 = arith.addf %parallel_loop3A_312, %parallel_loop3A_316 : vector<16xf32>
      %parallel_loop3A_318 = arith.index_cast %parallel_loop3A_56 : i32 to index
      %parallel_loop3A_319 = arith.constant 288 : index
      %parallel_loop3A_320 = tpu.vector_load %arg8[%parallel_loop3A_318, %parallel_loop3A_319] {strides = array<i32>} : memref<32x768xf32, #tpu.memory_space<vmem>>, vector<1x16xf32>,
      %parallel_loop3A_321 = vector.shape_cast %parallel_loop3A_320 : vector<1x16xf32> to vector<16xf32>
      %parallel_loop3A_322 = vector.shape_cast %parallel_loop3A_317 : vector<16xf32> to vector<1x16xf32>
      tpu.vector_store %arg8[%parallel_loop3A_318, %parallel_loop3A_319], %parallel_loop3A_322 {strides = array<i32>} : memref<32x768xf32, #tpu.memory_space<vmem>>, vector<1x16xf32>,
      %parallel_loop3A_323 = arith.index_cast %parallel_loop3A_56 : i32 to index
      %parallel_loop3A_324 = arith.constant 304 : index
      %parallel_loop3A_325 = tpu.vector_load %arg8[%parallel_loop3A_323, %parallel_loop3A_324] {strides = array<i32>} : memref<32x768xf32, #tpu.memory_space<vmem>>, vector<1x16xf32>,
      %parallel_loop3A_326 = vector.shape_cast %parallel_loop3A_325 : vector<1x16xf32> to vector<16xf32>
      %parallel_loop3A_327 = arith.index_cast %parallel_loop3A_56 : i32 to index
      %parallel_loop3A_328 = arith.constant 304 : index
      %parallel_loop3A_329 = tpu.vector_load %arg9[%parallel_loop3A_327, %parallel_loop3A_328] {strides = array<i32>} : memref<32x768xf32, #tpu.memory_space<vmem>>, vector<1x16xf32>,
      %parallel_loop3A_330 = vector.shape_cast %parallel_loop3A_329 : vector<1x16xf32> to vector<16xf32>
      %parallel_loop3A_331 = arith.addf %parallel_loop3A_326, %parallel_loop3A_330 : vector<16xf32>
      %parallel_loop3A_332 = arith.index_cast %parallel_loop3A_56 : i32 to index
      %parallel_loop3A_333 = arith.constant 304 : index
      %parallel_loop3A_334 = tpu.vector_load %arg8[%parallel_loop3A_332, %parallel_loop3A_333] {strides = array<i32>} : memref<32x768xf32, #tpu.memory_space<vmem>>, vector<1x16xf32>,
      %parallel_loop3A_335 = vector.shape_cast %parallel_loop3A_334 : vector<1x16xf32> to vector<16xf32>
      %parallel_loop3A_336 = vector.shape_cast %parallel_loop3A_331 : vector<16xf32> to vector<1x16xf32>
      tpu.vector_store %arg8[%parallel_loop3A_332, %parallel_loop3A_333], %parallel_loop3A_336 {strides = array<i32>} : memref<32x768xf32, #tpu.memory_space<vmem>>, vector<1x16xf32>,
      %parallel_loop3A_337 = arith.index_cast %parallel_loop3A_56 : i32 to index
      %parallel_loop3A_338 = arith.constant 320 : index
      %parallel_loop3A_339 = tpu.vector_load %arg8[%parallel_loop3A_337, %parallel_loop3A_338] {strides = array<i32>} : memref<32x768xf32, #tpu.memory_space<vmem>>, vector<1x16xf32>,
      %parallel_loop3A_340 = vector.shape_cast %parallel_loop3A_339 : vector<1x16xf32> to vector<16xf32>
      %parallel_loop3A_341 = arith.index_cast %parallel_loop3A_56 : i32 to index
      %parallel_loop3A_342 = arith.constant 320 : index
      %parallel_loop3A_343 = tpu.vector_load %arg9[%parallel_loop3A_341, %parallel_loop3A_342] {strides = array<i32>} : memref<32x768xf32, #tpu.memory_space<vmem>>, vector<1x16xf32>,
      %parallel_loop3A_344 = vector.shape_cast %parallel_loop3A_343 : vector<1x16xf32> to vector<16xf32>
      %parallel_loop3A_345 = arith.addf %parallel_loop3A_340, %parallel_loop3A_344 : vector<16xf32>
      %parallel_loop3A_346 = arith.index_cast %parallel_loop3A_56 : i32 to index
      %parallel_loop3A_347 = arith.constant 320 : index
      %parallel_loop3A_348 = tpu.vector_load %arg8[%parallel_loop3A_346, %parallel_loop3A_347] {strides = array<i32>} : memref<32x768xf32, #tpu.memory_space<vmem>>, vector<1x16xf32>,
      %parallel_loop3A_349 = vector.shape_cast %parallel_loop3A_348 : vector<1x16xf32> to vector<16xf32>
      %parallel_loop3A_350 = vector.shape_cast %parallel_loop3A_345 : vector<16xf32> to vector<1x16xf32>
      tpu.vector_store %arg8[%parallel_loop3A_346, %parallel_loop3A_347], %parallel_loop3A_350 {strides = array<i32>} : memref<32x768xf32, #tpu.memory_space<vmem>>, vector<1x16xf32>,
      %parallel_loop3A_351 = arith.index_cast %parallel_loop3A_56 : i32 to index
      %parallel_loop3A_352 = arith.constant 336 : index
      %parallel_loop3A_353 = tpu.vector_load %arg8[%parallel_loop3A_351, %parallel_loop3A_352] {strides = array<i32>} : memref<32x768xf32, #tpu.memory_space<vmem>>, vector<1x16xf32>,
      %parallel_loop3A_354 = vector.shape_cast %parallel_loop3A_353 : vector<1x16xf32> to vector<16xf32>
      %parallel_loop3A_355 = arith.index_cast %parallel_loop3A_56 : i32 to index
      %parallel_loop3A_356 = arith.constant 336 : index
      %parallel_loop3A_357 = tpu.vector_load %arg9[%parallel_loop3A_355, %parallel_loop3A_356] {strides = array<i32>} : memref<32x768xf32, #tpu.memory_space<vmem>>, vector<1x16xf32>,
      %parallel_loop3A_358 = vector.shape_cast %parallel_loop3A_357 : vector<1x16xf32> to vector<16xf32>
      %parallel_loop3A_359 = arith.addf %parallel_loop3A_354, %parallel_loop3A_358 : vector<16xf32>
      %parallel_loop3A_360 = arith.index_cast %parallel_loop3A_56 : i32 to index
      %parallel_loop3A_361 = arith.constant 336 : index
      %parallel_loop3A_362 = tpu.vector_load %arg8[%parallel_loop3A_360, %parallel_loop3A_361] {strides = array<i32>} : memref<32x768xf32, #tpu.memory_space<vmem>>, vector<1x16xf32>,
      %parallel_loop3A_363 = vector.shape_cast %parallel_loop3A_362 : vector<1x16xf32> to vector<16xf32>
      %parallel_loop3A_364 = vector.shape_cast %parallel_loop3A_359 : vector<16xf32> to vector<1x16xf32>
      tpu.vector_store %arg8[%parallel_loop3A_360, %parallel_loop3A_361], %parallel_loop3A_364 {strides = array<i32>} : memref<32x768xf32, #tpu.memory_space<vmem>>, vector<1x16xf32>,
      %parallel_loop3A_365 = arith.index_cast %parallel_loop3A_56 : i32 to index
      %parallel_loop3A_366 = arith.constant 352 : index
      %parallel_loop3A_367 = tpu.vector_load %arg8[%parallel_loop3A_365, %parallel_loop3A_366] {strides = array<i32>} : memref<32x768xf32, #tpu.memory_space<vmem>>, vector<1x16xf32>,
      %parallel_loop3A_368 = vector.shape_cast %parallel_loop3A_367 : vector<1x16xf32> to vector<16xf32>
      %parallel_loop3A_369 = arith.index_cast %parallel_loop3A_56 : i32 to index
      %parallel_loop3A_370 = arith.constant 352 : index
      %parallel_loop3A_371 = tpu.vector_load %arg9[%parallel_loop3A_369, %parallel_loop3A_370] {strides = array<i32>} : memref<32x768xf32, #tpu.memory_space<vmem>>, vector<1x16xf32>,
      %parallel_loop3A_372 = vector.shape_cast %parallel_loop3A_371 : vector<1x16xf32> to vector<16xf32>
      %parallel_loop3A_373 = arith.addf %parallel_loop3A_368, %parallel_loop3A_372 : vector<16xf32>
      %parallel_loop3A_374 = arith.index_cast %parallel_loop3A_56 : i32 to index
      %parallel_loop3A_375 = arith.constant 352 : index
      %parallel_loop3A_376 = tpu.vector_load %arg8[%parallel_loop3A_374, %parallel_loop3A_375] {strides = array<i32>} : memref<32x768xf32, #tpu.memory_space<vmem>>, vector<1x16xf32>,
      %parallel_loop3A_377 = vector.shape_cast %parallel_loop3A_376 : vector<1x16xf32> to vector<16xf32>
      %parallel_loop3A_378 = vector.shape_cast %parallel_loop3A_373 : vector<16xf32> to vector<1x16xf32>
      tpu.vector_store %arg8[%parallel_loop3A_374, %parallel_loop3A_375], %parallel_loop3A_378 {strides = array<i32>} : memref<32x768xf32, #tpu.memory_space<vmem>>, vector<1x16xf32>,
      %parallel_loop3A_379 = arith.index_cast %parallel_loop3A_56 : i32 to index
      %parallel_loop3A_380 = arith.constant 368 : index
      %parallel_loop3A_381 = tpu.vector_load %arg8[%parallel_loop3A_379, %parallel_loop3A_380] {strides = array<i32>} : memref<32x768xf32, #tpu.memory_space<vmem>>, vector<1x16xf32>,
      %parallel_loop3A_382 = vector.shape_cast %parallel_loop3A_381 : vector<1x16xf32> to vector<16xf32>
      %parallel_loop3A_383 = arith.index_cast %parallel_loop3A_56 : i32 to index
      %parallel_loop3A_384 = arith.constant 368 : index
      %parallel_loop3A_385 = tpu.vector_load %arg9[%parallel_loop3A_383, %parallel_loop3A_384] {strides = array<i32>} : memref<32x768xf32, #tpu.memory_space<vmem>>, vector<1x16xf32>,
      %parallel_loop3A_386 = vector.shape_cast %parallel_loop3A_385 : vector<1x16xf32> to vector<16xf32>
      %parallel_loop3A_387 = arith.addf %parallel_loop3A_382, %parallel_loop3A_386 : vector<16xf32>
      %parallel_loop3A_388 = arith.index_cast %parallel_loop3A_56 : i32 to index
      %parallel_loop3A_389 = arith.constant 368 : index
      %parallel_loop3A_390 = tpu.vector_load %arg8[%parallel_loop3A_388, %parallel_loop3A_389] {strides = array<i32>} : memref<32x768xf32, #tpu.memory_space<vmem>>, vector<1x16xf32>,
      %parallel_loop3A_391 = vector.shape_cast %parallel_loop3A_390 : vector<1x16xf32> to vector<16xf32>
      %parallel_loop3A_392 = vector.shape_cast %parallel_loop3A_387 : vector<16xf32> to vector<1x16xf32>
      tpu.vector_store %arg8[%parallel_loop3A_388, %parallel_loop3A_389], %parallel_loop3A_392 {strides = array<i32>} : memref<32x768xf32, #tpu.memory_space<vmem>>, vector<1x16xf32>,
      %parallel_loop3A_393 = arith.index_cast %parallel_loop3A_56 : i32 to index
      %parallel_loop3A_394 = arith.constant 384 : index
      %parallel_loop3A_395 = tpu.vector_load %arg8[%parallel_loop3A_393, %parallel_loop3A_394] {strides = array<i32>} : memref<32x768xf32, #tpu.memory_space<vmem>>, vector<1x16xf32>,
      %parallel_loop3A_396 = vector.shape_cast %parallel_loop3A_395 : vector<1x16xf32> to vector<16xf32>
      %parallel_loop3A_397 = arith.index_cast %parallel_loop3A_56 : i32 to index
      %parallel_loop3A_398 = arith.constant 384 : index
      %parallel_loop3A_399 = tpu.vector_load %arg9[%parallel_loop3A_397, %parallel_loop3A_398] {strides = array<i32>} : memref<32x768xf32, #tpu.memory_space<vmem>>, vector<1x16xf32>,
      %parallel_loop3A_400 = vector.shape_cast %parallel_loop3A_399 : vector<1x16xf32> to vector<16xf32>
      %parallel_loop3A_401 = arith.addf %parallel_loop3A_396, %parallel_loop3A_400 : vector<16xf32>
      %parallel_loop3A_402 = arith.index_cast %parallel_loop3A_56 : i32 to index
      %parallel_loop3A_403 = arith.constant 384 : index
      %parallel_loop3A_404 = tpu.vector_load %arg8[%parallel_loop3A_402, %parallel_loop3A_403] {strides = array<i32>} : memref<32x768xf32, #tpu.memory_space<vmem>>, vector<1x16xf32>,
      %parallel_loop3A_405 = vector.shape_cast %parallel_loop3A_404 : vector<1x16xf32> to vector<16xf32>
      %parallel_loop3A_406 = vector.shape_cast %parallel_loop3A_401 : vector<16xf32> to vector<1x16xf32>
      tpu.vector_store %arg8[%parallel_loop3A_402, %parallel_loop3A_403], %parallel_loop3A_406 {strides = array<i32>} : memref<32x768xf32, #tpu.memory_space<vmem>>, vector<1x16xf32>,
      %parallel_loop3A_407 = arith.index_cast %parallel_loop3A_56 : i32 to index
      %parallel_loop3A_408 = arith.constant 400 : index
      %parallel_loop3A_409 = tpu.vector_load %arg8[%parallel_loop3A_407, %parallel_loop3A_408] {strides = array<i32>} : memref<32x768xf32, #tpu.memory_space<vmem>>, vector<1x16xf32>,
      %parallel_loop3A_410 = vector.shape_cast %parallel_loop3A_409 : vector<1x16xf32> to vector<16xf32>
      %parallel_loop3A_411 = arith.index_cast %parallel_loop3A_56 : i32 to index
      %parallel_loop3A_412 = arith.constant 400 : index
      %parallel_loop3A_413 = tpu.vector_load %arg9[%parallel_loop3A_411, %parallel_loop3A_412] {strides = array<i32>} : memref<32x768xf32, #tpu.memory_space<vmem>>, vector<1x16xf32>,
      %parallel_loop3A_414 = vector.shape_cast %parallel_loop3A_413 : vector<1x16xf32> to vector<16xf32>
      %parallel_loop3A_415 = arith.addf %parallel_loop3A_410, %parallel_loop3A_414 : vector<16xf32>
      %parallel_loop3A_416 = arith.index_cast %parallel_loop3A_56 : i32 to index
      %parallel_loop3A_417 = arith.constant 400 : index
      %parallel_loop3A_418 = tpu.vector_load %arg8[%parallel_loop3A_416, %parallel_loop3A_417] {strides = array<i32>} : memref<32x768xf32, #tpu.memory_space<vmem>>, vector<1x16xf32>,
      %parallel_loop3A_419 = vector.shape_cast %parallel_loop3A_418 : vector<1x16xf32> to vector<16xf32>
      %parallel_loop3A_420 = vector.shape_cast %parallel_loop3A_415 : vector<16xf32> to vector<1x16xf32>
      tpu.vector_store %arg8[%parallel_loop3A_416, %parallel_loop3A_417], %parallel_loop3A_420 {strides = array<i32>} : memref<32x768xf32, #tpu.memory_space<vmem>>, vector<1x16xf32>,
      %parallel_loop3A_421 = arith.index_cast %parallel_loop3A_56 : i32 to index
      %parallel_loop3A_422 = arith.constant 416 : index
      %parallel_loop3A_423 = tpu.vector_load %arg8[%parallel_loop3A_421, %parallel_loop3A_422] {strides = array<i32>} : memref<32x768xf32, #tpu.memory_space<vmem>>, vector<1x16xf32>,
      %parallel_loop3A_424 = vector.shape_cast %parallel_loop3A_423 : vector<1x16xf32> to vector<16xf32>
      %parallel_loop3A_425 = arith.index_cast %parallel_loop3A_56 : i32 to index
      %parallel_loop3A_426 = arith.constant 416 : index
      %parallel_loop3A_427 = tpu.vector_load %arg9[%parallel_loop3A_425, %parallel_loop3A_426] {strides = array<i32>} : memref<32x768xf32, #tpu.memory_space<vmem>>, vector<1x16xf32>,
      %parallel_loop3A_428 = vector.shape_cast %parallel_loop3A_427 : vector<1x16xf32> to vector<16xf32>
      %parallel_loop3A_429 = arith.addf %parallel_loop3A_424, %parallel_loop3A_428 : vector<16xf32>
      %parallel_loop3A_430 = arith.index_cast %parallel_loop3A_56 : i32 to index
      %parallel_loop3A_431 = arith.constant 416 : index
      %parallel_loop3A_432 = tpu.vector_load %arg8[%parallel_loop3A_430, %parallel_loop3A_431] {strides = array<i32>} : memref<32x768xf32, #tpu.memory_space<vmem>>, vector<1x16xf32>,
      %parallel_loop3A_433 = vector.shape_cast %parallel_loop3A_432 : vector<1x16xf32> to vector<16xf32>
      %parallel_loop3A_434 = vector.shape_cast %parallel_loop3A_429 : vector<16xf32> to vector<1x16xf32>
      tpu.vector_store %arg8[%parallel_loop3A_430, %parallel_loop3A_431], %parallel_loop3A_434 {strides = array<i32>} : memref<32x768xf32, #tpu.memory_space<vmem>>, vector<1x16xf32>,
      %parallel_loop3A_435 = arith.index_cast %parallel_loop3A_56 : i32 to index
      %parallel_loop3A_436 = arith.constant 432 : index
      %parallel_loop3A_437 = tpu.vector_load %arg8[%parallel_loop3A_435, %parallel_loop3A_436] {strides = array<i32>} : memref<32x768xf32, #tpu.memory_space<vmem>>, vector<1x16xf32>,
      %parallel_loop3A_438 = vector.shape_cast %parallel_loop3A_437 : vector<1x16xf32> to vector<16xf32>
      %parallel_loop3A_439 = arith.index_cast %parallel_loop3A_56 : i32 to index
      %parallel_loop3A_440 = arith.constant 432 : index
      %parallel_loop3A_441 = tpu.vector_load %arg9[%parallel_loop3A_439, %parallel_loop3A_440] {strides = array<i32>} : memref<32x768xf32, #tpu.memory_space<vmem>>, vector<1x16xf32>,
      %parallel_loop3A_442 = vector.shape_cast %parallel_loop3A_441 : vector<1x16xf32> to vector<16xf32>
      %parallel_loop3A_443 = arith.addf %parallel_loop3A_438, %parallel_loop3A_442 : vector<16xf32>
      %parallel_loop3A_444 = arith.index_cast %parallel_loop3A_56 : i32 to index
      %parallel_loop3A_445 = arith.constant 432 : index
      %parallel_loop3A_446 = tpu.vector_load %arg8[%parallel_loop3A_444, %parallel_loop3A_445] {strides = array<i32>} : memref<32x768xf32, #tpu.memory_space<vmem>>, vector<1x16xf32>,
      %parallel_loop3A_447 = vector.shape_cast %parallel_loop3A_446 : vector<1x16xf32> to vector<16xf32>
      %parallel_loop3A_448 = vector.shape_cast %parallel_loop3A_443 : vector<16xf32> to vector<1x16xf32>
      tpu.vector_store %arg8[%parallel_loop3A_444, %parallel_loop3A_445], %parallel_loop3A_448 {strides = array<i32>} : memref<32x768xf32, #tpu.memory_space<vmem>>, vector<1x16xf32>,
      %parallel_loop3A_449 = arith.index_cast %parallel_loop3A_56 : i32 to index
      %parallel_loop3A_450 = arith.constant 448 : index
      %parallel_loop3A_451 = tpu.vector_load %arg8[%parallel_loop3A_449, %parallel_loop3A_450] {strides = array<i32>} : memref<32x768xf32, #tpu.memory_space<vmem>>, vector<1x16xf32>,
      %parallel_loop3A_452 = vector.shape_cast %parallel_loop3A_451 : vector<1x16xf32> to vector<16xf32>
      %parallel_loop3A_453 = arith.index_cast %parallel_loop3A_56 : i32 to index
      %parallel_loop3A_454 = arith.constant 448 : index
      %parallel_loop3A_455 = tpu.vector_load %arg9[%parallel_loop3A_453, %parallel_loop3A_454] {strides = array<i32>} : memref<32x768xf32, #tpu.memory_space<vmem>>, vector<1x16xf32>,
      %parallel_loop3A_456 = vector.shape_cast %parallel_loop3A_455 : vector<1x16xf32> to vector<16xf32>
      %parallel_loop3A_457 = arith.addf %parallel_loop3A_452, %parallel_loop3A_456 : vector<16xf32>
      %parallel_loop3A_458 = arith.index_cast %parallel_loop3A_56 : i32 to index
      %parallel_loop3A_459 = arith.constant 448 : index
      %parallel_loop3A_460 = tpu.vector_load %arg8[%parallel_loop3A_458, %parallel_loop3A_459] {strides = array<i32>} : memref<32x768xf32, #tpu.memory_space<vmem>>, vector<1x16xf32>,
      %parallel_loop3A_461 = vector.shape_cast %parallel_loop3A_460 : vector<1x16xf32> to vector<16xf32>
      %parallel_loop3A_462 = vector.shape_cast %parallel_loop3A_457 : vector<16xf32> to vector<1x16xf32>
      tpu.vector_store %arg8[%parallel_loop3A_458, %parallel_loop3A_459], %parallel_loop3A_462 {strides = array<i32>} : memref<32x768xf32, #tpu.memory_space<vmem>>, vector<1x16xf32>,
      %parallel_loop3A_463 = arith.index_cast %parallel_loop3A_56 : i32 to index
      %parallel_loop3A_464 = arith.constant 464 : index
      %parallel_loop3A_465 = tpu.vector_load %arg8[%parallel_loop3A_463, %parallel_loop3A_464] {strides = array<i32>} : memref<32x768xf32, #tpu.memory_space<vmem>>, vector<1x16xf32>,
      %parallel_loop3A_466 = vector.shape_cast %parallel_loop3A_465 : vector<1x16xf32> to vector<16xf32>
      %parallel_loop3A_467 = arith.index_cast %parallel_loop3A_56 : i32 to index
      %parallel_loop3A_468 = arith.constant 464 : index
      %parallel_loop3A_469 = tpu.vector_load %arg9[%parallel_loop3A_467, %parallel_loop3A_468] {strides = array<i32>} : memref<32x768xf32, #tpu.memory_space<vmem>>, vector<1x16xf32>,
      %parallel_loop3A_470 = vector.shape_cast %parallel_loop3A_469 : vector<1x16xf32> to vector<16xf32>
      %parallel_loop3A_471 = arith.addf %parallel_loop3A_466, %parallel_loop3A_470 : vector<16xf32>
      %parallel_loop3A_472 = arith.index_cast %parallel_loop3A_56 : i32 to index
      %parallel_loop3A_473 = arith.constant 464 : index
      %parallel_loop3A_474 = tpu.vector_load %arg8[%parallel_loop3A_472, %parallel_loop3A_473] {strides = array<i32>} : memref<32x768xf32, #tpu.memory_space<vmem>>, vector<1x16xf32>,
      %parallel_loop3A_475 = vector.shape_cast %parallel_loop3A_474 : vector<1x16xf32> to vector<16xf32>
      %parallel_loop3A_476 = vector.shape_cast %parallel_loop3A_471 : vector<16xf32> to vector<1x16xf32>
      tpu.vector_store %arg8[%parallel_loop3A_472, %parallel_loop3A_473], %parallel_loop3A_476 {strides = array<i32>} : memref<32x768xf32, #tpu.memory_space<vmem>>, vector<1x16xf32>,
      %parallel_loop3A_477 = arith.index_cast %parallel_loop3A_56 : i32 to index
      %parallel_loop3A_478 = arith.constant 480 : index
      %parallel_loop3A_479 = tpu.vector_load %arg8[%parallel_loop3A_477, %parallel_loop3A_478] {strides = array<i32>} : memref<32x768xf32, #tpu.memory_space<vmem>>, vector<1x16xf32>,
      %parallel_loop3A_480 = vector.shape_cast %parallel_loop3A_479 : vector<1x16xf32> to vector<16xf32>
      %parallel_loop3A_481 = arith.index_cast %parallel_loop3A_56 : i32 to index
      %parallel_loop3A_482 = arith.constant 480 : index
      %parallel_loop3A_483 = tpu.vector_load %arg9[%parallel_loop3A_481, %parallel_loop3A_482] {strides = array<i32>} : memref<32x768xf32, #tpu.memory_space<vmem>>, vector<1x16xf32>,
      %parallel_loop3A_484 = vector.shape_cast %parallel_loop3A_483 : vector<1x16xf32> to vector<16xf32>
      %parallel_loop3A_485 = arith.addf %parallel_loop3A_480, %parallel_loop3A_484 : vector<16xf32>
      %parallel_loop3A_486 = arith.index_cast %parallel_loop3A_56 : i32 to index
      %parallel_loop3A_487 = arith.constant 480 : index
      %parallel_loop3A_488 = tpu.vector_load %arg8[%parallel_loop3A_486, %parallel_loop3A_487] {strides = array<i32>} : memref<32x768xf32, #tpu.memory_space<vmem>>, vector<1x16xf32>,
      %parallel_loop3A_489 = vector.shape_cast %parallel_loop3A_488 : vector<1x16xf32> to vector<16xf32>
      %parallel_loop3A_490 = vector.shape_cast %parallel_loop3A_485 : vector<16xf32> to vector<1x16xf32>
      tpu.vector_store %arg8[%parallel_loop3A_486, %parallel_loop3A_487], %parallel_loop3A_490 {strides = array<i32>} : memref<32x768xf32, #tpu.memory_space<vmem>>, vector<1x16xf32>,
      %parallel_loop3A_491 = arith.index_cast %parallel_loop3A_56 : i32 to index
      %parallel_loop3A_492 = arith.constant 496 : index
      %parallel_loop3A_493 = tpu.vector_load %arg8[%parallel_loop3A_491, %parallel_loop3A_492] {strides = array<i32>} : memref<32x768xf32, #tpu.memory_space<vmem>>, vector<1x16xf32>,
      %parallel_loop3A_494 = vector.shape_cast %parallel_loop3A_493 : vector<1x16xf32> to vector<16xf32>
      %parallel_loop3A_495 = arith.index_cast %parallel_loop3A_56 : i32 to index
      %parallel_loop3A_496 = arith.constant 496 : index
      %parallel_loop3A_497 = tpu.vector_load %arg9[%parallel_loop3A_495, %parallel_loop3A_496] {strides = array<i32>} : memref<32x768xf32, #tpu.memory_space<vmem>>, vector<1x16xf32>,
      %parallel_loop3A_498 = vector.shape_cast %parallel_loop3A_497 : vector<1x16xf32> to vector<16xf32>
      %parallel_loop3A_499 = arith.addf %parallel_loop3A_494, %parallel_loop3A_498 : vector<16xf32>
      %parallel_loop3A_500 = arith.index_cast %parallel_loop3A_56 : i32 to index
      %parallel_loop3A_501 = arith.constant 496 : index
      %parallel_loop3A_502 = tpu.vector_load %arg8[%parallel_loop3A_500, %parallel_loop3A_501] {strides = array<i32>} : memref<32x768xf32, #tpu.memory_space<vmem>>, vector<1x16xf32>,
      %parallel_loop3A_503 = vector.shape_cast %parallel_loop3A_502 : vector<1x16xf32> to vector<16xf32>
      %parallel_loop3A_504 = vector.shape_cast %parallel_loop3A_499 : vector<16xf32> to vector<1x16xf32>
      tpu.vector_store %arg8[%parallel_loop3A_500, %parallel_loop3A_501], %parallel_loop3A_504 {strides = array<i32>} : memref<32x768xf32, #tpu.memory_space<vmem>>, vector<1x16xf32>,
      %parallel_loop3A_505 = arith.index_cast %parallel_loop3A_56 : i32 to index
      %parallel_loop3A_506 = arith.constant 512 : index
      %parallel_loop3A_507 = tpu.vector_load %arg8[%parallel_loop3A_505, %parallel_loop3A_506] {strides = array<i32>} : memref<32x768xf32, #tpu.memory_space<vmem>>, vector<1x16xf32>,
      %parallel_loop3A_508 = vector.shape_cast %parallel_loop3A_507 : vector<1x16xf32> to vector<16xf32>
      %parallel_loop3A_509 = arith.index_cast %parallel_loop3A_56 : i32 to index
      %parallel_loop3A_510 = arith.constant 512 : index
      %parallel_loop3A_511 = tpu.vector_load %arg9[%parallel_loop3A_509, %parallel_loop3A_510] {strides = array<i32>} : memref<32x768xf32, #tpu.memory_space<vmem>>, vector<1x16xf32>,
      %parallel_loop3A_512 = vector.shape_cast %parallel_loop3A_511 : vector<1x16xf32> to vector<16xf32>
      %parallel_loop3A_513 = arith.addf %parallel_loop3A_508, %parallel_loop3A_512 : vector<16xf32>
      %parallel_loop3A_514 = arith.index_cast %parallel_loop3A_56 : i32 to index
      %parallel_loop3A_515 = arith.constant 512 : index
      %parallel_loop3A_516 = tpu.vector_load %arg8[%parallel_loop3A_514, %parallel_loop3A_515] {strides = array<i32>} : memref<32x768xf32, #tpu.memory_space<vmem>>, vector<1x16xf32>,
      %parallel_loop3A_517 = vector.shape_cast %parallel_loop3A_516 : vector<1x16xf32> to vector<16xf32>
      %parallel_loop3A_518 = vector.shape_cast %parallel_loop3A_513 : vector<16xf32> to vector<1x16xf32>
      tpu.vector_store %arg8[%parallel_loop3A_514, %parallel_loop3A_515], %parallel_loop3A_518 {strides = array<i32>} : memref<32x768xf32, #tpu.memory_space<vmem>>, vector<1x16xf32>,
      %parallel_loop3A_519 = arith.index_cast %parallel_loop3A_56 : i32 to index
      %parallel_loop3A_520 = arith.constant 528 : index
      %parallel_loop3A_521 = tpu.vector_load %arg8[%parallel_loop3A_519, %parallel_loop3A_520] {strides = array<i32>} : memref<32x768xf32, #tpu.memory_space<vmem>>, vector<1x16xf32>,
      %parallel_loop3A_522 = vector.shape_cast %parallel_loop3A_521 : vector<1x16xf32> to vector<16xf32>
      %parallel_loop3A_523 = arith.index_cast %parallel_loop3A_56 : i32 to index
      %parallel_loop3A_524 = arith.constant 528 : index
      %parallel_loop3A_525 = tpu.vector_load %arg9[%parallel_loop3A_523, %parallel_loop3A_524] {strides = array<i32>} : memref<32x768xf32, #tpu.memory_space<vmem>>, vector<1x16xf32>,
      %parallel_loop3A_526 = vector.shape_cast %parallel_loop3A_525 : vector<1x16xf32> to vector<16xf32>
      %parallel_loop3A_527 = arith.addf %parallel_loop3A_522, %parallel_loop3A_526 : vector<16xf32>
      %parallel_loop3A_528 = arith.index_cast %parallel_loop3A_56 : i32 to index
      %parallel_loop3A_529 = arith.constant 528 : index
      %parallel_loop3A_530 = tpu.vector_load %arg8[%parallel_loop3A_528, %parallel_loop3A_529] {strides = array<i32>} : memref<32x768xf32, #tpu.memory_space<vmem>>, vector<1x16xf32>,
      %parallel_loop3A_531 = vector.shape_cast %parallel_loop3A_530 : vector<1x16xf32> to vector<16xf32>
      %parallel_loop3A_532 = vector.shape_cast %parallel_loop3A_527 : vector<16xf32> to vector<1x16xf32>
      tpu.vector_store %arg8[%parallel_loop3A_528, %parallel_loop3A_529], %parallel_loop3A_532 {strides = array<i32>} : memref<32x768xf32, #tpu.memory_space<vmem>>, vector<1x16xf32>,
      %parallel_loop3A_533 = arith.index_cast %parallel_loop3A_56 : i32 to index
      %parallel_loop3A_534 = arith.constant 544 : index
      %parallel_loop3A_535 = tpu.vector_load %arg8[%parallel_loop3A_533, %parallel_loop3A_534] {strides = array<i32>} : memref<32x768xf32, #tpu.memory_space<vmem>>, vector<1x16xf32>,
      %parallel_loop3A_536 = vector.shape_cast %parallel_loop3A_535 : vector<1x16xf32> to vector<16xf32>
      %parallel_loop3A_537 = arith.index_cast %parallel_loop3A_56 : i32 to index
      %parallel_loop3A_538 = arith.constant 544 : index
      %parallel_loop3A_539 = tpu.vector_load %arg9[%parallel_loop3A_537, %parallel_loop3A_538] {strides = array<i32>} : memref<32x768xf32, #tpu.memory_space<vmem>>, vector<1x16xf32>,
      %parallel_loop3A_540 = vector.shape_cast %parallel_loop3A_539 : vector<1x16xf32> to vector<16xf32>
      %parallel_loop3A_541 = arith.addf %parallel_loop3A_536, %parallel_loop3A_540 : vector<16xf32>
      %parallel_loop3A_542 = arith.index_cast %parallel_loop3A_56 : i32 to index
      %parallel_loop3A_543 = arith.constant 544 : index
      %parallel_loop3A_544 = tpu.vector_load %arg8[%parallel_loop3A_542, %parallel_loop3A_543] {strides = array<i32>} : memref<32x768xf32, #tpu.memory_space<vmem>>, vector<1x16xf32>,
      %parallel_loop3A_545 = vector.shape_cast %parallel_loop3A_544 : vector<1x16xf32> to vector<16xf32>
      %parallel_loop3A_546 = vector.shape_cast %parallel_loop3A_541 : vector<16xf32> to vector<1x16xf32>
      tpu.vector_store %arg8[%parallel_loop3A_542, %parallel_loop3A_543], %parallel_loop3A_546 {strides = array<i32>} : memref<32x768xf32, #tpu.memory_space<vmem>>, vector<1x16xf32>,
      %parallel_loop3A_547 = arith.index_cast %parallel_loop3A_56 : i32 to index
      %parallel_loop3A_548 = arith.constant 560 : index
      %parallel_loop3A_549 = tpu.vector_load %arg8[%parallel_loop3A_547, %parallel_loop3A_548] {strides = array<i32>} : memref<32x768xf32, #tpu.memory_space<vmem>>, vector<1x16xf32>,
      %parallel_loop3A_550 = vector.shape_cast %parallel_loop3A_549 : vector<1x16xf32> to vector<16xf32>
      %parallel_loop3A_551 = arith.index_cast %parallel_loop3A_56 : i32 to index
      %parallel_loop3A_552 = arith.constant 560 : index
      %parallel_loop3A_553 = tpu.vector_load %arg9[%parallel_loop3A_551, %parallel_loop3A_552] {strides = array<i32>} : memref<32x768xf32, #tpu.memory_space<vmem>>, vector<1x16xf32>,
      %parallel_loop3A_554 = vector.shape_cast %parallel_loop3A_553 : vector<1x16xf32> to vector<16xf32>
      %parallel_loop3A_555 = arith.addf %parallel_loop3A_550, %parallel_loop3A_554 : vector<16xf32>
      %parallel_loop3A_556 = arith.index_cast %parallel_loop3A_56 : i32 to index
      %parallel_loop3A_557 = arith.constant 560 : index
      %parallel_loop3A_558 = tpu.vector_load %arg8[%parallel_loop3A_556, %parallel_loop3A_557] {strides = array<i32>} : memref<32x768xf32, #tpu.memory_space<vmem>>, vector<1x16xf32>,
      %parallel_loop3A_559 = vector.shape_cast %parallel_loop3A_558 : vector<1x16xf32> to vector<16xf32>
      %parallel_loop3A_560 = vector.shape_cast %parallel_loop3A_555 : vector<16xf32> to vector<1x16xf32>
      tpu.vector_store %arg8[%parallel_loop3A_556, %parallel_loop3A_557], %parallel_loop3A_560 {strides = array<i32>} : memref<32x768xf32, #tpu.memory_space<vmem>>, vector<1x16xf32>,
      %parallel_loop3A_561 = arith.index_cast %parallel_loop3A_56 : i32 to index
      %parallel_loop3A_562 = arith.constant 576 : index
      %parallel_loop3A_563 = tpu.vector_load %arg8[%parallel_loop3A_561, %parallel_loop3A_562] {strides = array<i32>} : memref<32x768xf32, #tpu.memory_space<vmem>>, vector<1x16xf32>,
      %parallel_loop3A_564 = vector.shape_cast %parallel_loop3A_563 : vector<1x16xf32> to vector<16xf32>
      %parallel_loop3A_565 = arith.index_cast %parallel_loop3A_56 : i32 to index
      %parallel_loop3A_566 = arith.constant 576 : index
      %parallel_loop3A_567 = tpu.vector_load %arg9[%parallel_loop3A_565, %parallel_loop3A_566] {strides = array<i32>} : memref<32x768xf32, #tpu.memory_space<vmem>>, vector<1x16xf32>,
      %parallel_loop3A_568 = vector.shape_cast %parallel_loop3A_567 : vector<1x16xf32> to vector<16xf32>
      %parallel_loop3A_569 = arith.addf %parallel_loop3A_564, %parallel_loop3A_568 : vector<16xf32>
      %parallel_loop3A_570 = arith.index_cast %parallel_loop3A_56 : i32 to index
      %parallel_loop3A_571 = arith.constant 576 : index
      %parallel_loop3A_572 = tpu.vector_load %arg8[%parallel_loop3A_570, %parallel_loop3A_571] {strides = array<i32>} : memref<32x768xf32, #tpu.memory_space<vmem>>, vector<1x16xf32>,
      %parallel_loop3A_573 = vector.shape_cast %parallel_loop3A_572 : vector<1x16xf32> to vector<16xf32>
      %parallel_loop3A_574 = vector.shape_cast %parallel_loop3A_569 : vector<16xf32> to vector<1x16xf32>
      tpu.vector_store %arg8[%parallel_loop3A_570, %parallel_loop3A_571], %parallel_loop3A_574 {strides = array<i32>} : memref<32x768xf32, #tpu.memory_space<vmem>>, vector<1x16xf32>,
      %parallel_loop3A_575 = arith.index_cast %parallel_loop3A_56 : i32 to index
      %parallel_loop3A_576 = arith.constant 592 : index
      %parallel_loop3A_577 = tpu.vector_load %arg8[%parallel_loop3A_575, %parallel_loop3A_576] {strides = array<i32>} : memref<32x768xf32, #tpu.memory_space<vmem>>, vector<1x16xf32>,
      %parallel_loop3A_578 = vector.shape_cast %parallel_loop3A_577 : vector<1x16xf32> to vector<16xf32>
      %parallel_loop3A_579 = arith.index_cast %parallel_loop3A_56 : i32 to index
      %parallel_loop3A_580 = arith.constant 592 : index
      %parallel_loop3A_581 = tpu.vector_load %arg9[%parallel_loop3A_579, %parallel_loop3A_580] {strides = array<i32>} : memref<32x768xf32, #tpu.memory_space<vmem>>, vector<1x16xf32>,
      %parallel_loop3A_582 = vector.shape_cast %parallel_loop3A_581 : vector<1x16xf32> to vector<16xf32>
      %parallel_loop3A_583 = arith.addf %parallel_loop3A_578, %parallel_loop3A_582 : vector<16xf32>
      %parallel_loop3A_584 = arith.index_cast %parallel_loop3A_56 : i32 to index
      %parallel_loop3A_585 = arith.constant 592 : index
      %parallel_loop3A_586 = tpu.vector_load %arg8[%parallel_loop3A_584, %parallel_loop3A_585] {strides = array<i32>} : memref<32x768xf32, #tpu.memory_space<vmem>>, vector<1x16xf32>,
      %parallel_loop3A_587 = vector.shape_cast %parallel_loop3A_586 : vector<1x16xf32> to vector<16xf32>
      %parallel_loop3A_588 = vector.shape_cast %parallel_loop3A_583 : vector<16xf32> to vector<1x16xf32>
      tpu.vector_store %arg8[%parallel_loop3A_584, %parallel_loop3A_585], %parallel_loop3A_588 {strides = array<i32>} : memref<32x768xf32, #tpu.memory_space<vmem>>, vector<1x16xf32>,
      %parallel_loop3A_589 = arith.index_cast %parallel_loop3A_56 : i32 to index
      %parallel_loop3A_590 = arith.constant 608 : index
      %parallel_loop3A_591 = tpu.vector_load %arg8[%parallel_loop3A_589, %parallel_loop3A_590] {strides = array<i32>} : memref<32x768xf32, #tpu.memory_space<vmem>>, vector<1x16xf32>,
      %parallel_loop3A_592 = vector.shape_cast %parallel_loop3A_591 : vector<1x16xf32> to vector<16xf32>
      %parallel_loop3A_593 = arith.index_cast %parallel_loop3A_56 : i32 to index
      %parallel_loop3A_594 = arith.constant 608 : index
      %parallel_loop3A_595 = tpu.vector_load %arg9[%parallel_loop3A_593, %parallel_loop3A_594] {strides = array<i32>} : memref<32x768xf32, #tpu.memory_space<vmem>>, vector<1x16xf32>,
      %parallel_loop3A_596 = vector.shape_cast %parallel_loop3A_595 : vector<1x16xf32> to vector<16xf32>
      %parallel_loop3A_597 = arith.addf %parallel_loop3A_592, %parallel_loop3A_596 : vector<16xf32>
      %parallel_loop3A_598 = arith.index_cast %parallel_loop3A_56 : i32 to index
      %parallel_loop3A_599 = arith.constant 608 : index
      %parallel_loop3A_600 = tpu.vector_load %arg8[%parallel_loop3A_598, %parallel_loop3A_599] {strides = array<i32>} : memref<32x768xf32, #tpu.memory_space<vmem>>, vector<1x16xf32>,
      %parallel_loop3A_601 = vector.shape_cast %parallel_loop3A_600 : vector<1x16xf32> to vector<16xf32>
      %parallel_loop3A_602 = vector.shape_cast %parallel_loop3A_597 : vector<16xf32> to vector<1x16xf32>
      tpu.vector_store %arg8[%parallel_loop3A_598, %parallel_loop3A_599], %parallel_loop3A_602 {strides = array<i32>} : memref<32x768xf32, #tpu.memory_space<vmem>>, vector<1x16xf32>,
      %parallel_loop3A_603 = arith.index_cast %parallel_loop3A_56 : i32 to index
      %parallel_loop3A_604 = arith.constant 624 : index
      %parallel_loop3A_605 = tpu.vector_load %arg8[%parallel_loop3A_603, %parallel_loop3A_604] {strides = array<i32>} : memref<32x768xf32, #tpu.memory_space<vmem>>, vector<1x16xf32>,
      %parallel_loop3A_606 = vector.shape_cast %parallel_loop3A_605 : vector<1x16xf32> to vector<16xf32>
      %parallel_loop3A_607 = arith.index_cast %parallel_loop3A_56 : i32 to index
      %parallel_loop3A_608 = arith.constant 624 : index
      %parallel_loop3A_609 = tpu.vector_load %arg9[%parallel_loop3A_607, %parallel_loop3A_608] {strides = array<i32>} : memref<32x768xf32, #tpu.memory_space<vmem>>, vector<1x16xf32>,
      %parallel_loop3A_610 = vector.shape_cast %parallel_loop3A_609 : vector<1x16xf32> to vector<16xf32>
      %parallel_loop3A_611 = arith.addf %parallel_loop3A_606, %parallel_loop3A_610 : vector<16xf32>
      %parallel_loop3A_612 = arith.index_cast %parallel_loop3A_56 : i32 to index
      %parallel_loop3A_613 = arith.constant 624 : index
      %parallel_loop3A_614 = tpu.vector_load %arg8[%parallel_loop3A_612, %parallel_loop3A_613] {strides = array<i32>} : memref<32x768xf32, #tpu.memory_space<vmem>>, vector<1x16xf32>,
      %parallel_loop3A_615 = vector.shape_cast %parallel_loop3A_614 : vector<1x16xf32> to vector<16xf32>
      %parallel_loop3A_616 = vector.shape_cast %parallel_loop3A_611 : vector<16xf32> to vector<1x16xf32>
      tpu.vector_store %arg8[%parallel_loop3A_612, %parallel_loop3A_613], %parallel_loop3A_616 {strides = array<i32>} : memref<32x768xf32, #tpu.memory_space<vmem>>, vector<1x16xf32>,
      %parallel_loop3A_617 = arith.index_cast %parallel_loop3A_56 : i32 to index
      %parallel_loop3A_618 = arith.constant 640 : index
      %parallel_loop3A_619 = tpu.vector_load %arg8[%parallel_loop3A_617, %parallel_loop3A_618] {strides = array<i32>} : memref<32x768xf32, #tpu.memory_space<vmem>>, vector<1x16xf32>,
      %parallel_loop3A_620 = vector.shape_cast %parallel_loop3A_619 : vector<1x16xf32> to vector<16xf32>
      %parallel_loop3A_621 = arith.index_cast %parallel_loop3A_56 : i32 to index
      %parallel_loop3A_622 = arith.constant 640 : index
      %parallel_loop3A_623 = tpu.vector_load %arg9[%parallel_loop3A_621, %parallel_loop3A_622] {strides = array<i32>} : memref<32x768xf32, #tpu.memory_space<vmem>>, vector<1x16xf32>,
      %parallel_loop3A_624 = vector.shape_cast %parallel_loop3A_623 : vector<1x16xf32> to vector<16xf32>
      %parallel_loop3A_625 = arith.addf %parallel_loop3A_620, %parallel_loop3A_624 : vector<16xf32>
      %parallel_loop3A_626 = arith.index_cast %parallel_loop3A_56 : i32 to index
      %parallel_loop3A_627 = arith.constant 640 : index
      %parallel_loop3A_628 = tpu.vector_load %arg8[%parallel_loop3A_626, %parallel_loop3A_627] {strides = array<i32>} : memref<32x768xf32, #tpu.memory_space<vmem>>, vector<1x16xf32>,
      %parallel_loop3A_629 = vector.shape_cast %parallel_loop3A_628 : vector<1x16xf32> to vector<16xf32>
      %parallel_loop3A_630 = vector.shape_cast %parallel_loop3A_625 : vector<16xf32> to vector<1x16xf32>
      tpu.vector_store %arg8[%parallel_loop3A_626, %parallel_loop3A_627], %parallel_loop3A_630 {strides = array<i32>} : memref<32x768xf32, #tpu.memory_space<vmem>>, vector<1x16xf32>,
      %parallel_loop3A_631 = arith.index_cast %parallel_loop3A_56 : i32 to index
      %parallel_loop3A_632 = arith.constant 656 : index
      %parallel_loop3A_633 = tpu.vector_load %arg8[%parallel_loop3A_631, %parallel_loop3A_632] {strides = array<i32>} : memref<32x768xf32, #tpu.memory_space<vmem>>, vector<1x16xf32>,
      %parallel_loop3A_634 = vector.shape_cast %parallel_loop3A_633 : vector<1x16xf32> to vector<16xf32>
      %parallel_loop3A_635 = arith.index_cast %parallel_loop3A_56 : i32 to index
      %parallel_loop3A_636 = arith.constant 656 : index
      %parallel_loop3A_637 = tpu.vector_load %arg9[%parallel_loop3A_635, %parallel_loop3A_636] {strides = array<i32>} : memref<32x768xf32, #tpu.memory_space<vmem>>, vector<1x16xf32>,
      %parallel_loop3A_638 = vector.shape_cast %parallel_loop3A_637 : vector<1x16xf32> to vector<16xf32>
      %parallel_loop3A_639 = arith.addf %parallel_loop3A_634, %parallel_loop3A_638 : vector<16xf32>
      %parallel_loop3A_640 = arith.index_cast %parallel_loop3A_56 : i32 to index
      %parallel_loop3A_641 = arith.constant 656 : index
      %parallel_loop3A_642 = tpu.vector_load %arg8[%parallel_loop3A_640, %parallel_loop3A_641] {strides = array<i32>} : memref<32x768xf32, #tpu.memory_space<vmem>>, vector<1x16xf32>,
      %parallel_loop3A_643 = vector.shape_cast %parallel_loop3A_642 : vector<1x16xf32> to vector<16xf32>
      %parallel_loop3A_644 = vector.shape_cast %parallel_loop3A_639 : vector<16xf32> to vector<1x16xf32>
      tpu.vector_store %arg8[%parallel_loop3A_640, %parallel_loop3A_641], %parallel_loop3A_644 {strides = array<i32>} : memref<32x768xf32, #tpu.memory_space<vmem>>, vector<1x16xf32>,
      %parallel_loop3A_645 = arith.index_cast %parallel_loop3A_56 : i32 to index
      %parallel_loop3A_646 = arith.constant 672 : index
      %parallel_loop3A_647 = tpu.vector_load %arg8[%parallel_loop3A_645, %parallel_loop3A_646] {strides = array<i32>} : memref<32x768xf32, #tpu.memory_space<vmem>>, vector<1x16xf32>,
      %parallel_loop3A_648 = vector.shape_cast %parallel_loop3A_647 : vector<1x16xf32> to vector<16xf32>
      %parallel_loop3A_649 = arith.index_cast %parallel_loop3A_56 : i32 to index
      %parallel_loop3A_650 = arith.constant 672 : index
      %parallel_loop3A_651 = tpu.vector_load %arg9[%parallel_loop3A_649, %parallel_loop3A_650] {strides = array<i32>} : memref<32x768xf32, #tpu.memory_space<vmem>>, vector<1x16xf32>,
      %parallel_loop3A_652 = vector.shape_cast %parallel_loop3A_651 : vector<1x16xf32> to vector<16xf32>
      %parallel_loop3A_653 = arith.addf %parallel_loop3A_648, %parallel_loop3A_652 : vector<16xf32>
      %parallel_loop3A_654 = arith.index_cast %parallel_loop3A_56 : i32 to index
      %parallel_loop3A_655 = arith.constant 672 : index
      %parallel_loop3A_656 = tpu.vector_load %arg8[%parallel_loop3A_654, %parallel_loop3A_655] {strides = array<i32>} : memref<32x768xf32, #tpu.memory_space<vmem>>, vector<1x16xf32>,
      %parallel_loop3A_657 = vector.shape_cast %parallel_loop3A_656 : vector<1x16xf32> to vector<16xf32>
      %parallel_loop3A_658 = vector.shape_cast %parallel_loop3A_653 : vector<16xf32> to vector<1x16xf32>
      tpu.vector_store %arg8[%parallel_loop3A_654, %parallel_loop3A_655], %parallel_loop3A_658 {strides = array<i32>} : memref<32x768xf32, #tpu.memory_space<vmem>>, vector<1x16xf32>,
      %parallel_loop3A_659 = arith.index_cast %parallel_loop3A_56 : i32 to index
      %parallel_loop3A_660 = arith.constant 688 : index
      %parallel_loop3A_661 = tpu.vector_load %arg8[%parallel_loop3A_659, %parallel_loop3A_660] {strides = array<i32>} : memref<32x768xf32, #tpu.memory_space<vmem>>, vector<1x16xf32>,
      %parallel_loop3A_662 = vector.shape_cast %parallel_loop3A_661 : vector<1x16xf32> to vector<16xf32>
      %parallel_loop3A_663 = arith.index_cast %parallel_loop3A_56 : i32 to index
      %parallel_loop3A_664 = arith.constant 688 : index
      %parallel_loop3A_665 = tpu.vector_load %arg9[%parallel_loop3A_663, %parallel_loop3A_664] {strides = array<i32>} : memref<32x768xf32, #tpu.memory_space<vmem>>, vector<1x16xf32>,
      %parallel_loop3A_666 = vector.shape_cast %parallel_loop3A_665 : vector<1x16xf32> to vector<16xf32>
      %parallel_loop3A_667 = arith.addf %parallel_loop3A_662, %parallel_loop3A_666 : vector<16xf32>
      %parallel_loop3A_668 = arith.index_cast %parallel_loop3A_56 : i32 to index
      %parallel_loop3A_669 = arith.constant 688 : index
      %parallel_loop3A_670 = tpu.vector_load %arg8[%parallel_loop3A_668, %parallel_loop3A_669] {strides = array<i32>} : memref<32x768xf32, #tpu.memory_space<vmem>>, vector<1x16xf32>,
      %parallel_loop3A_671 = vector.shape_cast %parallel_loop3A_670 : vector<1x16xf32> to vector<16xf32>
      %parallel_loop3A_672 = vector.shape_cast %parallel_loop3A_667 : vector<16xf32> to vector<1x16xf32>
      tpu.vector_store %arg8[%parallel_loop3A_668, %parallel_loop3A_669], %parallel_loop3A_672 {strides = array<i32>} : memref<32x768xf32, #tpu.memory_space<vmem>>, vector<1x16xf32>,
      %parallel_loop3A_673 = arith.index_cast %parallel_loop3A_56 : i32 to index
      %parallel_loop3A_674 = arith.constant 704 : index
      %parallel_loop3A_675 = tpu.vector_load %arg8[%parallel_loop3A_673, %parallel_loop3A_674] {strides = array<i32>} : memref<32x768xf32, #tpu.memory_space<vmem>>, vector<1x16xf32>,
      %parallel_loop3A_676 = vector.shape_cast %parallel_loop3A_675 : vector<1x16xf32> to vector<16xf32>
      %parallel_loop3A_677 = arith.index_cast %parallel_loop3A_56 : i32 to index
      %parallel_loop3A_678 = arith.constant 704 : index
      %parallel_loop3A_679 = tpu.vector_load %arg9[%parallel_loop3A_677, %parallel_loop3A_678] {strides = array<i32>} : memref<32x768xf32, #tpu.memory_space<vmem>>, vector<1x16xf32>,
      %parallel_loop3A_680 = vector.shape_cast %parallel_loop3A_679 : vector<1x16xf32> to vector<16xf32>
      %parallel_loop3A_681 = arith.addf %parallel_loop3A_676, %parallel_loop3A_680 : vector<16xf32>
      %parallel_loop3A_682 = arith.index_cast %parallel_loop3A_56 : i32 to index
      %parallel_loop3A_683 = arith.constant 704 : index
      %parallel_loop3A_684 = tpu.vector_load %arg8[%parallel_loop3A_682, %parallel_loop3A_683] {strides = array<i32>} : memref<32x768xf32, #tpu.memory_space<vmem>>, vector<1x16xf32>,
      %parallel_loop3A_685 = vector.shape_cast %parallel_loop3A_684 : vector<1x16xf32> to vector<16xf32>
      %parallel_loop3A_686 = vector.shape_cast %parallel_loop3A_681 : vector<16xf32> to vector<1x16xf32>
      tpu.vector_store %arg8[%parallel_loop3A_682, %parallel_loop3A_683], %parallel_loop3A_686 {strides = array<i32>} : memref<32x768xf32, #tpu.memory_space<vmem>>, vector<1x16xf32>,
      %parallel_loop3A_687 = arith.index_cast %parallel_loop3A_56 : i32 to index
      %parallel_loop3A_688 = arith.constant 720 : index
      %parallel_loop3A_689 = tpu.vector_load %arg8[%parallel_loop3A_687, %parallel_loop3A_688] {strides = array<i32>} : memref<32x768xf32, #tpu.memory_space<vmem>>, vector<1x16xf32>,
      %parallel_loop3A_690 = vector.shape_cast %parallel_loop3A_689 : vector<1x16xf32> to vector<16xf32>
      %parallel_loop3A_691 = arith.index_cast %parallel_loop3A_56 : i32 to index
      %parallel_loop3A_692 = arith.constant 720 : index
      %parallel_loop3A_693 = tpu.vector_load %arg9[%parallel_loop3A_691, %parallel_loop3A_692] {strides = array<i32>} : memref<32x768xf32, #tpu.memory_space<vmem>>, vector<1x16xf32>,
      %parallel_loop3A_694 = vector.shape_cast %parallel_loop3A_693 : vector<1x16xf32> to vector<16xf32>
      %parallel_loop3A_695 = arith.addf %parallel_loop3A_690, %parallel_loop3A_694 : vector<16xf32>
      %parallel_loop3A_696 = arith.index_cast %parallel_loop3A_56 : i32 to index
      %parallel_loop3A_697 = arith.constant 720 : index
      %parallel_loop3A_698 = tpu.vector_load %arg8[%parallel_loop3A_696, %parallel_loop3A_697] {strides = array<i32>} : memref<32x768xf32, #tpu.memory_space<vmem>>, vector<1x16xf32>,
      %parallel_loop3A_699 = vector.shape_cast %parallel_loop3A_698 : vector<1x16xf32> to vector<16xf32>
      %parallel_loop3A_700 = vector.shape_cast %parallel_loop3A_695 : vector<16xf32> to vector<1x16xf32>
      tpu.vector_store %arg8[%parallel_loop3A_696, %parallel_loop3A_697], %parallel_loop3A_700 {strides = array<i32>} : memref<32x768xf32, #tpu.memory_space<vmem>>, vector<1x16xf32>,
      %parallel_loop3A_701 = arith.index_cast %parallel_loop3A_56 : i32 to index
      %parallel_loop3A_702 = arith.constant 736 : index
      %parallel_loop3A_703 = tpu.vector_load %arg8[%parallel_loop3A_701, %parallel_loop3A_702] {strides = array<i32>} : memref<32x768xf32, #tpu.memory_space<vmem>>, vector<1x16xf32>,
      %parallel_loop3A_704 = vector.shape_cast %parallel_loop3A_703 : vector<1x16xf32> to vector<16xf32>
      %parallel_loop3A_705 = arith.index_cast %parallel_loop3A_56 : i32 to index
      %parallel_loop3A_706 = arith.constant 736 : index
      %parallel_loop3A_707 = tpu.vector_load %arg9[%parallel_loop3A_705, %parallel_loop3A_706] {strides = array<i32>} : memref<32x768xf32, #tpu.memory_space<vmem>>, vector<1x16xf32>,
      %parallel_loop3A_708 = vector.shape_cast %parallel_loop3A_707 : vector<1x16xf32> to vector<16xf32>
      %parallel_loop3A_709 = arith.addf %parallel_loop3A_704, %parallel_loop3A_708 : vector<16xf32>
      %parallel_loop3A_710 = arith.index_cast %parallel_loop3A_56 : i32 to index
      %parallel_loop3A_711 = arith.constant 736 : index
      %parallel_loop3A_712 = tpu.vector_load %arg8[%parallel_loop3A_710, %parallel_loop3A_711] {strides = array<i32>} : memref<32x768xf32, #tpu.memory_space<vmem>>, vector<1x16xf32>,
      %parallel_loop3A_713 = vector.shape_cast %parallel_loop3A_712 : vector<1x16xf32> to vector<16xf32>
      %parallel_loop3A_714 = vector.shape_cast %parallel_loop3A_709 : vector<16xf32> to vector<1x16xf32>
      tpu.vector_store %arg8[%parallel_loop3A_710, %parallel_loop3A_711], %parallel_loop3A_714 {strides = array<i32>} : memref<32x768xf32, #tpu.memory_space<vmem>>, vector<1x16xf32>,
      %parallel_loop3A_715 = arith.index_cast %parallel_loop3A_56 : i32 to index
      %parallel_loop3A_716 = arith.constant 752 : index
      %parallel_loop3A_717 = tpu.vector_load %arg8[%parallel_loop3A_715, %parallel_loop3A_716] {strides = array<i32>} : memref<32x768xf32, #tpu.memory_space<vmem>>, vector<1x16xf32>,
      %parallel_loop3A_718 = vector.shape_cast %parallel_loop3A_717 : vector<1x16xf32> to vector<16xf32>
      %parallel_loop3A_719 = arith.index_cast %parallel_loop3A_56 : i32 to index
      %parallel_loop3A_720 = arith.constant 752 : index
      %parallel_loop3A_721 = tpu.vector_load %arg9[%parallel_loop3A_719, %parallel_loop3A_720] {strides = array<i32>} : memref<32x768xf32, #tpu.memory_space<vmem>>, vector<1x16xf32>,
      %parallel_loop3A_722 = vector.shape_cast %parallel_loop3A_721 : vector<1x16xf32> to vector<16xf32>
      %parallel_loop3A_723 = arith.addf %parallel_loop3A_718, %parallel_loop3A_722 : vector<16xf32>
      %parallel_loop3A_724 = arith.index_cast %parallel_loop3A_56 : i32 to index
      %parallel_loop3A_725 = arith.constant 752 : index
      %parallel_loop3A_726 = tpu.vector_load %arg8[%parallel_loop3A_724, %parallel_loop3A_725] {strides = array<i32>} : memref<32x768xf32, #tpu.memory_space<vmem>>, vector<1x16xf32>,
      %parallel_loop3A_727 = vector.shape_cast %parallel_loop3A_726 : vector<1x16xf32> to vector<16xf32>
      %parallel_loop3A_728 = vector.shape_cast %parallel_loop3A_723 : vector<16xf32> to vector<1x16xf32>
      tpu.vector_store %arg8[%parallel_loop3A_724, %parallel_loop3A_725], %parallel_loop3A_728 {strides = array<i32>} : memref<32x768xf32, #tpu.memory_space<vmem>>, vector<1x16xf32>,
    } {sc.loop_unroll_factor = 1 : i64, sc.parallel_access}
    %dma_start3A_33 = arith.constant 0 : i32
    %dma_start3A_34 = tpu.memref_slice %arg5[%mul3A_2, %dma_start3A_33] : memref<2048x768xf32, #tpu.memory_space<hbm>> -> memref<32x768xf32, #tpu.memory_space<hbm>>
    %dma_start3A_35 = arith.constant 0 : i32
    %dma_start3A_36 = tpu.memref_slice %arg5[%mul3A_2, %dma_start3A_35] : memref<2048x768xf32, #tpu.memory_space<hbm>> -> memref<32x768xf32, #tpu.memory_space<hbm>>
    tpu.enqueue_dma source(%arg8 : memref<32x768xf32, #tpu.memory_space<vmem>>) target(%dma_start3A_36 : memref<32x768xf32, #tpu.memory_space<hbm>>) target_semaphore(%arg14 : memref<!tpu.dma_semaphore, #tpu.memory_space<semaphore_mem>>)
    %dma_wait3A_37 = arith.constant 32 : i32
    %dma_wait3A_38 = tpu.memref_slice %arg6[%dma_wait3A_37] : memref<64xi32, #tpu.memory_space<vmem>> -> memref<32xi32, #tpu.memory_space<vmem>>
    %dma_wait3A_39 = arith.constant 0 : i32
    %dma_wait3A_40 = arith.constant 0 : i32
    %dma_wait3A_41 = tpu.memref_slice %arg2[%dma_wait3A_39, %dma_wait3A_40] : memref<4096x768xf32, #tpu.memory_space<hbm>> -> memref<4096x768xf32, #tpu.memory_space<hbm>>
    tpu.wait_indirect_dma semaphore(%arg13 : memref<!tpu.dma_semaphore, #tpu.memory_space<semaphore_mem>>) src(%dma_wait3A_41 : memref<4096x768xf32, #tpu.memory_space<hbm>>) dst(%arg10 : memref<32x768xf32, #tpu.memory_space<vmem>>)
    %dma_wait3A_42 = arith.constant 32 : i32
    %dma_wait3A_43 = tpu.memref_slice %arg7[%dma_wait3A_42] : memref<64xi32, #tpu.memory_space<vmem>> -> memref<32xi32, #tpu.memory_space<vmem>>
    %dma_wait3A_44 = arith.constant 0 : i32
    %dma_wait3A_45 = arith.constant 0 : i32
    %dma_wait3A_46 = tpu.memref_slice %arg2[%dma_wait3A_44, %dma_wait3A_45] : memref<4096x768xf32, #tpu.memory_space<hbm>> -> memref<4096x768xf32, #tpu.memory_space<hbm>>
    tpu.wait_indirect_dma semaphore(%arg13 : memref<!tpu.dma_semaphore, #tpu.memory_space<semaphore_mem>>) src(%dma_wait3A_46 : memref<4096x768xf32, #tpu.memory_space<hbm>>) dst(%arg11 : memref<32x768xf32, #tpu.memory_space<vmem>>)
    %parallel_loop3A_47 = arith.constant 0 : i32
    %parallel_loop3A_48 = arith.constant 32 : i32
    %parallel_loop3A_49 = arith.constant 1 : i32
    scf.for %parallel_loop3A_56 = %parallel_loop3A_47 to %parallel_loop3A_48 step %parallel_loop3A_49  : i32 {
      %parallel_loop3A_57 = arith.index_cast %parallel_loop3A_56 : i32 to index
      %parallel_loop3A_58 = arith.constant 0 : index
      %parallel_loop3A_59 = tpu.vector_load %arg10[%parallel_loop3A_57, %parallel_loop3A_58] {strides = array<i32>} : memref<32x768xf32, #tpu.memory_space<vmem>>, vector<1x16xf32>,
      %parallel_loop3A_60 = vector.shape_cast %parallel_loop3A_59 : vector<1x16xf32> to vector<16xf32>
      %parallel_loop3A_61 = arith.index_cast %parallel_loop3A_56 : i32 to index
      %parallel_loop3A_62 = arith.constant 0 : index
      %parallel_loop3A_63 = tpu.vector_load %arg11[%parallel_loop3A_61, %parallel_loop3A_62] {strides = array<i32>} : memref<32x768xf32, #tpu.memory_space<vmem>>, vector<1x16xf32>,
      %parallel_loop3A_64 = vector.shape_cast %parallel_loop3A_63 : vector<1x16xf32> to vector<16xf32>
      %parallel_loop3A_65 = arith.addf %parallel_loop3A_60, %parallel_loop3A_64 : vector<16xf32>
      %parallel_loop3A_66 = arith.index_cast %parallel_loop3A_56 : i32 to index
      %parallel_loop3A_67 = arith.constant 0 : index
      %parallel_loop3A_68 = tpu.vector_load %arg10[%parallel_loop3A_66, %parallel_loop3A_67] {strides = array<i32>} : memref<32x768xf32, #tpu.memory_space<vmem>>, vector<1x16xf32>,
      %parallel_loop3A_69 = vector.shape_cast %parallel_loop3A_68 : vector<1x16xf32> to vector<16xf32>
      %parallel_loop3A_70 = vector.shape_cast %parallel_loop3A_65 : vector<16xf32> to vector<1x16xf32>
      tpu.vector_store %arg10[%parallel_loop3A_66, %parallel_loop3A_67], %parallel_loop3A_70 {strides = array<i32>} : memref<32x768xf32, #tpu.memory_space<vmem>>, vector<1x16xf32>,
      %parallel_loop3A_71 = arith.index_cast %parallel_loop3A_56 : i32 to index
      %parallel_loop3A_72 = arith.constant 16 : index
      %parallel_loop3A_73 = tpu.vector_load %arg10[%parallel_loop3A_71, %parallel_loop3A_72] {strides = array<i32>} : memref<32x768xf32, #tpu.memory_space<vmem>>, vector<1x16xf32>,
      %parallel_loop3A_74 = vector.shape_cast %parallel_loop3A_73 : vector<1x16xf32> to vector<16xf32>
      %parallel_loop3A_75 = arith.index_cast %parallel_loop3A_56 : i32 to index
      %parallel_loop3A_76 = arith.constant 16 : index
      %parallel_loop3A_77 = tpu.vector_load %arg11[%parallel_loop3A_75, %parallel_loop3A_76] {strides = array<i32>} : memref<32x768xf32, #tpu.memory_space<vmem>>, vector<1x16xf32>,
      %parallel_loop3A_78 = vector.shape_cast %parallel_loop3A_77 : vector<1x16xf32> to vector<16xf32>
      %parallel_loop3A_79 = arith.addf %parallel_loop3A_74, %parallel_loop3A_78 : vector<16xf32>
      %parallel_loop3A_80 = arith.index_cast %parallel_loop3A_56 : i32 to index
      %parallel_loop3A_81 = arith.constant 16 : index
      %parallel_loop3A_82 = tpu.vector_load %arg10[%parallel_loop3A_80, %parallel_loop3A_81] {strides = array<i32>} : memref<32x768xf32, #tpu.memory_space<vmem>>, vector<1x16xf32>,
      %parallel_loop3A_83 = vector.shape_cast %parallel_loop3A_82 : vector<1x16xf32> to vector<16xf32>
      %parallel_loop3A_84 = vector.shape_cast %parallel_loop3A_79 : vector<16xf32> to vector<1x16xf32>
      tpu.vector_store %arg10[%parallel_loop3A_80, %parallel_loop3A_81], %parallel_loop3A_84 {strides = array<i32>} : memref<32x768xf32, #tpu.memory_space<vmem>>, vector<1x16xf32>,
      %parallel_loop3A_85 = arith.index_cast %parallel_loop3A_56 : i32 to index
      %parallel_loop3A_86 = arith.constant 32 : index
      %parallel_loop3A_87 = tpu.vector_load %arg10[%parallel_loop3A_85, %parallel_loop3A_86] {strides = array<i32>} : memref<32x768xf32, #tpu.memory_space<vmem>>, vector<1x16xf32>,
      %parallel_loop3A_88 = vector.shape_cast %parallel_loop3A_87 : vector<1x16xf32> to vector<16xf32>
      %parallel_loop3A_89 = arith.index_cast %parallel_loop3A_56 : i32 to index
      %parallel_loop3A_90 = arith.constant 32 : index
      %parallel_loop3A_91 = tpu.vector_load %arg11[%parallel_loop3A_89, %parallel_loop3A_90] {strides = array<i32>} : memref<32x768xf32, #tpu.memory_space<vmem>>, vector<1x16xf32>,
      %parallel_loop3A_92 = vector.shape_cast %parallel_loop3A_91 : vector<1x16xf32> to vector<16xf32>
      %parallel_loop3A_93 = arith.addf %parallel_loop3A_88, %parallel_loop3A_92 : vector<16xf32>
      %parallel_loop3A_94 = arith.index_cast %parallel_loop3A_56 : i32 to index
      %parallel_loop3A_95 = arith.constant 32 : index
      %parallel_loop3A_96 = tpu.vector_load %arg10[%parallel_loop3A_94, %parallel_loop3A_95] {strides = array<i32>} : memref<32x768xf32, #tpu.memory_space<vmem>>, vector<1x16xf32>,
      %parallel_loop3A_97 = vector.shape_cast %parallel_loop3A_96 : vector<1x16xf32> to vector<16xf32>
      %parallel_loop3A_98 = vector.shape_cast %parallel_loop3A_93 : vector<16xf32> to vector<1x16xf32>
      tpu.vector_store %arg10[%parallel_loop3A_94, %parallel_loop3A_95], %parallel_loop3A_98 {strides = array<i32>} : memref<32x768xf32, #tpu.memory_space<vmem>>, vector<1x16xf32>,
      %parallel_loop3A_99 = arith.index_cast %parallel_loop3A_56 : i32 to index
      %parallel_loop3A_100 = arith.constant 48 : index
      %parallel_loop3A_101 = tpu.vector_load %arg10[%parallel_loop3A_99, %parallel_loop3A_100] {strides = array<i32>} : memref<32x768xf32, #tpu.memory_space<vmem>>, vector<1x16xf32>,
      %parallel_loop3A_102 = vector.shape_cast %parallel_loop3A_101 : vector<1x16xf32> to vector<16xf32>
      %parallel_loop3A_103 = arith.index_cast %parallel_loop3A_56 : i32 to index
      %parallel_loop3A_104 = arith.constant 48 : index
      %parallel_loop3A_105 = tpu.vector_load %arg11[%parallel_loop3A_103, %parallel_loop3A_104] {strides = array<i32>} : memref<32x768xf32, #tpu.memory_space<vmem>>, vector<1x16xf32>,
      %parallel_loop3A_106 = vector.shape_cast %parallel_loop3A_105 : vector<1x16xf32> to vector<16xf32>
      %parallel_loop3A_107 = arith.addf %parallel_loop3A_102, %parallel_loop3A_106 : vector<16xf32>
      %parallel_loop3A_108 = arith.index_cast %parallel_loop3A_56 : i32 to index
      %parallel_loop3A_109 = arith.constant 48 : index
      %parallel_loop3A_110 = tpu.vector_load %arg10[%parallel_loop3A_108, %parallel_loop3A_109] {strides = array<i32>} : memref<32x768xf32, #tpu.memory_space<vmem>>, vector<1x16xf32>,
      %parallel_loop3A_111 = vector.shape_cast %parallel_loop3A_110 : vector<1x16xf32> to vector<16xf32>
      %parallel_loop3A_112 = vector.shape_cast %parallel_loop3A_107 : vector<16xf32> to vector<1x16xf32>
      tpu.vector_store %arg10[%parallel_loop3A_108, %parallel_loop3A_109], %parallel_loop3A_112 {strides = array<i32>} : memref<32x768xf32, #tpu.memory_space<vmem>>, vector<1x16xf32>,
      %parallel_loop3A_113 = arith.index_cast %parallel_loop3A_56 : i32 to index
      %parallel_loop3A_114 = arith.constant 64 : index
      %parallel_loop3A_115 = tpu.vector_load %arg10[%parallel_loop3A_113, %parallel_loop3A_114] {strides = array<i32>} : memref<32x768xf32, #tpu.memory_space<vmem>>, vector<1x16xf32>,
      %parallel_loop3A_116 = vector.shape_cast %parallel_loop3A_115 : vector<1x16xf32> to vector<16xf32>
      %parallel_loop3A_117 = arith.index_cast %parallel_loop3A_56 : i32 to index
      %parallel_loop3A_118 = arith.constant 64 : index
      %parallel_loop3A_119 = tpu.vector_load %arg11[%parallel_loop3A_117, %parallel_loop3A_118] {strides = array<i32>} : memref<32x768xf32, #tpu.memory_space<vmem>>, vector<1x16xf32>,
      %parallel_loop3A_120 = vector.shape_cast %parallel_loop3A_119 : vector<1x16xf32> to vector<16xf32>
      %parallel_loop3A_121 = arith.addf %parallel_loop3A_116, %parallel_loop3A_120 : vector<16xf32>
      %parallel_loop3A_122 = arith.index_cast %parallel_loop3A_56 : i32 to index
      %parallel_loop3A_123 = arith.constant 64 : index
      %parallel_loop3A_124 = tpu.vector_load %arg10[%parallel_loop3A_122, %parallel_loop3A_123] {strides = array<i32>} : memref<32x768xf32, #tpu.memory_space<vmem>>, vector<1x16xf32>,
      %parallel_loop3A_125 = vector.shape_cast %parallel_loop3A_124 : vector<1x16xf32> to vector<16xf32>
      %parallel_loop3A_126 = vector.shape_cast %parallel_loop3A_121 : vector<16xf32> to vector<1x16xf32>
      tpu.vector_store %arg10[%parallel_loop3A_122, %parallel_loop3A_123], %parallel_loop3A_126 {strides = array<i32>} : memref<32x768xf32, #tpu.memory_space<vmem>>, vector<1x16xf32>,
      %parallel_loop3A_127 = arith.index_cast %parallel_loop3A_56 : i32 to index
      %parallel_loop3A_128 = arith.constant 80 : index
      %parallel_loop3A_129 = tpu.vector_load %arg10[%parallel_loop3A_127, %parallel_loop3A_128] {strides = array<i32>} : memref<32x768xf32, #tpu.memory_space<vmem>>, vector<1x16xf32>,
      %parallel_loop3A_130 = vector.shape_cast %parallel_loop3A_129 : vector<1x16xf32> to vector<16xf32>
      %parallel_loop3A_131 = arith.index_cast %parallel_loop3A_56 : i32 to index
      %parallel_loop3A_132 = arith.constant 80 : index
      %parallel_loop3A_133 = tpu.vector_load %arg11[%parallel_loop3A_131, %parallel_loop3A_132] {strides = array<i32>} : memref<32x768xf32, #tpu.memory_space<vmem>>, vector<1x16xf32>,
      %parallel_loop3A_134 = vector.shape_cast %parallel_loop3A_133 : vector<1x16xf32> to vector<16xf32>
      %parallel_loop3A_135 = arith.addf %parallel_loop3A_130, %parallel_loop3A_134 : vector<16xf32>
      %parallel_loop3A_136 = arith.index_cast %parallel_loop3A_56 : i32 to index
      %parallel_loop3A_137 = arith.constant 80 : index
      %parallel_loop3A_138 = tpu.vector_load %arg10[%parallel_loop3A_136, %parallel_loop3A_137] {strides = array<i32>} : memref<32x768xf32, #tpu.memory_space<vmem>>, vector<1x16xf32>,
      %parallel_loop3A_139 = vector.shape_cast %parallel_loop3A_138 : vector<1x16xf32> to vector<16xf32>
      %parallel_loop3A_140 = vector.shape_cast %parallel_loop3A_135 : vector<16xf32> to vector<1x16xf32>
      tpu.vector_store %arg10[%parallel_loop3A_136, %parallel_loop3A_137], %parallel_loop3A_140 {strides = array<i32>} : memref<32x768xf32, #tpu.memory_space<vmem>>, vector<1x16xf32>,
      %parallel_loop3A_141 = arith.index_cast %parallel_loop3A_56 : i32 to index
      %parallel_loop3A_142 = arith.constant 96 : index
      %parallel_loop3A_143 = tpu.vector_load %arg10[%parallel_loop3A_141, %parallel_loop3A_142] {strides = array<i32>} : memref<32x768xf32, #tpu.memory_space<vmem>>, vector<1x16xf32>,
      %parallel_loop3A_144 = vector.shape_cast %parallel_loop3A_143 : vector<1x16xf32> to vector<16xf32>
      %parallel_loop3A_145 = arith.index_cast %parallel_loop3A_56 : i32 to index
      %parallel_loop3A_146 = arith.constant 96 : index
      %parallel_loop3A_147 = tpu.vector_load %arg11[%parallel_loop3A_145, %parallel_loop3A_146] {strides = array<i32>} : memref<32x768xf32, #tpu.memory_space<vmem>>, vector<1x16xf32>,
      %parallel_loop3A_148 = vector.shape_cast %parallel_loop3A_147 : vector<1x16xf32> to vector<16xf32>
      %parallel_loop3A_149 = arith.addf %parallel_loop3A_144, %parallel_loop3A_148 : vector<16xf32>
      %parallel_loop3A_150 = arith.index_cast %parallel_loop3A_56 : i32 to index
      %parallel_loop3A_151 = arith.constant 96 : index
      %parallel_loop3A_152 = tpu.vector_load %arg10[%parallel_loop3A_150, %parallel_loop3A_151] {strides = array<i32>} : memref<32x768xf32, #tpu.memory_space<vmem>>, vector<1x16xf32>,
      %parallel_loop3A_153 = vector.shape_cast %parallel_loop3A_152 : vector<1x16xf32> to vector<16xf32>
      %parallel_loop3A_154 = vector.shape_cast %parallel_loop3A_149 : vector<16xf32> to vector<1x16xf32>
      tpu.vector_store %arg10[%parallel_loop3A_150, %parallel_loop3A_151], %parallel_loop3A_154 {strides = array<i32>} : memref<32x768xf32, #tpu.memory_space<vmem>>, vector<1x16xf32>,
      %parallel_loop3A_155 = arith.index_cast %parallel_loop3A_56 : i32 to index
      %parallel_loop3A_156 = arith.constant 112 : index
      %parallel_loop3A_157 = tpu.vector_load %arg10[%parallel_loop3A_155, %parallel_loop3A_156] {strides = array<i32>} : memref<32x768xf32, #tpu.memory_space<vmem>>, vector<1x16xf32>,
      %parallel_loop3A_158 = vector.shape_cast %parallel_loop3A_157 : vector<1x16xf32> to vector<16xf32>
      %parallel_loop3A_159 = arith.index_cast %parallel_loop3A_56 : i32 to index
      %parallel_loop3A_160 = arith.constant 112 : index
      %parallel_loop3A_161 = tpu.vector_load %arg11[%parallel_loop3A_159, %parallel_loop3A_160] {strides = array<i32>} : memref<32x768xf32, #tpu.memory_space<vmem>>, vector<1x16xf32>,
      %parallel_loop3A_162 = vector.shape_cast %parallel_loop3A_161 : vector<1x16xf32> to vector<16xf32>
      %parallel_loop3A_163 = arith.addf %parallel_loop3A_158, %parallel_loop3A_162 : vector<16xf32>
      %parallel_loop3A_164 = arith.index_cast %parallel_loop3A_56 : i32 to index
      %parallel_loop3A_165 = arith.constant 112 : index
      %parallel_loop3A_166 = tpu.vector_load %arg10[%parallel_loop3A_164, %parallel_loop3A_165] {strides = array<i32>} : memref<32x768xf32, #tpu.memory_space<vmem>>, vector<1x16xf32>,
      %parallel_loop3A_167 = vector.shape_cast %parallel_loop3A_166 : vector<1x16xf32> to vector<16xf32>
      %parallel_loop3A_168 = vector.shape_cast %parallel_loop3A_163 : vector<16xf32> to vector<1x16xf32>
      tpu.vector_store %arg10[%parallel_loop3A_164, %parallel_loop3A_165], %parallel_loop3A_168 {strides = array<i32>} : memref<32x768xf32, #tpu.memory_space<vmem>>, vector<1x16xf32>,
      %parallel_loop3A_169 = arith.index_cast %parallel_loop3A_56 : i32 to index
      %parallel_loop3A_170 = arith.constant 128 : index
      %parallel_loop3A_171 = tpu.vector_load %arg10[%parallel_loop3A_169, %parallel_loop3A_170] {strides = array<i32>} : memref<32x768xf32, #tpu.memory_space<vmem>>, vector<1x16xf32>,
      %parallel_loop3A_172 = vector.shape_cast %parallel_loop3A_171 : vector<1x16xf32> to vector<16xf32>
      %parallel_loop3A_173 = arith.index_cast %parallel_loop3A_56 : i32 to index
      %parallel_loop3A_174 = arith.constant 128 : index
      %parallel_loop3A_175 = tpu.vector_load %arg11[%parallel_loop3A_173, %parallel_loop3A_174] {strides = array<i32>} : memref<32x768xf32, #tpu.memory_space<vmem>>, vector<1x16xf32>,
      %parallel_loop3A_176 = vector.shape_cast %parallel_loop3A_175 : vector<1x16xf32> to vector<16xf32>
      %parallel_loop3A_177 = arith.addf %parallel_loop3A_172, %parallel_loop3A_176 : vector<16xf32>
      %parallel_loop3A_178 = arith.index_cast %parallel_loop3A_56 : i32 to index
      %parallel_loop3A_179 = arith.constant 128 : index
      %parallel_loop3A_180 = tpu.vector_load %arg10[%parallel_loop3A_178, %parallel_loop3A_179] {strides = array<i32>} : memref<32x768xf32, #tpu.memory_space<vmem>>, vector<1x16xf32>,
      %parallel_loop3A_181 = vector.shape_cast %parallel_loop3A_180 : vector<1x16xf32> to vector<16xf32>
      %parallel_loop3A_182 = vector.shape_cast %parallel_loop3A_177 : vector<16xf32> to vector<1x16xf32>
      tpu.vector_store %arg10[%parallel_loop3A_178, %parallel_loop3A_179], %parallel_loop3A_182 {strides = array<i32>} : memref<32x768xf32, #tpu.memory_space<vmem>>, vector<1x16xf32>,
      %parallel_loop3A_183 = arith.index_cast %parallel_loop3A_56 : i32 to index
      %parallel_loop3A_184 = arith.constant 144 : index
      %parallel_loop3A_185 = tpu.vector_load %arg10[%parallel_loop3A_183, %parallel_loop3A_184] {strides = array<i32>} : memref<32x768xf32, #tpu.memory_space<vmem>>, vector<1x16xf32>,
      %parallel_loop3A_186 = vector.shape_cast %parallel_loop3A_185 : vector<1x16xf32> to vector<16xf32>
      %parallel_loop3A_187 = arith.index_cast %parallel_loop3A_56 : i32 to index
      %parallel_loop3A_188 = arith.constant 144 : index
      %parallel_loop3A_189 = tpu.vector_load %arg11[%parallel_loop3A_187, %parallel_loop3A_188] {strides = array<i32>} : memref<32x768xf32, #tpu.memory_space<vmem>>, vector<1x16xf32>,
      %parallel_loop3A_190 = vector.shape_cast %parallel_loop3A_189 : vector<1x16xf32> to vector<16xf32>
      %parallel_loop3A_191 = arith.addf %parallel_loop3A_186, %parallel_loop3A_190 : vector<16xf32>
      %parallel_loop3A_192 = arith.index_cast %parallel_loop3A_56 : i32 to index
      %parallel_loop3A_193 = arith.constant 144 : index
      %parallel_loop3A_194 = tpu.vector_load %arg10[%parallel_loop3A_192, %parallel_loop3A_193] {strides = array<i32>} : memref<32x768xf32, #tpu.memory_space<vmem>>, vector<1x16xf32>,
      %parallel_loop3A_195 = vector.shape_cast %parallel_loop3A_194 : vector<1x16xf32> to vector<16xf32>
      %parallel_loop3A_196 = vector.shape_cast %parallel_loop3A_191 : vector<16xf32> to vector<1x16xf32>
      tpu.vector_store %arg10[%parallel_loop3A_192, %parallel_loop3A_193], %parallel_loop3A_196 {strides = array<i32>} : memref<32x768xf32, #tpu.memory_space<vmem>>, vector<1x16xf32>,
      %parallel_loop3A_197 = arith.index_cast %parallel_loop3A_56 : i32 to index
      %parallel_loop3A_198 = arith.constant 160 : index
      %parallel_loop3A_199 = tpu.vector_load %arg10[%parallel_loop3A_197, %parallel_loop3A_198] {strides = array<i32>} : memref<32x768xf32, #tpu.memory_space<vmem>>, vector<1x16xf32>,
      %parallel_loop3A_200 = vector.shape_cast %parallel_loop3A_199 : vector<1x16xf32> to vector<16xf32>
      %parallel_loop3A_201 = arith.index_cast %parallel_loop3A_56 : i32 to index
      %parallel_loop3A_202 = arith.constant 160 : index
      %parallel_loop3A_203 = tpu.vector_load %arg11[%parallel_loop3A_201, %parallel_loop3A_202] {strides = array<i32>} : memref<32x768xf32, #tpu.memory_space<vmem>>, vector<1x16xf32>,
      %parallel_loop3A_204 = vector.shape_cast %parallel_loop3A_203 : vector<1x16xf32> to vector<16xf32>
      %parallel_loop3A_205 = arith.addf %parallel_loop3A_200, %parallel_loop3A_204 : vector<16xf32>
      %parallel_loop3A_206 = arith.index_cast %parallel_loop3A_56 : i32 to index
      %parallel_loop3A_207 = arith.constant 160 : index
      %parallel_loop3A_208 = tpu.vector_load %arg10[%parallel_loop3A_206, %parallel_loop3A_207] {strides = array<i32>} : memref<32x768xf32, #tpu.memory_space<vmem>>, vector<1x16xf32>,
      %parallel_loop3A_209 = vector.shape_cast %parallel_loop3A_208 : vector<1x16xf32> to vector<16xf32>
      %parallel_loop3A_210 = vector.shape_cast %parallel_loop3A_205 : vector<16xf32> to vector<1x16xf32>
      tpu.vector_store %arg10[%parallel_loop3A_206, %parallel_loop3A_207], %parallel_loop3A_210 {strides = array<i32>} : memref<32x768xf32, #tpu.memory_space<vmem>>, vector<1x16xf32>,
      %parallel_loop3A_211 = arith.index_cast %parallel_loop3A_56 : i32 to index
      %parallel_loop3A_212 = arith.constant 176 : index
      %parallel_loop3A_213 = tpu.vector_load %arg10[%parallel_loop3A_211, %parallel_loop3A_212] {strides = array<i32>} : memref<32x768xf32, #tpu.memory_space<vmem>>, vector<1x16xf32>,
      %parallel_loop3A_214 = vector.shape_cast %parallel_loop3A_213 : vector<1x16xf32> to vector<16xf32>
      %parallel_loop3A_215 = arith.index_cast %parallel_loop3A_56 : i32 to index
      %parallel_loop3A_216 = arith.constant 176 : index
      %parallel_loop3A_217 = tpu.vector_load %arg11[%parallel_loop3A_215, %parallel_loop3A_216] {strides = array<i32>} : memref<32x768xf32, #tpu.memory_space<vmem>>, vector<1x16xf32>,
      %parallel_loop3A_218 = vector.shape_cast %parallel_loop3A_217 : vector<1x16xf32> to vector<16xf32>
      %parallel_loop3A_219 = arith.addf %parallel_loop3A_214, %parallel_loop3A_218 : vector<16xf32>
      %parallel_loop3A_220 = arith.index_cast %parallel_loop3A_56 : i32 to index
      %parallel_loop3A_221 = arith.constant 176 : index
      %parallel_loop3A_222 = tpu.vector_load %arg10[%parallel_loop3A_220, %parallel_loop3A_221] {strides = array<i32>} : memref<32x768xf32, #tpu.memory_space<vmem>>, vector<1x16xf32>,
      %parallel_loop3A_223 = vector.shape_cast %parallel_loop3A_222 : vector<1x16xf32> to vector<16xf32>
      %parallel_loop3A_224 = vector.shape_cast %parallel_loop3A_219 : vector<16xf32> to vector<1x16xf32>
      tpu.vector_store %arg10[%parallel_loop3A_220, %parallel_loop3A_221], %parallel_loop3A_224 {strides = array<i32>} : memref<32x768xf32, #tpu.memory_space<vmem>>, vector<1x16xf32>,
      %parallel_loop3A_225 = arith.index_cast %parallel_loop3A_56 : i32 to index
      %parallel_loop3A_226 = arith.constant 192 : index
      %parallel_loop3A_227 = tpu.vector_load %arg10[%parallel_loop3A_225, %parallel_loop3A_226] {strides = array<i32>} : memref<32x768xf32, #tpu.memory_space<vmem>>, vector<1x16xf32>,
      %parallel_loop3A_228 = vector.shape_cast %parallel_loop3A_227 : vector<1x16xf32> to vector<16xf32>
      %parallel_loop3A_229 = arith.index_cast %parallel_loop3A_56 : i32 to index
      %parallel_loop3A_230 = arith.constant 192 : index
      %parallel_loop3A_231 = tpu.vector_load %arg11[%parallel_loop3A_229, %parallel_loop3A_230] {strides = array<i32>} : memref<32x768xf32, #tpu.memory_space<vmem>>, vector<1x16xf32>,
      %parallel_loop3A_232 = vector.shape_cast %parallel_loop3A_231 : vector<1x16xf32> to vector<16xf32>
      %parallel_loop3A_233 = arith.addf %parallel_loop3A_228, %parallel_loop3A_232 : vector<16xf32>
      %parallel_loop3A_234 = arith.index_cast %parallel_loop3A_56 : i32 to index
      %parallel_loop3A_235 = arith.constant 192 : index
      %parallel_loop3A_236 = tpu.vector_load %arg10[%parallel_loop3A_234, %parallel_loop3A_235] {strides = array<i32>} : memref<32x768xf32, #tpu.memory_space<vmem>>, vector<1x16xf32>,
      %parallel_loop3A_237 = vector.shape_cast %parallel_loop3A_236 : vector<1x16xf32> to vector<16xf32>
      %parallel_loop3A_238 = vector.shape_cast %parallel_loop3A_233 : vector<16xf32> to vector<1x16xf32>
      tpu.vector_store %arg10[%parallel_loop3A_234, %parallel_loop3A_235], %parallel_loop3A_238 {strides = array<i32>} : memref<32x768xf32, #tpu.memory_space<vmem>>, vector<1x16xf32>,
      %parallel_loop3A_239 = arith.index_cast %parallel_loop3A_56 : i32 to index
      %parallel_loop3A_240 = arith.constant 208 : index
      %parallel_loop3A_241 = tpu.vector_load %arg10[%parallel_loop3A_239, %parallel_loop3A_240] {strides = array<i32>} : memref<32x768xf32, #tpu.memory_space<vmem>>, vector<1x16xf32>,
      %parallel_loop3A_242 = vector.shape_cast %parallel_loop3A_241 : vector<1x16xf32> to vector<16xf32>
      %parallel_loop3A_243 = arith.index_cast %parallel_loop3A_56 : i32 to index
      %parallel_loop3A_244 = arith.constant 208 : index
      %parallel_loop3A_245 = tpu.vector_load %arg11[%parallel_loop3A_243, %parallel_loop3A_244] {strides = array<i32>} : memref<32x768xf32, #tpu.memory_space<vmem>>, vector<1x16xf32>,
      %parallel_loop3A_246 = vector.shape_cast %parallel_loop3A_245 : vector<1x16xf32> to vector<16xf32>
      %parallel_loop3A_247 = arith.addf %parallel_loop3A_242, %parallel_loop3A_246 : vector<16xf32>
      %parallel_loop3A_248 = arith.index_cast %parallel_loop3A_56 : i32 to index
      %parallel_loop3A_249 = arith.constant 208 : index
      %parallel_loop3A_250 = tpu.vector_load %arg10[%parallel_loop3A_248, %parallel_loop3A_249] {strides = array<i32>} : memref<32x768xf32, #tpu.memory_space<vmem>>, vector<1x16xf32>,
      %parallel_loop3A_251 = vector.shape_cast %parallel_loop3A_250 : vector<1x16xf32> to vector<16xf32>
      %parallel_loop3A_252 = vector.shape_cast %parallel_loop3A_247 : vector<16xf32> to vector<1x16xf32>
      tpu.vector_store %arg10[%parallel_loop3A_248, %parallel_loop3A_249], %parallel_loop3A_252 {strides = array<i32>} : memref<32x768xf32, #tpu.memory_space<vmem>>, vector<1x16xf32>,
      %parallel_loop3A_253 = arith.index_cast %parallel_loop3A_56 : i32 to index
      %parallel_loop3A_254 = arith.constant 224 : index
      %parallel_loop3A_255 = tpu.vector_load %arg10[%parallel_loop3A_253, %parallel_loop3A_254] {strides = array<i32>} : memref<32x768xf32, #tpu.memory_space<vmem>>, vector<1x16xf32>,
      %parallel_loop3A_256 = vector.shape_cast %parallel_loop3A_255 : vector<1x16xf32> to vector<16xf32>
      %parallel_loop3A_257 = arith.index_cast %parallel_loop3A_56 : i32 to index
      %parallel_loop3A_258 = arith.constant 224 : index
      %parallel_loop3A_259 = tpu.vector_load %arg11[%parallel_loop3A_257, %parallel_loop3A_258] {strides = array<i32>} : memref<32x768xf32, #tpu.memory_space<vmem>>, vector<1x16xf32>,
      %parallel_loop3A_260 = vector.shape_cast %parallel_loop3A_259 : vector<1x16xf32> to vector<16xf32>
      %parallel_loop3A_261 = arith.addf %parallel_loop3A_256, %parallel_loop3A_260 : vector<16xf32>
      %parallel_loop3A_262 = arith.index_cast %parallel_loop3A_56 : i32 to index
      %parallel_loop3A_263 = arith.constant 224 : index
      %parallel_loop3A_264 = tpu.vector_load %arg10[%parallel_loop3A_262, %parallel_loop3A_263] {strides = array<i32>} : memref<32x768xf32, #tpu.memory_space<vmem>>, vector<1x16xf32>,
      %parallel_loop3A_265 = vector.shape_cast %parallel_loop3A_264 : vector<1x16xf32> to vector<16xf32>
      %parallel_loop3A_266 = vector.shape_cast %parallel_loop3A_261 : vector<16xf32> to vector<1x16xf32>
      tpu.vector_store %arg10[%parallel_loop3A_262, %parallel_loop3A_263], %parallel_loop3A_266 {strides = array<i32>} : memref<32x768xf32, #tpu.memory_space<vmem>>, vector<1x16xf32>,
      %parallel_loop3A_267 = arith.index_cast %parallel_loop3A_56 : i32 to index
      %parallel_loop3A_268 = arith.constant 240 : index
      %parallel_loop3A_269 = tpu.vector_load %arg10[%parallel_loop3A_267, %parallel_loop3A_268] {strides = array<i32>} : memref<32x768xf32, #tpu.memory_space<vmem>>, vector<1x16xf32>,
      %parallel_loop3A_270 = vector.shape_cast %parallel_loop3A_269 : vector<1x16xf32> to vector<16xf32>
      %parallel_loop3A_271 = arith.index_cast %parallel_loop3A_56 : i32 to index
      %parallel_loop3A_272 = arith.constant 240 : index
      %parallel_loop3A_273 = tpu.vector_load %arg11[%parallel_loop3A_271, %parallel_loop3A_272] {strides = array<i32>} : memref<32x768xf32, #tpu.memory_space<vmem>>, vector<1x16xf32>,
      %parallel_loop3A_274 = vector.shape_cast %parallel_loop3A_273 : vector<1x16xf32> to vector<16xf32>
      %parallel_loop3A_275 = arith.addf %parallel_loop3A_270, %parallel_loop3A_274 : vector<16xf32>
      %parallel_loop3A_276 = arith.index_cast %parallel_loop3A_56 : i32 to index
      %parallel_loop3A_277 = arith.constant 240 : index
      %parallel_loop3A_278 = tpu.vector_load %arg10[%parallel_loop3A_276, %parallel_loop3A_277] {strides = array<i32>} : memref<32x768xf32, #tpu.memory_space<vmem>>, vector<1x16xf32>,
      %parallel_loop3A_279 = vector.shape_cast %parallel_loop3A_278 : vector<1x16xf32> to vector<16xf32>
      %parallel_loop3A_280 = vector.shape_cast %parallel_loop3A_275 : vector<16xf32> to vector<1x16xf32>
      tpu.vector_store %arg10[%parallel_loop3A_276, %parallel_loop3A_277], %parallel_loop3A_280 {strides = array<i32>} : memref<32x768xf32, #tpu.memory_space<vmem>>, vector<1x16xf32>,
      %parallel_loop3A_281 = arith.index_cast %parallel_loop3A_56 : i32 to index
      %parallel_loop3A_282 = arith.constant 256 : index
      %parallel_loop3A_283 = tpu.vector_load %arg10[%parallel_loop3A_281, %parallel_loop3A_282] {strides = array<i32>} : memref<32x768xf32, #tpu.memory_space<vmem>>, vector<1x16xf32>,
      %parallel_loop3A_284 = vector.shape_cast %parallel_loop3A_283 : vector<1x16xf32> to vector<16xf32>
      %parallel_loop3A_285 = arith.index_cast %parallel_loop3A_56 : i32 to index
      %parallel_loop3A_286 = arith.constant 256 : index
      %parallel_loop3A_287 = tpu.vector_load %arg11[%parallel_loop3A_285, %parallel_loop3A_286] {strides = array<i32>} : memref<32x768xf32, #tpu.memory_space<vmem>>, vector<1x16xf32>,
      %parallel_loop3A_288 = vector.shape_cast %parallel_loop3A_287 : vector<1x16xf32> to vector<16xf32>
      %parallel_loop3A_289 = arith.addf %parallel_loop3A_284, %parallel_loop3A_288 : vector<16xf32>
      %parallel_loop3A_290 = arith.index_cast %parallel_loop3A_56 : i32 to index
      %parallel_loop3A_291 = arith.constant 256 : index
      %parallel_loop3A_292 = tpu.vector_load %arg10[%parallel_loop3A_290, %parallel_loop3A_291] {strides = array<i32>} : memref<32x768xf32, #tpu.memory_space<vmem>>, vector<1x16xf32>,
      %parallel_loop3A_293 = vector.shape_cast %parallel_loop3A_292 : vector<1x16xf32> to vector<16xf32>
      %parallel_loop3A_294 = vector.shape_cast %parallel_loop3A_289 : vector<16xf32> to vector<1x16xf32>
      tpu.vector_store %arg10[%parallel_loop3A_290, %parallel_loop3A_291], %parallel_loop3A_294 {strides = array<i32>} : memref<32x768xf32, #tpu.memory_space<vmem>>, vector<1x16xf32>,
      %parallel_loop3A_295 = arith.index_cast %parallel_loop3A_56 : i32 to index
      %parallel_loop3A_296 = arith.constant 272 : index
      %parallel_loop3A_297 = tpu.vector_load %arg10[%parallel_loop3A_295, %parallel_loop3A_296] {strides = array<i32>} : memref<32x768xf32, #tpu.memory_space<vmem>>, vector<1x16xf32>,
      %parallel_loop3A_298 = vector.shape_cast %parallel_loop3A_297 : vector<1x16xf32> to vector<16xf32>
      %parallel_loop3A_299 = arith.index_cast %parallel_loop3A_56 : i32 to index
      %parallel_loop3A_300 = arith.constant 272 : index
      %parallel_loop3A_301 = tpu.vector_load %arg11[%parallel_loop3A_299, %parallel_loop3A_300] {strides = array<i32>} : memref<32x768xf32, #tpu.memory_space<vmem>>, vector<1x16xf32>,
      %parallel_loop3A_302 = vector.shape_cast %parallel_loop3A_301 : vector<1x16xf32> to vector<16xf32>
      %parallel_loop3A_303 = arith.addf %parallel_loop3A_298, %parallel_loop3A_302 : vector<16xf32>
      %parallel_loop3A_304 = arith.index_cast %parallel_loop3A_56 : i32 to index
      %parallel_loop3A_305 = arith.constant 272 : index
      %parallel_loop3A_306 = tpu.vector_load %arg10[%parallel_loop3A_304, %parallel_loop3A_305] {strides = array<i32>} : memref<32x768xf32, #tpu.memory_space<vmem>>, vector<1x16xf32>,
      %parallel_loop3A_307 = vector.shape_cast %parallel_loop3A_306 : vector<1x16xf32> to vector<16xf32>
      %parallel_loop3A_308 = vector.shape_cast %parallel_loop3A_303 : vector<16xf32> to vector<1x16xf32>
      tpu.vector_store %arg10[%parallel_loop3A_304, %parallel_loop3A_305], %parallel_loop3A_308 {strides = array<i32>} : memref<32x768xf32, #tpu.memory_space<vmem>>, vector<1x16xf32>,
      %parallel_loop3A_309 = arith.index_cast %parallel_loop3A_56 : i32 to index
      %parallel_loop3A_310 = arith.constant 288 : index
      %parallel_loop3A_311 = tpu.vector_load %arg10[%parallel_loop3A_309, %parallel_loop3A_310] {strides = array<i32>} : memref<32x768xf32, #tpu.memory_space<vmem>>, vector<1x16xf32>,
      %parallel_loop3A_312 = vector.shape_cast %parallel_loop3A_311 : vector<1x16xf32> to vector<16xf32>
      %parallel_loop3A_313 = arith.index_cast %parallel_loop3A_56 : i32 to index
      %parallel_loop3A_314 = arith.constant 288 : index
      %parallel_loop3A_315 = tpu.vector_load %arg11[%parallel_loop3A_313, %parallel_loop3A_314] {strides = array<i32>} : memref<32x768xf32, #tpu.memory_space<vmem>>, vector<1x16xf32>,
      %parallel_loop3A_316 = vector.shape_cast %parallel_loop3A_315 : vector<1x16xf32> to vector<16xf32>
      %parallel_loop3A_317 = arith.addf %parallel_loop3A_312, %parallel_loop3A_316 : vector<16xf32>
      %parallel_loop3A_318 = arith.index_cast %parallel_loop3A_56 : i32 to index
      %parallel_loop3A_319 = arith.constant 288 : index
      %parallel_loop3A_320 = tpu.vector_load %arg10[%parallel_loop3A_318, %parallel_loop3A_319] {strides = array<i32>} : memref<32x768xf32, #tpu.memory_space<vmem>>, vector<1x16xf32>,
      %parallel_loop3A_321 = vector.shape_cast %parallel_loop3A_320 : vector<1x16xf32> to vector<16xf32>
      %parallel_loop3A_322 = vector.shape_cast %parallel_loop3A_317 : vector<16xf32> to vector<1x16xf32>
      tpu.vector_store %arg10[%parallel_loop3A_318, %parallel_loop3A_319], %parallel_loop3A_322 {strides = array<i32>} : memref<32x768xf32, #tpu.memory_space<vmem>>, vector<1x16xf32>,
      %parallel_loop3A_323 = arith.index_cast %parallel_loop3A_56 : i32 to index
      %parallel_loop3A_324 = arith.constant 304 : index
      %parallel_loop3A_325 = tpu.vector_load %arg10[%parallel_loop3A_323, %parallel_loop3A_324] {strides = array<i32>} : memref<32x768xf32, #tpu.memory_space<vmem>>, vector<1x16xf32>,
      %parallel_loop3A_326 = vector.shape_cast %parallel_loop3A_325 : vector<1x16xf32> to vector<16xf32>
      %parallel_loop3A_327 = arith.index_cast %parallel_loop3A_56 : i32 to index
      %parallel_loop3A_328 = arith.constant 304 : index
      %parallel_loop3A_329 = tpu.vector_load %arg11[%parallel_loop3A_327, %parallel_loop3A_328] {strides = array<i32>} : memref<32x768xf32, #tpu.memory_space<vmem>>, vector<1x16xf32>,
      %parallel_loop3A_330 = vector.shape_cast %parallel_loop3A_329 : vector<1x16xf32> to vector<16xf32>
      %parallel_loop3A_331 = arith.addf %parallel_loop3A_326, %parallel_loop3A_330 : vector<16xf32>
      %parallel_loop3A_332 = arith.index_cast %parallel_loop3A_56 : i32 to index
      %parallel_loop3A_333 = arith.constant 304 : index
      %parallel_loop3A_334 = tpu.vector_load %arg10[%parallel_loop3A_332, %parallel_loop3A_333] {strides = array<i32>} : memref<32x768xf32, #tpu.memory_space<vmem>>, vector<1x16xf32>,
      %parallel_loop3A_335 = vector.shape_cast %parallel_loop3A_334 : vector<1x16xf32> to vector<16xf32>
      %parallel_loop3A_336 = vector.shape_cast %parallel_loop3A_331 : vector<16xf32> to vector<1x16xf32>
      tpu.vector_store %arg10[%parallel_loop3A_332, %parallel_loop3A_333], %parallel_loop3A_336 {strides = array<i32>} : memref<32x768xf32, #tpu.memory_space<vmem>>, vector<1x16xf32>,
      %parallel_loop3A_337 = arith.index_cast %parallel_loop3A_56 : i32 to index
      %parallel_loop3A_338 = arith.constant 320 : index
      %parallel_loop3A_339 = tpu.vector_load %arg10[%parallel_loop3A_337, %parallel_loop3A_338] {strides = array<i32>} : memref<32x768xf32, #tpu.memory_space<vmem>>, vector<1x16xf32>,
      %parallel_loop3A_340 = vector.shape_cast %parallel_loop3A_339 : vector<1x16xf32> to vector<16xf32>
      %parallel_loop3A_341 = arith.index_cast %parallel_loop3A_56 : i32 to index
      %parallel_loop3A_342 = arith.constant 320 : index
      %parallel_loop3A_343 = tpu.vector_load %arg11[%parallel_loop3A_341, %parallel_loop3A_342] {strides = array<i32>} : memref<32x768xf32, #tpu.memory_space<vmem>>, vector<1x16xf32>,
      %parallel_loop3A_344 = vector.shape_cast %parallel_loop3A_343 : vector<1x16xf32> to vector<16xf32>
      %parallel_loop3A_345 = arith.addf %parallel_loop3A_340, %parallel_loop3A_344 : vector<16xf32>
      %parallel_loop3A_346 = arith.index_cast %parallel_loop3A_56 : i32 to index
      %parallel_loop3A_347 = arith.constant 320 : index
      %parallel_loop3A_348 = tpu.vector_load %arg10[%parallel_loop3A_346, %parallel_loop3A_347] {strides = array<i32>} : memref<32x768xf32, #tpu.memory_space<vmem>>, vector<1x16xf32>,
      %parallel_loop3A_349 = vector.shape_cast %parallel_loop3A_348 : vector<1x16xf32> to vector<16xf32>
      %parallel_loop3A_350 = vector.shape_cast %parallel_loop3A_345 : vector<16xf32> to vector<1x16xf32>
      tpu.vector_store %arg10[%parallel_loop3A_346, %parallel_loop3A_347], %parallel_loop3A_350 {strides = array<i32>} : memref<32x768xf32, #tpu.memory_space<vmem>>, vector<1x16xf32>,
      %parallel_loop3A_351 = arith.index_cast %parallel_loop3A_56 : i32 to index
      %parallel_loop3A_352 = arith.constant 336 : index
      %parallel_loop3A_353 = tpu.vector_load %arg10[%parallel_loop3A_351, %parallel_loop3A_352] {strides = array<i32>} : memref<32x768xf32, #tpu.memory_space<vmem>>, vector<1x16xf32>,
      %parallel_loop3A_354 = vector.shape_cast %parallel_loop3A_353 : vector<1x16xf32> to vector<16xf32>
      %parallel_loop3A_355 = arith.index_cast %parallel_loop3A_56 : i32 to index
      %parallel_loop3A_356 = arith.constant 336 : index
      %parallel_loop3A_357 = tpu.vector_load %arg11[%parallel_loop3A_355, %parallel_loop3A_356] {strides = array<i32>} : memref<32x768xf32, #tpu.memory_space<vmem>>, vector<1x16xf32>,
      %parallel_loop3A_358 = vector.shape_cast %parallel_loop3A_357 : vector<1x16xf32> to vector<16xf32>
      %parallel_loop3A_359 = arith.addf %parallel_loop3A_354, %parallel_loop3A_358 : vector<16xf32>
      %parallel_loop3A_360 = arith.index_cast %parallel_loop3A_56 : i32 to index
      %parallel_loop3A_361 = arith.constant 336 : index
      %parallel_loop3A_362 = tpu.vector_load %arg10[%parallel_loop3A_360, %parallel_loop3A_361] {strides = array<i32>} : memref<32x768xf32, #tpu.memory_space<vmem>>, vector<1x16xf32>,
      %parallel_loop3A_363 = vector.shape_cast %parallel_loop3A_362 : vector<1x16xf32> to vector<16xf32>
      %parallel_loop3A_364 = vector.shape_cast %parallel_loop3A_359 : vector<16xf32> to vector<1x16xf32>
      tpu.vector_store %arg10[%parallel_loop3A_360, %parallel_loop3A_361], %parallel_loop3A_364 {strides = array<i32>} : memref<32x768xf32, #tpu.memory_space<vmem>>, vector<1x16xf32>,
      %parallel_loop3A_365 = arith.index_cast %parallel_loop3A_56 : i32 to index
      %parallel_loop3A_366 = arith.constant 352 : index
      %parallel_loop3A_367 = tpu.vector_load %arg10[%parallel_loop3A_365, %parallel_loop3A_366] {strides = array<i32>} : memref<32x768xf32, #tpu.memory_space<vmem>>, vector<1x16xf32>,
      %parallel_loop3A_368 = vector.shape_cast %parallel_loop3A_367 : vector<1x16xf32> to vector<16xf32>
      %parallel_loop3A_369 = arith.index_cast %parallel_loop3A_56 : i32 to index
      %parallel_loop3A_370 = arith.constant 352 : index
      %parallel_loop3A_371 = tpu.vector_load %arg11[%parallel_loop3A_369, %parallel_loop3A_370] {strides = array<i32>} : memref<32x768xf32, #tpu.memory_space<vmem>>, vector<1x16xf32>,
      %parallel_loop3A_372 = vector.shape_cast %parallel_loop3A_371 : vector<1x16xf32> to vector<16xf32>
      %parallel_loop3A_373 = arith.addf %parallel_loop3A_368, %parallel_loop3A_372 : vector<16xf32>
      %parallel_loop3A_374 = arith.index_cast %parallel_loop3A_56 : i32 to index
      %parallel_loop3A_375 = arith.constant 352 : index
      %parallel_loop3A_376 = tpu.vector_load %arg10[%parallel_loop3A_374, %parallel_loop3A_375] {strides = array<i32>} : memref<32x768xf32, #tpu.memory_space<vmem>>, vector<1x16xf32>,
      %parallel_loop3A_377 = vector.shape_cast %parallel_loop3A_376 : vector<1x16xf32> to vector<16xf32>
      %parallel_loop3A_378 = vector.shape_cast %parallel_loop3A_373 : vector<16xf32> to vector<1x16xf32>
      tpu.vector_store %arg10[%parallel_loop3A_374, %parallel_loop3A_375], %parallel_loop3A_378 {strides = array<i32>} : memref<32x768xf32, #tpu.memory_space<vmem>>, vector<1x16xf32>,
      %parallel_loop3A_379 = arith.index_cast %parallel_loop3A_56 : i32 to index
      %parallel_loop3A_380 = arith.constant 368 : index
      %parallel_loop3A_381 = tpu.vector_load %arg10[%parallel_loop3A_379, %parallel_loop3A_380] {strides = array<i32>} : memref<32x768xf32, #tpu.memory_space<vmem>>, vector<1x16xf32>,
      %parallel_loop3A_382 = vector.shape_cast %parallel_loop3A_381 : vector<1x16xf32> to vector<16xf32>
      %parallel_loop3A_383 = arith.index_cast %parallel_loop3A_56 : i32 to index
      %parallel_loop3A_384 = arith.constant 368 : index
      %parallel_loop3A_385 = tpu.vector_load %arg11[%parallel_loop3A_383, %parallel_loop3A_384] {strides = array<i32>} : memref<32x768xf32, #tpu.memory_space<vmem>>, vector<1x16xf32>,
      %parallel_loop3A_386 = vector.shape_cast %parallel_loop3A_385 : vector<1x16xf32> to vector<16xf32>
      %parallel_loop3A_387 = arith.addf %parallel_loop3A_382, %parallel_loop3A_386 : vector<16xf32>
      %parallel_loop3A_388 = arith.index_cast %parallel_loop3A_56 : i32 to index
      %parallel_loop3A_389 = arith.constant 368 : index
      %parallel_loop3A_390 = tpu.vector_load %arg10[%parallel_loop3A_388, %parallel_loop3A_389] {strides = array<i32>} : memref<32x768xf32, #tpu.memory_space<vmem>>, vector<1x16xf32>,
      %parallel_loop3A_391 = vector.shape_cast %parallel_loop3A_390 : vector<1x16xf32> to vector<16xf32>
      %parallel_loop3A_392 = vector.shape_cast %parallel_loop3A_387 : vector<16xf32> to vector<1x16xf32>
      tpu.vector_store %arg10[%parallel_loop3A_388, %parallel_loop3A_389], %parallel_loop3A_392 {strides = array<i32>} : memref<32x768xf32, #tpu.memory_space<vmem>>, vector<1x16xf32>,
      %parallel_loop3A_393 = arith.index_cast %parallel_loop3A_56 : i32 to index
      %parallel_loop3A_394 = arith.constant 384 : index
      %parallel_loop3A_395 = tpu.vector_load %arg10[%parallel_loop3A_393, %parallel_loop3A_394] {strides = array<i32>} : memref<32x768xf32, #tpu.memory_space<vmem>>, vector<1x16xf32>,
      %parallel_loop3A_396 = vector.shape_cast %parallel_loop3A_395 : vector<1x16xf32> to vector<16xf32>
      %parallel_loop3A_397 = arith.index_cast %parallel_loop3A_56 : i32 to index
      %parallel_loop3A_398 = arith.constant 384 : index
      %parallel_loop3A_399 = tpu.vector_load %arg11[%parallel_loop3A_397, %parallel_loop3A_398] {strides = array<i32>} : memref<32x768xf32, #tpu.memory_space<vmem>>, vector<1x16xf32>,
      %parallel_loop3A_400 = vector.shape_cast %parallel_loop3A_399 : vector<1x16xf32> to vector<16xf32>
      %parallel_loop3A_401 = arith.addf %parallel_loop3A_396, %parallel_loop3A_400 : vector<16xf32>
      %parallel_loop3A_402 = arith.index_cast %parallel_loop3A_56 : i32 to index
      %parallel_loop3A_403 = arith.constant 384 : index
      %parallel_loop3A_404 = tpu.vector_load %arg10[%parallel_loop3A_402, %parallel_loop3A_403] {strides = array<i32>} : memref<32x768xf32, #tpu.memory_space<vmem>>, vector<1x16xf32>,
      %parallel_loop3A_405 = vector.shape_cast %parallel_loop3A_404 : vector<1x16xf32> to vector<16xf32>
      %parallel_loop3A_406 = vector.shape_cast %parallel_loop3A_401 : vector<16xf32> to vector<1x16xf32>
      tpu.vector_store %arg10[%parallel_loop3A_402, %parallel_loop3A_403], %parallel_loop3A_406 {strides = array<i32>} : memref<32x768xf32, #tpu.memory_space<vmem>>, vector<1x16xf32>,
      %parallel_loop3A_407 = arith.index_cast %parallel_loop3A_56 : i32 to index
      %parallel_loop3A_408 = arith.constant 400 : index
      %parallel_loop3A_409 = tpu.vector_load %arg10[%parallel_loop3A_407, %parallel_loop3A_408] {strides = array<i32>} : memref<32x768xf32, #tpu.memory_space<vmem>>, vector<1x16xf32>,
      %parallel_loop3A_410 = vector.shape_cast %parallel_loop3A_409 : vector<1x16xf32> to vector<16xf32>
      %parallel_loop3A_411 = arith.index_cast %parallel_loop3A_56 : i32 to index
      %parallel_loop3A_412 = arith.constant 400 : index
      %parallel_loop3A_413 = tpu.vector_load %arg11[%parallel_loop3A_411, %parallel_loop3A_412] {strides = array<i32>} : memref<32x768xf32, #tpu.memory_space<vmem>>, vector<1x16xf32>,
      %parallel_loop3A_414 = vector.shape_cast %parallel_loop3A_413 : vector<1x16xf32> to vector<16xf32>
      %parallel_loop3A_415 = arith.addf %parallel_loop3A_410, %parallel_loop3A_414 : vector<16xf32>
      %parallel_loop3A_416 = arith.index_cast %parallel_loop3A_56 : i32 to index
      %parallel_loop3A_417 = arith.constant 400 : index
      %parallel_loop3A_418 = tpu.vector_load %arg10[%parallel_loop3A_416, %parallel_loop3A_417] {strides = array<i32>} : memref<32x768xf32, #tpu.memory_space<vmem>>, vector<1x16xf32>,
      %parallel_loop3A_419 = vector.shape_cast %parallel_loop3A_418 : vector<1x16xf32> to vector<16xf32>
      %parallel_loop3A_420 = vector.shape_cast %parallel_loop3A_415 : vector<16xf32> to vector<1x16xf32>
      tpu.vector_store %arg10[%parallel_loop3A_416, %parallel_loop3A_417], %parallel_loop3A_420 {strides = array<i32>} : memref<32x768xf32, #tpu.memory_space<vmem>>, vector<1x16xf32>,
      %parallel_loop3A_421 = arith.index_cast %parallel_loop3A_56 : i32 to index
      %parallel_loop3A_422 = arith.constant 416 : index
      %parallel_loop3A_423 = tpu.vector_load %arg10[%parallel_loop3A_421, %parallel_loop3A_422] {strides = array<i32>} : memref<32x768xf32, #tpu.memory_space<vmem>>, vector<1x16xf32>,
      %parallel_loop3A_424 = vector.shape_cast %parallel_loop3A_423 : vector<1x16xf32> to vector<16xf32>
      %parallel_loop3A_425 = arith.index_cast %parallel_loop3A_56 : i32 to index
      %parallel_loop3A_426 = arith.constant 416 : index
      %parallel_loop3A_427 = tpu.vector_load %arg11[%parallel_loop3A_425, %parallel_loop3A_426] {strides = array<i32>} : memref<32x768xf32, #tpu.memory_space<vmem>>, vector<1x16xf32>,
      %parallel_loop3A_428 = vector.shape_cast %parallel_loop3A_427 : vector<1x16xf32> to vector<16xf32>
      %parallel_loop3A_429 = arith.addf %parallel_loop3A_424, %parallel_loop3A_428 : vector<16xf32>
      %parallel_loop3A_430 = arith.index_cast %parallel_loop3A_56 : i32 to index
      %parallel_loop3A_431 = arith.constant 416 : index
      %parallel_loop3A_432 = tpu.vector_load %arg10[%parallel_loop3A_430, %parallel_loop3A_431] {strides = array<i32>} : memref<32x768xf32, #tpu.memory_space<vmem>>, vector<1x16xf32>,
      %parallel_loop3A_433 = vector.shape_cast %parallel_loop3A_432 : vector<1x16xf32> to vector<16xf32>
      %parallel_loop3A_434 = vector.shape_cast %parallel_loop3A_429 : vector<16xf32> to vector<1x16xf32>
      tpu.vector_store %arg10[%parallel_loop3A_430, %parallel_loop3A_431], %parallel_loop3A_434 {strides = array<i32>} : memref<32x768xf32, #tpu.memory_space<vmem>>, vector<1x16xf32>,
      %parallel_loop3A_435 = arith.index_cast %parallel_loop3A_56 : i32 to index
      %parallel_loop3A_436 = arith.constant 432 : index
      %parallel_loop3A_437 = tpu.vector_load %arg10[%parallel_loop3A_435, %parallel_loop3A_436] {strides = array<i32>} : memref<32x768xf32, #tpu.memory_space<vmem>>, vector<1x16xf32>,
      %parallel_loop3A_438 = vector.shape_cast %parallel_loop3A_437 : vector<1x16xf32> to vector<16xf32>
      %parallel_loop3A_439 = arith.index_cast %parallel_loop3A_56 : i32 to index
      %parallel_loop3A_440 = arith.constant 432 : index
      %parallel_loop3A_441 = tpu.vector_load %arg11[%parallel_loop3A_439, %parallel_loop3A_440] {strides = array<i32>} : memref<32x768xf32, #tpu.memory_space<vmem>>, vector<1x16xf32>,
      %parallel_loop3A_442 = vector.shape_cast %parallel_loop3A_441 : vector<1x16xf32> to vector<16xf32>
      %parallel_loop3A_443 = arith.addf %parallel_loop3A_438, %parallel_loop3A_442 : vector<16xf32>
      %parallel_loop3A_444 = arith.index_cast %parallel_loop3A_56 : i32 to index
      %parallel_loop3A_445 = arith.constant 432 : index
      %parallel_loop3A_446 = tpu.vector_load %arg10[%parallel_loop3A_444, %parallel_loop3A_445] {strides = array<i32>} : memref<32x768xf32, #tpu.memory_space<vmem>>, vector<1x16xf32>,
      %parallel_loop3A_447 = vector.shape_cast %parallel_loop3A_446 : vector<1x16xf32> to vector<16xf32>
      %parallel_loop3A_448 = vector.shape_cast %parallel_loop3A_443 : vector<16xf32> to vector<1x16xf32>
      tpu.vector_store %arg10[%parallel_loop3A_444, %parallel_loop3A_445], %parallel_loop3A_448 {strides = array<i32>} : memref<32x768xf32, #tpu.memory_space<vmem>>, vector<1x16xf32>,
      %parallel_loop3A_449 = arith.index_cast %parallel_loop3A_56 : i32 to index
      %parallel_loop3A_450 = arith.constant 448 : index
      %parallel_loop3A_451 = tpu.vector_load %arg10[%parallel_loop3A_449, %parallel_loop3A_450] {strides = array<i32>} : memref<32x768xf32, #tpu.memory_space<vmem>>, vector<1x16xf32>,
      %parallel_loop3A_452 = vector.shape_cast %parallel_loop3A_451 : vector<1x16xf32> to vector<16xf32>
      %parallel_loop3A_453 = arith.index_cast %parallel_loop3A_56 : i32 to index
      %parallel_loop3A_454 = arith.constant 448 : index
      %parallel_loop3A_455 = tpu.vector_load %arg11[%parallel_loop3A_453, %parallel_loop3A_454] {strides = array<i32>} : memref<32x768xf32, #tpu.memory_space<vmem>>, vector<1x16xf32>,
      %parallel_loop3A_456 = vector.shape_cast %parallel_loop3A_455 : vector<1x16xf32> to vector<16xf32>
      %parallel_loop3A_457 = arith.addf %parallel_loop3A_452, %parallel_loop3A_456 : vector<16xf32>
      %parallel_loop3A_458 = arith.index_cast %parallel_loop3A_56 : i32 to index
      %parallel_loop3A_459 = arith.constant 448 : index
      %parallel_loop3A_460 = tpu.vector_load %arg10[%parallel_loop3A_458, %parallel_loop3A_459] {strides = array<i32>} : memref<32x768xf32, #tpu.memory_space<vmem>>, vector<1x16xf32>,
      %parallel_loop3A_461 = vector.shape_cast %parallel_loop3A_460 : vector<1x16xf32> to vector<16xf32>
      %parallel_loop3A_462 = vector.shape_cast %parallel_loop3A_457 : vector<16xf32> to vector<1x16xf32>
      tpu.vector_store %arg10[%parallel_loop3A_458, %parallel_loop3A_459], %parallel_loop3A_462 {strides = array<i32>} : memref<32x768xf32, #tpu.memory_space<vmem>>, vector<1x16xf32>,
      %parallel_loop3A_463 = arith.index_cast %parallel_loop3A_56 : i32 to index
      %parallel_loop3A_464 = arith.constant 464 : index
      %parallel_loop3A_465 = tpu.vector_load %arg10[%parallel_loop3A_463, %parallel_loop3A_464] {strides = array<i32>} : memref<32x768xf32, #tpu.memory_space<vmem>>, vector<1x16xf32>,
      %parallel_loop3A_466 = vector.shape_cast %parallel_loop3A_465 : vector<1x16xf32> to vector<16xf32>
      %parallel_loop3A_467 = arith.index_cast %parallel_loop3A_56 : i32 to index
      %parallel_loop3A_468 = arith.constant 464 : index
      %parallel_loop3A_469 = tpu.vector_load %arg11[%parallel_loop3A_467, %parallel_loop3A_468] {strides = array<i32>} : memref<32x768xf32, #tpu.memory_space<vmem>>, vector<1x16xf32>,
      %parallel_loop3A_470 = vector.shape_cast %parallel_loop3A_469 : vector<1x16xf32> to vector<16xf32>
      %parallel_loop3A_471 = arith.addf %parallel_loop3A_466, %parallel_loop3A_470 : vector<16xf32>
      %parallel_loop3A_472 = arith.index_cast %parallel_loop3A_56 : i32 to index
      %parallel_loop3A_473 = arith.constant 464 : index
      %parallel_loop3A_474 = tpu.vector_load %arg10[%parallel_loop3A_472, %parallel_loop3A_473] {strides = array<i32>} : memref<32x768xf32, #tpu.memory_space<vmem>>, vector<1x16xf32>,
      %parallel_loop3A_475 = vector.shape_cast %parallel_loop3A_474 : vector<1x16xf32> to vector<16xf32>
      %parallel_loop3A_476 = vector.shape_cast %parallel_loop3A_471 : vector<16xf32> to vector<1x16xf32>
      tpu.vector_store %arg10[%parallel_loop3A_472, %parallel_loop3A_473], %parallel_loop3A_476 {strides = array<i32>} : memref<32x768xf32, #tpu.memory_space<vmem>>, vector<1x16xf32>,
      %parallel_loop3A_477 = arith.index_cast %parallel_loop3A_56 : i32 to index
      %parallel_loop3A_478 = arith.constant 480 : index
      %parallel_loop3A_479 = tpu.vector_load %arg10[%parallel_loop3A_477, %parallel_loop3A_478] {strides = array<i32>} : memref<32x768xf32, #tpu.memory_space<vmem>>, vector<1x16xf32>,
      %parallel_loop3A_480 = vector.shape_cast %parallel_loop3A_479 : vector<1x16xf32> to vector<16xf32>
      %parallel_loop3A_481 = arith.index_cast %parallel_loop3A_56 : i32 to index
      %parallel_loop3A_482 = arith.constant 480 : index
      %parallel_loop3A_483 = tpu.vector_load %arg11[%parallel_loop3A_481, %parallel_loop3A_482] {strides = array<i32>} : memref<32x768xf32, #tpu.memory_space<vmem>>, vector<1x16xf32>,
      %parallel_loop3A_484 = vector.shape_cast %parallel_loop3A_483 : vector<1x16xf32> to vector<16xf32>
      %parallel_loop3A_485 = arith.addf %parallel_loop3A_480, %parallel_loop3A_484 : vector<16xf32>
      %parallel_loop3A_486 = arith.index_cast %parallel_loop3A_56 : i32 to index
      %parallel_loop3A_487 = arith.constant 480 : index
      %parallel_loop3A_488 = tpu.vector_load %arg10[%parallel_loop3A_486, %parallel_loop3A_487] {strides = array<i32>} : memref<32x768xf32, #tpu.memory_space<vmem>>, vector<1x16xf32>,
      %parallel_loop3A_489 = vector.shape_cast %parallel_loop3A_488 : vector<1x16xf32> to vector<16xf32>
      %parallel_loop3A_490 = vector.shape_cast %parallel_loop3A_485 : vector<16xf32> to vector<1x16xf32>
      tpu.vector_store %arg10[%parallel_loop3A_486, %parallel_loop3A_487], %parallel_loop3A_490 {strides = array<i32>} : memref<32x768xf32, #tpu.memory_space<vmem>>, vector<1x16xf32>,
      %parallel_loop3A_491 = arith.index_cast %parallel_loop3A_56 : i32 to index
      %parallel_loop3A_492 = arith.constant 496 : index
      %parallel_loop3A_493 = tpu.vector_load %arg10[%parallel_loop3A_491, %parallel_loop3A_492] {strides = array<i32>} : memref<32x768xf32, #tpu.memory_space<vmem>>, vector<1x16xf32>,
      %parallel_loop3A_494 = vector.shape_cast %parallel_loop3A_493 : vector<1x16xf32> to vector<16xf32>
      %parallel_loop3A_495 = arith.index_cast %parallel_loop3A_56 : i32 to index
      %parallel_loop3A_496 = arith.constant 496 : index
      %parallel_loop3A_497 = tpu.vector_load %arg11[%parallel_loop3A_495, %parallel_loop3A_496] {strides = array<i32>} : memref<32x768xf32, #tpu.memory_space<vmem>>, vector<1x16xf32>,
      %parallel_loop3A_498 = vector.shape_cast %parallel_loop3A_497 : vector<1x16xf32> to vector<16xf32>
      %parallel_loop3A_499 = arith.addf %parallel_loop3A_494, %parallel_loop3A_498 : vector<16xf32>
      %parallel_loop3A_500 = arith.index_cast %parallel_loop3A_56 : i32 to index
      %parallel_loop3A_501 = arith.constant 496 : index
      %parallel_loop3A_502 = tpu.vector_load %arg10[%parallel_loop3A_500, %parallel_loop3A_501] {strides = array<i32>} : memref<32x768xf32, #tpu.memory_space<vmem>>, vector<1x16xf32>,
      %parallel_loop3A_503 = vector.shape_cast %parallel_loop3A_502 : vector<1x16xf32> to vector<16xf32>
      %parallel_loop3A_504 = vector.shape_cast %parallel_loop3A_499 : vector<16xf32> to vector<1x16xf32>
      tpu.vector_store %arg10[%parallel_loop3A_500, %parallel_loop3A_501], %parallel_loop3A_504 {strides = array<i32>} : memref<32x768xf32, #tpu.memory_space<vmem>>, vector<1x16xf32>,
      %parallel_loop3A_505 = arith.index_cast %parallel_loop3A_56 : i32 to index
      %parallel_loop3A_506 = arith.constant 512 : index
      %parallel_loop3A_507 = tpu.vector_load %arg10[%parallel_loop3A_505, %parallel_loop3A_506] {strides = array<i32>} : memref<32x768xf32, #tpu.memory_space<vmem>>, vector<1x16xf32>,
      %parallel_loop3A_508 = vector.shape_cast %parallel_loop3A_507 : vector<1x16xf32> to vector<16xf32>
      %parallel_loop3A_509 = arith.index_cast %parallel_loop3A_56 : i32 to index
      %parallel_loop3A_510 = arith.constant 512 : index
      %parallel_loop3A_511 = tpu.vector_load %arg11[%parallel_loop3A_509, %parallel_loop3A_510] {strides = array<i32>} : memref<32x768xf32, #tpu.memory_space<vmem>>, vector<1x16xf32>,
      %parallel_loop3A_512 = vector.shape_cast %parallel_loop3A_511 : vector<1x16xf32> to vector<16xf32>
      %parallel_loop3A_513 = arith.addf %parallel_loop3A_508, %parallel_loop3A_512 : vector<16xf32>
      %parallel_loop3A_514 = arith.index_cast %parallel_loop3A_56 : i32 to index
      %parallel_loop3A_515 = arith.constant 512 : index
      %parallel_loop3A_516 = tpu.vector_load %arg10[%parallel_loop3A_514, %parallel_loop3A_515] {strides = array<i32>} : memref<32x768xf32, #tpu.memory_space<vmem>>, vector<1x16xf32>,
      %parallel_loop3A_517 = vector.shape_cast %parallel_loop3A_516 : vector<1x16xf32> to vector<16xf32>
      %parallel_loop3A_518 = vector.shape_cast %parallel_loop3A_513 : vector<16xf32> to vector<1x16xf32>
      tpu.vector_store %arg10[%parallel_loop3A_514, %parallel_loop3A_515], %parallel_loop3A_518 {strides = array<i32>} : memref<32x768xf32, #tpu.memory_space<vmem>>, vector<1x16xf32>,
      %parallel_loop3A_519 = arith.index_cast %parallel_loop3A_56 : i32 to index
      %parallel_loop3A_520 = arith.constant 528 : index
      %parallel_loop3A_521 = tpu.vector_load %arg10[%parallel_loop3A_519, %parallel_loop3A_520] {strides = array<i32>} : memref<32x768xf32, #tpu.memory_space<vmem>>, vector<1x16xf32>,
      %parallel_loop3A_522 = vector.shape_cast %parallel_loop3A_521 : vector<1x16xf32> to vector<16xf32>
      %parallel_loop3A_523 = arith.index_cast %parallel_loop3A_56 : i32 to index
      %parallel_loop3A_524 = arith.constant 528 : index
      %parallel_loop3A_525 = tpu.vector_load %arg11[%parallel_loop3A_523, %parallel_loop3A_524] {strides = array<i32>} : memref<32x768xf32, #tpu.memory_space<vmem>>, vector<1x16xf32>,
      %parallel_loop3A_526 = vector.shape_cast %parallel_loop3A_525 : vector<1x16xf32> to vector<16xf32>
      %parallel_loop3A_527 = arith.addf %parallel_loop3A_522, %parallel_loop3A_526 : vector<16xf32>
      %parallel_loop3A_528 = arith.index_cast %parallel_loop3A_56 : i32 to index
      %parallel_loop3A_529 = arith.constant 528 : index
      %parallel_loop3A_530 = tpu.vector_load %arg10[%parallel_loop3A_528, %parallel_loop3A_529] {strides = array<i32>} : memref<32x768xf32, #tpu.memory_space<vmem>>, vector<1x16xf32>,
      %parallel_loop3A_531 = vector.shape_cast %parallel_loop3A_530 : vector<1x16xf32> to vector<16xf32>
      %parallel_loop3A_532 = vector.shape_cast %parallel_loop3A_527 : vector<16xf32> to vector<1x16xf32>
      tpu.vector_store %arg10[%parallel_loop3A_528, %parallel_loop3A_529], %parallel_loop3A_532 {strides = array<i32>} : memref<32x768xf32, #tpu.memory_space<vmem>>, vector<1x16xf32>,
      %parallel_loop3A_533 = arith.index_cast %parallel_loop3A_56 : i32 to index
      %parallel_loop3A_534 = arith.constant 544 : index
      %parallel_loop3A_535 = tpu.vector_load %arg10[%parallel_loop3A_533, %parallel_loop3A_534] {strides = array<i32>} : memref<32x768xf32, #tpu.memory_space<vmem>>, vector<1x16xf32>,
      %parallel_loop3A_536 = vector.shape_cast %parallel_loop3A_535 : vector<1x16xf32> to vector<16xf32>
      %parallel_loop3A_537 = arith.index_cast %parallel_loop3A_56 : i32 to index
      %parallel_loop3A_538 = arith.constant 544 : index
      %parallel_loop3A_539 = tpu.vector_load %arg11[%parallel_loop3A_537, %parallel_loop3A_538] {strides = array<i32>} : memref<32x768xf32, #tpu.memory_space<vmem>>, vector<1x16xf32>,
      %parallel_loop3A_540 = vector.shape_cast %parallel_loop3A_539 : vector<1x16xf32> to vector<16xf32>
      %parallel_loop3A_541 = arith.addf %parallel_loop3A_536, %parallel_loop3A_540 : vector<16xf32>
      %parallel_loop3A_542 = arith.index_cast %parallel_loop3A_56 : i32 to index
      %parallel_loop3A_543 = arith.constant 544 : index
      %parallel_loop3A_544 = tpu.vector_load %arg10[%parallel_loop3A_542, %parallel_loop3A_543] {strides = array<i32>} : memref<32x768xf32, #tpu.memory_space<vmem>>, vector<1x16xf32>,
      %parallel_loop3A_545 = vector.shape_cast %parallel_loop3A_544 : vector<1x16xf32> to vector<16xf32>
      %parallel_loop3A_546 = vector.shape_cast %parallel_loop3A_541 : vector<16xf32> to vector<1x16xf32>
      tpu.vector_store %arg10[%parallel_loop3A_542, %parallel_loop3A_543], %parallel_loop3A_546 {strides = array<i32>} : memref<32x768xf32, #tpu.memory_space<vmem>>, vector<1x16xf32>,
      %parallel_loop3A_547 = arith.index_cast %parallel_loop3A_56 : i32 to index
      %parallel_loop3A_548 = arith.constant 560 : index
      %parallel_loop3A_549 = tpu.vector_load %arg10[%parallel_loop3A_547, %parallel_loop3A_548] {strides = array<i32>} : memref<32x768xf32, #tpu.memory_space<vmem>>, vector<1x16xf32>,
      %parallel_loop3A_550 = vector.shape_cast %parallel_loop3A_549 : vector<1x16xf32> to vector<16xf32>
      %parallel_loop3A_551 = arith.index_cast %parallel_loop3A_56 : i32 to index
      %parallel_loop3A_552 = arith.constant 560 : index
      %parallel_loop3A_553 = tpu.vector_load %arg11[%parallel_loop3A_551, %parallel_loop3A_552] {strides = array<i32>} : memref<32x768xf32, #tpu.memory_space<vmem>>, vector<1x16xf32>,
      %parallel_loop3A_554 = vector.shape_cast %parallel_loop3A_553 : vector<1x16xf32> to vector<16xf32>
      %parallel_loop3A_555 = arith.addf %parallel_loop3A_550, %parallel_loop3A_554 : vector<16xf32>
      %parallel_loop3A_556 = arith.index_cast %parallel_loop3A_56 : i32 to index
      %parallel_loop3A_557 = arith.constant 560 : index
      %parallel_loop3A_558 = tpu.vector_load %arg10[%parallel_loop3A_556, %parallel_loop3A_557] {strides = array<i32>} : memref<32x768xf32, #tpu.memory_space<vmem>>, vector<1x16xf32>,
      %parallel_loop3A_559 = vector.shape_cast %parallel_loop3A_558 : vector<1x16xf32> to vector<16xf32>
      %parallel_loop3A_560 = vector.shape_cast %parallel_loop3A_555 : vector<16xf32> to vector<1x16xf32>
      tpu.vector_store %arg10[%parallel_loop3A_556, %parallel_loop3A_557], %parallel_loop3A_560 {strides = array<i32>} : memref<32x768xf32, #tpu.memory_space<vmem>>, vector<1x16xf32>,
      %parallel_loop3A_561 = arith.index_cast %parallel_loop3A_56 : i32 to index
      %parallel_loop3A_562 = arith.constant 576 : index
      %parallel_loop3A_563 = tpu.vector_load %arg10[%parallel_loop3A_561, %parallel_loop3A_562] {strides = array<i32>} : memref<32x768xf32, #tpu.memory_space<vmem>>, vector<1x16xf32>,
      %parallel_loop3A_564 = vector.shape_cast %parallel_loop3A_563 : vector<1x16xf32> to vector<16xf32>
      %parallel_loop3A_565 = arith.index_cast %parallel_loop3A_56 : i32 to index
      %parallel_loop3A_566 = arith.constant 576 : index
      %parallel_loop3A_567 = tpu.vector_load %arg11[%parallel_loop3A_565, %parallel_loop3A_566] {strides = array<i32>} : memref<32x768xf32, #tpu.memory_space<vmem>>, vector<1x16xf32>,
      %parallel_loop3A_568 = vector.shape_cast %parallel_loop3A_567 : vector<1x16xf32> to vector<16xf32>
      %parallel_loop3A_569 = arith.addf %parallel_loop3A_564, %parallel_loop3A_568 : vector<16xf32>
      %parallel_loop3A_570 = arith.index_cast %parallel_loop3A_56 : i32 to index
      %parallel_loop3A_571 = arith.constant 576 : index
      %parallel_loop3A_572 = tpu.vector_load %arg10[%parallel_loop3A_570, %parallel_loop3A_571] {strides = array<i32>} : memref<32x768xf32, #tpu.memory_space<vmem>>, vector<1x16xf32>,
      %parallel_loop3A_573 = vector.shape_cast %parallel_loop3A_572 : vector<1x16xf32> to vector<16xf32>
      %parallel_loop3A_574 = vector.shape_cast %parallel_loop3A_569 : vector<16xf32> to vector<1x16xf32>
      tpu.vector_store %arg10[%parallel_loop3A_570, %parallel_loop3A_571], %parallel_loop3A_574 {strides = array<i32>} : memref<32x768xf32, #tpu.memory_space<vmem>>, vector<1x16xf32>,
      %parallel_loop3A_575 = arith.index_cast %parallel_loop3A_56 : i32 to index
      %parallel_loop3A_576 = arith.constant 592 : index
      %parallel_loop3A_577 = tpu.vector_load %arg10[%parallel_loop3A_575, %parallel_loop3A_576] {strides = array<i32>} : memref<32x768xf32, #tpu.memory_space<vmem>>, vector<1x16xf32>,
      %parallel_loop3A_578 = vector.shape_cast %parallel_loop3A_577 : vector<1x16xf32> to vector<16xf32>
      %parallel_loop3A_579 = arith.index_cast %parallel_loop3A_56 : i32 to index
      %parallel_loop3A_580 = arith.constant 592 : index
      %parallel_loop3A_581 = tpu.vector_load %arg11[%parallel_loop3A_579, %parallel_loop3A_580] {strides = array<i32>} : memref<32x768xf32, #tpu.memory_space<vmem>>, vector<1x16xf32>,
      %parallel_loop3A_582 = vector.shape_cast %parallel_loop3A_581 : vector<1x16xf32> to vector<16xf32>
      %parallel_loop3A_583 = arith.addf %parallel_loop3A_578, %parallel_loop3A_582 : vector<16xf32>
      %parallel_loop3A_584 = arith.index_cast %parallel_loop3A_56 : i32 to index
      %parallel_loop3A_585 = arith.constant 592 : index
      %parallel_loop3A_586 = tpu.vector_load %arg10[%parallel_loop3A_584, %parallel_loop3A_585] {strides = array<i32>} : memref<32x768xf32, #tpu.memory_space<vmem>>, vector<1x16xf32>,
      %parallel_loop3A_587 = vector.shape_cast %parallel_loop3A_586 : vector<1x16xf32> to vector<16xf32>
      %parallel_loop3A_588 = vector.shape_cast %parallel_loop3A_583 : vector<16xf32> to vector<1x16xf32>
      tpu.vector_store %arg10[%parallel_loop3A_584, %parallel_loop3A_585], %parallel_loop3A_588 {strides = array<i32>} : memref<32x768xf32, #tpu.memory_space<vmem>>, vector<1x16xf32>,
      %parallel_loop3A_589 = arith.index_cast %parallel_loop3A_56 : i32 to index
      %parallel_loop3A_590 = arith.constant 608 : index
      %parallel_loop3A_591 = tpu.vector_load %arg10[%parallel_loop3A_589, %parallel_loop3A_590] {strides = array<i32>} : memref<32x768xf32, #tpu.memory_space<vmem>>, vector<1x16xf32>,
      %parallel_loop3A_592 = vector.shape_cast %parallel_loop3A_591 : vector<1x16xf32> to vector<16xf32>
      %parallel_loop3A_593 = arith.index_cast %parallel_loop3A_56 : i32 to index
      %parallel_loop3A_594 = arith.constant 608 : index
      %parallel_loop3A_595 = tpu.vector_load %arg11[%parallel_loop3A_593, %parallel_loop3A_594] {strides = array<i32>} : memref<32x768xf32, #tpu.memory_space<vmem>>, vector<1x16xf32>,
      %parallel_loop3A_596 = vector.shape_cast %parallel_loop3A_595 : vector<1x16xf32> to vector<16xf32>
      %parallel_loop3A_597 = arith.addf %parallel_loop3A_592, %parallel_loop3A_596 : vector<16xf32>
      %parallel_loop3A_598 = arith.index_cast %parallel_loop3A_56 : i32 to index
      %parallel_loop3A_599 = arith.constant 608 : index
      %parallel_loop3A_600 = tpu.vector_load %arg10[%parallel_loop3A_598, %parallel_loop3A_599] {strides = array<i32>} : memref<32x768xf32, #tpu.memory_space<vmem>>, vector<1x16xf32>,
      %parallel_loop3A_601 = vector.shape_cast %parallel_loop3A_600 : vector<1x16xf32> to vector<16xf32>
      %parallel_loop3A_602 = vector.shape_cast %parallel_loop3A_597 : vector<16xf32> to vector<1x16xf32>
      tpu.vector_store %arg10[%parallel_loop3A_598, %parallel_loop3A_599], %parallel_loop3A_602 {strides = array<i32>} : memref<32x768xf32, #tpu.memory_space<vmem>>, vector<1x16xf32>,
      %parallel_loop3A_603 = arith.index_cast %parallel_loop3A_56 : i32 to index
      %parallel_loop3A_604 = arith.constant 624 : index
      %parallel_loop3A_605 = tpu.vector_load %arg10[%parallel_loop3A_603, %parallel_loop3A_604] {strides = array<i32>} : memref<32x768xf32, #tpu.memory_space<vmem>>, vector<1x16xf32>,
      %parallel_loop3A_606 = vector.shape_cast %parallel_loop3A_605 : vector<1x16xf32> to vector<16xf32>
      %parallel_loop3A_607 = arith.index_cast %parallel_loop3A_56 : i32 to index
      %parallel_loop3A_608 = arith.constant 624 : index
      %parallel_loop3A_609 = tpu.vector_load %arg11[%parallel_loop3A_607, %parallel_loop3A_608] {strides = array<i32>} : memref<32x768xf32, #tpu.memory_space<vmem>>, vector<1x16xf32>,
      %parallel_loop3A_610 = vector.shape_cast %parallel_loop3A_609 : vector<1x16xf32> to vector<16xf32>
      %parallel_loop3A_611 = arith.addf %parallel_loop3A_606, %parallel_loop3A_610 : vector<16xf32>
      %parallel_loop3A_612 = arith.index_cast %parallel_loop3A_56 : i32 to index
      %parallel_loop3A_613 = arith.constant 624 : index
      %parallel_loop3A_614 = tpu.vector_load %arg10[%parallel_loop3A_612, %parallel_loop3A_613] {strides = array<i32>} : memref<32x768xf32, #tpu.memory_space<vmem>>, vector<1x16xf32>,
      %parallel_loop3A_615 = vector.shape_cast %parallel_loop3A_614 : vector<1x16xf32> to vector<16xf32>
      %parallel_loop3A_616 = vector.shape_cast %parallel_loop3A_611 : vector<16xf32> to vector<1x16xf32>
      tpu.vector_store %arg10[%parallel_loop3A_612, %parallel_loop3A_613], %parallel_loop3A_616 {strides = array<i32>} : memref<32x768xf32, #tpu.memory_space<vmem>>, vector<1x16xf32>,
      %parallel_loop3A_617 = arith.index_cast %parallel_loop3A_56 : i32 to index
      %parallel_loop3A_618 = arith.constant 640 : index
      %parallel_loop3A_619 = tpu.vector_load %arg10[%parallel_loop3A_617, %parallel_loop3A_618] {strides = array<i32>} : memref<32x768xf32, #tpu.memory_space<vmem>>, vector<1x16xf32>,
      %parallel_loop3A_620 = vector.shape_cast %parallel_loop3A_619 : vector<1x16xf32> to vector<16xf32>
      %parallel_loop3A_621 = arith.index_cast %parallel_loop3A_56 : i32 to index
      %parallel_loop3A_622 = arith.constant 640 : index
      %parallel_loop3A_623 = tpu.vector_load %arg11[%parallel_loop3A_621, %parallel_loop3A_622] {strides = array<i32>} : memref<32x768xf32, #tpu.memory_space<vmem>>, vector<1x16xf32>,
      %parallel_loop3A_624 = vector.shape_cast %parallel_loop3A_623 : vector<1x16xf32> to vector<16xf32>
      %parallel_loop3A_625 = arith.addf %parallel_loop3A_620, %parallel_loop3A_624 : vector<16xf32>
      %parallel_loop3A_626 = arith.index_cast %parallel_loop3A_56 : i32 to index
      %parallel_loop3A_627 = arith.constant 640 : index
      %parallel_loop3A_628 = tpu.vector_load %arg10[%parallel_loop3A_626, %parallel_loop3A_627] {strides = array<i32>} : memref<32x768xf32, #tpu.memory_space<vmem>>, vector<1x16xf32>,
      %parallel_loop3A_629 = vector.shape_cast %parallel_loop3A_628 : vector<1x16xf32> to vector<16xf32>
      %parallel_loop3A_630 = vector.shape_cast %parallel_loop3A_625 : vector<16xf32> to vector<1x16xf32>
      tpu.vector_store %arg10[%parallel_loop3A_626, %parallel_loop3A_627], %parallel_loop3A_630 {strides = array<i32>} : memref<32x768xf32, #tpu.memory_space<vmem>>, vector<1x16xf32>,
      %parallel_loop3A_631 = arith.index_cast %parallel_loop3A_56 : i32 to index
      %parallel_loop3A_632 = arith.constant 656 : index
      %parallel_loop3A_633 = tpu.vector_load %arg10[%parallel_loop3A_631, %parallel_loop3A_632] {strides = array<i32>} : memref<32x768xf32, #tpu.memory_space<vmem>>, vector<1x16xf32>,
      %parallel_loop3A_634 = vector.shape_cast %parallel_loop3A_633 : vector<1x16xf32> to vector<16xf32>
      %parallel_loop3A_635 = arith.index_cast %parallel_loop3A_56 : i32 to index
      %parallel_loop3A_636 = arith.constant 656 : index
      %parallel_loop3A_637 = tpu.vector_load %arg11[%parallel_loop3A_635, %parallel_loop3A_636] {strides = array<i32>} : memref<32x768xf32, #tpu.memory_space<vmem>>, vector<1x16xf32>,
      %parallel_loop3A_638 = vector.shape_cast %parallel_loop3A_637 : vector<1x16xf32> to vector<16xf32>
      %parallel_loop3A_639 = arith.addf %parallel_loop3A_634, %parallel_loop3A_638 : vector<16xf32>
      %parallel_loop3A_640 = arith.index_cast %parallel_loop3A_56 : i32 to index
      %parallel_loop3A_641 = arith.constant 656 : index
      %parallel_loop3A_642 = tpu.vector_load %arg10[%parallel_loop3A_640, %parallel_loop3A_641] {strides = array<i32>} : memref<32x768xf32, #tpu.memory_space<vmem>>, vector<1x16xf32>,
      %parallel_loop3A_643 = vector.shape_cast %parallel_loop3A_642 : vector<1x16xf32> to vector<16xf32>
      %parallel_loop3A_644 = vector.shape_cast %parallel_loop3A_639 : vector<16xf32> to vector<1x16xf32>
      tpu.vector_store %arg10[%parallel_loop3A_640, %parallel_loop3A_641], %parallel_loop3A_644 {strides = array<i32>} : memref<32x768xf32, #tpu.memory_space<vmem>>, vector<1x16xf32>,
      %parallel_loop3A_645 = arith.index_cast %parallel_loop3A_56 : i32 to index
      %parallel_loop3A_646 = arith.constant 672 : index
      %parallel_loop3A_647 = tpu.vector_load %arg10[%parallel_loop3A_645, %parallel_loop3A_646] {strides = array<i32>} : memref<32x768xf32, #tpu.memory_space<vmem>>, vector<1x16xf32>,
      %parallel_loop3A_648 = vector.shape_cast %parallel_loop3A_647 : vector<1x16xf32> to vector<16xf32>
      %parallel_loop3A_649 = arith.index_cast %parallel_loop3A_56 : i32 to index
      %parallel_loop3A_650 = arith.constant 672 : index
      %parallel_loop3A_651 = tpu.vector_load %arg11[%parallel_loop3A_649, %parallel_loop3A_650] {strides = array<i32>} : memref<32x768xf32, #tpu.memory_space<vmem>>, vector<1x16xf32>,
      %parallel_loop3A_652 = vector.shape_cast %parallel_loop3A_651 : vector<1x16xf32> to vector<16xf32>
      %parallel_loop3A_653 = arith.addf %parallel_loop3A_648, %parallel_loop3A_652 : vector<16xf32>
      %parallel_loop3A_654 = arith.index_cast %parallel_loop3A_56 : i32 to index
      %parallel_loop3A_655 = arith.constant 672 : index
      %parallel_loop3A_656 = tpu.vector_load %arg10[%parallel_loop3A_654, %parallel_loop3A_655] {strides = array<i32>} : memref<32x768xf32, #tpu.memory_space<vmem>>, vector<1x16xf32>,
      %parallel_loop3A_657 = vector.shape_cast %parallel_loop3A_656 : vector<1x16xf32> to vector<16xf32>
      %parallel_loop3A_658 = vector.shape_cast %parallel_loop3A_653 : vector<16xf32> to vector<1x16xf32>
      tpu.vector_store %arg10[%parallel_loop3A_654, %parallel_loop3A_655], %parallel_loop3A_658 {strides = array<i32>} : memref<32x768xf32, #tpu.memory_space<vmem>>, vector<1x16xf32>,
      %parallel_loop3A_659 = arith.index_cast %parallel_loop3A_56 : i32 to index
      %parallel_loop3A_660 = arith.constant 688 : index
      %parallel_loop3A_661 = tpu.vector_load %arg10[%parallel_loop3A_659, %parallel_loop3A_660] {strides = array<i32>} : memref<32x768xf32, #tpu.memory_space<vmem>>, vector<1x16xf32>,
      %parallel_loop3A_662 = vector.shape_cast %parallel_loop3A_661 : vector<1x16xf32> to vector<16xf32>
      %parallel_loop3A_663 = arith.index_cast %parallel_loop3A_56 : i32 to index
      %parallel_loop3A_664 = arith.constant 688 : index
      %parallel_loop3A_665 = tpu.vector_load %arg11[%parallel_loop3A_663, %parallel_loop3A_664] {strides = array<i32>} : memref<32x768xf32, #tpu.memory_space<vmem>>, vector<1x16xf32>,
      %parallel_loop3A_666 = vector.shape_cast %parallel_loop3A_665 : vector<1x16xf32> to vector<16xf32>
      %parallel_loop3A_667 = arith.addf %parallel_loop3A_662, %parallel_loop3A_666 : vector<16xf32>
      %parallel_loop3A_668 = arith.index_cast %parallel_loop3A_56 : i32 to index
      %parallel_loop3A_669 = arith.constant 688 : index
      %parallel_loop3A_670 = tpu.vector_load %arg10[%parallel_loop3A_668, %parallel_loop3A_669] {strides = array<i32>} : memref<32x768xf32, #tpu.memory_space<vmem>>, vector<1x16xf32>,
      %parallel_loop3A_671 = vector.shape_cast %parallel_loop3A_670 : vector<1x16xf32> to vector<16xf32>
      %parallel_loop3A_672 = vector.shape_cast %parallel_loop3A_667 : vector<16xf32> to vector<1x16xf32>
      tpu.vector_store %arg10[%parallel_loop3A_668, %parallel_loop3A_669], %parallel_loop3A_672 {strides = array<i32>} : memref<32x768xf32, #tpu.memory_space<vmem>>, vector<1x16xf32>,
      %parallel_loop3A_673 = arith.index_cast %parallel_loop3A_56 : i32 to index
      %parallel_loop3A_674 = arith.constant 704 : index
      %parallel_loop3A_675 = tpu.vector_load %arg10[%parallel_loop3A_673, %parallel_loop3A_674] {strides = array<i32>} : memref<32x768xf32, #tpu.memory_space<vmem>>, vector<1x16xf32>,
      %parallel_loop3A_676 = vector.shape_cast %parallel_loop3A_675 : vector<1x16xf32> to vector<16xf32>
      %parallel_loop3A_677 = arith.index_cast %parallel_loop3A_56 : i32 to index
      %parallel_loop3A_678 = arith.constant 704 : index
      %parallel_loop3A_679 = tpu.vector_load %arg11[%parallel_loop3A_677, %parallel_loop3A_678] {strides = array<i32>} : memref<32x768xf32, #tpu.memory_space<vmem>>, vector<1x16xf32>,
      %parallel_loop3A_680 = vector.shape_cast %parallel_loop3A_679 : vector<1x16xf32> to vector<16xf32>
      %parallel_loop3A_681 = arith.addf %parallel_loop3A_676, %parallel_loop3A_680 : vector<16xf32>
      %parallel_loop3A_682 = arith.index_cast %parallel_loop3A_56 : i32 to index
      %parallel_loop3A_683 = arith.constant 704 : index
      %parallel_loop3A_684 = tpu.vector_load %arg10[%parallel_loop3A_682, %parallel_loop3A_683] {strides = array<i32>} : memref<32x768xf32, #tpu.memory_space<vmem>>, vector<1x16xf32>,
      %parallel_loop3A_685 = vector.shape_cast %parallel_loop3A_684 : vector<1x16xf32> to vector<16xf32>
      %parallel_loop3A_686 = vector.shape_cast %parallel_loop3A_681 : vector<16xf32> to vector<1x16xf32>
      tpu.vector_store %arg10[%parallel_loop3A_682, %parallel_loop3A_683], %parallel_loop3A_686 {strides = array<i32>} : memref<32x768xf32, #tpu.memory_space<vmem>>, vector<1x16xf32>,
      %parallel_loop3A_687 = arith.index_cast %parallel_loop3A_56 : i32 to index
      %parallel_loop3A_688 = arith.constant 720 : index
      %parallel_loop3A_689 = tpu.vector_load %arg10[%parallel_loop3A_687, %parallel_loop3A_688] {strides = array<i32>} : memref<32x768xf32, #tpu.memory_space<vmem>>, vector<1x16xf32>,
      %parallel_loop3A_690 = vector.shape_cast %parallel_loop3A_689 : vector<1x16xf32> to vector<16xf32>
      %parallel_loop3A_691 = arith.index_cast %parallel_loop3A_56 : i32 to index
      %parallel_loop3A_692 = arith.constant 720 : index
      %parallel_loop3A_693 = tpu.vector_load %arg11[%parallel_loop3A_691, %parallel_loop3A_692] {strides = array<i32>} : memref<32x768xf32, #tpu.memory_space<vmem>>, vector<1x16xf32>,
      %parallel_loop3A_694 = vector.shape_cast %parallel_loop3A_693 : vector<1x16xf32> to vector<16xf32>
      %parallel_loop3A_695 = arith.addf %parallel_loop3A_690, %parallel_loop3A_694 : vector<16xf32>
      %parallel_loop3A_696 = arith.index_cast %parallel_loop3A_56 : i32 to index
      %parallel_loop3A_697 = arith.constant 720 : index
      %parallel_loop3A_698 = tpu.vector_load %arg10[%parallel_loop3A_696, %parallel_loop3A_697] {strides = array<i32>} : memref<32x768xf32, #tpu.memory_space<vmem>>, vector<1x16xf32>,
      %parallel_loop3A_699 = vector.shape_cast %parallel_loop3A_698 : vector<1x16xf32> to vector<16xf32>
      %parallel_loop3A_700 = vector.shape_cast %parallel_loop3A_695 : vector<16xf32> to vector<1x16xf32>
      tpu.vector_store %arg10[%parallel_loop3A_696, %parallel_loop3A_697], %parallel_loop3A_700 {strides = array<i32>} : memref<32x768xf32, #tpu.memory_space<vmem>>, vector<1x16xf32>,
      %parallel_loop3A_701 = arith.index_cast %parallel_loop3A_56 : i32 to index
      %parallel_loop3A_702 = arith.constant 736 : index
      %parallel_loop3A_703 = tpu.vector_load %arg10[%parallel_loop3A_701, %parallel_loop3A_702] {strides = array<i32>} : memref<32x768xf32, #tpu.memory_space<vmem>>, vector<1x16xf32>,
      %parallel_loop3A_704 = vector.shape_cast %parallel_loop3A_703 : vector<1x16xf32> to vector<16xf32>
      %parallel_loop3A_705 = arith.index_cast %parallel_loop3A_56 : i32 to index
      %parallel_loop3A_706 = arith.constant 736 : index
      %parallel_loop3A_707 = tpu.vector_load %arg11[%parallel_loop3A_705, %parallel_loop3A_706] {strides = array<i32>} : memref<32x768xf32, #tpu.memory_space<vmem>>, vector<1x16xf32>,
      %parallel_loop3A_708 = vector.shape_cast %parallel_loop3A_707 : vector<1x16xf32> to vector<16xf32>
      %parallel_loop3A_709 = arith.addf %parallel_loop3A_704, %parallel_loop3A_708 : vector<16xf32>
      %parallel_loop3A_710 = arith.index_cast %parallel_loop3A_56 : i32 to index
      %parallel_loop3A_711 = arith.constant 736 : index
      %parallel_loop3A_712 = tpu.vector_load %arg10[%parallel_loop3A_710, %parallel_loop3A_711] {strides = array<i32>} : memref<32x768xf32, #tpu.memory_space<vmem>>, vector<1x16xf32>,
      %parallel_loop3A_713 = vector.shape_cast %parallel_loop3A_712 : vector<1x16xf32> to vector<16xf32>
      %parallel_loop3A_714 = vector.shape_cast %parallel_loop3A_709 : vector<16xf32> to vector<1x16xf32>
      tpu.vector_store %arg10[%parallel_loop3A_710, %parallel_loop3A_711], %parallel_loop3A_714 {strides = array<i32>} : memref<32x768xf32, #tpu.memory_space<vmem>>, vector<1x16xf32>,
      %parallel_loop3A_715 = arith.index_cast %parallel_loop3A_56 : i32 to index
      %parallel_loop3A_716 = arith.constant 752 : index
      %parallel_loop3A_717 = tpu.vector_load %arg10[%parallel_loop3A_715, %parallel_loop3A_716] {strides = array<i32>} : memref<32x768xf32, #tpu.memory_space<vmem>>, vector<1x16xf32>,
      %parallel_loop3A_718 = vector.shape_cast %parallel_loop3A_717 : vector<1x16xf32> to vector<16xf32>
      %parallel_loop3A_719 = arith.index_cast %parallel_loop3A_56 : i32 to index
      %parallel_loop3A_720 = arith.constant 752 : index
      %parallel_loop3A_721 = tpu.vector_load %arg11[%parallel_loop3A_719, %parallel_loop3A_720] {strides = array<i32>} : memref<32x768xf32, #tpu.memory_space<vmem>>, vector<1x16xf32>,
      %parallel_loop3A_722 = vector.shape_cast %parallel_loop3A_721 : vector<1x16xf32> to vector<16xf32>
      %parallel_loop3A_723 = arith.addf %parallel_loop3A_718, %parallel_loop3A_722 : vector<16xf32>
      %parallel_loop3A_724 = arith.index_cast %parallel_loop3A_56 : i32 to index
      %parallel_loop3A_725 = arith.constant 752 : index
      %parallel_loop3A_726 = tpu.vector_load %arg10[%parallel_loop3A_724, %parallel_loop3A_725] {strides = array<i32>} : memref<32x768xf32, #tpu.memory_space<vmem>>, vector<1x16xf32>,
      %parallel_loop3A_727 = vector.shape_cast %parallel_loop3A_726 : vector<1x16xf32> to vector<16xf32>
      %parallel_loop3A_728 = vector.shape_cast %parallel_loop3A_723 : vector<16xf32> to vector<1x16xf32>
      tpu.vector_store %arg10[%parallel_loop3A_724, %parallel_loop3A_725], %parallel_loop3A_728 {strides = array<i32>} : memref<32x768xf32, #tpu.memory_space<vmem>>, vector<1x16xf32>,
    } {sc.loop_unroll_factor = 1 : i64, sc.parallel_access}
    %dma_wait3A_50 = arith.constant 0 : i32
    %dma_wait3A_51 = tpu.memref_slice %arg5[%mul3A_2, %dma_wait3A_50] : memref<2048x768xf32, #tpu.memory_space<hbm>> -> memref<32x768xf32, #tpu.memory_space<hbm>>
    %dma_wait3A_52 = arith.constant 0 : i32
    %dma_wait3A_53 = tpu.memref_slice %arg5[%mul3A_2, %dma_wait3A_52] : memref<2048x768xf32, #tpu.memory_space<hbm>> -> memref<32x768xf32, #tpu.memory_space<hbm>>
    tpu.wait_dma2 semaphore(%arg14 : memref<!tpu.dma_semaphore, #tpu.memory_space<semaphore_mem>>) src(%arg8 : memref<32x768xf32, #tpu.memory_space<vmem>>) dst(%dma_wait3A_53 : memref<32x768xf32, #tpu.memory_space<hbm>>)
    %add3A_54 = arith.constant 32 : i32
    %add3A_55 = arith.addi %mul3A_2, %add3A_54 : i32
    "tpu.region"() ({
      %run_scoped3A = tpu.sem_alloc : memref<!tpu.dma_semaphore, #tpu.memory_space<semaphore_mem>>
      %dma_start3A_56 = arith.constant 0 : i32
      %dma_start3A_57 = tpu.memref_slice %arg5[%add3A_55, %dma_start3A_56] : memref<2048x768xf32, #tpu.memory_space<hbm>> -> memref<32x768xf32, #tpu.memory_space<hbm>>
      %dma_start3A_58 = arith.constant 0 : i32
      %dma_start3A_59 = tpu.memref_slice %arg5[%add3A_55, %dma_start3A_58] : memref<2048x768xf32, #tpu.memory_space<hbm>> -> memref<32x768xf32, #tpu.memory_space<hbm>>
      tpu.enqueue_dma source(%arg10 : memref<32x768xf32, #tpu.memory_space<vmem>>) target(%dma_start3A_59 : memref<32x768xf32, #tpu.memory_space<hbm>>) target_semaphore(%run_scoped3A : memref<!tpu.dma_semaphore, #tpu.memory_space<semaphore_mem>>)
      %dma_wait3A_60 = arith.constant 0 : i32
      %dma_wait3A_61 = tpu.memref_slice %arg5[%add3A_55, %dma_wait3A_60] : memref<2048x768xf32, #tpu.memory_space<hbm>> -> memref<32x768xf32, #tpu.memory_space<hbm>>
      %dma_wait3A_62 = arith.constant 0 : i32
      %dma_wait3A_63 = tpu.memref_slice %arg5[%add3A_55, %dma_wait3A_62] : memref<2048x768xf32, #tpu.memory_space<hbm>> -> memref<32x768xf32, #tpu.memory_space<hbm>>
      tpu.wait_dma2 semaphore(%run_scoped3A : memref<!tpu.dma_semaphore, #tpu.memory_space<semaphore_mem>>) src(%arg10 : memref<32x768xf32, #tpu.memory_space<vmem>>) dst(%dma_wait3A_63 : memref<32x768xf32, #tpu.memory_space<hbm>>)
      tpu.yield
    }) : () -> ()
    return
  }
}

#map = affine_map<(d0, d1) -> (0, 0)>
#map1 = affine_map<(d0, d1) -> (0)>
module attributes {stable_mosaic.version = 14 : i64} {
  func.func @run(%arg0: i32, %arg1: i32, %arg2: memref<2048x768xf32, #tpu.memory_space<hbm>>, %arg3: memref<2048xi32, #tpu.memory_space<hbm>>, %arg4: memref<2048xi32, #tpu.memory_space<hbm>>, %arg5: memref<2048xf32, #tpu.memory_space<hbm>>, %arg6: memref<2048xf32, #tpu.memory_space<hbm>>, %arg7: memref<4096x768xf32, #tpu.memory_space<hbm>>, %arg8: memref<4096xf32, #tpu.memory_space<hbm>>, %arg9: memref<64xi32, #tpu.memory_space<vmem>>, %arg10: memref<64xi32, #tpu.memory_space<vmem>>, %arg11: memref<64xf32, #tpu.memory_space<vmem>>, %arg12: memref<64xf32, #tpu.memory_space<vmem>>, %arg13: memref<64x768xf32, #tpu.memory_space<vmem>>, %arg14: memref<!tpu.dma_semaphore, #tpu.memory_space<semaphore_mem>>, %arg15: memref<!tpu.dma_semaphore, #tpu.memory_space<semaphore_mem>>, %arg16: memref<!tpu.dma_semaphore, #tpu.memory_space<semaphore_mem>>, %arg17: memref<!tpu.dma_semaphore, #tpu.memory_space<semaphore_mem>>, %arg18: memref<!tpu.dma_semaphore, #tpu.memory_space<semaphore_mem>>) attributes {dimension_semantics = [#tpu.dimension_semantics<core_parallel>, #tpu.dimension_semantics<subcore_parallel>], iteration_bounds = array<i64: 2, 16>, scalar_prefetch = 0 : i64, scratch_operands = 10 : i64, tpu.core_type = #tpu.core_type<sc_vector_subcore>, window_params = [{transform_indices = #map}, {transform_indices = #map1}, {transform_indices = #map1}, {transform_indices = #map1}, {transform_indices = #map1}, {transform_indices = #map}, {transform_indices = #map1}]} {
    %mul3A = arith.constant 2 : i32
    %mul3A_0 = arith.muli %arg1, %mul3A : i32
    %add3A = arith.addi %mul3A_0, %arg0 : i32
    %mul3A_1 = arith.constant 64 : i32
    %mul3A_2 = arith.muli %add3A, %mul3A_1 : i32
    %dma_start3A = arith.constant 0 : i32
    %dma_start3A_3 = tpu.memref_slice %arg2[%mul3A_2, %dma_start3A] : memref<2048x768xf32, #tpu.memory_space<hbm>> -> memref<64x768xf32, #tpu.memory_space<hbm>>
    %dma_start3A_4 = arith.constant 0 : i32
    %dma_start3A_5 = tpu.memref_slice %arg2[%mul3A_2, %dma_start3A_4] : memref<2048x768xf32, #tpu.memory_space<hbm>> -> memref<64x768xf32, #tpu.memory_space<hbm>>
    tpu.enqueue_dma source(%dma_start3A_5 : memref<64x768xf32, #tpu.memory_space<hbm>>) target(%arg13 : memref<64x768xf32, #tpu.memory_space<vmem>>) target_semaphore(%arg14 : memref<!tpu.dma_semaphore, #tpu.memory_space<semaphore_mem>>)
    "tpu.region"() ({
      %run_scoped3A = tpu.sem_alloc : memref<!tpu.dma_semaphore, #tpu.memory_space<semaphore_mem>>
      %dma_start3A_29 = tpu.memref_slice %arg3[%mul3A_2] : memref<2048xi32, #tpu.memory_space<hbm>> -> memref<64xi32, #tpu.memory_space<hbm>>
      %dma_start3A_30 = tpu.memref_slice %arg3[%mul3A_2] : memref<2048xi32, #tpu.memory_space<hbm>> -> memref<64xi32, #tpu.memory_space<hbm>>
      tpu.enqueue_dma source(%dma_start3A_30 : memref<64xi32, #tpu.memory_space<hbm>>) target(%arg9 : memref<64xi32, #tpu.memory_space<vmem>>) target_semaphore(%run_scoped3A : memref<!tpu.dma_semaphore, #tpu.memory_space<semaphore_mem>>)
      %dma_wait3A_31 = tpu.memref_slice %arg3[%mul3A_2] : memref<2048xi32, #tpu.memory_space<hbm>> -> memref<64xi32, #tpu.memory_space<hbm>>
      %dma_wait3A_32 = tpu.memref_slice %arg3[%mul3A_2] : memref<2048xi32, #tpu.memory_space<hbm>> -> memref<64xi32, #tpu.memory_space<hbm>>
      tpu.wait_dma2 semaphore(%run_scoped3A : memref<!tpu.dma_semaphore, #tpu.memory_space<semaphore_mem>>) src(%dma_wait3A_32 : memref<64xi32, #tpu.memory_space<hbm>>) dst(%arg9 : memref<64xi32, #tpu.memory_space<vmem>>)
      tpu.yield
    }) : () -> ()
    "tpu.region"() ({
      %run_scoped3A = tpu.sem_alloc : memref<!tpu.dma_semaphore, #tpu.memory_space<semaphore_mem>>
      %dma_start3A_29 = tpu.memref_slice %arg4[%mul3A_2] : memref<2048xi32, #tpu.memory_space<hbm>> -> memref<64xi32, #tpu.memory_space<hbm>>
      %dma_start3A_30 = tpu.memref_slice %arg4[%mul3A_2] : memref<2048xi32, #tpu.memory_space<hbm>> -> memref<64xi32, #tpu.memory_space<hbm>>
      tpu.enqueue_dma source(%dma_start3A_30 : memref<64xi32, #tpu.memory_space<hbm>>) target(%arg10 : memref<64xi32, #tpu.memory_space<vmem>>) target_semaphore(%run_scoped3A : memref<!tpu.dma_semaphore, #tpu.memory_space<semaphore_mem>>)
      %dma_wait3A_31 = tpu.memref_slice %arg4[%mul3A_2] : memref<2048xi32, #tpu.memory_space<hbm>> -> memref<64xi32, #tpu.memory_space<hbm>>
      %dma_wait3A_32 = tpu.memref_slice %arg4[%mul3A_2] : memref<2048xi32, #tpu.memory_space<hbm>> -> memref<64xi32, #tpu.memory_space<hbm>>
      tpu.wait_dma2 semaphore(%run_scoped3A : memref<!tpu.dma_semaphore, #tpu.memory_space<semaphore_mem>>) src(%dma_wait3A_32 : memref<64xi32, #tpu.memory_space<hbm>>) dst(%arg10 : memref<64xi32, #tpu.memory_space<vmem>>)
      tpu.yield
    }) : () -> ()
    "tpu.region"() ({
      %run_scoped3A = tpu.sem_alloc : memref<!tpu.dma_semaphore, #tpu.memory_space<semaphore_mem>>
      %dma_start3A_29 = tpu.memref_slice %arg5[%mul3A_2] : memref<2048xf32, #tpu.memory_space<hbm>> -> memref<64xf32, #tpu.memory_space<hbm>>
      %dma_start3A_30 = tpu.memref_slice %arg5[%mul3A_2] : memref<2048xf32, #tpu.memory_space<hbm>> -> memref<64xf32, #tpu.memory_space<hbm>>
      tpu.enqueue_dma source(%dma_start3A_30 : memref<64xf32, #tpu.memory_space<hbm>>) target(%arg11 : memref<64xf32, #tpu.memory_space<vmem>>) target_semaphore(%run_scoped3A : memref<!tpu.dma_semaphore, #tpu.memory_space<semaphore_mem>>)
      %dma_wait3A_31 = tpu.memref_slice %arg5[%mul3A_2] : memref<2048xf32, #tpu.memory_space<hbm>> -> memref<64xf32, #tpu.memory_space<hbm>>
      %dma_wait3A_32 = tpu.memref_slice %arg5[%mul3A_2] : memref<2048xf32, #tpu.memory_space<hbm>> -> memref<64xf32, #tpu.memory_space<hbm>>
      tpu.wait_dma2 semaphore(%run_scoped3A : memref<!tpu.dma_semaphore, #tpu.memory_space<semaphore_mem>>) src(%dma_wait3A_32 : memref<64xf32, #tpu.memory_space<hbm>>) dst(%arg11 : memref<64xf32, #tpu.memory_space<vmem>>)
      tpu.yield
    }) : () -> ()
    "tpu.region"() ({
      %run_scoped3A = tpu.sem_alloc : memref<!tpu.dma_semaphore, #tpu.memory_space<semaphore_mem>>
      %dma_start3A_29 = tpu.memref_slice %arg6[%mul3A_2] : memref<2048xf32, #tpu.memory_space<hbm>> -> memref<64xf32, #tpu.memory_space<hbm>>
      %dma_start3A_30 = tpu.memref_slice %arg6[%mul3A_2] : memref<2048xf32, #tpu.memory_space<hbm>> -> memref<64xf32, #tpu.memory_space<hbm>>
      tpu.enqueue_dma source(%dma_start3A_30 : memref<64xf32, #tpu.memory_space<hbm>>) target(%arg12 : memref<64xf32, #tpu.memory_space<vmem>>) target_semaphore(%run_scoped3A : memref<!tpu.dma_semaphore, #tpu.memory_space<semaphore_mem>>)
      %dma_wait3A_31 = tpu.memref_slice %arg6[%mul3A_2] : memref<2048xf32, #tpu.memory_space<hbm>> -> memref<64xf32, #tpu.memory_space<hbm>>
      %dma_wait3A_32 = tpu.memref_slice %arg6[%mul3A_2] : memref<2048xf32, #tpu.memory_space<hbm>> -> memref<64xf32, #tpu.memory_space<hbm>>
      tpu.wait_dma2 semaphore(%run_scoped3A : memref<!tpu.dma_semaphore, #tpu.memory_space<semaphore_mem>>) src(%dma_wait3A_32 : memref<64xf32, #tpu.memory_space<hbm>>) dst(%arg12 : memref<64xf32, #tpu.memory_space<vmem>>)
      tpu.yield
    }) : () -> ()
    %dma_start3A_6 = arith.constant 0 : i32
    %dma_start3A_7 = tpu.memref_slice %arg8[%dma_start3A_6] : memref<4096xf32, #tpu.memory_space<hbm>> -> memref<4096xf32, #tpu.memory_space<hbm>>
    tpu.enqueue_indirect_dma source(%arg11 : memref<64xf32, #tpu.memory_space<vmem>>) target(%dma_start3A_7 : memref<4096xf32, #tpu.memory_space<hbm>>) offsets(%arg9 : memref<64xi32, #tpu.memory_space<vmem>>) semaphore(%arg17 : memref<!tpu.dma_semaphore, #tpu.memory_space<semaphore_mem>>)
    %dma_start3A_8 = arith.constant 0 : i32
    %dma_start3A_9 = tpu.memref_slice %arg8[%dma_start3A_8] : memref<4096xf32, #tpu.memory_space<hbm>> -> memref<4096xf32, #tpu.memory_space<hbm>>
    tpu.enqueue_indirect_dma source(%arg12 : memref<64xf32, #tpu.memory_space<vmem>>) target(%dma_start3A_9 : memref<4096xf32, #tpu.memory_space<hbm>>) offsets(%arg10 : memref<64xi32, #tpu.memory_space<vmem>>) semaphore(%arg18 : memref<!tpu.dma_semaphore, #tpu.memory_space<semaphore_mem>>)
    %dma_wait3A = arith.constant 0 : i32
    %dma_wait3A_10 = tpu.memref_slice %arg2[%mul3A_2, %dma_wait3A] : memref<2048x768xf32, #tpu.memory_space<hbm>> -> memref<64x768xf32, #tpu.memory_space<hbm>>
    %dma_wait3A_11 = arith.constant 0 : i32
    %dma_wait3A_12 = tpu.memref_slice %arg2[%mul3A_2, %dma_wait3A_11] : memref<2048x768xf32, #tpu.memory_space<hbm>> -> memref<64x768xf32, #tpu.memory_space<hbm>>
    tpu.wait_dma2 semaphore(%arg14 : memref<!tpu.dma_semaphore, #tpu.memory_space<semaphore_mem>>) src(%dma_wait3A_12 : memref<64x768xf32, #tpu.memory_space<hbm>>) dst(%arg13 : memref<64x768xf32, #tpu.memory_space<vmem>>)
    %dma_start3A_13 = arith.constant 0 : i32
    %dma_start3A_14 = arith.constant 0 : i32
    %dma_start3A_15 = tpu.memref_slice %arg7[%dma_start3A_13, %dma_start3A_14] : memref<4096x768xf32, #tpu.memory_space<hbm>> -> memref<4096x768xf32, #tpu.memory_space<hbm>>
    tpu.enqueue_indirect_dma source(%arg13 : memref<64x768xf32, #tpu.memory_space<vmem>>) target(%dma_start3A_15 : memref<4096x768xf32, #tpu.memory_space<hbm>>) offsets(%arg9 : memref<64xi32, #tpu.memory_space<vmem>>) semaphore(%arg15 : memref<!tpu.dma_semaphore, #tpu.memory_space<semaphore_mem>>)
    %dma_start3A_16 = arith.constant 0 : i32
    %dma_start3A_17 = arith.constant 0 : i32
    %dma_start3A_18 = tpu.memref_slice %arg7[%dma_start3A_16, %dma_start3A_17] : memref<4096x768xf32, #tpu.memory_space<hbm>> -> memref<4096x768xf32, #tpu.memory_space<hbm>>
    tpu.enqueue_indirect_dma source(%arg13 : memref<64x768xf32, #tpu.memory_space<vmem>>) target(%dma_start3A_18 : memref<4096x768xf32, #tpu.memory_space<hbm>>) offsets(%arg10 : memref<64xi32, #tpu.memory_space<vmem>>) semaphore(%arg16 : memref<!tpu.dma_semaphore, #tpu.memory_space<semaphore_mem>>)
    %dma_wait3A_19 = arith.constant 0 : i32
    %dma_wait3A_20 = arith.constant 0 : i32
    %dma_wait3A_21 = tpu.memref_slice %arg7[%dma_wait3A_19, %dma_wait3A_20] : memref<4096x768xf32, #tpu.memory_space<hbm>> -> memref<4096x768xf32, #tpu.memory_space<hbm>>
    tpu.wait_indirect_dma semaphore(%arg15 : memref<!tpu.dma_semaphore, #tpu.memory_space<semaphore_mem>>) src(%arg13 : memref<64x768xf32, #tpu.memory_space<vmem>>) dst(%dma_wait3A_21 : memref<4096x768xf32, #tpu.memory_space<hbm>>)
    %dma_wait3A_22 = arith.constant 0 : i32
    %dma_wait3A_23 = arith.constant 0 : i32
    %dma_wait3A_24 = tpu.memref_slice %arg7[%dma_wait3A_22, %dma_wait3A_23] : memref<4096x768xf32, #tpu.memory_space<hbm>> -> memref<4096x768xf32, #tpu.memory_space<hbm>>
    tpu.wait_indirect_dma semaphore(%arg16 : memref<!tpu.dma_semaphore, #tpu.memory_space<semaphore_mem>>) src(%arg13 : memref<64x768xf32, #tpu.memory_space<vmem>>) dst(%dma_wait3A_24 : memref<4096x768xf32, #tpu.memory_space<hbm>>)
    %dma_wait3A_25 = arith.constant 0 : i32
    %dma_wait3A_26 = tpu.memref_slice %arg8[%dma_wait3A_25] : memref<4096xf32, #tpu.memory_space<hbm>> -> memref<4096xf32, #tpu.memory_space<hbm>>
    tpu.wait_indirect_dma semaphore(%arg17 : memref<!tpu.dma_semaphore, #tpu.memory_space<semaphore_mem>>) src(%arg11 : memref<64xf32, #tpu.memory_space<vmem>>) dst(%dma_wait3A_26 : memref<4096xf32, #tpu.memory_space<hbm>>)
    %dma_wait3A_27 = arith.constant 0 : i32
    %dma_wait3A_28 = tpu.memref_slice %arg8[%dma_wait3A_27] : memref<4096xf32, #tpu.memory_space<hbm>> -> memref<4096xf32, #tpu.memory_space<hbm>>
    tpu.wait_indirect_dma semaphore(%arg18 : memref<!tpu.dma_semaphore, #tpu.memory_space<semaphore_mem>>) src(%arg12 : memref<64xf32, #tpu.memory_space<vmem>>) dst(%dma_wait3A_28 : memref<4096xf32, #tpu.memory_space<hbm>>)
    return
  }
}

module attributes {stable_mosaic.version = 14 : i64} {
  func.func @_gmm_body(%arg0: i32, %arg1: memref<80xi32, #tpu.memory_space<smem>>, %arg2: memref<80xi32, #tpu.memory_space<smem>>, %arg3: memref<80xi32, #tpu.memory_space<smem>>, %arg4: memref<80xi32, #tpu.memory_space<smem>>, %arg5: memref<80xi32, #tpu.memory_space<smem>>, %arg6: memref<256x768xf32, #tpu.memory_space<vmem>>, %arg7: memref<1x768x768xf32, #tpu.memory_space<vmem>>, %arg8: memref<1x1x768xf32, #tpu.memory_space<vmem>>, %arg9: memref<1x1x256xf32, #tpu.memory_space<vmem>>, %arg10: memref<256x768xf32, #tpu.memory_space<vmem>>) attributes {dimension_semantics = [#tpu.dimension_semantics<arbitrary>], iteration_bounds = array<i64: 80>, scalar_prefetch = 5 : i64, scratch_operands = 0 : i64, tpu.core_type = #tpu.core_type<tc>, window_params = [{transform_indices = @transform_0, window_bounds = array<i64: 256, 768>}, {transform_indices = @transform_1, window_bounds = array<i64: 1, 768, 768>}, {transform_indices = @transform_2, window_bounds = array<i64: 1, 1, 768>}, {transform_indices = @transform_3, window_bounds = array<i64: 1, 1, 256>}, {transform_indices = @transform_4, window_bounds = array<i64: 256, 768>}]} {
    %iota3A = tpu.iota {dimensions = array<i32: 0>} : vector<256x1xi32>
    %get3A = arith.index_cast %arg0 : i32 to index
    %get3A_0 = memref.load %arg2[%get3A] : memref<80xi32, #tpu.memory_space<smem>>
    %mul3A = arith.constant 256 : i32
    %mul3A_1 = arith.muli %get3A_0, %mul3A : i32
    %add3A = vector.broadcast %mul3A_1 : i32 to vector<256x1xi32>
    %add3A_2 = arith.addi %iota3A, %add3A : vector<256x1xi32>
    %get3A_3 = arith.index_cast %arg0 : i32 to index
    %get3A_4 = memref.load %arg3[%get3A_3] : memref<80xi32, #tpu.memory_space<smem>>
    %ge3A = vector.broadcast %get3A_4 : i32 to vector<256x1xi32>
    %ge3A_5 = arith.cmpi sge, %add3A_2, %ge3A : vector<256x1xi32>
    %get3A_6 = arith.index_cast %arg0 : i32 to index
    %get3A_7 = memref.load %arg4[%get3A_6] : memref<80xi32, #tpu.memory_space<smem>>
    %lt3A = vector.broadcast %get3A_7 : i32 to vector<256x1xi32>
    %lt3A_8 = arith.cmpi slt, %add3A_2, %lt3A : vector<256x1xi32>
    %and3A = arith.andi %ge3A_5, %lt3A_8 : vector<256x1xi1>
    %get3A_9 = arith.constant 0 : index
    %get3A_10 = arith.constant 0 : index
    %get3A_11 = arith.constant 0 : index
    %get3A_12 = vector.load %arg9[%get3A_9, %get3A_10, %get3A_11] : memref<1x1x256xf32, #tpu.memory_space<vmem>>, vector<1x1x256xf32>
    %get3A_13 = vector.shape_cast %get3A_12 : vector<1x1x256xf32> to vector<256xf32>
    %broadcast_in_dim3A = vector.shape_cast %get3A_13 : vector<256xf32> to vector<256x1xf32>
    %jit3A = arith.constant 0.000000e+00 : f32
    %broadcast_in_dim3A_14 = vector.broadcast %jit3A : f32 to vector<256x1xf32>
    %select_n3A = arith.select %and3A, %broadcast_in_dim3A, %broadcast_in_dim3A_14 : vector<256x1xi1>, vector<256x1xf32>
    %get3A_15 = arith.constant 0 : index
    %get3A_16 = arith.constant 0 : index
    %get3A_17 = vector.load %arg6[%get3A_15, %get3A_16] : memref<256x768xf32, #tpu.memory_space<vmem>>, vector<256x768xf32>
    %get3A_18 = arith.constant 0 : index
    %get3A_19 = arith.constant 0 : index
    %get3A_20 = arith.constant 0 : index
    %get3A_21 = vector.load %arg7[%get3A_18, %get3A_19, %get3A_20] : memref<1x768x768xf32, #tpu.memory_space<vmem>>, vector<1x768x768xf32>
    %get3A_22 = vector.shape_cast %get3A_21 : vector<1x768x768xf32> to vector<768x768xf32>
    %dot_general3A = arith.constant dense<0.000000e+00> : vector<256x768xf32>
    %dot_general3A_23 = tpu.matmul %get3A_17, %get3A_22, %dot_general3A {dimension_numbers = #tpu.dot_dimension_numbers<[1], [1], [0], [0], [0, 0, 1, 0], [], []>, transpose_lhs_hint = false} : vector<256x768xf32>, vector<768x768xf32>, vector<256x768xf32> -> vector<256x768xf32>
    %get3A_24 = arith.constant 0 : index
    %get3A_25 = arith.constant 0 : index
    %get3A_26 = arith.constant 0 : index
    %get3A_27 = vector.load %arg8[%get3A_24, %get3A_25, %get3A_26] : memref<1x1x768xf32, #tpu.memory_space<vmem>>, vector<1x1x768xf32>
    %get3A_28 = vector.shape_cast %get3A_27 : vector<1x1x768xf32> to vector<768xf32>
    %broadcast_in_dim3A_29 = vector.shape_cast %get3A_28 : vector<768xf32> to vector<1x768xf32>
    %add3A_30 = vector.broadcast %broadcast_in_dim3A_29 : vector<1x768xf32> to vector<256x768xf32>
    %add3A_31 = arith.addf %dot_general3A_23, %add3A_30 : vector<256x768xf32>
    %mul3A_32 = vector.broadcast %select_n3A : vector<256x1xf32> to vector<256x768xf32>
    %mul3A_33 = arith.mulf %mul3A_32, %add3A_31 : vector<256x768xf32>
    %get3A_34 = arith.index_cast %arg0 : i32 to index
    %get3A_35 = memref.load %arg5[%get3A_34] : memref<80xi32, #tpu.memory_space<smem>>
    %eq3A = arith.constant 1 : i32
    %eq3A_36 = arith.cmpi eq, %get3A_35, %eq3A : i32
    %convert_element_type3A = arith.extui %eq3A_36 : i1 to i32
    %cond3A = arith.constant 0 : i32
    %cond3A_37 = arith.cmpi ne, %convert_element_type3A, %cond3A : i32
    scf.if %cond3A_37 {
      %swap3A = arith.constant 0 : index
      %swap3A_45 = arith.constant 0 : index
      %swap3A_46 = vector.load %arg10[%swap3A, %swap3A_45] : memref<256x768xf32, #tpu.memory_space<vmem>>, vector<256x768xf32>
      tpu.vector_store %arg10[%swap3A, %swap3A_45], %mul3A_33 {strides = array<i32>} : memref<256x768xf32, #tpu.memory_space<vmem>>, vector<256x768xf32>,
    } else {
    }
    %get3A_38 = arith.index_cast %arg0 : i32 to index
    %get3A_39 = memref.load %arg5[%get3A_38] : memref<80xi32, #tpu.memory_space<smem>>
    %eq3A_40 = arith.constant 0 : i32
    %eq3A_41 = arith.cmpi eq, %get3A_39, %eq3A_40 : i32
    %convert_element_type3A_42 = arith.extui %eq3A_41 : i1 to i32
    %cond3A_43 = arith.constant 0 : i32
    %cond3A_44 = arith.cmpi ne, %convert_element_type3A_42, %cond3A_43 : i32
    scf.if %cond3A_44 {
      %get3A_45 = arith.constant 0 : index
      %get3A_46 = arith.constant 0 : index
      %get3A_47 = vector.load %arg10[%get3A_45, %get3A_46] : memref<256x768xf32, #tpu.memory_space<vmem>>, vector<256x768xf32>
      %add3A_48 = arith.addf %get3A_47, %mul3A_33 : vector<256x768xf32>
      %swap3A = arith.constant 0 : index
      %swap3A_49 = arith.constant 0 : index
      %swap3A_50 = vector.load %arg10[%swap3A, %swap3A_49] : memref<256x768xf32, #tpu.memory_space<vmem>>, vector<256x768xf32>
      tpu.vector_store %arg10[%swap3A, %swap3A_49], %add3A_48 {strides = array<i32>} : memref<256x768xf32, #tpu.memory_space<vmem>>, vector<256x768xf32>,
    } else {
    }
    return
  }
  func.func @transform_0(%arg0: i32, %arg1: memref<80xi32, #tpu.memory_space<smem>>, %arg2: memref<80xi32, #tpu.memory_space<smem>>, %arg3: memref<80xi32, #tpu.memory_space<smem>>, %arg4: memref<80xi32, #tpu.memory_space<smem>>, %arg5: memref<80xi32, #tpu.memory_space<smem>>) -> (i32, i32) {
    %get3A = arith.index_cast %arg0 : i32 to index
    %get3A_0 = memref.load %arg2[%get3A] : memref<80xi32, #tpu.memory_space<smem>>
    %c0_i32 = arith.constant 0 : i32
    %c0_i32_1 = arith.constant 0 : i32
    return %get3A_0, %c0_i32 : i32, i32
  }
  func.func @transform_1(%arg0: i32, %arg1: memref<80xi32, #tpu.memory_space<smem>>, %arg2: memref<80xi32, #tpu.memory_space<smem>>, %arg3: memref<80xi32, #tpu.memory_space<smem>>, %arg4: memref<80xi32, #tpu.memory_space<smem>>, %arg5: memref<80xi32, #tpu.memory_space<smem>>) -> (i32, i32, i32) {
    %get3A = arith.index_cast %arg0 : i32 to index
    %get3A_0 = memref.load %arg1[%get3A] : memref<80xi32, #tpu.memory_space<smem>>
    %c0_i32 = arith.constant 0 : i32
    %c0_i32_1 = arith.constant 0 : i32
    %c0_i32_2 = arith.constant 0 : i32
    return %get3A_0, %c0_i32, %c0_i32_1 : i32, i32, i32
  }
  func.func @transform_2(%arg0: i32, %arg1: memref<80xi32, #tpu.memory_space<smem>>, %arg2: memref<80xi32, #tpu.memory_space<smem>>, %arg3: memref<80xi32, #tpu.memory_space<smem>>, %arg4: memref<80xi32, #tpu.memory_space<smem>>, %arg5: memref<80xi32, #tpu.memory_space<smem>>) -> (i32, i32, i32) {
    %get3A = arith.index_cast %arg0 : i32 to index
    %get3A_0 = memref.load %arg1[%get3A] : memref<80xi32, #tpu.memory_space<smem>>
    %c0_i32 = arith.constant 0 : i32
    %c0_i32_1 = arith.constant 0 : i32
    %c0_i32_2 = arith.constant 0 : i32
    return %get3A_0, %c0_i32, %c0_i32_1 : i32, i32, i32
  }
  func.func @transform_3(%arg0: i32, %arg1: memref<80xi32, #tpu.memory_space<smem>>, %arg2: memref<80xi32, #tpu.memory_space<smem>>, %arg3: memref<80xi32, #tpu.memory_space<smem>>, %arg4: memref<80xi32, #tpu.memory_space<smem>>, %arg5: memref<80xi32, #tpu.memory_space<smem>>) -> (i32, i32, i32) {
    %get3A = arith.index_cast %arg0 : i32 to index
    %get3A_0 = memref.load %arg2[%get3A] : memref<80xi32, #tpu.memory_space<smem>>
    %c0_i32 = arith.constant 0 : i32
    %c0_i32_1 = arith.constant 0 : i32
    %c0_i32_2 = arith.constant 0 : i32
    return %get3A_0, %c0_i32, %c0_i32_1 : i32, i32, i32
  }
  func.func @transform_4(%arg0: i32, %arg1: memref<80xi32, #tpu.memory_space<smem>>, %arg2: memref<80xi32, #tpu.memory_space<smem>>, %arg3: memref<80xi32, #tpu.memory_space<smem>>, %arg4: memref<80xi32, #tpu.memory_space<smem>>, %arg5: memref<80xi32, #tpu.memory_space<smem>>) -> (i32, i32) {
    %get3A = arith.index_cast %arg0 : i32 to index
    %get3A_0 = memref.load %arg2[%get3A] : memref<80xi32, #tpu.memory_space<smem>>
    %c0_i32 = arith.constant 0 : i32
    %c0_i32_1 = arith.constant 0 : i32
    return %get3A_0, %c0_i32 : i32, i32
  }
}

module attributes {stable_mosaic.version = 14 : i64} {
  func.func @_gate_body(%arg0: memref<2048x768xf32, #tpu.memory_space<vmem>>, %arg1: memref<768x64xf32, #tpu.memory_space<vmem>>, %arg2: memref<2048xf32, #tpu.memory_space<vmem>>, %arg3: memref<2048xf32, #tpu.memory_space<vmem>>, %arg4: memref<2048xi32, #tpu.memory_space<vmem>>, %arg5: memref<2048xi32, #tpu.memory_space<vmem>>, %arg6: memref<80xi32, #tpu.memory_space<vmem>>, %arg7: memref<80xi32, #tpu.memory_space<vmem>>, %arg8: memref<80xi32, #tpu.memory_space<vmem>>, %arg9: memref<80xi32, #tpu.memory_space<vmem>>, %arg10: memref<80xi32, #tpu.memory_space<vmem>>) attributes {dimension_semantics = [], scalar_prefetch = 0 : i64, scratch_operands = 0 : i64, tpu.core_type = #tpu.core_type<tc>} {
    %get3A = arith.constant 0 : index
    %get3A_0 = arith.constant 0 : index
    %get3A_1 = vector.load %arg0[%get3A, %get3A_0] : memref<2048x768xf32, #tpu.memory_space<vmem>>, vector<2048x768xf32>
    %get3A_2 = arith.constant 0 : index
    %get3A_3 = arith.constant 0 : index
    %get3A_4 = vector.load %arg1[%get3A_2, %get3A_3] : memref<768x64xf32, #tpu.memory_space<vmem>>, vector<768x64xf32>
    %dot_general3A = arith.constant dense<0.000000e+00> : vector<2048x64xf32>
    %dot_general3A_5 = tpu.matmul %get3A_1, %get3A_4, %dot_general3A {dimension_numbers = #tpu.dot_dimension_numbers<[1], [0], [0], [1], [0, 0, 1, 1], [], []>, transpose_lhs_hint = false} : vector<2048x768xf32>, vector<768x64xf32>, vector<2048x64xf32> -> vector<2048x64xf32>
    %iota3A = tpu.iota {dimensions = array<i32: 1>} : vector<2048x64xi32>
    %reduce_max3A = arith.constant dense<0xFF800000> : vector<2048xf32>
    %reduce_max3A_6 = vector.multi_reduction <maximumf>, %dot_general3A_5, %reduce_max3A [1] : vector<2048x64xf32> to vector<2048xf32>
    %broadcast_in_dim3A = vector.shape_cast %reduce_max3A_6 : vector<2048xf32> to vector<2048x1xf32>
    %eq3A = vector.broadcast %broadcast_in_dim3A : vector<2048x1xf32> to vector<2048x64xf32>
    %eq3A_7 = arith.cmpf oeq, %dot_general3A_5, %eq3A : vector<2048x64xf32>
    %jit3A = arith.constant 64 : i32
    %broadcast_in_dim3A_8 = vector.broadcast %jit3A : i32 to vector<2048x64xi32>
    %select_n3A = arith.select %eq3A_7, %iota3A, %broadcast_in_dim3A_8 : vector<2048x64xi1>, vector<2048x64xi32>
    %reduce_min3A = arith.constant dense<2147483647> : vector<2048xi32>
    %reduce_min3A_9 = vector.multi_reduction <minsi>, %select_n3A, %reduce_min3A [1] : vector<2048x64xi32> to vector<2048xi32>
    %broadcast_in_dim3A_10 = vector.shape_cast %reduce_min3A_9 : vector<2048xi32> to vector<2048x1xi32>
    %eq3A_11 = vector.broadcast %broadcast_in_dim3A_10 : vector<2048x1xi32> to vector<2048x64xi32>
    %eq3A_12 = arith.cmpi eq, %iota3A, %eq3A_11 : vector<2048x64xi32>
    %jit3A_13 = arith.constant 0xFF800000 : f32
    %broadcast_in_dim3A_14 = vector.broadcast %jit3A_13 : f32 to vector<2048x64xf32>
    %select_n3A_15 = arith.select %eq3A_12, %broadcast_in_dim3A_14, %dot_general3A_5 : vector<2048x64xi1>, vector<2048x64xf32>
    %reduce_max3A_16 = arith.constant dense<0xFF800000> : vector<2048xf32>
    %reduce_max3A_17 = vector.multi_reduction <maximumf>, %select_n3A_15, %reduce_max3A_16 [1] : vector<2048x64xf32> to vector<2048xf32>
    %broadcast_in_dim3A_18 = vector.shape_cast %reduce_max3A_17 : vector<2048xf32> to vector<2048x1xf32>
    %eq3A_19 = vector.broadcast %broadcast_in_dim3A_18 : vector<2048x1xf32> to vector<2048x64xf32>
    %eq3A_20 = arith.cmpf oeq, %select_n3A_15, %eq3A_19 : vector<2048x64xf32>
    %jit3A_21 = arith.constant 64 : i32
    %broadcast_in_dim3A_22 = vector.broadcast %jit3A_21 : i32 to vector<2048x64xi32>
    %select_n3A_23 = arith.select %eq3A_20, %iota3A, %broadcast_in_dim3A_22 : vector<2048x64xi1>, vector<2048x64xi32>
    %reduce_min3A_24 = arith.constant dense<2147483647> : vector<2048xi32>
    %reduce_min3A_25 = vector.multi_reduction <minsi>, %select_n3A_23, %reduce_min3A_24 [1] : vector<2048x64xi32> to vector<2048xi32>
    %broadcast_in_dim3A_26 = vector.shape_cast %reduce_min3A_25 : vector<2048xi32> to vector<2048x1xi32>
    %eq3A_27 = vector.broadcast %broadcast_in_dim3A_26 : vector<2048x1xi32> to vector<2048x64xi32>
    %eq3A_28 = arith.cmpi eq, %iota3A, %eq3A_27 : vector<2048x64xi32>
    %sub3A = arith.subf %reduce_max3A_17, %reduce_max3A_6 : vector<2048xf32>
    %exp3A = math.exp %sub3A : vector<2048xf32>
    %add3A = arith.constant 1.000000e+00 : f32
    %add3A_29 = vector.broadcast %add3A : f32 to vector<2048xf32>
    %add3A_30 = arith.addf %add3A_29, %exp3A : vector<2048xf32>
    %div3A = arith.constant 1.000000e+00 : f32
    %div3A_31 = vector.broadcast %div3A : f32 to vector<2048xf32>
    %div3A_32 = arith.divf %div3A_31, %add3A_30 : vector<2048xf32>
    %swap3A = arith.constant 0 : index
    %swap3A_33 = vector.load %arg2[%swap3A] : memref<2048xf32, #tpu.memory_space<vmem>>, vector<2048xf32>
    tpu.vector_store %arg2[%swap3A], %div3A_32 {strides = array<i32>} : memref<2048xf32, #tpu.memory_space<vmem>>, vector<2048xf32>,
    %div3A_34 = arith.divf %exp3A, %add3A_30 : vector<2048xf32>
    %swap3A_35 = arith.constant 0 : index
    %swap3A_36 = vector.load %arg3[%swap3A_35] : memref<2048xf32, #tpu.memory_space<vmem>>, vector<2048xf32>
    tpu.vector_store %arg3[%swap3A_35], %div3A_34 {strides = array<i32>} : memref<2048xf32, #tpu.memory_space<vmem>>, vector<2048xf32>,
    %or3A = arith.ori %eq3A_12, %eq3A_28 : vector<2048x64xi1>
    %convert_element_type3A = arith.extui %or3A : vector<2048x64xi1> to vector<2048x64xi32>
    %convert_element_type3A_37 = arith.sitofp %convert_element_type3A : vector<2048x64xi32> to vector<2048x64xf32>
    %broadcast_in_dim3A_38 = arith.constant 0.000000e+00 : f32
    %broadcast_in_dim3A_39 = vector.broadcast %broadcast_in_dim3A_38 : f32 to vector<1x64xf32>
    %slice3A = vector.extract_strided_slice %convert_element_type3A_37 {offsets = [0, 0], sizes = [2047, 64], strides = [1, 1]} : vector<2048x64xf32> to vector<2047x64xf32>
    %concatenate3A = tpu.concatenate %broadcast_in_dim3A_39, %slice3A in 0 : vector<1x64xf32>, vector<2047x64xf32> -> vector<2048x64xf32>
    %add3A_40 = arith.addf %convert_element_type3A_37, %concatenate3A : vector<2048x64xf32>
    %broadcast_in_dim3A_41 = arith.constant 0.000000e+00 : f32
    %broadcast_in_dim3A_42 = vector.broadcast %broadcast_in_dim3A_41 : f32 to vector<2x64xf32>
    %slice3A_43 = vector.extract_strided_slice %add3A_40 {offsets = [0, 0], sizes = [2046, 64], strides = [1, 1]} : vector<2048x64xf32> to vector<2046x64xf32>
    %concatenate3A_44 = tpu.concatenate %broadcast_in_dim3A_42, %slice3A_43 in 0 : vector<2x64xf32>, vector<2046x64xf32> -> vector<2048x64xf32>
    %add3A_45 = arith.addf %add3A_40, %concatenate3A_44 : vector<2048x64xf32>
    %broadcast_in_dim3A_46 = arith.constant 0.000000e+00 : f32
    %broadcast_in_dim3A_47 = vector.broadcast %broadcast_in_dim3A_46 : f32 to vector<4x64xf32>
    %slice3A_48 = vector.extract_strided_slice %add3A_45 {offsets = [0, 0], sizes = [2044, 64], strides = [1, 1]} : vector<2048x64xf32> to vector<2044x64xf32>
    %concatenate3A_49 = tpu.concatenate %broadcast_in_dim3A_47, %slice3A_48 in 0 : vector<4x64xf32>, vector<2044x64xf32> -> vector<2048x64xf32>
    %add3A_50 = arith.addf %add3A_45, %concatenate3A_49 : vector<2048x64xf32>
    %broadcast_in_dim3A_51 = arith.constant 0.000000e+00 : f32
    %broadcast_in_dim3A_52 = vector.broadcast %broadcast_in_dim3A_51 : f32 to vector<8x64xf32>
    %slice3A_53 = vector.extract_strided_slice %add3A_50 {offsets = [0, 0], sizes = [2040, 64], strides = [1, 1]} : vector<2048x64xf32> to vector<2040x64xf32>
    %concatenate3A_54 = tpu.concatenate %broadcast_in_dim3A_52, %slice3A_53 in 0 : vector<8x64xf32>, vector<2040x64xf32> -> vector<2048x64xf32>
    %add3A_55 = arith.addf %add3A_50, %concatenate3A_54 : vector<2048x64xf32>
    %broadcast_in_dim3A_56 = arith.constant 0.000000e+00 : f32
    %broadcast_in_dim3A_57 = vector.broadcast %broadcast_in_dim3A_56 : f32 to vector<16x64xf32>
    %slice3A_58 = vector.extract_strided_slice %add3A_55 {offsets = [0, 0], sizes = [2032, 64], strides = [1, 1]} : vector<2048x64xf32> to vector<2032x64xf32>
    %concatenate3A_59 = tpu.concatenate %broadcast_in_dim3A_57, %slice3A_58 in 0 : vector<16x64xf32>, vector<2032x64xf32> -> vector<2048x64xf32>
    %add3A_60 = arith.addf %add3A_55, %concatenate3A_59 : vector<2048x64xf32>
    %broadcast_in_dim3A_61 = arith.constant 0.000000e+00 : f32
    %broadcast_in_dim3A_62 = vector.broadcast %broadcast_in_dim3A_61 : f32 to vector<32x64xf32>
    %slice3A_63 = vector.extract_strided_slice %add3A_60 {offsets = [0, 0], sizes = [2016, 64], strides = [1, 1]} : vector<2048x64xf32> to vector<2016x64xf32>
    %concatenate3A_64 = tpu.concatenate %broadcast_in_dim3A_62, %slice3A_63 in 0 : vector<32x64xf32>, vector<2016x64xf32> -> vector<2048x64xf32>
    %add3A_65 = arith.addf %add3A_60, %concatenate3A_64 : vector<2048x64xf32>
    %broadcast_in_dim3A_66 = arith.constant 0.000000e+00 : f32
    %broadcast_in_dim3A_67 = vector.broadcast %broadcast_in_dim3A_66 : f32 to vector<64x64xf32>
    %slice3A_68 = vector.extract_strided_slice %add3A_65 {offsets = [0, 0], sizes = [1984, 64], strides = [1, 1]} : vector<2048x64xf32> to vector<1984x64xf32>
    %concatenate3A_69 = tpu.concatenate %broadcast_in_dim3A_67, %slice3A_68 in 0 : vector<64x64xf32>, vector<1984x64xf32> -> vector<2048x64xf32>
    %add3A_70 = arith.addf %add3A_65, %concatenate3A_69 : vector<2048x64xf32>
    %broadcast_in_dim3A_71 = arith.constant 0.000000e+00 : f32
    %broadcast_in_dim3A_72 = vector.broadcast %broadcast_in_dim3A_71 : f32 to vector<128x64xf32>
    %slice3A_73 = vector.extract_strided_slice %add3A_70 {offsets = [0, 0], sizes = [1920, 64], strides = [1, 1]} : vector<2048x64xf32> to vector<1920x64xf32>
    %concatenate3A_74 = tpu.concatenate %broadcast_in_dim3A_72, %slice3A_73 in 0 : vector<128x64xf32>, vector<1920x64xf32> -> vector<2048x64xf32>
    %add3A_75 = arith.addf %add3A_70, %concatenate3A_74 : vector<2048x64xf32>
    %broadcast_in_dim3A_76 = arith.constant 0.000000e+00 : f32
    %broadcast_in_dim3A_77 = vector.broadcast %broadcast_in_dim3A_76 : f32 to vector<256x64xf32>
    %slice3A_78 = vector.extract_strided_slice %add3A_75 {offsets = [0, 0], sizes = [1792, 64], strides = [1, 1]} : vector<2048x64xf32> to vector<1792x64xf32>
    %concatenate3A_79 = tpu.concatenate %broadcast_in_dim3A_77, %slice3A_78 in 0 : vector<256x64xf32>, vector<1792x64xf32> -> vector<2048x64xf32>
    %add3A_80 = arith.addf %add3A_75, %concatenate3A_79 : vector<2048x64xf32>
    %broadcast_in_dim3A_81 = arith.constant 0.000000e+00 : f32
    %broadcast_in_dim3A_82 = vector.broadcast %broadcast_in_dim3A_81 : f32 to vector<512x64xf32>
    %slice3A_83 = vector.extract_strided_slice %add3A_80 {offsets = [0, 0], sizes = [1536, 64], strides = [1, 1]} : vector<2048x64xf32> to vector<1536x64xf32>
    %concatenate3A_84 = tpu.concatenate %broadcast_in_dim3A_82, %slice3A_83 in 0 : vector<512x64xf32>, vector<1536x64xf32> -> vector<2048x64xf32>
    %add3A_85 = arith.addf %add3A_80, %concatenate3A_84 : vector<2048x64xf32>
    %broadcast_in_dim3A_86 = arith.constant 0.000000e+00 : f32
    %broadcast_in_dim3A_87 = vector.broadcast %broadcast_in_dim3A_86 : f32 to vector<1024x64xf32>
    %slice3A_88 = vector.extract_strided_slice %add3A_85 {offsets = [0, 0], sizes = [1024, 64], strides = [1, 1]} : vector<2048x64xf32> to vector<1024x64xf32>
    %concatenate3A_89 = tpu.concatenate %broadcast_in_dim3A_87, %slice3A_88 in 0 : vector<1024x64xf32>, vector<1024x64xf32> -> vector<2048x64xf32>
    %add3A_90 = arith.addf %add3A_85, %concatenate3A_89 : vector<2048x64xf32>
    %slice3A_91 = vector.extract_strided_slice %add3A_90 {offsets = [2047, 0], sizes = [1, 64], strides = [1, 1]} : vector<2048x64xf32> to vector<1x64xf32>
    %iota3A_92 = tpu.iota {dimensions = array<i32: 0>} : vector<64x64xi32>
    %iota3A_93 = tpu.iota {dimensions = array<i32: 1>} : vector<64x64xi32>
    %le3A = arith.cmpi sle, %iota3A_92, %iota3A_93 : vector<64x64xi32>
    %convert_element_type3A_94 = arith.extui %le3A : vector<64x64xi1> to vector<64x64xi32>
    %convert_element_type3A_95 = arith.sitofp %convert_element_type3A_94 : vector<64x64xi32> to vector<64x64xf32>
    %dot_general3A_96 = arith.constant dense<0.000000e+00> : vector<1x64xf32>
    %dot_general3A_97 = tpu.matmul %slice3A_91, %convert_element_type3A_95, %dot_general3A_96 {dimension_numbers = #tpu.dot_dimension_numbers<[1], [0], [0], [1], [0, 0, 1, 1], [], []>, transpose_lhs_hint = false} : vector<1x64xf32>, vector<64x64xf32>, vector<1x64xf32> -> vector<1x64xf32>
    %sub3A_98 = arith.subf %dot_general3A_97, %slice3A_91 : vector<1x64xf32>
    %add3A_99 = vector.broadcast %sub3A_98 : vector<1x64xf32> to vector<2048x64xf32>
    %add3A_100 = arith.addf %add3A_99, %add3A_90 : vector<2048x64xf32>
    %convert_element_type3A_101 = arith.extui %eq3A_12 : vector<2048x64xi1> to vector<2048x64xi32>
    %convert_element_type3A_102 = arith.sitofp %convert_element_type3A_101 : vector<2048x64xi32> to vector<2048x64xf32>
    %mul3A = arith.mulf %add3A_100, %convert_element_type3A_102 : vector<2048x64xf32>
    %reduce_sum3A = arith.constant dense<0.000000e+00> : vector<2048xf32>
    %reduce_sum3A_103 = vector.multi_reduction <add>, %mul3A, %reduce_sum3A [1] : vector<2048x64xf32> to vector<2048xf32>
    %sub3A_104 = arith.constant 1.000000e+00 : f32
    %sub3A_105 = vector.broadcast %sub3A_104 : f32 to vector<2048xf32>
    %sub3A_106 = arith.subf %reduce_sum3A_103, %sub3A_105 : vector<2048xf32>
    %convert_element_type3A_107 = arith.fptosi %sub3A_106 : vector<2048xf32> to vector<2048xi32>
    %swap3A_108 = arith.constant 0 : index
    %swap3A_109 = vector.load %arg4[%swap3A_108] : memref<2048xi32, #tpu.memory_space<vmem>>, vector<2048xi32>
    tpu.vector_store %arg4[%swap3A_108], %convert_element_type3A_107 {strides = array<i32>} : memref<2048xi32, #tpu.memory_space<vmem>>, vector<2048xi32>,
    %convert_element_type3A_110 = arith.extui %eq3A_28 : vector<2048x64xi1> to vector<2048x64xi32>
    %convert_element_type3A_111 = arith.sitofp %convert_element_type3A_110 : vector<2048x64xi32> to vector<2048x64xf32>
    %mul3A_112 = arith.mulf %add3A_100, %convert_element_type3A_111 : vector<2048x64xf32>
    %reduce_sum3A_113 = arith.constant dense<0.000000e+00> : vector<2048xf32>
    %reduce_sum3A_114 = vector.multi_reduction <add>, %mul3A_112, %reduce_sum3A_113 [1] : vector<2048x64xf32> to vector<2048xf32>
    %sub3A_115 = arith.constant 1.000000e+00 : f32
    %sub3A_116 = vector.broadcast %sub3A_115 : f32 to vector<2048xf32>
    %sub3A_117 = arith.subf %reduce_sum3A_114, %sub3A_116 : vector<2048xf32>
    %convert_element_type3A_118 = arith.fptosi %sub3A_117 : vector<2048xf32> to vector<2048xi32>
    %swap3A_119 = arith.constant 0 : index
    %swap3A_120 = vector.load %arg5[%swap3A_119] : memref<2048xi32, #tpu.memory_space<vmem>>, vector<2048xi32>
    tpu.vector_store %arg5[%swap3A_119], %convert_element_type3A_118 {strides = array<i32>} : memref<2048xi32, #tpu.memory_space<vmem>>, vector<2048xi32>,
    %convert_element_type3A_121 = arith.fptosi %slice3A_91 : vector<1x64xf32> to vector<1x64xi32>
    %convert_element_type3A_122 = arith.fptosi %dot_general3A_97 : vector<1x64xf32> to vector<1x64xi32>
    %convert_element_type3A_123 = arith.fptosi %sub3A_98 : vector<1x64xf32> to vector<1x64xi32>
    %gt3A = arith.constant 0 : i32
    %gt3A_124 = vector.broadcast %gt3A : i32 to vector<1x64xi32>
    %gt3A_125 = arith.cmpi sgt, %convert_element_type3A_121, %gt3A_124 : vector<1x64xi32>
    %jit3A_126 = arith.constant 256 : i32
    %div3A_127 = vector.broadcast %jit3A_126 : i32 to vector<1x64xi32>
    %div3A_128 = arith.divsi %convert_element_type3A_123, %div3A_127 : vector<1x64xi32>
    %sign3A = arith.constant 0 : i32
    %sign3A_129 = vector.broadcast %sign3A : i32 to vector<1x64xi32>
    %sign3A_130 = arith.cmpi sgt, %convert_element_type3A_123, %sign3A_129 : vector<1x64xi32>
    %sign3A_131 = arith.extui %sign3A_130 : vector<1x64xi1> to vector<1x64xi32>
    %sign3A_132 = arith.constant 0 : i32
    %sign3A_133 = vector.broadcast %sign3A_132 : i32 to vector<1x64xi32>
    %sign3A_134 = arith.cmpi slt, %convert_element_type3A_123, %sign3A_133 : vector<1x64xi32>
    %sign3A_135 = arith.extui %sign3A_134 : vector<1x64xi1> to vector<1x64xi32>
    %sign3A_136 = arith.subi %sign3A_131, %sign3A_135 : vector<1x64xi32>
    %sign3A_137 = arith.constant 0 : i32
    %sign3A_138 = arith.cmpi sgt, %jit3A_126, %sign3A_137 : i32
    %sign3A_139 = arith.extui %sign3A_138 : i1 to i32
    %sign3A_140 = arith.constant 0 : i32
    %sign3A_141 = arith.cmpi slt, %jit3A_126, %sign3A_140 : i32
    %sign3A_142 = arith.extui %sign3A_141 : i1 to i32
    %sign3A_143 = arith.subi %sign3A_139, %sign3A_142 : i32
    %ne3A = vector.broadcast %sign3A_143 : i32 to vector<1x64xi32>
    %ne3A_144 = arith.cmpi ne, %sign3A_136, %ne3A : vector<1x64xi32>
    %rem3A = vector.broadcast %jit3A_126 : i32 to vector<1x64xi32>
    %rem3A_145 = arith.remsi %convert_element_type3A_123, %rem3A : vector<1x64xi32>
    %ne3A_146 = arith.constant 0 : i32
    %ne3A_147 = vector.broadcast %ne3A_146 : i32 to vector<1x64xi32>
    %ne3A_148 = arith.cmpi ne, %rem3A_145, %ne3A_147 : vector<1x64xi32>
    %and3A = arith.andi %ne3A_144, %ne3A_148 : vector<1x64xi1>
    %sub3A_149 = arith.constant 1 : i32
    %sub3A_150 = vector.broadcast %sub3A_149 : i32 to vector<1x64xi32>
    %sub3A_151 = arith.subi %div3A_128, %sub3A_150 : vector<1x64xi32>
    %select_n3A_152 = arith.select %and3A, %sub3A_151, %div3A_128 : vector<1x64xi1>, vector<1x64xi32>
    %sub3A_153 = arith.constant 1 : i32
    %sub3A_154 = vector.broadcast %sub3A_153 : i32 to vector<1x64xi32>
    %sub3A_155 = arith.subi %convert_element_type3A_122, %sub3A_154 : vector<1x64xi32>
    %select_n3A_156 = arith.select %gt3A_125, %sub3A_155, %convert_element_type3A_123 : vector<1x64xi1>, vector<1x64xi32>
    %jit3A_157 = arith.constant 256 : i32
    %div3A_158 = vector.broadcast %jit3A_157 : i32 to vector<1x64xi32>
    %div3A_159 = arith.divsi %select_n3A_156, %div3A_158 : vector<1x64xi32>
    %sign3A_160 = arith.constant 0 : i32
    %sign3A_161 = vector.broadcast %sign3A_160 : i32 to vector<1x64xi32>
    %sign3A_162 = arith.cmpi sgt, %select_n3A_156, %sign3A_161 : vector<1x64xi32>
    %sign3A_163 = arith.extui %sign3A_162 : vector<1x64xi1> to vector<1x64xi32>
    %sign3A_164 = arith.constant 0 : i32
    %sign3A_165 = vector.broadcast %sign3A_164 : i32 to vector<1x64xi32>
    %sign3A_166 = arith.cmpi slt, %select_n3A_156, %sign3A_165 : vector<1x64xi32>
    %sign3A_167 = arith.extui %sign3A_166 : vector<1x64xi1> to vector<1x64xi32>
    %sign3A_168 = arith.subi %sign3A_163, %sign3A_167 : vector<1x64xi32>
    %sign3A_169 = arith.constant 0 : i32
    %sign3A_170 = arith.cmpi sgt, %jit3A_157, %sign3A_169 : i32
    %sign3A_171 = arith.extui %sign3A_170 : i1 to i32
    %sign3A_172 = arith.constant 0 : i32
    %sign3A_173 = arith.cmpi slt, %jit3A_157, %sign3A_172 : i32
    %sign3A_174 = arith.extui %sign3A_173 : i1 to i32
    %sign3A_175 = arith.subi %sign3A_171, %sign3A_174 : i32
    %ne3A_176 = vector.broadcast %sign3A_175 : i32 to vector<1x64xi32>
    %ne3A_177 = arith.cmpi ne, %sign3A_168, %ne3A_176 : vector<1x64xi32>
    %rem3A_178 = vector.broadcast %jit3A_157 : i32 to vector<1x64xi32>
    %rem3A_179 = arith.remsi %select_n3A_156, %rem3A_178 : vector<1x64xi32>
    %ne3A_180 = arith.constant 0 : i32
    %ne3A_181 = vector.broadcast %ne3A_180 : i32 to vector<1x64xi32>
    %ne3A_182 = arith.cmpi ne, %rem3A_179, %ne3A_181 : vector<1x64xi32>
    %and3A_183 = arith.andi %ne3A_177, %ne3A_182 : vector<1x64xi1>
    %sub3A_184 = arith.constant 1 : i32
    %sub3A_185 = vector.broadcast %sub3A_184 : i32 to vector<1x64xi32>
    %sub3A_186 = arith.subi %div3A_159, %sub3A_185 : vector<1x64xi32>
    %select_n3A_187 = arith.select %and3A_183, %sub3A_186, %div3A_159 : vector<1x64xi1>, vector<1x64xi32>
    %sub3A_188 = arith.subi %select_n3A_187, %select_n3A_152 : vector<1x64xi32>
    %add3A_189 = arith.constant 1 : i32
    %add3A_190 = vector.broadcast %add3A_189 : i32 to vector<1x64xi32>
    %add3A_191 = arith.addi %sub3A_188, %add3A_190 : vector<1x64xi32>
    %jit3A_192 = arith.constant 0 : i32
    %broadcast_in_dim3A_193 = vector.broadcast %jit3A_192 : i32 to vector<1x64xi32>
    %select_n3A_194 = arith.select %gt3A_125, %add3A_191, %broadcast_in_dim3A_193 : vector<1x64xi1>, vector<1x64xi32>
    %convert_element_type3A_195 = arith.sitofp %select_n3A_194 : vector<1x64xi32> to vector<1x64xf32>
    %dot_general3A_196 = arith.constant dense<0.000000e+00> : vector<1x64xf32>
    %dot_general3A_197 = tpu.matmul %convert_element_type3A_195, %convert_element_type3A_95, %dot_general3A_196 {dimension_numbers = #tpu.dot_dimension_numbers<[1], [0], [0], [1], [0, 0, 1, 1], [], []>, transpose_lhs_hint = false} : vector<1x64xf32>, vector<64x64xf32>, vector<1x64xf32> -> vector<1x64xf32>
    %convert_element_type3A_198 = arith.fptosi %dot_general3A_197 : vector<1x64xf32> to vector<1x64xi32>
    %slice3A_199 = vector.extract_strided_slice %convert_element_type3A_198 {offsets = [0, 63], sizes = [1, 1], strides = [1, 1]} : vector<1x64xi32> to vector<1x1xi32>
    %iota3A_200 = tpu.iota {dimensions = array<i32: 0>} : vector<80x1xi32>
    %le3A_201 = vector.broadcast %convert_element_type3A_198 : vector<1x64xi32> to vector<80x64xi32>
    %le3A_202 = vector.broadcast %iota3A_200 : vector<80x1xi32> to vector<80x64xi32>
    %le3A_203 = arith.cmpi sle, %le3A_201, %le3A_202 : vector<80x64xi32>
    %convert_element_type3A_204 = arith.extui %le3A_203 : vector<80x64xi1> to vector<80x64xi32>
    %reduce_sum3A_205 = arith.constant dense<0> : vector<80xi32>
    %reduce_sum3A_206 = vector.multi_reduction <add>, %convert_element_type3A_204, %reduce_sum3A_205 [1] : vector<80x64xi32> to vector<80xi32>
    %broadcast_in_dim3A_207 = vector.shape_cast %reduce_sum3A_206 : vector<80xi32> to vector<80x1xi32>
    %min3A = arith.constant 63 : i32
    %min3A_208 = vector.broadcast %min3A : i32 to vector<80x1xi32>
    %min3A_209 = arith.minsi %broadcast_in_dim3A_207, %min3A_208 : vector<80x1xi32>
    %iota3A_210 = tpu.iota {dimensions = array<i32: 1>} : vector<80x64xi32>
    %eq3A_211 = vector.broadcast %min3A_209 : vector<80x1xi32> to vector<80x64xi32>
    %eq3A_212 = arith.cmpi eq, %iota3A_210, %eq3A_211 : vector<80x64xi32>
    %convert_element_type3A_213 = arith.extui %eq3A_212 : vector<80x64xi1> to vector<80x64xi32>
    %convert_element_type3A_214 = arith.sitofp %convert_element_type3A_213 : vector<80x64xi32> to vector<80x64xf32>
    %convert_element_type3A_215 = arith.sitofp %select_n3A_152 : vector<1x64xi32> to vector<1x64xf32>
    %mul3A_216 = vector.broadcast %convert_element_type3A_215 : vector<1x64xf32> to vector<80x64xf32>
    %mul3A_217 = arith.mulf %convert_element_type3A_214, %mul3A_216 : vector<80x64xf32>
    %reduce_sum3A_218 = arith.constant dense<0.000000e+00> : vector<80xf32>
    %reduce_sum3A_219 = vector.multi_reduction <add>, %mul3A_217, %reduce_sum3A_218 [1] : vector<80x64xf32> to vector<80xf32>
    %broadcast_in_dim3A_220 = vector.shape_cast %reduce_sum3A_219 : vector<80xf32> to vector<80x1xf32>
    %convert_element_type3A_221 = arith.fptosi %broadcast_in_dim3A_220 : vector<80x1xf32> to vector<80x1xi32>
    %convert_element_type3A_222 = arith.sitofp %convert_element_type3A_198 : vector<1x64xi32> to vector<1x64xf32>
    %mul3A_223 = vector.broadcast %convert_element_type3A_222 : vector<1x64xf32> to vector<80x64xf32>
    %mul3A_224 = arith.mulf %convert_element_type3A_214, %mul3A_223 : vector<80x64xf32>
    %reduce_sum3A_225 = arith.constant dense<0.000000e+00> : vector<80xf32>
    %reduce_sum3A_226 = vector.multi_reduction <add>, %mul3A_224, %reduce_sum3A_225 [1] : vector<80x64xf32> to vector<80xf32>
    %broadcast_in_dim3A_227 = vector.shape_cast %reduce_sum3A_226 : vector<80xf32> to vector<80x1xf32>
    %convert_element_type3A_228 = arith.fptosi %broadcast_in_dim3A_227 : vector<80x1xf32> to vector<80x1xi32>
    %convert_element_type3A_229 = arith.sitofp %select_n3A_194 : vector<1x64xi32> to vector<1x64xf32>
    %mul3A_230 = vector.broadcast %convert_element_type3A_229 : vector<1x64xf32> to vector<80x64xf32>
    %mul3A_231 = arith.mulf %convert_element_type3A_214, %mul3A_230 : vector<80x64xf32>
    %reduce_sum3A_232 = arith.constant dense<0.000000e+00> : vector<80xf32>
    %reduce_sum3A_233 = vector.multi_reduction <add>, %mul3A_231, %reduce_sum3A_232 [1] : vector<80x64xf32> to vector<80xf32>
    %broadcast_in_dim3A_234 = vector.shape_cast %reduce_sum3A_233 : vector<80xf32> to vector<80x1xf32>
    %convert_element_type3A_235 = arith.fptosi %broadcast_in_dim3A_234 : vector<80x1xf32> to vector<80x1xi32>
    %convert_element_type3A_236 = arith.sitofp %convert_element_type3A_123 : vector<1x64xi32> to vector<1x64xf32>
    %mul3A_237 = vector.broadcast %convert_element_type3A_236 : vector<1x64xf32> to vector<80x64xf32>
    %mul3A_238 = arith.mulf %convert_element_type3A_214, %mul3A_237 : vector<80x64xf32>
    %reduce_sum3A_239 = arith.constant dense<0.000000e+00> : vector<80xf32>
    %reduce_sum3A_240 = vector.multi_reduction <add>, %mul3A_238, %reduce_sum3A_239 [1] : vector<80x64xf32> to vector<80xf32>
    %broadcast_in_dim3A_241 = vector.shape_cast %reduce_sum3A_240 : vector<80xf32> to vector<80x1xf32>
    %convert_element_type3A_242 = arith.fptosi %broadcast_in_dim3A_241 : vector<80x1xf32> to vector<80x1xi32>
    %convert_element_type3A_243 = arith.sitofp %convert_element_type3A_122 : vector<1x64xi32> to vector<1x64xf32>
    %mul3A_244 = vector.broadcast %convert_element_type3A_243 : vector<1x64xf32> to vector<80x64xf32>
    %mul3A_245 = arith.mulf %convert_element_type3A_214, %mul3A_244 : vector<80x64xf32>
    %reduce_sum3A_246 = arith.constant dense<0.000000e+00> : vector<80xf32>
    %reduce_sum3A_247 = vector.multi_reduction <add>, %mul3A_245, %reduce_sum3A_246 [1] : vector<80x64xf32> to vector<80xf32>
    %broadcast_in_dim3A_248 = vector.shape_cast %reduce_sum3A_247 : vector<80xf32> to vector<80x1xf32>
    %convert_element_type3A_249 = arith.fptosi %broadcast_in_dim3A_248 : vector<80x1xf32> to vector<80x1xi32>
    %add3A_250 = arith.addi %convert_element_type3A_221, %iota3A_200 : vector<80x1xi32>
    %sub3A_251 = arith.subi %convert_element_type3A_228, %convert_element_type3A_235 : vector<80x1xi32>
    %sub3A_252 = arith.subi %add3A_250, %sub3A_251 : vector<80x1xi32>
    %sub3A_253 = arith.constant 1 : i32
    %sub3A_254 = vector.broadcast %sub3A_253 : i32 to vector<1x1xi32>
    %sub3A_255 = arith.subi %slice3A_199, %sub3A_254 : vector<1x1xi32>
    %le3A_256 = vector.broadcast %sub3A_255 : vector<1x1xi32> to vector<1x64xi32>
    %le3A_257 = arith.cmpi sle, %convert_element_type3A_198, %le3A_256 : vector<1x64xi32>
    %convert_element_type3A_258 = arith.extui %le3A_257 : vector<1x64xi1> to vector<1x64xi32>
    %reduce_sum3A_259 = arith.constant dense<0> : vector<1xi32>
    %reduce_sum3A_260 = vector.multi_reduction <add>, %convert_element_type3A_258, %reduce_sum3A_259 [1] : vector<1x64xi32> to vector<1xi32>
    %broadcast_in_dim3A_261 = vector.shape_cast %reduce_sum3A_260 : vector<1xi32> to vector<1x1xi32>
    %min3A_262 = arith.constant 63 : i32
    %min3A_263 = vector.broadcast %min3A_262 : i32 to vector<1x1xi32>
    %min3A_264 = arith.minsi %broadcast_in_dim3A_261, %min3A_263 : vector<1x1xi32>
    %iota3A_265 = tpu.iota {dimensions = array<i32: 1>} : vector<1x64xi32>
    %eq3A_266 = vector.broadcast %min3A_264 : vector<1x1xi32> to vector<1x64xi32>
    %eq3A_267 = arith.cmpi eq, %iota3A_265, %eq3A_266 : vector<1x64xi32>
    %convert_element_type3A_268 = arith.extui %eq3A_267 : vector<1x64xi1> to vector<1x64xi32>
    %convert_element_type3A_269 = arith.sitofp %convert_element_type3A_268 : vector<1x64xi32> to vector<1x64xf32>
    %convert_element_type3A_270 = arith.sitofp %select_n3A_187 : vector<1x64xi32> to vector<1x64xf32>
    %mul3A_271 = arith.mulf %convert_element_type3A_269, %convert_element_type3A_270 : vector<1x64xf32>
    %reduce_sum3A_272 = arith.constant dense<0.000000e+00> : vector<1xf32>
    %reduce_sum3A_273 = vector.multi_reduction <add>, %mul3A_271, %reduce_sum3A_272 [1] : vector<1x64xf32> to vector<1xf32>
    %broadcast_in_dim3A_274 = vector.shape_cast %reduce_sum3A_273 : vector<1xf32> to vector<1x1xf32>
    %convert_element_type3A_275 = arith.fptosi %broadcast_in_dim3A_274 : vector<1x1xf32> to vector<1x1xi32>
    %lt3A = vector.broadcast %slice3A_199 : vector<1x1xi32> to vector<80x1xi32>
    %lt3A_276 = arith.cmpi slt, %iota3A_200, %lt3A : vector<80x1xi32>
    %broadcast_in_dim3A_277 = vector.shape_cast %min3A_264 : vector<1x1xi32> to vector<1x1xi32>
    %broadcast_in_dim3A_278 = vector.broadcast %broadcast_in_dim3A_277 : vector<1x1xi32> to vector<80x1xi32>
    %select_n3A_279 = arith.select %lt3A_276, %min3A_209, %broadcast_in_dim3A_278 : vector<80x1xi1>, vector<80x1xi32>
    %broadcast_in_dim3A_280 = vector.shape_cast %convert_element_type3A_275 : vector<1x1xi32> to vector<1x1xi32>
    %broadcast_in_dim3A_281 = vector.broadcast %broadcast_in_dim3A_280 : vector<1x1xi32> to vector<80x1xi32>
    %select_n3A_282 = arith.select %lt3A_276, %sub3A_252, %broadcast_in_dim3A_281 : vector<80x1xi1>, vector<80x1xi32>
    %mul3A_283 = arith.constant 256 : i32
    %mul3A_284 = vector.broadcast %mul3A_283 : i32 to vector<80x1xi32>
    %mul3A_285 = arith.muli %select_n3A_282, %mul3A_284 : vector<80x1xi32>
    %max3A = arith.maxsi %convert_element_type3A_242, %mul3A_285 : vector<80x1xi32>
    %jit3A_286 = arith.constant 0 : i32
    %broadcast_in_dim3A_287 = vector.broadcast %jit3A_286 : i32 to vector<80x1xi32>
    %select_n3A_288 = arith.select %lt3A_276, %max3A, %broadcast_in_dim3A_287 : vector<80x1xi1>, vector<80x1xi32>
    %add3A_289 = arith.constant 1 : i32
    %add3A_290 = vector.broadcast %add3A_289 : i32 to vector<80x1xi32>
    %add3A_291 = arith.addi %select_n3A_282, %add3A_290 : vector<80x1xi32>
    %mul3A_292 = arith.constant 256 : i32
    %mul3A_293 = vector.broadcast %mul3A_292 : i32 to vector<80x1xi32>
    %mul3A_294 = arith.muli %add3A_291, %mul3A_293 : vector<80x1xi32>
    %min3A_295 = arith.minsi %convert_element_type3A_249, %mul3A_294 : vector<80x1xi32>
    %jit3A_296 = arith.constant 0 : i32
    %broadcast_in_dim3A_297 = vector.broadcast %jit3A_296 : i32 to vector<80x1xi32>
    %select_n3A_298 = arith.select %lt3A_276, %min3A_295, %broadcast_in_dim3A_297 : vector<80x1xi1>, vector<80x1xi32>
    %broadcast_in_dim3A_299 = arith.constant -1 : i32
    %broadcast_in_dim3A_300 = vector.broadcast %broadcast_in_dim3A_299 : i32 to vector<1x1xi32>
    %slice3A_301 = vector.extract_strided_slice %select_n3A_282 {offsets = [0, 0], sizes = [79, 1], strides = [1, 1]} : vector<80x1xi32> to vector<79x1xi32>
    %concatenate3A_302 = tpu.concatenate %broadcast_in_dim3A_300, %slice3A_301 in 0 : vector<1x1xi32>, vector<79x1xi32> -> vector<80x1xi32>
    %ne3A_303 = arith.cmpi ne, %select_n3A_282, %concatenate3A_302 : vector<80x1xi32>
    %convert_element_type3A_304 = arith.extui %ne3A_303 : vector<80x1xi1> to vector<80x1xi32>
    %squeeze3A = vector.shape_cast %select_n3A_279 : vector<80x1xi32> to vector<80xi32>
    %swap3A_305 = arith.constant 0 : index
    %swap3A_306 = vector.load %arg6[%swap3A_305] : memref<80xi32, #tpu.memory_space<vmem>>, vector<80xi32>
    tpu.vector_store %arg6[%swap3A_305], %squeeze3A {strides = array<i32>} : memref<80xi32, #tpu.memory_space<vmem>>, vector<80xi32>,
    %squeeze3A_307 = vector.shape_cast %select_n3A_282 : vector<80x1xi32> to vector<80xi32>
    %swap3A_308 = arith.constant 0 : index
    %swap3A_309 = vector.load %arg7[%swap3A_308] : memref<80xi32, #tpu.memory_space<vmem>>, vector<80xi32>
    tpu.vector_store %arg7[%swap3A_308], %squeeze3A_307 {strides = array<i32>} : memref<80xi32, #tpu.memory_space<vmem>>, vector<80xi32>,
    %squeeze3A_310 = vector.shape_cast %select_n3A_288 : vector<80x1xi32> to vector<80xi32>
    %swap3A_311 = arith.constant 0 : index
    %swap3A_312 = vector.load %arg8[%swap3A_311] : memref<80xi32, #tpu.memory_space<vmem>>, vector<80xi32>
    tpu.vector_store %arg8[%swap3A_311], %squeeze3A_310 {strides = array<i32>} : memref<80xi32, #tpu.memory_space<vmem>>, vector<80xi32>,
    %squeeze3A_313 = vector.shape_cast %select_n3A_298 : vector<80x1xi32> to vector<80xi32>
    %swap3A_314 = arith.constant 0 : index
    %swap3A_315 = vector.load %arg9[%swap3A_314] : memref<80xi32, #tpu.memory_space<vmem>>, vector<80xi32>
    tpu.vector_store %arg9[%swap3A_314], %squeeze3A_313 {strides = array<i32>} : memref<80xi32, #tpu.memory_space<vmem>>, vector<80xi32>,
    %squeeze3A_316 = vector.shape_cast %convert_element_type3A_304 : vector<80x1xi32> to vector<80xi32>
    %swap3A_317 = arith.constant 0 : index
    %swap3A_318 = vector.load %arg10[%swap3A_317] : memref<80xi32, #tpu.memory_space<vmem>>, vector<80xi32>
    tpu.vector_store %arg10[%swap3A_317], %squeeze3A_316 {strides = array<i32>} : memref<80xi32, #tpu.memory_space<vmem>>, vector<80xi32>,
    return
  }
}

</mosaic_0001>

<sc_bundles>
// kernel: kernel.6.cloned.1.call-start
scs
__scs_entry_jumppad:
0x0: {  	(pc) =	sbr.rel $0x88, $3  }
0x1: {  	(tag) =	ssettag $0x0;
	lr =	simm.s32 $0x1  }
0x2: {  	[smem:$0x3F9D] =	sst lr;
	_ =	strace $0xD0000000  }
0x3: {  	_ = 	snop  }
0x4: {  	_ = 	snop  }
0x5: {  	_ = 	snop  }
0x6: {  	_ = 	snop  }
0x7: {  	_ = 	snop  }
__scs_overlays_trampoline_lowered:
0x8: {  	[smem:$0x3FAC] =	sst s0  }
0x9: {  	[smem:$0x3FAD] =	sst s1  }
0xa: {  	[smem:$0x3FAE] =	sst s2  }
0xb: {  	[smem:$0x3FAF] =	sst s3  }
0xc: {  	[smem:$0x3FB0] =	sst s4  }
0xd: {  	[smem:$0x3FB1] =	sst s5  }
0xe: {  	[smem:$0x3FB2] =	sst s6  }
0xf: {  	[smem:$0x3FB3] =	sst s7  }
0x10: {  	[smem:$0x3FB4] =	sst s8  }
0x11: {  	[smem:$0x3FB5] =	sst s9;
	s0 =	simm.s32 @!p0 $0x0  }
0x12: {  	s1 =	sld [smem:$0x3F9B];
	s0 =	simm.s32 @p0 $0x1  }
0x13: {  	[smem:$0x3FB6] =	sst s0;
	s0 =	simm.s32 @!p1 $0x0  }
0x14: {  	s2 =	sld [smem:$0x3F9A];
	s0 =	simm.s32 @p1 $0x1  }
0x15: {  	[smem:$0x3FB7] =	sst s0;
	s0 =	simm.s32 @!p2 $0x0  }
0x16: {  	s3 =	sld [smem:$0x3FDB];
	s0 =	simm.s32 @p2 $0x1  }
0x17: {  	s4 =	simm.s32 $0x1BF5;
	[smem:$0x3FB9] =	sst s0  }
0x18: {  	s0 =	sld [smem:$0x3F9C];
	_ =	swait.ge [sflag:s4], $0x0  }
0x19: {  	s7 =	sld [smem:$0x3F9D]  }
0x1a: {  	s8 =	sadd.s32 $0xFFFFE003, lr  }
0x1b: {  	s9 =	sadd.s32 $0xFFFFFEF7, lr;
	s5 =	simm.s32 $0xFFFFFFFF;
	p2 =	slt.u32 s8, $0xFFFFF086  }
0x1c: {  	p1 =	slt.u32 s9, $0xF7A;
	s5 =	simm.s32 @!p2 $0x0  }
0x1d: {  	s5 =	simm.s32 @p1 $0x1;
	p0 =	seq.s32 s7, s2  }
0x1e: {  	s7 =	smul.u32 @!p0 $0xF7A, s2;
	p2 =	seq.s32 @!p0 s5, $0x0  }
0x1f: {  	s9 =	smul.u32 $0xF7A, s1;
	s8 =	simm.s32 @!p0 $0x1BF5;
	p2 =	por !p2, p0  }
0x20: {  	[sflag:s8] =	ssyncset.s32 @!p0 $0xFFFFF086;
	s6 =	sadd.s32 @!p0 s3, s7;
	s7 =	simm.s32 @!p0 $0x108  }
0x21: {  	s3 =	sadd.s32 s3, s9;
	s6 =	sadd.s32 @!p0 $0x88, s6;
	s7 =	simm.s32 @p2 $0x1082  }
0x22: {  	[simem:s7], [sflag:s8] =	dma.local @!p0 [hbm:s6], $0xF7A  }
0x23: {  	s9 =	sor.u32 $0xD0000000, s2;
	s6 =	simm.s32 $0x108;
	_ =	swait.ge @!p0 [sflag:s8], $0x0  }
0x24: {  	s3 =	sadd.s32 $0x88, s3;
	s6 =	simm.s32 @!p1 $0x1082;
	[sflag:s4] =	ssyncset.s32 $0xFFFFF086  }
0x25: {  	[simem:s6], [sflag:s4] =	dma.local [hbm:s3], $0xF7A  }
0x26: {  	[smem:$0x3F9D] =	sst s1;
	(tag) =	ssettag s2;
	_ =	strace s9  }
0x27: {  	s1 =	sld [smem:$0x3FAD]  }
0x28: {  	s2 =	sld [smem:$0x3FAE]  }
0x29: {  	s4 =	sld [smem:$0x3FB0]  }
0x2a: {  	p0 =	seq.s32 s5, $0x0;
	s5 =	sld [smem:$0x3FB1]  }
0x2b: {  	s6 =	sld [smem:$0x3FB2]  }
0x2c: {  	s7 =	sld [smem:$0x3FB3]  }
0x2d: {  	s3 =	simm.s32 $0x108;
	s8 =	sld [smem:$0x3FB4]  }
0x2e: {  	s3 =	simm.s32 @!p0 $0x1082;
	s9 =	sld [smem:$0x3FB5]  }
0x2f: {  	lr =	sadd.s32 s0, s3;
	s0 =	sld [smem:$0x3FAC]  }
0x30: {  	s3 =	sld [smem:$0x3FAF]  }
0x31: {  	[smem:$0x3FB8] =	sst s10  }
0x32: {  	s10 =	sld [smem:$0x3FB6];
	_ =	sdelay $0x3  }
0x33: {  	p0 =	seq.s32 s10, $0x1;
	s10 =	sld [smem:$0x3FB8];
	_ =	sdelay $0x3  }
0x34: {  	[smem:$0x3FB8] =	sst s10  }
0x35: {  	s10 =	sld [smem:$0x3FB7];
	_ =	sdelay $0x3  }
0x36: {  	p1 =	seq.s32 s10, $0x1;
	s10 =	sld [smem:$0x3FB8];
	_ =	sdelay $0x3  }
0x37: {  	[smem:$0x3FB8] =	sst s10  }
0x38: {  	s10 =	sld [smem:$0x3FB9]  }
0x39: {  	_ = 	snop;
	(pc) =	sbr.ind lr, $3  }
0x3a: {  	_ = 	snop  }
0x3b: {  	_ = 	snop  }
0x3c: {  	p2 =	seq.s32 s10, $0x1;
	s10 =	sld [smem:$0x3FB8]  }
0x3d: {  	_ =	shalt  }
0x3e: {  	_ =	shalt  }
0x3f: {  	_ =	shalt  }
0x40: {  	_ =	shalt  }
0x41: {  	_ =	shalt  }
0x42: {  	_ =	shalt  }
0x43: {  	_ =	shalt  }
0x44: {  	_ =	shalt  }
0x45: {  	_ =	shalt  }
0x46: {  	_ =	shalt  }
0x47: {  	_ =	shalt  }
0x48: {  	_ =	shalt  }
0x49: {  	_ =	shalt  }
0x4a: {  	_ =	shalt  }
0x4b: {  	_ =	shalt  }
0x4c: {  	_ =	shalt  }
0x4d: {  	_ =	shalt  }
0x4e: {  	_ =	shalt  }
0x4f: {  	_ =	shalt  }
0x50: {  	_ =	shalt  }
0x51: {  	_ =	shalt  }
0x52: {  	_ =	shalt  }
0x53: {  	_ =	shalt  }
0x54: {  	_ =	shalt  }
0x55: {  	_ =	shalt  }
0x56: {  	_ =	shalt  }
0x57: {  	_ =	shalt  }
0x58: {  	_ =	shalt  }
0x59: {  	_ =	shalt  }
0x5a: {  	_ =	shalt  }
0x5b: {  	_ =	shalt  }
0x5c: {  	_ =	shalt  }
0x5d: {  	_ =	shalt  }
0x5e: {  	_ =	shalt  }
0x5f: {  	_ =	shalt  }
0x60: {  	_ =	shalt  }
0x61: {  	_ =	shalt  }
0x62: {  	_ =	shalt  }
0x63: {  	_ =	shalt  }
0x64: {  	_ =	shalt  }
0x65: {  	_ =	shalt  }
0x66: {  	_ =	shalt  }
0x67: {  	_ =	shalt  }
0x68: {  	_ =	shalt  }
0x69: {  	_ =	shalt  }
0x6a: {  	_ =	shalt  }
0x6b: {  	_ =	shalt  }
0x6c: {  	_ =	shalt  }
0x6d: {  	_ =	shalt  }
0x6e: {  	_ =	shalt  }
0x6f: {  	_ =	shalt  }
0x70: {  	_ =	shalt  }
0x71: {  	_ =	shalt  }
0x72: {  	_ =	shalt  }
0x73: {  	_ =	shalt  }
0x74: {  	_ =	shalt  }
0x75: {  	_ =	shalt  }
0x76: {  	_ =	shalt  }
0x77: {  	_ =	shalt  }
0x78: {  	_ =	shalt  }
0x79: {  	_ =	shalt  }
0x7a: {  	_ =	shalt  }
0x7b: {  	_ =	shalt  }
0x7c: {  	_ =	shalt  }
0x7d: {  	_ =	shalt  }
0x7e: {  	_ =	shalt  }
0x7f: {  	_ =	shalt  }
0x80: {  	_ =	shalt  }
0x81: {  	_ =	shalt  }
0x82: {  	_ =	shalt  }
0x83: {  	_ =	shalt  }
0x84: {  	_ =	shalt  }
0x85: {  	_ =	shalt  }
0x86: {  	_ =	shalt  }
0x87: {  	_ =	shalt  }
.Lfunc_end0:
.L_simem_size_0:
called_computation_lowered:
.L_overlay_start_0:
0x88: {  	s2 =	sld [smem:$0x3FD9]  }
0x89: {  	s3 =	sld [smem:$0x3FFE];
	_ =	sdelay $0x1  }
0x8a: {  	s1 =	srdreg.scid  }
0x8b: {  	s0 =	sand.u32 $0x1, s1  }
0x8c: {  	s17 =	sshll.u32 s0, $0xA;
	s2 =	sadd.s32 s3, s2  }
0x8d: {  	s2 =	sadd.s32 s2, s17  }
0x8e: {  	[smem:$0x3FC4] =	sst s2  }
0x8f: {  	_ = 	snop  }
0x90: {  	s2 =	sld [smem:$0x3FC9]  }
0x91: {  	s18 =	sld [smem:$0x3FD0];
	(tm) =	ssettm $0x1  }
0x92: {  	s4 =	sld [smem:$0x3FFB];
	_ =	sdelay $0x3  }
0x93: {  	_ =	strace s4  }
0x94: {  	s4 =	sld [smem:$0x3FFC];
	_ =	sdelay $0x3  }
0x95: {  	_ =	strace s4  }
0x96: {  	s4 =	sld [smem:$0x3FFD];
	_ =	sdelay $0x3  }
0x97: {  	_ =	strace s4  }
0x98: {  	_ =	strace $0x8FFFFFFF  }
0x99: {  	s19 =	sld [smem:$0x3FDB];
	_ =	sdelay $0x1  }
0x9a: {  	s5 =	simm.s32 $_scs_section_size  }
0x9b: {  	s6 =	simm.s32 $_size__tile_overlayer_lowered;
	s7 =	simm.s32 $_tile_overlayer_lowered  }
0x9c: {  	s22 =	simm.s32 $0x1BFF;
	s21 =	sshll.u32 s7, $0x1;
	s4 =	sadd.s32 s5, s19  }
0x9d: {  	s8 =	simm.s32 $0x0;
	s20 =	sshll.u32 s6, $0x1;
	s6 =	sadd.s32 s21, s4  }
0x9e: {  	[timem:s8], [sflag:s22] =	dma.local [hbm:s6], s20  }
0x9f: {  	_ =	swait.ge [sflag:s22], s20  }
0xa0: {  	s5 =	ssub.s32 $0x0, s20;
	[sflag:s22] =	ssyncset.done $0x0  }
0xa1: {  	[sflag:s22] =	ssyncadd.s32 s5;
	_ =	sdelay $0x1  }
0xa2: {  	s23 =	simm.s32 $0x1B8B  }
0xa3: {  	_ =	swait.ge [sflag:s23], $0x1  }
0xa4: {  	[sflag:s23] =	ssyncset.done $0x0  }
0xa5: {  	s25 =	simm.s32 $0x1B8E;
	s24 =	sld [smem:$0x3FFE];
	[sflag:s23] =	ssyncadd.s32 $0xFFFFFFFF  }
0xa6: {  	s26 =	simm.s32 $execute0_lowered;
	[smem:$0x3FD2] =	sst s25  }
0xa7: {  	s6 =	sshll.u32 s26, $0x1;
	_ =	strace $0x80000046;
	[dreg:$0x1] =	wrdreg $0xFFFFFFFF  }
0xa8: {  	s28 =	simm.s32 $_size_execute0_lowered;
	s4 =	sadd.s32 s4, s6;
	[dreg:$0x0] =	wrdreg $0x0  }
0xa9: {  	s6 =	sshll.u32 s28, $0x1;
	[dreg:$0x2] =	wrdreg s4  }
0xaa: {  	[dreg:$0x3] =	wrdreg s6  }
0xab: {  	[dreg:$0x4] =	wrdreg $0xC0  }
0xac: {  	_ =	task [dreg:s8], $0x5FFFF  }
0xad: {  	[dreg:$0x1] =	wrdreg $0xFFFFFFFF  }
0xae: {  	[dreg:$0x0] =	wrdreg $0x60  }
0xaf: {  	[dreg:$0x2] =	wrdreg s2  }
0xb0: {  	[dreg:$0x3] =	wrdreg s24  }
0xb1: {  	[dreg:$0x4] =	wrdreg s18  }
0xb2: {  	[dreg:$0x5] =	wrdreg $0x9  }
0xb3: {  	_ =	task.clear_ibuf [dreg:s8], $0x6FFFF;
	_ =	strace $0x90000046  }
0xb4: {  	s29 =	simm.s32 $0x9;
	_ =	strace $0x80000048  }
0xb5: {  	_ =	swait.ge [sflag:s29], $0x1  }
0xb6: {  	[sflag:s29] =	ssyncadd.s32 $0xFFFFFFFF  }
0xb7: {  	_ =	strace $0x90000048  }
0xb8: {  	_ =	sfence  }
0xb9: {  	s30 =	sld [smem:$0x0];
	_ =	sdelay $0x2  }
0xba: {  	s31 =	sshll.u32 s1, $0xD;
	s1 =	sshrl.u32 s1, $0x2  }
0xbb: {  	s3 =	sand.u32 $0x4000, s31;
	s1 =	sadd.s32 s1, s30  }
0xbc: {  	s0 =	sor.u32 s3, s0;
	s1 =	sshll.u32 s1, $0x11  }
0xbd: {  	s0 =	sor.u32 s1, s0  }
0xbe: {  	s0 =	sadd.s32 $0x8F2B, s0  }
0xbf: {  	[sflag:s0] =	ssyncadd.remote.s32 $0x1  }
0xc0: {  	_ =	sfence.sel $0xFFFF  }
0xc1: {  	[dreg:$0x0] =	wrdreg $0xFFFFFFFF;
	(pc) =	sbr.abs _section_cstart, $3  }
0xc2: {  	[dreg:$0x1] =	wrdreg $0xFFFFFFFF  }
0xc3: {  	_ =	task.clear_ibuf [dreg:s8], $0x2FFFF;
	_ =	strace $0x9FFFFFFF  }
0xc4: {  	(tm) =	ssettm $0x7FFFFFFF  }
0xc5: {  	_ =	shalt  }
tec
execute0_lowered:
.L_overlay_start_1:
0x0: {  	(tag) =	ssettag $0x1  }
0x1: {  	s0 =	srdreg.scid;
	s1 =	rddreg [dreg:$0x0]  }
0x2: {  	s3 =	stileid.u32;
	s2 =	rddreg [dreg:$0x1];
	s9 =	simm.s32 $0x6  }
0x3: {  	s18 =	simm.s32 $0x5;
	s14 =	simm.s32 $0x200;
	s28 =	simm.s32 $0x4A00  }
0x4: {  	s29 =	simm.s32 $0x5200;
	s30 =	simm.s32 $0x5A00;
	s31 =	simm.s32 $0x6200  }
0x5: {  	s10 =	simm.s32 $0x8200;
	s11 =	simm.s32 $0x8A00;
	s12 =	simm.s32 $0x9200  }
0x6: {  	s13 =	simm.s32 $0x9A00;
	s8 =	simm.s32 $0xA200;
	s15 =	simm.s32 $0xAA00  }
0x7: {  	s16 =	simm.s32 $0xB200;
	s17 =	simm.s32 $0xBA00;
	s0 =	sand.u32 $0x1, s0  }
0x8: {  	s3 =	sshll.u32 s3, $0x4;
	s4 =	sshll.u32 s0, $0x3;
	s0 =	ssub.s32 $0x2, s0  }
0x9: {  	s4 =	sor.u32 s4, s3;
	s3 =	simm.s32 $0x0;
	s25 =	sshrl.u32 s0, $0x1  }
0xa: {  	s5 =	smul.u32 $0x300, s4;
	[smem:$0x7FF] =	sst s3;
	s6 =	sadd.s32 s4, s2  }
0xb: {  	s4 =	sadd.s32 $0x2600, s2;
	s0 =	ssub.s32 s0, s25;
	s22 =	sadd.s32 $0x1E00, s6  }
0xc: {  	_ =	strace $0x80000047;
	s23 =	sadd.s32 $0x2000, s6;
	[dreg:$0x5] =	wrdreg s22  }
0xd: {  	s25 =	simm.s32 $0x3A00;
	s24 =	sadd.s32 $0x2200, s6;
	[dreg:$0x6] =	wrdreg s23  }
0xe: {  	s26 =	sadd.s32 $0x2400, s6;
	s6 =	sadd.s32 $0x2800, s2;
	[dreg:$0x7] =	wrdreg s24  }
0xf: {  	v2 =	vlaneseq.u32;
	s7 =	smax.u32 s0, $0x1;
	s1 =	sadd.s32 s1, s5;
	[dreg:$0x8] =	wrdreg s26  }
0x10: {  	vm0 =	vmmov $0xffff;
	v1 =	vshrl.u32 v2, $0x3;
	s5 =	sadd.s32 $0x2700, s2;
	s24 =	simm.s32 $0x3200;
	s26 =	simm.s32 $0x4200  }
0x11: {  	v0 =	vand.u32 $0x7, v2;
	v2 =	vor.u32 $0x8, v2;
	v1 =	vmul.u32 $0x8, v1;
	s2 =	simm.s32 $0x7A00;
	[dreg:$0x4] =	wrdreg s1;
	s1 =	simm.s32 $0x6A00  }
.LBB2_1:
0x12: {  	s19 =	rddreg [dreg:$0x4]  }
0x13: {  	[tilespmem:s14], [sflag:$0x1] =	stream.linear.gather [hbm4b:s19+s3], $0xC000, $0x38;
	[tilespmem:$0xC200] =	vst v63  }
0x14: {  	s20 =	rddreg [dreg:$0x5]  }
0x15: {  	[tilespmem:s3], [sflag:$0x6] =	stream.linear.gather [hbm4b:s20+s3], $0x40, $0x38;
	[tilespmem:$0xC200] =	vst v63  }
0x16: {  	_ =	swait.ge [sflag:s9], $0x40  }
0x17: {  	[sflag:s9] =	ssyncset.done $0x0  }
0x18: {  	s20 =	simm.s32 $0x80;
	s21 =	rddreg [dreg:$0x6];
	[sflag:s9] =	ssyncadd.s32 $0xFFFFFFC0  }
0x19: {  	[tilespmem:s20], [sflag:$0x6] =	stream.linear.gather [hbm4b:s21+s3], $0x40, $0x38;
	[tilespmem:$0xC200] =	vst v63  }
0x1a: {  	_ =	swait.ge [sflag:s9], $0x40  }
0x1b: {  	[sflag:s9] =	ssyncset.done $0x0  }
0x1c: {  	s21 =	simm.s32 $0x100;
	s22 =	rddreg [dreg:$0x7];
	[sflag:s9] =	ssyncadd.s32 $0xFFFFFFC0  }
0x1d: {  	[tilespmem:s21], [sflag:$0x6] =	stream.linear.gather [hbm4b:s22+s3], $0x40, $0x38;
	[tilespmem:$0xC200] =	vst v63  }
0x1e: {  	_ =	swait.ge [sflag:s9], $0x40  }
0x1f: {  	[sflag:s9] =	ssyncset.done $0x0  }
0x20: {  	s22 =	simm.s32 $0x180;
	s23 =	rddreg [dreg:$0x8];
	[sflag:s9] =	ssyncadd.s32 $0xFFFFFFC0  }
0x21: {  	[tilespmem:s22], [sflag:$0x6] =	stream.linear.gather [hbm4b:s23+s3], $0x40, $0x38;
	[tilespmem:$0xC200] =	vst v63  }
0x22: {  	_ =	swait.ge [sflag:s9], $0x40  }
0x23: {  	[sflag:s9] =	ssyncset.done $0x0  }
0x24: {  	[sflag:s9] =	ssyncadd.s32 $0xFFFFFFC0  }
0x25: {  	s23 =	simm.s32 $0x40;
	s0 =	rddreg [dreg:$0x2]  }
0x26: {  	[hbm4b:s0+s23] =	stream.indirect.scatter [tilespmem:s21], [sflag:$0x4], $0x1, s3, s23, $0xb8;
	[tilespmem:$0xC200] =	vst v63  }
0x27: {  	_ = 	snop  }
0x28: {  	[hbm4b:s0+s23] =	stream.indirect.scatter [tilespmem:s22], [sflag:$0x5], $0x1, s20, s23, $0xb8;
	[tilespmem:$0xC200] =	vst v63  }
0x29: {  	s0 =	simm.s32 $0x1  }
0x2a: {  	_ =	swait.ge [sflag:s0], $0xC000  }
0x2b: {  	[sflag:s0] =	ssyncset.done $0x0  }
0x2c: {  	[sflag:s0] =	ssyncadd.s32 $0xFFFF4000  }
0x2d: {  	v3 =	vld [tilespmem:$0x0];
	_ =	sdelay $0x4  }
0x2e: {  	v4 =	vshrl.u32 v3, $0x3  }
0x2f: {  	v4 =	vmul.u32 $0x30, v4  }
0x30: {  	v3 =	vand.u32 $0x7, v3  }
0x31: {  	v3 =	vor.u32 v3, v4  }
0x32: {  	v4 =	vperm.xlane v3, v0;
	_ =	sdelay $0x1  }
0x33: {  	v4 =	vadd.s32 v1, v4;
	_ =	sdelay $0x3  }
0x34: {  	v3 =	vperm.xlane v3, v2  }
0x35: {  	[hbm4b:s4+s3] =	stream.indirect_vreg.scatter [tilespmem:s14], [sflag:$0x2], $0x80, v4, vm0, $0xb8;
	[tilespmem:$0xC200] =	vst v63  }
0x36: {  	s19 =	simm.s32 $0xA00;
	v3 =	vadd.s32 v1, v3  }
0x37: {  	[hbm4b:s5+s3] =	stream.indirect_vreg.scatter [tilespmem:s19], [sflag:$0x2], $0x80, v4, vm0, $0xb8;
	[tilespmem:$0xC200] =	vst v63  }
0x38: {  	s20 =	simm.s32 $0x1200  }
0x39: {  	[hbm4b:s6+s3] =	stream.indirect_vreg.scatter [tilespmem:s20], [sflag:$0x2], $0x80, v4, vm0, $0xb8;
	[tilespmem:$0xC200] =	vst v63  }
0x3a: {  	s21 =	simm.s32 $0x1A00  }
0x3b: {  	[hbm4b:s4+s3] =	stream.indirect_vreg.scatter [tilespmem:s21], [sflag:$0x2], $0x80, v3, vm0, $0xb8;
	[tilespmem:$0xC200] =	vst v63  }
0x3c: {  	s22 =	simm.s32 $0x2200  }
0x3d: {  	[hbm4b:s5+s3] =	stream.indirect_vreg.scatter [tilespmem:s22], [sflag:$0x2], $0x80, v3, vm0, $0xb8;
	[tilespmem:$0xC200] =	vst v63  }
0x3e: {  	s23 =	simm.s32 $0x2A00  }
0x3f: {  	[hbm4b:s6+s3] =	stream.indirect_vreg.scatter [tilespmem:s23], [sflag:$0x2], $0x80, v3, vm0, $0xb8;
	[tilespmem:$0xC200] =	vst v63  }
0x40: {  	v3 =	vld [tilespmem:$0x10];
	_ =	sdelay $0x4  }
0x41: {  	v57 =	vshrl.u32 v3, $0x3  }
0x42: {  	v4 =	vmul.u32 $0x30, v57  }
0x43: {  	v3 =	vand.u32 $0x7, v3  }
0x44: {  	v3 =	vor.u32 v3, v4  }
0x45: {  	v4 =	vperm.xlane v3, v0;
	_ =	sdelay $0x1  }
0x46: {  	v4 =	vadd.s32 v1, v4;
	_ =	sdelay $0x3  }
0x47: {  	v3 =	vperm.xlane v3, v2  }
0x48: {  	[hbm4b:s4+s3] =	stream.indirect_vreg.scatter [tilespmem:s24], [sflag:$0x2], $0x80, v4, vm0, $0xb8;
	[tilespmem:$0xC200] =	vst v63  }
0x49: {  	v3 =	vadd.s32 v1, v3  }
0x4a: {  	[hbm4b:s5+s3] =	stream.indirect_vreg.scatter [tilespmem:s25], [sflag:$0x2], $0x80, v4, vm0, $0xb8;
	[tilespmem:$0xC200] =	vst v63  }
0x4b: {  	_ = 	snop  }
0x4c: {  	[hbm4b:s6+s3] =	stream.indirect_vreg.scatter [tilespmem:s26], [sflag:$0x2], $0x80, v4, vm0, $0xb8;
	[tilespmem:$0xC200] =	vst v63  }
0x4d: {  	_ = 	snop  }
0x4e: {  	[hbm4b:s4+s3] =	stream.indirect_vreg.scatter [tilespmem:s28], [sflag:$0x2], $0x80, v3, vm0, $0xb8;
	[tilespmem:$0xC200] =	vst v63  }
0x4f: {  	_ = 	snop  }
0x50: {  	[hbm4b:s5+s3] =	stream.indirect_vreg.scatter [tilespmem:s29], [sflag:$0x2], $0x80, v3, vm0, $0xb8;
	[tilespmem:$0xC200] =	vst v63  }
0x51: {  	_ = 	snop  }
0x52: {  	[hbm4b:s6+s3] =	stream.indirect_vreg.scatter [tilespmem:s30], [sflag:$0x2], $0x80, v3, vm0, $0xb8;
	[tilespmem:$0xC200] =	vst v63  }
0x53: {  	v3 =	vld [tilespmem:$0x20];
	_ =	sdelay $0x4  }
0x54: {  	v58 =	vshrl.u32 v3, $0x3  }
0x55: {  	v4 =	vmul.u32 $0x30, v58  }
0x56: {  	v3 =	vand.u32 $0x7, v3  }
0x57: {  	v3 =	vor.u32 v3, v4  }
0x58: {  	v4 =	vperm.xlane v3, v0;
	_ =	sdelay $0x1  }
0x59: {  	v4 =	vadd.s32 v1, v4;
	_ =	sdelay $0x3  }
0x5a: {  	v3 =	vperm.xlane v3, v2  }
0x5b: {  	[hbm4b:s4+s3] =	stream.indirect_vreg.scatter [tilespmem:s31], [sflag:$0x2], $0x80, v4, vm0, $0xb8;
	[tilespmem:$0xC200] =	vst v63  }
0x5c: {  	v3 =	vadd.s32 v1, v3  }
0x5d: {  	[hbm4b:s5+s3] =	stream.indirect_vreg.scatter [tilespmem:s1], [sflag:$0x2], $0x80, v4, vm0, $0xb8;
	[tilespmem:$0xC200] =	vst v63  }
0x5e: {  	s0 =	simm.s32 $0x7200  }
0x5f: {  	[hbm4b:s6+s3] =	stream.indirect_vreg.scatter [tilespmem:s0], [sflag:$0x2], $0x80, v4, vm0, $0xb8;
	[tilespmem:$0xC200] =	vst v63  }
0x60: {  	_ = 	snop  }
0x61: {  	[hbm4b:s4+s3] =	stream.indirect_vreg.scatter [tilespmem:s2], [sflag:$0x2], $0x80, v3, vm0, $0xb8;
	[tilespmem:$0xC200] =	vst v63  }
0x62: {  	_ = 	snop  }
0x63: {  	[hbm4b:s5+s3] =	stream.indirect_vreg.scatter [tilespmem:s10], [sflag:$0x2], $0x80, v3, vm0, $0xb8;
	[tilespmem:$0xC200] =	vst v63  }
0x64: {  	_ = 	snop  }
0x65: {  	[hbm4b:s6+s3] =	stream.indirect_vreg.scatter [tilespmem:s11], [sflag:$0x2], $0x80, v3, vm0, $0xb8;
	[tilespmem:$0xC200] =	vst v63  }
0x66: {  	v3 =	vld [tilespmem:$0x30];
	_ =	sdelay $0x4  }
0x67: {  	v59 =	vshrl.u32 v3, $0x3  }
0x68: {  	v4 =	vmul.u32 $0x30, v59  }
0x69: {  	v3 =	vand.u32 $0x7, v3  }
0x6a: {  	v3 =	vor.u32 v3, v4  }
0x6b: {  	v4 =	vperm.xlane v3, v0;
	_ =	sdelay $0x1  }
0x6c: {  	v4 =	vadd.s32 v1, v4;
	_ =	sdelay $0x3  }
0x6d: {  	v3 =	vperm.xlane v3, v2  }
0x6e: {  	[hbm4b:s4+s3] =	stream.indirect_vreg.scatter [tilespmem:s12], [sflag:$0x2], $0x80, v4, vm0, $0xb8;
	[tilespmem:$0xC200] =	vst v63  }
0x6f: {  	v3 =	vadd.s32 v1, v3  }
0x70: {  	[hbm4b:s5+s3] =	stream.indirect_vreg.scatter [tilespmem:s13], [sflag:$0x2], $0x80, v4, vm0, $0xb8;
	[tilespmem:$0xC200] =	vst v63  }
0x71: {  	_ = 	snop  }
0x72: {  	[hbm4b:s6+s3] =	stream.indirect_vreg.scatter [tilespmem:s8], [sflag:$0x2], $0x80, v4, vm0, $0xb8;
	[tilespmem:$0xC200] =	vst v63  }
0x73: {  	_ = 	snop  }
0x74: {  	[hbm4b:s4+s3] =	stream.indirect_vreg.scatter [tilespmem:s15], [sflag:$0x2], $0x80, v3, vm0, $0xb8;
	[tilespmem:$0xC200] =	vst v63  }
0x75: {  	_ = 	snop  }
0x76: {  	[hbm4b:s5+s3] =	stream.indirect_vreg.scatter [tilespmem:s16], [sflag:$0x2], $0x80, v3, vm0, $0xb8;
	[tilespmem:$0xC200] =	vst v63  }
0x77: {  	_ = 	snop  }
0x78: {  	[hbm4b:s6+s3] =	stream.indirect_vreg.scatter [tilespmem:s17], [sflag:$0x2], $0x80, v3, vm0, $0xb8;
	[tilespmem:$0xC200] =	vst v63  }
0x79: {  	v3 =	vld [tilespmem:$0x80];
	_ =	sdelay $0x4  }
0x7a: {  	v60 =	vshrl.u32 v3, $0x3  }
0x7b: {  	v4 =	vmul.u32 $0x30, v60  }
0x7c: {  	v3 =	vand.u32 $0x7, v3  }
0x7d: {  	v3 =	vor.u32 v3, v4  }
0x7e: {  	v4 =	vperm.xlane v3, v0;
	_ =	sdelay $0x1  }
0x7f: {  	v4 =	vadd.s32 v1, v4;
	_ =	sdelay $0x3  }
0x80: {  	v3 =	vperm.xlane v3, v2  }
0x81: {  	[hbm4b:s4+s3] =	stream.indirect_vreg.scatter [tilespmem:s14], [sflag:$0x3], $0x80, v4, vm0, $0xb8;
	[tilespmem:$0xC200] =	vst v63  }
0x82: {  	v3 =	vadd.s32 v1, v3  }
0x83: {  	[hbm4b:s5+s3] =	stream.indirect_vreg.scatter [tilespmem:s19], [sflag:$0x3], $0x80, v4, vm0, $0xb8;
	[tilespmem:$0xC200] =	vst v63  }
0x84: {  	_ = 	snop  }
0x85: {  	[hbm4b:s6+s3] =	stream.indirect_vreg.scatter [tilespmem:s20], [sflag:$0x3], $0x80, v4, vm0, $0xb8;
	[tilespmem:$0xC200] =	vst v63  }
0x86: {  	_ = 	snop  }
0x87: {  	[hbm4b:s4+s3] =	stream.indirect_vreg.scatter [tilespmem:s21], [sflag:$0x3], $0x80, v3, vm0, $0xb8;
	[tilespmem:$0xC200] =	vst v63  }
0x88: {  	_ = 	snop  }
0x89: {  	[hbm4b:s5+s3] =	stream.indirect_vreg.scatter [tilespmem:s22], [sflag:$0x3], $0x80, v3, vm0, $0xb8;
	[tilespmem:$0xC200] =	vst v63  }
0x8a: {  	_ = 	snop  }
0x8b: {  	[hbm4b:s6+s3] =	stream.indirect_vreg.scatter [tilespmem:s23], [sflag:$0x3], $0x80, v3, vm0, $0xb8;
	[tilespmem:$0xC200] =	vst v63  }
0x8c: {  	v3 =	vld [tilespmem:$0x90];
	_ =	sdelay $0x4  }
0x8d: {  	v61 =	vshrl.u32 v3, $0x3  }
0x8e: {  	v4 =	vmul.u32 $0x30, v61  }
0x8f: {  	v3 =	vand.u32 $0x7, v3  }
0x90: {  	v3 =	vor.u32 v3, v4  }
0x91: {  	v4 =	vperm.xlane v3, v0;
	_ =	sdelay $0x1  }
0x92: {  	v4 =	vadd.s32 v1, v4;
	_ =	sdelay $0x3  }
0x93: {  	v3 =	vperm.xlane v3, v2  }
0x94: {  	[hbm4b:s4+s3] =	stream.indirect_vreg.scatter [tilespmem:s24], [sflag:$0x3], $0x80, v4, vm0, $0xb8;
	[tilespmem:$0xC200] =	vst v63  }
0x95: {  	v3 =	vadd.s32 v1, v3  }
0x96: {  	[hbm4b:s5+s3] =	stream.indirect_vreg.scatter [tilespmem:s25], [sflag:$0x3], $0x80, v4, vm0, $0xb8;
	[tilespmem:$0xC200] =	vst v63  }
0x97: {  	_ = 	snop  }
0x98: {  	[hbm4b:s6+s3] =	stream.indirect_vreg.scatter [tilespmem:s26], [sflag:$0x3], $0x80, v4, vm0, $0xb8;
	[tilespmem:$0xC200] =	vst v63  }
0x99: {  	_ = 	snop  }
0x9a: {  	[hbm4b:s4+s3] =	stream.indirect_vreg.scatter [tilespmem:s28], [sflag:$0x3], $0x80, v3, vm0, $0xb8;
	[tilespmem:$0xC200] =	vst v63  }
0x9b: {  	_ = 	snop  }
0x9c: {  	[hbm4b:s5+s3] =	stream.indirect_vreg.scatter [tilespmem:s29], [sflag:$0x3], $0x80, v3, vm0, $0xb8;
	[tilespmem:$0xC200] =	vst v63  }
0x9d: {  	_ = 	snop  }
0x9e: {  	[hbm4b:s6+s3] =	stream.indirect_vreg.scatter [tilespmem:s30], [sflag:$0x3], $0x80, v3, vm0, $0xb8;
	[tilespmem:$0xC200] =	vst v63  }
0x9f: {  	v3 =	vld [tilespmem:$0xA0];
	_ =	sdelay $0x4  }
0xa0: {  	v62 =	vshrl.u32 v3, $0x3  }
0xa1: {  	v4 =	vmul.u32 $0x30, v62  }
0xa2: {  	v3 =	vand.u32 $0x7, v3  }
0xa3: {  	v3 =	vor.u32 v3, v4  }
0xa4: {  	v4 =	vperm.xlane v3, v0;
	_ =	sdelay $0x1  }
0xa5: {  	v4 =	vadd.s32 v1, v4;
	_ =	sdelay $0x3  }
0xa6: {  	v3 =	vperm.xlane v3, v2  }
0xa7: {  	[hbm4b:s4+s3] =	stream.indirect_vreg.scatter [tilespmem:s31], [sflag:$0x3], $0x80, v4, vm0, $0xb8;
	[tilespmem:$0xC200] =	vst v63  }
0xa8: {  	v3 =	vadd.s32 v1, v3  }
0xa9: {  	[hbm4b:s5+s3] =	stream.indirect_vreg.scatter [tilespmem:s1], [sflag:$0x3], $0x80, v4, vm0, $0xb8;
	[tilespmem:$0xC200] =	vst v63  }
0xaa: {  	_ = 	snop  }
0xab: {  	[hbm4b:s6+s3] =	stream.indirect_vreg.scatter [tilespmem:s0], [sflag:$0x3], $0x80, v4, vm0, $0xb8;
	[tilespmem:$0xC200] =	vst v63  }
0xac: {  	_ = 	snop  }
0xad: {  	[hbm4b:s4+s3] =	stream.indirect_vreg.scatter [tilespmem:s2], [sflag:$0x3], $0x80, v3, vm0, $0xb8;
	[tilespmem:$0xC200] =	vst v63  }
0xae: {  	_ = 	snop  }
0xaf: {  	[hbm4b:s5+s3] =	stream.indirect_vreg.scatter [tilespmem:s10], [sflag:$0x3], $0x80, v3, vm0, $0xb8;
	[tilespmem:$0xC200] =	vst v63  }
0xb0: {  	_ = 	snop  }
0xb1: {  	[hbm4b:s6+s3] =	stream.indirect_vreg.scatter [tilespmem:s11], [sflag:$0x3], $0x80, v3, vm0, $0xb8;
	[tilespmem:$0xC200] =	vst v63  }
0xb2: {  	v3 =	vld [tilespmem:$0xB0];
	_ =	sdelay $0x4  }
0xb3: {  	v63 =	vshrl.u32 v3, $0x3  }
0xb4: {  	v4 =	vmul.u32 $0x30, v63  }
0xb5: {  	v3 =	vand.u32 $0x7, v3  }
0xb6: {  	v3 =	vor.u32 v3, v4  }
0xb7: {  	v4 =	vperm.xlane v3, v0;
	_ =	sdelay $0x1  }
0xb8: {  	v4 =	vadd.s32 v1, v4;
	_ =	sdelay $0x3  }
0xb9: {  	v3 =	vperm.xlane v3, v2  }
0xba: {  	[hbm4b:s4+s3] =	stream.indirect_vreg.scatter [tilespmem:s12], [sflag:$0x3], $0x80, v4, vm0, $0xb8;
	[tilespmem:$0xC200] =	vst v63  }
0xbb: {  	v3 =	vadd.s32 v1, v3  }
0xbc: {  	[hbm4b:s5+s3] =	stream.indirect_vreg.scatter [tilespmem:s13], [sflag:$0x3], $0x80, v4, vm0, $0xb8;
	[tilespmem:$0xC200] =	vst v63  }
0xbd: {  	_ = 	snop  }
0xbe: {  	[hbm4b:s6+s3] =	stream.indirect_vreg.scatter [tilespmem:s8], [sflag:$0x3], $0x80, v4, vm0, $0xb8;
	[tilespmem:$0xC200] =	vst v63  }
0xbf: {  	_ = 	snop  }
0xc0: {  	[hbm4b:s4+s3] =	stream.indirect_vreg.scatter [tilespmem:s15], [sflag:$0x3], $0x80, v3, vm0, $0xb8;
	[tilespmem:$0xC200] =	vst v63  }
0xc1: {  	_ = 	snop  }
0xc2: {  	[hbm4b:s5+s3] =	stream.indirect_vreg.scatter [tilespmem:s16], [sflag:$0x3], $0x80, v3, vm0, $0xb8;
	[tilespmem:$0xC200] =	vst v63  }
0xc3: {  	s21 =	simm.s32 $0x2  }
0xc4: {  	[hbm4b:s6+s3] =	stream.indirect_vreg.scatter [tilespmem:s17], [sflag:$0x3], $0x80, v3, vm0, $0xb8;
	[tilespmem:$0xC200] =	vst v63  }
0xc5: {  	_ =	swait.ge [sflag:s21], $0xC000  }
0xc6: {  	[sflag:s21] =	ssyncset.done $0x0  }
0xc7: {  	s22 =	simm.s32 $0x3;
	[sflag:s21] =	ssyncadd.s32 $0xFFFF4000  }
0xc8: {  	_ =	swait.ge [sflag:s22], $0xC000  }
0xc9: {  	[sflag:s22] =	ssyncset.done $0x0  }
0xca: {  	s23 =	simm.s32 $0x4;
	[sflag:s22] =	ssyncadd.s32 $0xFFFF4000  }
0xcb: {  	p0 =	sne.s32 s7, $0x1;
	_ =	swait.ge [sflag:s23], $0x40  }
.Ltmp0:
0xcc: {  	[sflag:s23] =	ssyncset.done $0x0;
	(pc) =	sbr.rel @p0 .LBB2_1-.Ltmp0, $4  }
0xcd: {  	[sflag:s23] =	ssyncadd.s32 $0xFFFFFFC0  }
0xce: {  	_ =	swait.ge [sflag:s18], $0x40  }
0xcf: {  	[sflag:s18] =	ssyncset.done $0x0  }
0xd0: {  	s7 =	sadd.s32 $0xFFFFFFFF, s7;
	[sflag:s18] =	ssyncadd.s32 $0xFFFFFFC0  }
0xd1: {  	_ =	sfence.sel $0x180000  }
0xd2: {  	[bflag:$0x0] =	sbarrier.arrive $0xFFFF  }
0xd3: {  	_ =	strace $0x90000047  }
0xd4: {  	s0 =	stileid.u32;
	[bflag:$0x2] =	sbarrier.arrive $0xFFFF  }
0xd5: {  	p0 =	sne.s32 s0, $0x0;
	s0 =	rddreg [dreg:$0x3]  }
0xd6: {  	s0 =	sadd.s32 @!p0 $0x100000, s0  }
0xd7: {  	[sflag:s0] =	ssyncadd.tile.s32 @!p0 $0x1;
	_ =	shalt  }
.Lfunc_end2:
_tile_overlayer_lowered:
.L_overlay_start_2:
0xd8: {  	(tag) =	ssettag $0x2  }
0xd9: {  	s0 =	rddreg [dreg:$0x0];
	s2 =	stileid.u32  }
0xda: {  	s1 =	rddreg [dreg:$0x1];
	p0 =	sne.s32 s2, $0x0  }
0xdb: {  	s3 =	rddreg [dreg:$0x2];
	[bflag:$0x3] =	sbarrier.arrive $0xFFFF;
	s2 =	simm.s32 @!p0 $0x1C06  }
0xdc: {  	[timem:s3], [sflag:s2] =	dma.local @!p0 [hbm:s0], s1  }
0xdd: {  	s0 =	simm.s32 @!p0 $0x6  }
0xde: {  	_ =	swait.ge @!p0 [sflag:s0], s1  }
0xdf: {  	s1 =	ssub.s32 @!p0 $0x0, s1;
	[sflag:s0] =	ssyncset.done @!p0 $0x0  }
0xe0: {  	[sflag:s0] =	ssyncadd.s32 @!p0 s1  }
0xe1: {  	[bflag:$0x3] =	sbarrier.arrive $0xFFFF  }
0xe2: {  	_ =	shalt  }

// kernel: kernel.9.cloned.1.call-start
scs
__scs_entry_jumppad:
0x0: {  	(pc) =	sbr.rel $0x88, $3  }
0x1: {  	(tag) =	ssettag $0x0;
	lr =	simm.s32 $0x1  }
0x2: {  	[smem:$0x3F9D] =	sst lr;
	_ =	strace $0xD0000000  }
0x3: {  	_ = 	snop  }
0x4: {  	_ = 	snop  }
0x5: {  	_ = 	snop  }
0x6: {  	_ = 	snop  }
0x7: {  	_ = 	snop  }
__scs_overlays_trampoline_lowered:
0x8: {  	[smem:$0x3FAC] =	sst s0  }
0x9: {  	[smem:$0x3FAD] =	sst s1  }
0xa: {  	[smem:$0x3FAE] =	sst s2  }
0xb: {  	[smem:$0x3FAF] =	sst s3  }
0xc: {  	[smem:$0x3FB0] =	sst s4  }
0xd: {  	[smem:$0x3FB1] =	sst s5  }
0xe: {  	[smem:$0x3FB2] =	sst s6  }
0xf: {  	[smem:$0x3FB3] =	sst s7  }
0x10: {  	[smem:$0x3FB4] =	sst s8  }
0x11: {  	[smem:$0x3FB5] =	sst s9;
	s0 =	simm.s32 @!p0 $0x0  }
0x12: {  	s1 =	sld [smem:$0x3F9B];
	s0 =	simm.s32 @p0 $0x1  }
0x13: {  	[smem:$0x3FB6] =	sst s0;
	s0 =	simm.s32 @!p1 $0x0  }
0x14: {  	s2 =	sld [smem:$0x3F9A];
	s0 =	simm.s32 @p1 $0x1  }
0x15: {  	[smem:$0x3FB7] =	sst s0;
	s0 =	simm.s32 @!p2 $0x0  }
0x16: {  	s3 =	sld [smem:$0x3FDB];
	s0 =	simm.s32 @p2 $0x1  }
0x17: {  	s4 =	simm.s32 $0x1BF5;
	[smem:$0x3FB9] =	sst s0  }
0x18: {  	s0 =	sld [smem:$0x3F9C];
	_ =	swait.ge [sflag:s4], $0x0  }
0x19: {  	s7 =	sld [smem:$0x3F9D]  }
0x1a: {  	s8 =	sadd.s32 $0xFFFFE003, lr  }
0x1b: {  	s9 =	sadd.s32 $0xFFFFFEF7, lr;
	s5 =	simm.s32 $0xFFFFFFFF;
	p2 =	slt.u32 s8, $0xFFFFF086  }
0x1c: {  	p1 =	slt.u32 s9, $0xF7A;
	s5 =	simm.s32 @!p2 $0x0  }
0x1d: {  	s5 =	simm.s32 @p1 $0x1;
	p0 =	seq.s32 s7, s2  }
0x1e: {  	s7 =	smul.u32 @!p0 $0xF7A, s2;
	p2 =	seq.s32 @!p0 s5, $0x0  }
0x1f: {  	s9 =	smul.u32 $0xF7A, s1;
	s8 =	simm.s32 @!p0 $0x1BF5;
	p2 =	por !p2, p0  }
0x20: {  	[sflag:s8] =	ssyncset.s32 @!p0 $0xFFFFF086;
	s6 =	sadd.s32 @!p0 s3, s7;
	s7 =	simm.s32 @!p0 $0x108  }
0x21: {  	s3 =	sadd.s32 s3, s9;
	s6 =	sadd.s32 @!p0 $0x88, s6;
	s7 =	simm.s32 @p2 $0x1082  }
0x22: {  	[simem:s7], [sflag:s8] =	dma.local @!p0 [hbm:s6], $0xF7A  }
0x23: {  	s9 =	sor.u32 $0xD0000000, s2;
	s6 =	simm.s32 $0x108;
	_ =	swait.ge @!p0 [sflag:s8], $0x0  }
0x24: {  	s3 =	sadd.s32 $0x88, s3;
	s6 =	simm.s32 @!p1 $0x1082;
	[sflag:s4] =	ssyncset.s32 $0xFFFFF086  }
0x25: {  	[simem:s6], [sflag:s4] =	dma.local [hbm:s3], $0xF7A  }
0x26: {  	[smem:$0x3F9D] =	sst s1;
	(tag) =	ssettag s2;
	_ =	strace s9  }
0x27: {  	s1 =	sld [smem:$0x3FAD]  }
0x28: {  	s2 =	sld [smem:$0x3FAE]  }
0x29: {  	s4 =	sld [smem:$0x3FB0]  }
0x2a: {  	p0 =	seq.s32 s5, $0x0;
	s5 =	sld [smem:$0x3FB1]  }
0x2b: {  	s6 =	sld [smem:$0x3FB2]  }
0x2c: {  	s7 =	sld [smem:$0x3FB3]  }
0x2d: {  	s3 =	simm.s32 $0x108;
	s8 =	sld [smem:$0x3FB4]  }
0x2e: {  	s3 =	simm.s32 @!p0 $0x1082;
	s9 =	sld [smem:$0x3FB5]  }
0x2f: {  	lr =	sadd.s32 s0, s3;
	s0 =	sld [smem:$0x3FAC]  }
0x30: {  	s3 =	sld [smem:$0x3FAF]  }
0x31: {  	[smem:$0x3FB8] =	sst s10  }
0x32: {  	s10 =	sld [smem:$0x3FB6];
	_ =	sdelay $0x3  }
0x33: {  	p0 =	seq.s32 s10, $0x1;
	s10 =	sld [smem:$0x3FB8];
	_ =	sdelay $0x3  }
0x34: {  	[smem:$0x3FB8] =	sst s10  }
0x35: {  	s10 =	sld [smem:$0x3FB7];
	_ =	sdelay $0x3  }
0x36: {  	p1 =	seq.s32 s10, $0x1;
	s10 =	sld [smem:$0x3FB8];
	_ =	sdelay $0x3  }
0x37: {  	[smem:$0x3FB8] =	sst s10  }
0x38: {  	s10 =	sld [smem:$0x3FB9]  }
0x39: {  	_ = 	snop;
	(pc) =	sbr.ind lr, $3  }
0x3a: {  	_ = 	snop  }
0x3b: {  	_ = 	snop  }
0x3c: {  	p2 =	seq.s32 s10, $0x1;
	s10 =	sld [smem:$0x3FB8]  }
0x3d: {  	_ =	shalt  }
0x3e: {  	_ =	shalt  }
0x3f: {  	_ =	shalt  }
0x40: {  	_ =	shalt  }
0x41: {  	_ =	shalt  }
0x42: {  	_ =	shalt  }
0x43: {  	_ =	shalt  }
0x44: {  	_ =	shalt  }
0x45: {  	_ =	shalt  }
0x46: {  	_ =	shalt  }
0x47: {  	_ =	shalt  }
0x48: {  	_ =	shalt  }
0x49: {  	_ =	shalt  }
0x4a: {  	_ =	shalt  }
0x4b: {  	_ =	shalt  }
0x4c: {  	_ =	shalt  }
0x4d: {  	_ =	shalt  }
0x4e: {  	_ =	shalt  }
0x4f: {  	_ =	shalt  }
0x50: {  	_ =	shalt  }
0x51: {  	_ =	shalt  }
0x52: {  	_ =	shalt  }
0x53: {  	_ =	shalt  }
0x54: {  	_ =	shalt  }
0x55: {  	_ =	shalt  }
0x56: {  	_ =	shalt  }
0x57: {  	_ =	shalt  }
0x58: {  	_ =	shalt  }
0x59: {  	_ =	shalt  }
0x5a: {  	_ =	shalt  }
0x5b: {  	_ =	shalt  }
0x5c: {  	_ =	shalt  }
0x5d: {  	_ =	shalt  }
0x5e: {  	_ =	shalt  }
0x5f: {  	_ =	shalt  }
0x60: {  	_ =	shalt  }
0x61: {  	_ =	shalt  }
0x62: {  	_ =	shalt  }
0x63: {  	_ =	shalt  }
0x64: {  	_ =	shalt  }
0x65: {  	_ =	shalt  }
0x66: {  	_ =	shalt  }
0x67: {  	_ =	shalt  }
0x68: {  	_ =	shalt  }
0x69: {  	_ =	shalt  }
0x6a: {  	_ =	shalt  }
0x6b: {  	_ =	shalt  }
0x6c: {  	_ =	shalt  }
0x6d: {  	_ =	shalt  }
0x6e: {  	_ =	shalt  }
0x6f: {  	_ =	shalt  }
0x70: {  	_ =	shalt  }
0x71: {  	_ =	shalt  }
0x72: {  	_ =	shalt  }
0x73: {  	_ =	shalt  }
0x74: {  	_ =	shalt  }
0x75: {  	_ =	shalt  }
0x76: {  	_ =	shalt  }
0x77: {  	_ =	shalt  }
0x78: {  	_ =	shalt  }
0x79: {  	_ =	shalt  }
0x7a: {  	_ =	shalt  }
0x7b: {  	_ =	shalt  }
0x7c: {  	_ =	shalt  }
0x7d: {  	_ =	shalt  }
0x7e: {  	_ =	shalt  }
0x7f: {  	_ =	shalt  }
0x80: {  	_ =	shalt  }
0x81: {  	_ =	shalt  }
0x82: {  	_ =	shalt  }
0x83: {  	_ =	shalt  }
0x84: {  	_ =	shalt  }
0x85: {  	_ =	shalt  }
0x86: {  	_ =	shalt  }
0x87: {  	_ =	shalt  }
.Lfunc_end0:
.L_simem_size_0:
called_computation.1_lowered:
.L_overlay_start_0:
0x88: {  	s2 =	sld [smem:$0x3FD9]  }
0x89: {  	s3 =	sld [smem:$0x3FFE];
	_ =	sdelay $0x1  }
0x8a: {  	s1 =	srdreg.scid  }
0x8b: {  	s0 =	sand.u32 $0x1, s1  }
0x8c: {  	s17 =	sshll.u32 s0, $0xA;
	s2 =	sadd.s32 s3, s2  }
0x8d: {  	s2 =	sadd.s32 s2, s17  }
0x8e: {  	[smem:$0x3FC4] =	sst s2  }
0x8f: {  	_ = 	snop  }
0x90: {  	s2 =	sld [smem:$0x3FD0];
	(tm) =	ssettm $0x1  }
0x91: {  	s18 =	sld [smem:$0x3FFB];
	_ =	sdelay $0x3  }
0x92: {  	_ =	strace s18  }
0x93: {  	s3 =	sld [smem:$0x3FFC];
	_ =	sdelay $0x3  }
0x94: {  	_ =	strace s3  }
0x95: {  	s3 =	sld [smem:$0x3FFD];
	_ =	sdelay $0x3  }
0x96: {  	_ =	strace s3  }
0x97: {  	_ =	strace $0x8FFFFFFF  }
0x98: {  	s19 =	sld [smem:$0x3FDB];
	_ =	sdelay $0x1  }
0x99: {  	s4 =	simm.s32 $_scs_section_size  }
0x9a: {  	s5 =	simm.s32 $_size__tile_overlayer_lowered;
	s6 =	simm.s32 $_tile_overlayer_lowered  }
0x9b: {  	s22 =	simm.s32 $0x1BFF;
	s21 =	sshll.u32 s6, $0x1;
	s3 =	sadd.s32 s4, s19  }
0x9c: {  	s7 =	simm.s32 $0x0;
	s20 =	sshll.u32 s5, $0x1;
	s5 =	sadd.s32 s21, s3  }
0x9d: {  	[timem:s7], [sflag:s22] =	dma.local [hbm:s5], s20  }
0x9e: {  	_ =	swait.ge [sflag:s22], s20  }
0x9f: {  	s4 =	ssub.s32 $0x0, s20;
	[sflag:s22] =	ssyncset.done $0x0  }
0xa0: {  	[sflag:s22] =	ssyncadd.s32 s4;
	_ =	sdelay $0x1  }
0xa1: {  	s23 =	simm.s32 $0x1B8B  }
0xa2: {  	_ =	swait.ge [sflag:s23], $0x1  }
0xa3: {  	[sflag:s23] =	ssyncset.done $0x0  }
0xa4: {  	s25 =	simm.s32 $0x1B8E;
	s24 =	sld [smem:$0x3FFE];
	[sflag:s23] =	ssyncadd.s32 $0xFFFFFFFF  }
0xa5: {  	s26 =	simm.s32 $execute0_lowered;
	[smem:$0x3FD2] =	sst s25  }
0xa6: {  	s5 =	sshll.u32 s26, $0x1;
	_ =	strace $0x80000049;
	[dreg:$0x1] =	wrdreg $0xFFFFFFFF  }
0xa7: {  	s28 =	simm.s32 $_size_execute0_lowered;
	s3 =	sadd.s32 s3, s5;
	[dreg:$0x0] =	wrdreg $0x0  }
0xa8: {  	s5 =	sshll.u32 s28, $0x1;
	[dreg:$0x2] =	wrdreg s3  }
0xa9: {  	[dreg:$0x3] =	wrdreg s5  }
0xaa: {  	[dreg:$0x4] =	wrdreg $0xC0  }
0xab: {  	_ =	task [dreg:s7], $0x5FFFF  }
0xac: {  	[dreg:$0x1] =	wrdreg $0xFFFFFFFF  }
0xad: {  	[dreg:$0x0] =	wrdreg $0x60  }
0xae: {  	[dreg:$0x2] =	wrdreg s24  }
0xaf: {  	[dreg:$0x3] =	wrdreg s2  }
0xb0: {  	[dreg:$0x4] =	wrdreg $0x9  }
0xb1: {  	_ =	task.clear_ibuf [dreg:s7], $0x5FFFF;
	_ =	strace $0x90000049  }
0xb2: {  	s29 =	simm.s32 $0x9;
	_ =	strace $0x8000004B  }
0xb3: {  	_ =	swait.ge [sflag:s29], $0x1  }
0xb4: {  	[sflag:s29] =	ssyncadd.s32 $0xFFFFFFFF  }
0xb5: {  	_ =	strace $0x9000004B  }
0xb6: {  	_ =	sfence  }
0xb7: {  	s30 =	sld [smem:$0x0];
	_ =	sdelay $0x2  }
0xb8: {  	s31 =	sshll.u32 s1, $0xD;
	s1 =	sshrl.u32 s1, $0x2  }
0xb9: {  	s3 =	sand.u32 $0x4000, s31;
	s1 =	sadd.s32 s1, s30  }
0xba: {  	s0 =	sor.u32 s3, s0;
	s1 =	sshll.u32 s1, $0x11  }
0xbb: {  	s0 =	sor.u32 s1, s0  }
0xbc: {  	s0 =	sadd.s32 $0x8F2B, s0  }
0xbd: {  	[sflag:s0] =	ssyncadd.remote.s32 $0x1  }
0xbe: {  	_ =	sfence.sel $0xFFFF  }
0xbf: {  	[dreg:$0x0] =	wrdreg $0xFFFFFFFF;
	(pc) =	sbr.abs _section_cstart, $3  }
0xc0: {  	[dreg:$0x1] =	wrdreg $0xFFFFFFFF  }
0xc1: {  	_ =	task.clear_ibuf [dreg:s7], $0x2FFFF;
	_ =	strace $0x9FFFFFFF  }
0xc2: {  	(tm) =	ssettm $0x7FFFFFFF  }
0xc3: {  	_ =	shalt  }
tec
execute0_lowered:
.L_overlay_start_1:
0x0: {  	(tag) =	ssettag $0x1  }
0x1: {  	s0 =	rddreg [dreg:$0x0]  }
0x2: {  	s1 =	rddreg [dreg:$0x1]  }
0x3: {  	s3 =	srdreg.scid;
	s2 =	simm.s32 $0x0;
	s4 =	stileid.u32  }
0x4: {  	s11 =	simm.s32 $0x4;
	s13 =	simm.s32 $0x100;
	s17 =	simm.s32 $0xC100  }
0x5: {  	s12 =	simm.s32 $0x14100;
	s14 =	simm.s32 $0x14900;
	s15 =	simm.s32 $0x15100  }
0x6: {  	s16 =	simm.s32 $0x15900;
	s18 =	simm.s32 $0x16100;
	s19 =	simm.s32 $0x16900  }
0x7: {  	s20 =	simm.s32 $0x17100;
	s21 =	simm.s32 $0x17900;
	s22 =	simm.s32 $0x1  }
0x8: {  	s23 =	simm.s32 $0x2;
	s24 =	simm.s32 $0x3;
	s25 =	simm.s32 $0x0  }
0x9: {  	s3 =	sand.u32 $0x1, s3;
	[smem:$0x7FF] =	sst s2;
	s4 =	sshll.u32 s4, $0x4  }
0xa: {  	s5 =	sshll.u32 s3, $0x3;
	_ =	strace $0x8000004A;
	s30 =	ssub.s32 $0x2, s3  }
0xb: {  	s3 =	sadd.s32 $0x2200, s0;
	s6 =	sor.u32 s5, s4;
	s7 =	sshrl.u32 s30, $0x1  }
0xc: {  	s5 =	sadd.s32 s6, s0;
	s8 =	smul.u32 $0x1800, s6;
	s10 =	ssub.s32 s30, s7  }
0xd: {  	s9 =	smul.u32 $0x300, s6;
	s6 =	sadd.s32 $0x2300, s0;
	s7 =	sadd.s32 $0x2400, s0  }
0xe: {  	v2 =	vlaneseq.u32;
	s0 =	simm.s32 $0x13100;
	s4 =	sadd.s32 $0x1E00, s5;
	s8 =	sshrl.u32 s8, $0x3  }
0xf: {  	vm0 =	vmmov $0xffff;
	v1 =	vshrl.u32 v2, $0x3;
	s5 =	sadd.s32 $0x2000, s5;
	s10 =	smax.u32 s10, $0x1;
	s31 =	sadd.s32 s1, s8  }
0x10: {  	v0 =	vand.u32 $0x7, v2;
	v2 =	vor.u32 $0x8, v2;
	v1 =	vmul.u32 $0x8, v1;
	s8 =	sadd.s32 s1, s9;
	s1 =	simm.s32 $0x13900;
	s9 =	sadd.s32 $0xC00, s31  }
.LBB2_1:
0x11: {  	[tilespmem:s2], [sflag:$0x4] =	stream.linear.gather [hbm4b:s4+s2], $0x40, $0x38;
	[tilespmem:$0x18100] =	vst v63  }
0x12: {  	_ =	swait.ge [sflag:s11], $0x40  }
0x13: {  	[sflag:s11] =	ssyncset.done $0x0  }
0x14: {  	s26 =	simm.s32 $0x80;
	[sflag:s11] =	ssyncadd.s32 $0xFFFFFFC0  }
0x15: {  	[tilespmem:s26], [sflag:$0x4] =	stream.linear.gather [hbm4b:s5+s2], $0x40, $0x38;
	[tilespmem:$0x18100] =	vst v63  }
0x16: {  	_ =	swait.ge [sflag:s11], $0x40  }
0x17: {  	[sflag:s11] =	ssyncset.done $0x0  }
0x18: {  	[sflag:s11] =	ssyncadd.s32 $0xFFFFFFC0  }
0x19: {  	v3 =	vld [tilespmem:$0x0];
	_ =	sdelay $0x4  }
0x1a: {  	v4 =	vshrl.u32 v3, $0x3  }
0x1b: {  	v4 =	vmul.u32 $0x30, v4  }
0x1c: {  	v3 =	vand.u32 $0x7, v3  }
0x1d: {  	v3 =	vor.u32 v3, v4  }
0x1e: {  	v4 =	vperm.xlane v3, v0;
	_ =	sdelay $0x1  }
0x1f: {  	v4 =	vadd.s32 v1, v4;
	_ =	sdelay $0x3  }
0x20: {  	v3 =	vperm.xlane v3, v2  }
0x21: {  	[tilespmem:s13], [sflag:$0x1] =	stream.indirect_vreg.gather [hbm4b:s3+s2], $0x80, v4, vm0, $0xb8;
	[tilespmem:$0x18100] =	vst v63  }
0x22: {  	s31 =	simm.s32 $0x900;
	v3 =	vadd.s32 v1, v3  }
0x23: {  	[tilespmem:s31], [sflag:$0x1] =	stream.indirect_vreg.gather [hbm4b:s6+s2], $0x80, v4, vm0, $0xb8;
	[tilespmem:$0x18100] =	vst v63  }
0x24: {  	s31 =	simm.s32 $0x1100  }
0x25: {  	[tilespmem:s31], [sflag:$0x1] =	stream.indirect_vreg.gather [hbm4b:s7+s2], $0x80, v4, vm0, $0xb8;
	[tilespmem:$0x18100] =	vst v63  }
0x26: {  	s31 =	simm.s32 $0x1900  }
0x27: {  	[tilespmem:s31], [sflag:$0x1] =	stream.indirect_vreg.gather [hbm4b:s3+s2], $0x80, v3, vm0, $0xb8;
	[tilespmem:$0x18100] =	vst v63  }
0x28: {  	s31 =	simm.s32 $0x2100  }
0x29: {  	[tilespmem:s31], [sflag:$0x1] =	stream.indirect_vreg.gather [hbm4b:s6+s2], $0x80, v3, vm0, $0xb8;
	[tilespmem:$0x18100] =	vst v63  }
0x2a: {  	s31 =	simm.s32 $0x2900  }
0x2b: {  	[tilespmem:s31], [sflag:$0x1] =	stream.indirect_vreg.gather [hbm4b:s7+s2], $0x80, v3, vm0, $0xb8;
	[tilespmem:$0x18100] =	vst v63  }
0x2c: {  	v3 =	vld [tilespmem:$0x10];
	_ =	sdelay $0x4  }
0x2d: {  	v4 =	vshrl.u32 v3, $0x3  }
0x2e: {  	v4 =	vmul.u32 $0x30, v4  }
0x2f: {  	v3 =	vand.u32 $0x7, v3  }
0x30: {  	v3 =	vor.u32 v3, v4  }
0x31: {  	v4 =	vperm.xlane v3, v0;
	_ =	sdelay $0x1  }
0x32: {  	v4 =	vadd.s32 v1, v4;
	_ =	sdelay $0x3  }
0x33: {  	s31 =	simm.s32 $0x3100;
	v3 =	vperm.xlane v3, v2  }
0x34: {  	[tilespmem:s31], [sflag:$0x1] =	stream.indirect_vreg.gather [hbm4b:s3+s2], $0x80, v4, vm0, $0xb8;
	[tilespmem:$0x18100] =	vst v63  }
0x35: {  	v3 =	vadd.s32 v1, v3;
	s31 =	simm.s32 $0x3900  }
0x36: {  	[tilespmem:s31], [sflag:$0x1] =	stream.indirect_vreg.gather [hbm4b:s6+s2], $0x80, v4, vm0, $0xb8;
	[tilespmem:$0x18100] =	vst v63  }
0x37: {  	s31 =	simm.s32 $0x4100  }
0x38: {  	[tilespmem:s31], [sflag:$0x1] =	stream.indirect_vreg.gather [hbm4b:s7+s2], $0x80, v4, vm0, $0xb8;
	[tilespmem:$0x18100] =	vst v63  }
0x39: {  	s31 =	simm.s32 $0x4900  }
0x3a: {  	[tilespmem:s31], [sflag:$0x1] =	stream.indirect_vreg.gather [hbm4b:s3+s2], $0x80, v3, vm0, $0xb8;
	[tilespmem:$0x18100] =	vst v63  }
0x3b: {  	s31 =	simm.s32 $0x5100  }
0x3c: {  	[tilespmem:s31], [sflag:$0x1] =	stream.indirect_vreg.gather [hbm4b:s6+s2], $0x80, v3, vm0, $0xb8;
	[tilespmem:$0x18100] =	vst v63  }
0x3d: {  	s31 =	simm.s32 $0x5900  }
0x3e: {  	[tilespmem:s31], [sflag:$0x1] =	stream.indirect_vreg.gather [hbm4b:s7+s2], $0x80, v3, vm0, $0xb8;
	[tilespmem:$0x18100] =	vst v63  }
0x3f: {  	v3 =	vld [tilespmem:$0x80];
	_ =	sdelay $0x4  }
0x40: {  	v4 =	vshrl.u32 v3, $0x3  }
0x41: {  	v4 =	vmul.u32 $0x30, v4  }
0x42: {  	v3 =	vand.u32 $0x7, v3  }
0x43: {  	v3 =	vor.u32 v3, v4  }
0x44: {  	v4 =	vperm.xlane v3, v0;
	_ =	sdelay $0x1  }
0x45: {  	v4 =	vadd.s32 v1, v4;
	_ =	sdelay $0x3  }
0x46: {  	s31 =	simm.s32 $0x6100;
	v3 =	vperm.xlane v3, v2  }
0x47: {  	[tilespmem:s31], [sflag:$0x1] =	stream.indirect_vreg.gather [hbm4b:s3+s2], $0x80, v4, vm0, $0xb8;
	[tilespmem:$0x18100] =	vst v63  }
0x48: {  	v3 =	vadd.s32 v1, v3;
	s31 =	simm.s32 $0x6900  }
0x49: {  	[tilespmem:s31], [sflag:$0x1] =	stream.indirect_vreg.gather [hbm4b:s6+s2], $0x80, v4, vm0, $0xb8;
	[tilespmem:$0x18100] =	vst v63  }
0x4a: {  	s31 =	simm.s32 $0x7100  }
0x4b: {  	[tilespmem:s31], [sflag:$0x1] =	stream.indirect_vreg.gather [hbm4b:s7+s2], $0x80, v4, vm0, $0xb8;
	[tilespmem:$0x18100] =	vst v63  }
0x4c: {  	s31 =	simm.s32 $0x7900  }
0x4d: {  	[tilespmem:s31], [sflag:$0x1] =	stream.indirect_vreg.gather [hbm4b:s3+s2], $0x80, v3, vm0, $0xb8;
	[tilespmem:$0x18100] =	vst v63  }
0x4e: {  	s31 =	simm.s32 $0x8100  }
0x4f: {  	[tilespmem:s31], [sflag:$0x1] =	stream.indirect_vreg.gather [hbm4b:s6+s2], $0x80, v3, vm0, $0xb8;
	[tilespmem:$0x18100] =	vst v63  }
0x50: {  	s31 =	simm.s32 $0x8900  }
0x51: {  	[tilespmem:s31], [sflag:$0x1] =	stream.indirect_vreg.gather [hbm4b:s7+s2], $0x80, v3, vm0, $0xb8;
	[tilespmem:$0x18100] =	vst v63  }
0x52: {  	v3 =	vld [tilespmem:$0x90];
	_ =	sdelay $0x4  }
0x53: {  	v4 =	vshrl.u32 v3, $0x3  }
0x54: {  	v4 =	vmul.u32 $0x30, v4  }
0x55: {  	v3 =	vand.u32 $0x7, v3  }
0x56: {  	v3 =	vor.u32 v3, v4  }
0x57: {  	v4 =	vperm.xlane v3, v0;
	_ =	sdelay $0x1  }
0x58: {  	v4 =	vadd.s32 v1, v4;
	_ =	sdelay $0x3  }
0x59: {  	s31 =	simm.s32 $0x9100;
	v3 =	vperm.xlane v3, v2  }
0x5a: {  	[tilespmem:s31], [sflag:$0x1] =	stream.indirect_vreg.gather [hbm4b:s3+s2], $0x80, v4, vm0, $0xb8;
	[tilespmem:$0x18100] =	vst v63  }
0x5b: {  	v3 =	vadd.s32 v1, v3;
	s31 =	simm.s32 $0x9900  }
0x5c: {  	[tilespmem:s31], [sflag:$0x1] =	stream.indirect_vreg.gather [hbm4b:s6+s2], $0x80, v4, vm0, $0xb8;
	[tilespmem:$0x18100] =	vst v63  }
0x5d: {  	s31 =	simm.s32 $0xA100  }
0x5e: {  	[tilespmem:s31], [sflag:$0x1] =	stream.indirect_vreg.gather [hbm4b:s7+s2], $0x80, v4, vm0, $0xb8;
	[tilespmem:$0x18100] =	vst v63  }
0x5f: {  	s31 =	simm.s32 $0xA900  }
0x60: {  	[tilespmem:s31], [sflag:$0x1] =	stream.indirect_vreg.gather [hbm4b:s3+s2], $0x80, v3, vm0, $0xb8;
	[tilespmem:$0x18100] =	vst v63  }
0x61: {  	s31 =	simm.s32 $0xB100  }
0x62: {  	[tilespmem:s31], [sflag:$0x1] =	stream.indirect_vreg.gather [hbm4b:s6+s2], $0x80, v3, vm0, $0xb8;
	[tilespmem:$0x18100] =	vst v63  }
0x63: {  	s31 =	simm.s32 $0xB900  }
0x64: {  	[tilespmem:s31], [sflag:$0x1] =	stream.indirect_vreg.gather [hbm4b:s7+s2], $0x80, v3, vm0, $0xb8;
	[tilespmem:$0x18100] =	vst v63  }
0x65: {  	v3 =	vld [tilespmem:$0x20];
	_ =	sdelay $0x4  }
0x66: {  	v4 =	vshrl.u32 v3, $0x3  }
0x67: {  	v4 =	vmul.u32 $0x30, v4  }
0x68: {  	v3 =	vand.u32 $0x7, v3  }
0x69: {  	v3 =	vor.u32 v3, v4  }
0x6a: {  	v4 =	vperm.xlane v3, v0;
	_ =	sdelay $0x1  }
0x6b: {  	v4 =	vadd.s32 v1, v4;
	_ =	sdelay $0x3  }
0x6c: {  	v3 =	vperm.xlane v3, v2  }
0x6d: {  	[tilespmem:s17], [sflag:$0x2] =	stream.indirect_vreg.gather [hbm4b:s3+s2], $0x80, v4, vm0, $0xb8;
	[tilespmem:$0x18100] =	vst v63  }
0x6e: {  	s31 =	simm.s32 $0xC900;
	v3 =	vadd.s32 v1, v3  }
0x6f: {  	[tilespmem:s31], [sflag:$0x2] =	stream.indirect_vreg.gather [hbm4b:s6+s2], $0x80, v4, vm0, $0xb8;
	[tilespmem:$0x18100] =	vst v63  }
0x70: {  	s31 =	simm.s32 $0xD100  }
0x71: {  	[tilespmem:s31], [sflag:$0x2] =	stream.indirect_vreg.gather [hbm4b:s7+s2], $0x80, v4, vm0, $0xb8;
	[tilespmem:$0x18100] =	vst v63  }
0x72: {  	s31 =	simm.s32 $0xD900  }
0x73: {  	[tilespmem:s31], [sflag:$0x2] =	stream.indirect_vreg.gather [hbm4b:s3+s2], $0x80, v3, vm0, $0xb8;
	[tilespmem:$0x18100] =	vst v63  }
0x74: {  	s31 =	simm.s32 $0xE100  }
0x75: {  	[tilespmem:s31], [sflag:$0x2] =	stream.indirect_vreg.gather [hbm4b:s6+s2], $0x80, v3, vm0, $0xb8;
	[tilespmem:$0x18100] =	vst v63  }
0x76: {  	s31 =	simm.s32 $0xE900  }
0x77: {  	[tilespmem:s31], [sflag:$0x2] =	stream.indirect_vreg.gather [hbm4b:s7+s2], $0x80, v3, vm0, $0xb8;
	[tilespmem:$0x18100] =	vst v63  }
0x78: {  	v3 =	vld [tilespmem:$0x30];
	_ =	sdelay $0x4  }
0x79: {  	v4 =	vshrl.u32 v3, $0x3  }
0x7a: {  	v4 =	vmul.u32 $0x30, v4  }
0x7b: {  	v3 =	vand.u32 $0x7, v3  }
0x7c: {  	v3 =	vor.u32 v3, v4  }
0x7d: {  	v4 =	vperm.xlane v3, v0;
	_ =	sdelay $0x1  }
0x7e: {  	v4 =	vadd.s32 v1, v4;
	_ =	sdelay $0x3  }
0x7f: {  	s31 =	simm.s32 $0xF100;
	v3 =	vperm.xlane v3, v2  }
0x80: {  	[tilespmem:s31], [sflag:$0x2] =	stream.indirect_vreg.gather [hbm4b:s3+s2], $0x80, v4, vm0, $0xb8;
	[tilespmem:$0x18100] =	vst v63  }
0x81: {  	v3 =	vadd.s32 v1, v3;
	s31 =	simm.s32 $0xF900  }
0x82: {  	[tilespmem:s31], [sflag:$0x2] =	stream.indirect_vreg.gather [hbm4b:s6+s2], $0x80, v4, vm0, $0xb8;
	[tilespmem:$0x18100] =	vst v63  }
0x83: {  	s31 =	simm.s32 $0x10100  }
0x84: {  	[tilespmem:s31], [sflag:$0x2] =	stream.indirect_vreg.gather [hbm4b:s7+s2], $0x80, v4, vm0, $0xb8;
	[tilespmem:$0x18100] =	vst v63  }
0x85: {  	s31 =	simm.s32 $0x10900  }
0x86: {  	[tilespmem:s31], [sflag:$0x2] =	stream.indirect_vreg.gather [hbm4b:s3+s2], $0x80, v3, vm0, $0xb8;
	[tilespmem:$0x18100] =	vst v63  }
0x87: {  	s31 =	simm.s32 $0x11100  }
0x88: {  	[tilespmem:s31], [sflag:$0x2] =	stream.indirect_vreg.gather [hbm4b:s6+s2], $0x80, v3, vm0, $0xb8;
	[tilespmem:$0x18100] =	vst v63  }
0x89: {  	s31 =	simm.s32 $0x11900  }
0x8a: {  	[tilespmem:s31], [sflag:$0x2] =	stream.indirect_vreg.gather [hbm4b:s7+s2], $0x80, v3, vm0, $0xb8;
	[tilespmem:$0x18100] =	vst v63  }
0x8b: {  	v3 =	vld [tilespmem:$0xA0];
	_ =	sdelay $0x4  }
0x8c: {  	v4 =	vshrl.u32 v3, $0x3  }
0x8d: {  	v4 =	vmul.u32 $0x30, v4  }
0x8e: {  	v3 =	vand.u32 $0x7, v3  }
0x8f: {  	v3 =	vor.u32 v3, v4  }
0x90: {  	v4 =	vperm.xlane v3, v0;
	_ =	sdelay $0x1  }
0x91: {  	v4 =	vadd.s32 v1, v4;
	_ =	sdelay $0x3  }
0x92: {  	s31 =	simm.s32 $0x12100;
	v3 =	vperm.xlane v3, v2  }
0x93: {  	[tilespmem:s31], [sflag:$0x2] =	stream.indirect_vreg.gather [hbm4b:s3+s2], $0x80, v4, vm0, $0xb8;
	[tilespmem:$0x18100] =	vst v63  }
0x94: {  	v3 =	vadd.s32 v1, v3;
	s31 =	simm.s32 $0x12900  }
0x95: {  	[tilespmem:s31], [sflag:$0x2] =	stream.indirect_vreg.gather [hbm4b:s6+s2], $0x80, v4, vm0, $0xb8;
	[tilespmem:$0x18100] =	vst v63  }
0x96: {  	_ = 	snop  }
0x97: {  	[tilespmem:s0], [sflag:$0x2] =	stream.indirect_vreg.gather [hbm4b:s7+s2], $0x80, v4, vm0, $0xb8;
	[tilespmem:$0x18100] =	vst v63  }
0x98: {  	_ = 	snop  }
0x99: {  	[tilespmem:s1], [sflag:$0x2] =	stream.indirect_vreg.gather [hbm4b:s3+s2], $0x80, v3, vm0, $0xb8;
	[tilespmem:$0x18100] =	vst v63  }
0x9a: {  	_ = 	snop  }
0x9b: {  	[tilespmem:s12], [sflag:$0x2] =	stream.indirect_vreg.gather [hbm4b:s6+s2], $0x80, v3, vm0, $0xb8;
	[tilespmem:$0x18100] =	vst v63  }
0x9c: {  	_ = 	snop  }
0x9d: {  	[tilespmem:s14], [sflag:$0x2] =	stream.indirect_vreg.gather [hbm4b:s7+s2], $0x80, v3, vm0, $0xb8;
	[tilespmem:$0x18100] =	vst v63  }
0x9e: {  	v3 =	vld [tilespmem:$0xB0];
	_ =	sdelay $0x4  }
0x9f: {  	v4 =	vshrl.u32 v3, $0x3  }
0xa0: {  	v4 =	vmul.u32 $0x30, v4  }
0xa1: {  	v3 =	vand.u32 $0x7, v3  }
0xa2: {  	v3 =	vor.u32 v3, v4  }
0xa3: {  	v4 =	vperm.xlane v3, v0;
	_ =	sdelay $0x1  }
0xa4: {  	v4 =	vadd.s32 v1, v4;
	_ =	sdelay $0x3  }
0xa5: {  	v3 =	vperm.xlane v3, v2  }
0xa6: {  	[tilespmem:s15], [sflag:$0x2] =	stream.indirect_vreg.gather [hbm4b:s3+s2], $0x80, v4, vm0, $0xb8;
	[tilespmem:$0x18100] =	vst v63  }
0xa7: {  	v3 =	vadd.s32 v1, v3  }
0xa8: {  	[tilespmem:s16], [sflag:$0x2] =	stream.indirect_vreg.gather [hbm4b:s6+s2], $0x80, v4, vm0, $0xb8;
	[tilespmem:$0x18100] =	vst v63  }
0xa9: {  	_ = 	snop  }
0xaa: {  	[tilespmem:s18], [sflag:$0x2] =	stream.indirect_vreg.gather [hbm4b:s7+s2], $0x80, v4, vm0, $0xb8;
	[tilespmem:$0x18100] =	vst v63  }
0xab: {  	_ = 	snop  }
0xac: {  	[tilespmem:s19], [sflag:$0x2] =	stream.indirect_vreg.gather [hbm4b:s3+s2], $0x80, v3, vm0, $0xb8;
	[tilespmem:$0x18100] =	vst v63  }
0xad: {  	_ = 	snop  }
0xae: {  	[tilespmem:s20], [sflag:$0x2] =	stream.indirect_vreg.gather [hbm4b:s6+s2], $0x80, v3, vm0, $0xb8;
	[tilespmem:$0x18100] =	vst v63  }
0xaf: {  	_ = 	snop  }
0xb0: {  	[tilespmem:s21], [sflag:$0x2] =	stream.indirect_vreg.gather [hbm4b:s7+s2], $0x80, v3, vm0, $0xb8;
	[tilespmem:$0x18100] =	vst v63  }
0xb1: {  	_ =	swait.ge [sflag:s22], $0x6000  }
0xb2: {  	[sflag:s22] =	ssyncset.done $0x0  }
0xb3: {  	s31 =	simm.s32 $0x0;
	[sflag:s22] =	ssyncadd.s32 $0xFFFFA000  }
0xb4: {  	s26 =	smul.u32 $0x1800, s31;
	_ =	swait.ge [sflag:s22], $0x6000  }
0xb5: {  	s28 =	sand.u32 $0x380, s2;
	[sflag:s22] =	ssyncset.done $0x0  }
0xb6: {  	s26 =	sor.u32 s28, s26;
	[sflag:s22] =	ssyncadd.s32 $0xFFFFA000  }
0xb7: {  	v3 =	vld [tilespmem:s26+$0x1570]  }
0xb8: {  	v4 =	vld [tilespmem:s26+$0x7570]  }
0xb9: {  	v5 =	vld [tilespmem:s26+$0x100]  }
0xba: {  	v6 =	vld [tilespmem:s26+$0x6100]  }
0xbb: {  	v7 =	vld [tilespmem:s26+$0x110]  }
0xbc: {  	v8 =	vld [tilespmem:s26+$0x6110]  }
0xbd: {  	v9 =	vld [tilespmem:s26+$0x120]  }
0xbe: {  	v10 =	vld [tilespmem:s26+$0x130];
	v3 =	vadd.f32 v4, v3  }
0xbf: {  	v4 =	vld [tilespmem:s26+$0x6120]  }
0xc0: {  	v5 =	vadd.f32 v6, v5;
	[tilespmem:s26+$0x1570] =	vst v3;
	v3 =	vld [tilespmem:s26+$0x6130]  }
0xc1: {  	v6 =	vld [tilespmem:s26+$0x140]  }
0xc2: {  	[tilespmem:s26+$0x100] =	vst v5;
	v5 =	vadd.f32 v8, v7;
	v7 =	vld [tilespmem:s26+$0x6140]  }
0xc3: {  	v8 =	vld [tilespmem:s26+$0x6150]  }
0xc4: {  	[tilespmem:s26+$0x110] =	vst v5;
	v5 =	vld [tilespmem:s26+$0x150];
	v4 =	vadd.f32 v4, v9  }
0xc5: {  	v9 =	vld [tilespmem:s26+$0x6160];
	v3 =	vadd.f32 v3, v10  }
0xc6: {  	[tilespmem:s26+$0x120] =	vst v4;
	v4 =	vld [tilespmem:s26+$0x160]  }
0xc7: {  	[tilespmem:s26+$0x130] =	vst v3;
	v3 =	vadd.f32 v7, v6;
	v6 =	vld [tilespmem:s26+$0x170]  }
0xc8: {  	v7 =	vld [tilespmem:s26+$0x6170]  }
0xc9: {  	[tilespmem:s26+$0x140] =	vst v3;
	v3 =	vadd.f32 v8, v5;
	v5 =	vld [tilespmem:s26+$0x500]  }
0xca: {  	v8 =	vld [tilespmem:s26+$0x6500]  }
0xcb: {  	[tilespmem:s26+$0x150] =	vst v3;
	v3 =	vadd.f32 v9, v4;
	v4 =	vld [tilespmem:s26+$0x510]  }
0xcc: {  	v9 =	vld [tilespmem:s26+$0x6510]  }
0xcd: {  	[tilespmem:s26+$0x160] =	vst v3;
	v3 =	vadd.f32 v7, v6;
	v6 =	vld [tilespmem:s26+$0x520]  }
0xce: {  	v7 =	vld [tilespmem:s26+$0x6520]  }
0xcf: {  	[tilespmem:s26+$0x170] =	vst v3;
	v3 =	vadd.f32 v8, v5;
	v5 =	vld [tilespmem:s26+$0x530]  }
0xd0: {  	v8 =	vld [tilespmem:s26+$0x6530]  }
0xd1: {  	[tilespmem:s26+$0x500] =	vst v3;
	v3 =	vadd.f32 v9, v4;
	v4 =	vld [tilespmem:s26+$0x540]  }
0xd2: {  	v9 =	vld [tilespmem:s26+$0x6540]  }
0xd3: {  	[tilespmem:s26+$0x510] =	vst v3;
	v3 =	vadd.f32 v7, v6;
	v6 =	vld [tilespmem:s26+$0x550]  }
0xd4: {  	v7 =	vld [tilespmem:s26+$0x6550]  }
0xd5: {  	[tilespmem:s26+$0x520] =	vst v3;
	v3 =	vadd.f32 v8, v5;
	v5 =	vld [tilespmem:s26+$0x560]  }
0xd6: {  	v8 =	vld [tilespmem:s26+$0x6560]  }
0xd7: {  	[tilespmem:s26+$0x530] =	vst v3;
	v3 =	vadd.f32 v9, v4;
	v4 =	vld [tilespmem:s26+$0x570]  }
0xd8: {  	v9 =	vld [tilespmem:s26+$0x6570]  }
0xd9: {  	[tilespmem:s26+$0x540] =	vst v3;
	v3 =	vadd.f32 v7, v6;
	v6 =	vld [tilespmem:s26+$0x900]  }
0xda: {  	v7 =	vld [tilespmem:s26+$0x6900]  }
0xdb: {  	[tilespmem:s26+$0x550] =	vst v3;
	v3 =	vadd.f32 v8, v5;
	v5 =	vld [tilespmem:s26+$0x910]  }
0xdc: {  	v8 =	vld [tilespmem:s26+$0x6910]  }
0xdd: {  	[tilespmem:s26+$0x560] =	vst v3;
	v3 =	vadd.f32 v9, v4;
	v4 =	vld [tilespmem:s26+$0x920]  }
0xde: {  	v9 =	vld [tilespmem:s26+$0x6920]  }
0xdf: {  	[tilespmem:s26+$0x570] =	vst v3;
	v3 =	vadd.f32 v7, v6;
	v6 =	vld [tilespmem:s26+$0x930]  }
0xe0: {  	v7 =	vld [tilespmem:s26+$0x6930]  }
0xe1: {  	[tilespmem:s26+$0x900] =	vst v3;
	v3 =	vadd.f32 v8, v5;
	v5 =	vld [tilespmem:s26+$0x940]  }
0xe2: {  	v8 =	vld [tilespmem:s26+$0x6940]  }
0xe3: {  	[tilespmem:s26+$0x910] =	vst v3;
	v3 =	vadd.f32 v9, v4;
	v4 =	vld [tilespmem:s26+$0x950]  }
0xe4: {  	v9 =	vld [tilespmem:s26+$0x6950]  }
0xe5: {  	[tilespmem:s26+$0x920] =	vst v3;
	v3 =	vadd.f32 v7, v6;
	v6 =	vld [tilespmem:s26+$0x960]  }
0xe6: {  	v7 =	vld [tilespmem:s26+$0x6960]  }
0xe7: {  	[tilespmem:s26+$0x930] =	vst v3;
	v3 =	vadd.f32 v8, v5;
	v5 =	vld [tilespmem:s26+$0x970]  }
0xe8: {  	v8 =	vld [tilespmem:s26+$0x6970]  }
0xe9: {  	[tilespmem:s26+$0x940] =	vst v3;
	v3 =	vadd.f32 v9, v4;
	v4 =	vld [tilespmem:s26+$0xD00]  }
0xea: {  	v9 =	vld [tilespmem:s26+$0x6D00]  }
0xeb: {  	[tilespmem:s26+$0x950] =	vst v3;
	v3 =	vadd.f32 v7, v6;
	v6 =	vld [tilespmem:s26+$0xD10]  }
0xec: {  	v7 =	vld [tilespmem:s26+$0x6D10]  }
0xed: {  	[tilespmem:s26+$0x960] =	vst v3;
	v3 =	vadd.f32 v8, v5;
	v5 =	vld [tilespmem:s26+$0xD20]  }
0xee: {  	v8 =	vld [tilespmem:s26+$0x6D20]  }
0xef: {  	[tilespmem:s26+$0x970] =	vst v3;
	v3 =	vadd.f32 v9, v4;
	v4 =	vld [tilespmem:s26+$0xD30]  }
0xf0: {  	v9 =	vld [tilespmem:s26+$0x6D30]  }
0xf1: {  	[tilespmem:s26+$0xD00] =	vst v3;
	v3 =	vadd.f32 v7, v6;
	v6 =	vld [tilespmem:s26+$0xD40]  }
0xf2: {  	v7 =	vld [tilespmem:s26+$0x6D40]  }
0xf3: {  	[tilespmem:s26+$0xD10] =	vst v3;
	v3 =	vadd.f32 v8, v5;
	v5 =	vld [tilespmem:s26+$0xD50]  }
0xf4: {  	v8 =	vld [tilespmem:s26+$0x6D50]  }
0xf5: {  	[tilespmem:s26+$0xD20] =	vst v3;
	v3 =	vadd.f32 v9, v4;
	v4 =	vld [tilespmem:s26+$0xD60]  }
0xf6: {  	v9 =	vld [tilespmem:s26+$0x6D60]  }
0xf7: {  	[tilespmem:s26+$0xD30] =	vst v3;
	v3 =	vadd.f32 v7, v6;
	v6 =	vld [tilespmem:s26+$0xD70]  }
0xf8: {  	v7 =	vld [tilespmem:s26+$0x6D70]  }
0xf9: {  	[tilespmem:s26+$0xD40] =	vst v3;
	v3 =	vadd.f32 v8, v5;
	v5 =	vld [tilespmem:s26+$0x1100]  }
0xfa: {  	v8 =	vld [tilespmem:s26+$0x7100]  }
0xfb: {  	[tilespmem:s26+$0xD50] =	vst v3;
	v3 =	vadd.f32 v9, v4;
	v4 =	vld [tilespmem:s26+$0x1110]  }
0xfc: {  	v9 =	vld [tilespmem:s26+$0x7110]  }
0xfd: {  	[tilespmem:s26+$0xD60] =	vst v3;
	v3 =	vadd.f32 v7, v6;
	v6 =	vld [tilespmem:s26+$0x1120]  }
0xfe: {  	v7 =	vld [tilespmem:s26+$0x7120]  }
0xff: {  	[tilespmem:s26+$0xD70] =	vst v3;
	v3 =	vadd.f32 v8, v5;
	v5 =	vld [tilespmem:s26+$0x1130]  }
0x100: {  	v8 =	vld [tilespmem:s26+$0x7130]  }
0x101: {  	[tilespmem:s26+$0x1100] =	vst v3;
	v3 =	vadd.f32 v9, v4;
	v4 =	vld [tilespmem:s26+$0x1140]  }
0x102: {  	v9 =	vld [tilespmem:s26+$0x7140]  }
0x103: {  	[tilespmem:s26+$0x1110] =	vst v3;
	v3 =	vadd.f32 v7, v6;
	v6 =	vld [tilespmem:s26+$0x1150]  }
0x104: {  	v7 =	vld [tilespmem:s26+$0x7150]  }
0x105: {  	[tilespmem:s26+$0x1120] =	vst v3;
	v3 =	vadd.f32 v8, v5;
	v5 =	vld [tilespmem:s26+$0x1160]  }
0x106: {  	v8 =	vld [tilespmem:s26+$0x7160]  }
0x107: {  	[tilespmem:s26+$0x1130] =	vst v3;
	v3 =	vadd.f32 v9, v4;
	v4 =	vld [tilespmem:s26+$0x1170]  }
0x108: {  	v9 =	vld [tilespmem:s26+$0x7170]  }
0x109: {  	[tilespmem:s26+$0x1140] =	vst v3;
	v3 =	vadd.f32 v7, v6;
	v6 =	vld [tilespmem:s26+$0x1500]  }
0x10a: {  	v7 =	vld [tilespmem:s26+$0x7500]  }
0x10b: {  	v10 =	vld [tilespmem:s26+$0x7520]  }
0x10c: {  	[tilespmem:s26+$0x1150] =	vst v3;
	v3 =	vadd.f32 v8, v5;
	v5 =	vld [tilespmem:s26+$0x1510]  }
0x10d: {  	v8 =	vld [tilespmem:s26+$0x7510]  }
0x10e: {  	[tilespmem:s26+$0x1160] =	vst v3;
	v3 =	vadd.f32 v9, v4;
	v9 =	vld [tilespmem:s26+$0x1520]  }
0x10f: {  	v4 =	vadd.f32 v7, v6;
	v6 =	vld [tilespmem:s26+$0x7530]  }
0x110: {  	[tilespmem:s26+$0x1170] =	vst v3;
	v3 =	vld [tilespmem:s26+$0x1530]  }
0x111: {  	v7 =	vld [tilespmem:s26+$0x7540]  }
0x112: {  	[tilespmem:s26+$0x1500] =	vst v4;
	v5 =	vadd.f32 v8, v5;
	v4 =	vld [tilespmem:s26+$0x1540]  }
0x113: {  	s28 =	simm.s32 $0x0;
	v8 =	vld [tilespmem:s26+$0x7550];
	v9 =	vadd.f32 v10, v9  }
0x114: {  	s29 =	simm.s32 $0x2;
	s30 =	smul.u32 $0x1800, s28;
	s28 =	simm.s32 $0x80;
	[tilespmem:s26+$0x1510] =	vst v5;
	v5 =	vld [tilespmem:s26+$0x1550]  }
.LBB2_2:
0x115: {  	p0 =	sne.s32 s29, $0x1F;
	s31 =	sand.u32 $0x380, s28;
	[tilespmem:s26+$0x1520] =	vst v9;
	v3 =	vadd.f32 v6, v3;
	v6 =	vld [tilespmem:s26+$0x1560]  }
0x116: {  	s30 =	sor.u32 s31, s30;
	v9 =	vld [tilespmem:s26+$0x7560]  }
0x117: {  	v10 =	vld [tilespmem:s30+$0x1570];
	[tilespmem:s26+$0x1530] =	vst v3;
	v3 =	vadd.f32 v7, v4  }
0x118: {  	v4 =	vld [tilespmem:s30+$0x7570]  }
0x119: {  	v7 =	vld [tilespmem:s30+$0x100];
	[tilespmem:s26+$0x1540] =	vst v3;
	v3 =	vadd.f32 v8, v5  }
0x11a: {  	v5 =	vld [tilespmem:s30+$0x6100]  }
0x11b: {  	v8 =	vld [tilespmem:s30+$0x110];
	[tilespmem:s26+$0x1550] =	vst v3;
	v3 =	vadd.f32 v9, v6  }
0x11c: {  	v6 =	vld [tilespmem:s30+$0x6110]  }
0x11d: {  	v9 =	vld [tilespmem:s30+$0x120];
	v4 =	vadd.f32 v4, v10;
	[tilespmem:s26+$0x1560] =	vst v3;
	s26 =	smov.u32 s30  }
0x11e: {  	v3 =	vld [tilespmem:s26+$0x6120]  }
0x11f: {  	v5 =	vadd.f32 v5, v7;
	v7 =	vld [tilespmem:s26+$0x130];
	[tilespmem:s26+$0x1570] =	vst v4  }
0x120: {  	v4 =	vld [tilespmem:s26+$0x6130]  }
0x121: {  	[tilespmem:s26+$0x100] =	vst v5;
	v5 =	vadd.f32 v6, v8;
	v6 =	vld [tilespmem:s26+$0x140]  }
0x122: {  	v8 =	vld [tilespmem:s26+$0x6140]  }
0x123: {  	[tilespmem:s26+$0x110] =	vst v5;
	v3 =	vadd.f32 v3, v9;
	v5 =	vld [tilespmem:s26+$0x150]  }
0x124: {  	v9 =	vld [tilespmem:s26+$0x6150]  }
0x125: {  	[tilespmem:s26+$0x120] =	vst v3;
	v3 =	vadd.f32 v4, v7;
	v4 =	vld [tilespmem:s26+$0x160]  }
0x126: {  	v7 =	vld [tilespmem:s26+$0x6160]  }
0x127: {  	[tilespmem:s26+$0x130] =	vst v3;
	v3 =	vadd.f32 v8, v6;
	v6 =	vld [tilespmem:s26+$0x170]  }
0x128: {  	v8 =	vld [tilespmem:s26+$0x6170]  }
0x129: {  	[tilespmem:s26+$0x140] =	vst v3;
	v3 =	vadd.f32 v9, v5;
	v5 =	vld [tilespmem:s26+$0x500]  }
0x12a: {  	v9 =	vld [tilespmem:s26+$0x6500]  }
0x12b: {  	[tilespmem:s26+$0x150] =	vst v3;
	v3 =	vadd.f32 v7, v4;
	v4 =	vld [tilespmem:s26+$0x510]  }
0x12c: {  	v7 =	vld [tilespmem:s26+$0x6510]  }
0x12d: {  	[tilespmem:s26+$0x160] =	vst v3;
	v3 =	vadd.f32 v8, v6;
	v6 =	vld [tilespmem:s26+$0x520]  }
0x12e: {  	v8 =	vld [tilespmem:s26+$0x6520]  }
0x12f: {  	[tilespmem:s26+$0x170] =	vst v3;
	v3 =	vadd.f32 v9, v5;
	v5 =	vld [tilespmem:s26+$0x530]  }
0x130: {  	v9 =	vld [tilespmem:s26+$0x6530]  }
0x131: {  	[tilespmem:s26+$0x500] =	vst v3;
	v3 =	vadd.f32 v7, v4;
	v4 =	vld [tilespmem:s26+$0x540]  }
0x132: {  	v7 =	vld [tilespmem:s26+$0x6540]  }
0x133: {  	[tilespmem:s26+$0x510] =	vst v3;
	v3 =	vadd.f32 v8, v6;
	v6 =	vld [tilespmem:s26+$0x550]  }
0x134: {  	v8 =	vld [tilespmem:s26+$0x6550]  }
0x135: {  	[tilespmem:s26+$0x520] =	vst v3;
	v3 =	vadd.f32 v9, v5;
	v5 =	vld [tilespmem:s26+$0x560]  }
0x136: {  	v9 =	vld [tilespmem:s26+$0x6560]  }
0x137: {  	[tilespmem:s26+$0x530] =	vst v3;
	v3 =	vadd.f32 v7, v4;
	v4 =	vld [tilespmem:s26+$0x570]  }
0x138: {  	v7 =	vld [tilespmem:s26+$0x6570]  }
0x139: {  	[tilespmem:s26+$0x540] =	vst v3;
	v3 =	vadd.f32 v8, v6;
	v6 =	vld [tilespmem:s26+$0x900]  }
0x13a: {  	v8 =	vld [tilespmem:s26+$0x6900]  }
0x13b: {  	[tilespmem:s26+$0x550] =	vst v3;
	v3 =	vadd.f32 v9, v5;
	v5 =	vld [tilespmem:s26+$0x910]  }
0x13c: {  	v9 =	vld [tilespmem:s26+$0x6910]  }
0x13d: {  	[tilespmem:s26+$0x560] =	vst v3;
	v3 =	vadd.f32 v7, v4;
	v4 =	vld [tilespmem:s26+$0x920]  }
0x13e: {  	v7 =	vld [tilespmem:s26+$0x6920]  }
0x13f: {  	[tilespmem:s26+$0x570] =	vst v3;
	v3 =	vadd.f32 v8, v6;
	v6 =	vld [tilespmem:s26+$0x930]  }
0x140: {  	v8 =	vld [tilespmem:s26+$0x6930]  }
0x141: {  	[tilespmem:s26+$0x900] =	vst v3;
	v3 =	vadd.f32 v9, v5;
	v5 =	vld [tilespmem:s26+$0x940]  }
0x142: {  	v9 =	vld [tilespmem:s26+$0x6940]  }
0x143: {  	[tilespmem:s26+$0x910] =	vst v3;
	v3 =	vadd.f32 v7, v4;
	v4 =	vld [tilespmem:s26+$0x950]  }
0x144: {  	v7 =	vld [tilespmem:s26+$0x6950]  }
0x145: {  	[tilespmem:s26+$0x920] =	vst v3;
	v3 =	vadd.f32 v8, v6;
	v6 =	vld [tilespmem:s26+$0x960]  }
0x146: {  	v8 =	vld [tilespmem:s26+$0x6960]  }
0x147: {  	[tilespmem:s26+$0x930] =	vst v3;
	v3 =	vadd.f32 v9, v5;
	v5 =	vld [tilespmem:s26+$0x970]  }
0x148: {  	v9 =	vld [tilespmem:s26+$0x6970]  }
0x149: {  	[tilespmem:s26+$0x940] =	vst v3;
	v3 =	vadd.f32 v7, v4;
	v4 =	vld [tilespmem:s26+$0xD00]  }
0x14a: {  	v7 =	vld [tilespmem:s26+$0x6D00]  }
0x14b: {  	[tilespmem:s26+$0x950] =	vst v3;
	v3 =	vadd.f32 v8, v6;
	v6 =	vld [tilespmem:s26+$0xD10]  }
0x14c: {  	v8 =	vld [tilespmem:s26+$0x6D10]  }
0x14d: {  	[tilespmem:s26+$0x960] =	vst v3;
	v3 =	vadd.f32 v9, v5;
	v5 =	vld [tilespmem:s26+$0xD20]  }
0x14e: {  	v9 =	vld [tilespmem:s26+$0x6D20]  }
0x14f: {  	[tilespmem:s26+$0x970] =	vst v3;
	v3 =	vadd.f32 v7, v4;
	v4 =	vld [tilespmem:s26+$0xD30]  }
0x150: {  	v7 =	vld [tilespmem:s26+$0x6D30]  }
0x151: {  	[tilespmem:s26+$0xD00] =	vst v3;
	v3 =	vadd.f32 v8, v6;
	v6 =	vld [tilespmem:s26+$0xD40]  }
0x152: {  	v8 =	vld [tilespmem:s26+$0x6D40]  }
0x153: {  	[tilespmem:s26+$0xD10] =	vst v3;
	v3 =	vadd.f32 v9, v5;
	v5 =	vld [tilespmem:s26+$0xD50]  }
0x154: {  	v9 =	vld [tilespmem:s26+$0x6D50]  }
0x155: {  	[tilespmem:s26+$0xD20] =	vst v3;
	v3 =	vadd.f32 v7, v4;
	v4 =	vld [tilespmem:s26+$0xD60]  }
0x156: {  	v7 =	vld [tilespmem:s26+$0x6D60]  }
0x157: {  	[tilespmem:s26+$0xD30] =	vst v3;
	v3 =	vadd.f32 v8, v6;
	v6 =	vld [tilespmem:s26+$0xD70]  }
0x158: {  	v8 =	vld [tilespmem:s26+$0x6D70]  }
0x159: {  	[tilespmem:s26+$0xD40] =	vst v3;
	v3 =	vadd.f32 v9, v5;
	v5 =	vld [tilespmem:s26+$0x1100]  }
0x15a: {  	v9 =	vld [tilespmem:s26+$0x7100]  }
0x15b: {  	[tilespmem:s26+$0xD50] =	vst v3;
	v3 =	vadd.f32 v7, v4;
	v4 =	vld [tilespmem:s26+$0x1110]  }
0x15c: {  	v7 =	vld [tilespmem:s26+$0x7110]  }
0x15d: {  	[tilespmem:s26+$0xD60] =	vst v3;
	v3 =	vadd.f32 v8, v6;
	v6 =	vld [tilespmem:s26+$0x1120]  }
0x15e: {  	v8 =	vld [tilespmem:s26+$0x7120]  }
0x15f: {  	[tilespmem:s26+$0xD70] =	vst v3;
	v3 =	vadd.f32 v9, v5;
	v5 =	vld [tilespmem:s26+$0x1130]  }
0x160: {  	v9 =	vld [tilespmem:s26+$0x7130]  }
0x161: {  	[tilespmem:s26+$0x1100] =	vst v3;
	v3 =	vadd.f32 v7, v4;
	v4 =	vld [tilespmem:s26+$0x1140]  }
0x162: {  	v7 =	vld [tilespmem:s26+$0x7140]  }
0x163: {  	[tilespmem:s26+$0x1110] =	vst v3;
	v3 =	vadd.f32 v8, v6;
	v6 =	vld [tilespmem:s26+$0x1150]  }
0x164: {  	v8 =	vld [tilespmem:s26+$0x7150]  }
0x165: {  	[tilespmem:s26+$0x1120] =	vst v3;
	v3 =	vadd.f32 v9, v5;
	v5 =	vld [tilespmem:s26+$0x1160]  }
0x166: {  	v9 =	vld [tilespmem:s26+$0x7160]  }
0x167: {  	[tilespmem:s26+$0x1130] =	vst v3;
	v3 =	vadd.f32 v7, v4;
	v4 =	vld [tilespmem:s26+$0x1170]  }
0x168: {  	v7 =	vld [tilespmem:s26+$0x7170]  }
0x169: {  	[tilespmem:s26+$0x1140] =	vst v3;
	v3 =	vadd.f32 v8, v6;
	v6 =	vld [tilespmem:s26+$0x1500]  }
0x16a: {  	v8 =	vld [tilespmem:s26+$0x7500]  }
0x16b: {  	[tilespmem:s26+$0x1150] =	vst v3;
	v3 =	vadd.f32 v9, v5;
	v5 =	vld [tilespmem:s26+$0x1510]  }
0x16c: {  	v9 =	vld [tilespmem:s26+$0x7510]  }
0x16d: {  	[tilespmem:s26+$0x1160] =	vst v3;
	v3 =	vadd.f32 v7, v4;
	v10 =	vld [tilespmem:s26+$0x1520]  }
0x16e: {  	v11 =	vld [tilespmem:s26+$0x7520]  }
0x16f: {  	[tilespmem:s26+$0x1170] =	vst v3;
	v4 =	vadd.f32 v8, v6;
	v3 =	vld [tilespmem:s26+$0x1530]  }
.Ltmp0:
0x170: {  	v6 =	vld [tilespmem:s26+$0x7530];
	(pc) =	sbr.rel @p0 .LBB2_2-.Ltmp0, $4  }
0x171: {  	[tilespmem:s26+$0x1500] =	vst v4;
	v5 =	vadd.f32 v9, v5;
	v4 =	vld [tilespmem:s26+$0x1540]  }
0x172: {  	v7 =	vld [tilespmem:s26+$0x7540]  }
0x173: {  	s30 =	sshrl.u32 s29, $0x3;
	[tilespmem:s26+$0x1510] =	vst v5;
	v9 =	vadd.f32 v11, v10;
	v5 =	vld [tilespmem:s26+$0x1550]  }
0x174: {  	s28 =	sadd.s32 $0x80, s28;
	s29 =	sadd.s32 $0x1, s29;
	s30 =	smul.u32 $0x1800, s30;
	v8 =	vld [tilespmem:s26+$0x7550]  }
0x175: {  	[tilespmem:s26+$0x1520] =	vst v9;
	s28 =	sand.u32 $0x380, s28;
	v9 =	vld [tilespmem:s26+$0x1560]  }
0x176: {  	v10 =	vld [tilespmem:s26+$0x7560];
	s28 =	sor.u32 s28, s30  }
0x177: {  	v11 =	vld [tilespmem:s28+$0x1570]  }
0x178: {  	v12 =	vld [tilespmem:s28+$0x7570]  }
0x179: {  	v13 =	vld [tilespmem:s28+$0x100]  }
0x17a: {  	v14 =	vld [tilespmem:s28+$0x6100]  }
0x17b: {  	v15 =	vld [tilespmem:s28+$0x110]  }
0x17c: {  	v16 =	vld [tilespmem:s28+$0x6110]  }
0x17d: {  	v17 =	vld [tilespmem:s28+$0x120]  }
0x17e: {  	v18 =	vld [tilespmem:s28+$0x6120]  }
0x17f: {  	v19 =	vld [tilespmem:s28+$0x130]  }
0x180: {  	v20 =	vld [tilespmem:s28+$0x6130]  }
0x181: {  	v21 =	vld [tilespmem:s28+$0x140]  }
0x182: {  	v22 =	vld [tilespmem:s28+$0x6140]  }
0x183: {  	v23 =	vld [tilespmem:s28+$0x150]  }
0x184: {  	v24 =	vld [tilespmem:s28+$0x6150]  }
0x185: {  	v25 =	vld [tilespmem:s28+$0x160]  }
0x186: {  	v26 =	vld [tilespmem:s28+$0x6160]  }
0x187: {  	v27 =	vld [tilespmem:s28+$0x170]  }
0x188: {  	v28 =	vld [tilespmem:s28+$0x6170]  }
0x189: {  	v29 =	vld [tilespmem:s28+$0x500]  }
0x18a: {  	v30 =	vld [tilespmem:s28+$0x6500]  }
0x18b: {  	v31 =	vld [tilespmem:s28+$0x510]  }
0x18c: {  	v32 =	vld [tilespmem:s28+$0x6510]  }
0x18d: {  	v33 =	vld [tilespmem:s28+$0x520]  }
0x18e: {  	v34 =	vld [tilespmem:s28+$0x6520]  }
0x18f: {  	v35 =	vld [tilespmem:s28+$0x530]  }
0x190: {  	v36 =	vld [tilespmem:s28+$0x6530]  }
0x191: {  	v37 =	vld [tilespmem:s28+$0x540]  }
0x192: {  	v38 =	vld [tilespmem:s28+$0x6540]  }
0x193: {  	v39 =	vld [tilespmem:s28+$0x550]  }
0x194: {  	v40 =	vld [tilespmem:s28+$0x6550]  }
0x195: {  	v41 =	vld [tilespmem:s28+$0x560]  }
0x196: {  	v42 =	vld [tilespmem:s28+$0x6560]  }
0x197: {  	v43 =	vld [tilespmem:s28+$0x570]  }
0x198: {  	v44 =	vld [tilespmem:s28+$0x6570]  }
0x199: {  	v45 =	vld [tilespmem:s28+$0x900]  }
0x19a: {  	v46 =	vld [tilespmem:s28+$0x6900]  }
0x19b: {  	v47 =	vld [tilespmem:s28+$0x910]  }
0x19c: {  	v48 =	vld [tilespmem:s28+$0x6910]  }
0x19d: {  	v49 =	vld [tilespmem:s28+$0x920]  }
0x19e: {  	v50 =	vld [tilespmem:s28+$0x6920]  }
0x19f: {  	v51 =	vld [tilespmem:s28+$0x930]  }
0x1a0: {  	v52 =	vld [tilespmem:s28+$0x6930]  }
0x1a1: {  	v53 =	vld [tilespmem:s28+$0x940]  }
0x1a2: {  	v54 =	vld [tilespmem:s28+$0x6940]  }
0x1a3: {  	v55 =	vld [tilespmem:s28+$0x950]  }
0x1a4: {  	v56 =	vld [tilespmem:s28+$0x6950]  }
0x1a5: {  	v57 =	vld [tilespmem:s28+$0x960]  }
0x1a6: {  	v58 =	vld [tilespmem:s28+$0x6960]  }
0x1a7: {  	v59 =	vld [tilespmem:s28+$0x970]  }
0x1a8: {  	v3 =	vadd.f32 v6, v3;
	v6 =	vld [tilespmem:s28+$0x6970]  }
0x1a9: {  	v4 =	vadd.f32 v7, v4;
	v7 =	vld [tilespmem:s28+$0xD00]  }
0x1aa: {  	[tilespmem:s26+$0x1530] =	vst v3;
	v60 =	vld [tilespmem:s28+$0x6D50];
	v3 =	vadd.f32 v8, v5  }
0x1ab: {  	v61 =	vld [tilespmem:s28+$0xD60];
	[tilespmem:s26+$0x1540] =	vst v4;
	v4 =	vadd.f32 v10, v9  }
0x1ac: {  	v62 =	vld [tilespmem:s28+$0x6D60];
	[tilespmem:s26+$0x1550] =	vst v3;
	v3 =	vadd.f32 v12, v11  }
0x1ad: {  	v63 =	vld [tilespmem:s28+$0xD70];
	[tilespmem:s26+$0x1560] =	vst v4;
	v4 =	vadd.f32 v14, v13  }
0x1ae: {  	v5 =	vld [tilespmem:s28+$0x6D00];
	[tilespmem:s28+$0x1570] =	vst v3;
	v3 =	vadd.f32 v16, v15  }
0x1af: {  	v8 =	vld [tilespmem:s28+$0xD10];
	[tilespmem:s28+$0x100] =	vst v4;
	v4 =	vadd.f32 v18, v17  }
0x1b0: {  	v9 =	vld [tilespmem:s28+$0x6D10];
	[tilespmem:s28+$0x110] =	vst v3;
	v3 =	vadd.f32 v20, v19  }
0x1b1: {  	v10 =	vld [tilespmem:s28+$0xD20];
	[tilespmem:s28+$0x120] =	vst v4;
	v4 =	vadd.f32 v22, v21  }
0x1b2: {  	v11 =	vld [tilespmem:s28+$0x6D20];
	[tilespmem:s28+$0x130] =	vst v3;
	v3 =	vadd.f32 v24, v23  }
0x1b3: {  	v12 =	vld [tilespmem:s28+$0xD30];
	[tilespmem:s28+$0x140] =	vst v4;
	v4 =	vadd.f32 v26, v25  }
0x1b4: {  	v13 =	vld [tilespmem:s28+$0x6D30];
	[tilespmem:s28+$0x150] =	vst v3;
	v3 =	vadd.f32 v28, v27  }
0x1b5: {  	v14 =	vld [tilespmem:s28+$0xD40];
	[tilespmem:s28+$0x160] =	vst v4;
	v4 =	vadd.f32 v30, v29  }
0x1b6: {  	v15 =	vld [tilespmem:s28+$0x6D40];
	[tilespmem:s28+$0x170] =	vst v3;
	v3 =	vadd.f32 v32, v31  }
0x1b7: {  	v16 =	vld [tilespmem:s28+$0xD50];
	[tilespmem:s28+$0x500] =	vst v4;
	v4 =	vadd.f32 v34, v33  }
0x1b8: {  	[tilespmem:s28+$0x510] =	vst v3;
	v3 =	vadd.f32 v36, v35;
	v36 =	vld [tilespmem:s28+$0x6D70]  }
0x1b9: {  	[tilespmem:s28+$0x520] =	vst v4;
	v4 =	vadd.f32 v38, v37;
	v38 =	vld [tilespmem:s28+$0x1100]  }
0x1ba: {  	[tilespmem:s28+$0x530] =	vst v3;
	v3 =	vadd.f32 v40, v39;
	v40 =	vld [tilespmem:s28+$0x7100]  }
0x1bb: {  	[tilespmem:s28+$0x540] =	vst v4;
	v4 =	vadd.f32 v42, v41;
	v42 =	vld [tilespmem:s28+$0x1110]  }
0x1bc: {  	[tilespmem:s28+$0x550] =	vst v3;
	v3 =	vadd.f32 v44, v43;
	v44 =	vld [tilespmem:s28+$0x7110]  }
0x1bd: {  	[tilespmem:s28+$0x560] =	vst v4;
	v4 =	vadd.f32 v46, v45;
	v46 =	vld [tilespmem:s28+$0x1120]  }
0x1be: {  	[tilespmem:s28+$0x570] =	vst v3;
	v3 =	vadd.f32 v48, v47;
	v48 =	vld [tilespmem:s28+$0x7120]  }
0x1bf: {  	[tilespmem:s28+$0x900] =	vst v4;
	v4 =	vadd.f32 v50, v49;
	v50 =	vld [tilespmem:s28+$0x1130]  }
0x1c0: {  	[tilespmem:s28+$0x910] =	vst v3;
	v3 =	vadd.f32 v52, v51;
	v52 =	vld [tilespmem:s28+$0x7130]  }
0x1c1: {  	[tilespmem:s28+$0x920] =	vst v4;
	v4 =	vadd.f32 v54, v53;
	v54 =	vld [tilespmem:s28+$0x1140]  }
0x1c2: {  	[tilespmem:s28+$0x930] =	vst v3;
	v3 =	vadd.f32 v56, v55;
	v55 =	vld [tilespmem:s28+$0x7140]  }
0x1c3: {  	[tilespmem:s28+$0x940] =	vst v4;
	v4 =	vadd.f32 v58, v57;
	v56 =	vld [tilespmem:s28+$0x1150]  }
0x1c4: {  	v57 =	vld [tilespmem:s28+$0x1510];
	[tilespmem:s28+$0x950] =	vst v3;
	v3 =	vadd.f32 v6, v59  }
0x1c5: {  	v58 =	vld [tilespmem:s28+$0x7510];
	[tilespmem:s28+$0x960] =	vst v4;
	v4 =	vadd.f32 v5, v7  }
0x1c6: {  	v6 =	vld [tilespmem:s28+$0x7150];
	[tilespmem:s28+$0x970] =	vst v3;
	v3 =	vadd.f32 v9, v8  }
0x1c7: {  	v5 =	vld [tilespmem:s28+$0x1160];
	[tilespmem:s28+$0xD00] =	vst v4;
	v4 =	vadd.f32 v11, v10  }
0x1c8: {  	v7 =	vld [tilespmem:s28+$0x7160];
	[tilespmem:s28+$0xD10] =	vst v3;
	v3 =	vadd.f32 v13, v12  }
0x1c9: {  	v59 =	vld [tilespmem:s28+$0x1520];
	[tilespmem:s28+$0xD20] =	vst v4;
	v4 =	vadd.f32 v15, v14  }
0x1ca: {  	v8 =	vld [tilespmem:s28+$0x1170];
	[tilespmem:s28+$0xD30] =	vst v3;
	v3 =	vadd.f32 v60, v16  }
0x1cb: {  	v9 =	vld [tilespmem:s28+$0x7170];
	[tilespmem:s28+$0xD40] =	vst v4;
	v4 =	vadd.f32 v62, v61  }
0x1cc: {  	v10 =	vld [tilespmem:s28+$0x1500];
	[tilespmem:s28+$0xD50] =	vst v3;
	v3 =	vadd.f32 v36, v63  }
0x1cd: {  	v11 =	vld [tilespmem:s28+$0x7500];
	[tilespmem:s28+$0xD60] =	vst v4;
	v4 =	vadd.f32 v40, v38  }
0x1ce: {  	v60 =	vld [tilespmem:s28+$0x7520];
	[tilespmem:s28+$0xD70] =	vst v3;
	v3 =	vadd.f32 v44, v42  }
0x1cf: {  	v61 =	vld [tilespmem:s28+$0x1530];
	[tilespmem:s28+$0x1100] =	vst v4;
	v4 =	vadd.f32 v48, v46  }
0x1d0: {  	v62 =	vld [tilespmem:s28+$0x7530];
	[tilespmem:s28+$0x1110] =	vst v3;
	v3 =	vadd.f32 v52, v50  }
0x1d1: {  	v63 =	vld [tilespmem:s28+$0x1540];
	[tilespmem:s28+$0x1120] =	vst v4;
	v4 =	vadd.f32 v55, v54  }
0x1d2: {  	[tilespmem:s28+$0x1130] =	vst v3;
	v3 =	vadd.f32 v6, v56;
	v6 =	vld [tilespmem:s28+$0x7540]  }
0x1d3: {  	[tilespmem:s28+$0x1140] =	vst v4;
	v4 =	vadd.f32 v7, v5;
	v5 =	vld [tilespmem:s28+$0x1550]  }
0x1d4: {  	v7 =	vld [tilespmem:s28+$0x7550];
	[tilespmem:s28+$0x1150] =	vst v3;
	v3 =	vadd.f32 v9, v8  }
0x1d5: {  	[tilespmem:s28+$0x1160] =	vst v4;
	v4 =	vadd.f32 v11, v10;
	v8 =	vld [tilespmem:s28+$0x1560]  }
0x1d6: {  	v9 =	vld [tilespmem:s28+$0x7560];
	[tilespmem:s28+$0x1170] =	vst v3;
	v3 =	vadd.f32 v58, v57  }
0x1d7: {  	[tilespmem:s28+$0x1500] =	vst v4;
	v4 =	vadd.f32 v60, v59  }
0x1d8: {  	[tilespmem:s28+$0x1510] =	vst v3;
	v3 =	vadd.f32 v62, v61  }
0x1d9: {  	[tilespmem:s28+$0x1520] =	vst v4;
	v4 =	vadd.f32 v6, v63  }
0x1da: {  	[tilespmem:s28+$0x1530] =	vst v3;
	v3 =	vadd.f32 v7, v5  }
0x1db: {  	[tilespmem:s28+$0x1540] =	vst v4;
	v4 =	vadd.f32 v9, v8  }
0x1dc: {  	[tilespmem:s28+$0x1550] =	vst v3  }
0x1dd: {  	s31 =	simm.s32 $0x0;
	[tilespmem:s28+$0x1560] =	vst v4  }
0x1de: {  	[hbm4b:s8+s31] =	stream.linear.scatter [tilespmem:s13], [sflag:$0x3], $0x6000, $0x38;
	[tilespmem:$0x18100] =	vst v63  }
0x1df: {  	_ =	swait.ge [sflag:s23], $0x6000  }
0x1e0: {  	[sflag:s23] =	ssyncset.done $0x0  }
0x1e1: {  	s28 =	simm.s32 $0x0;
	[sflag:s23] =	ssyncadd.s32 $0xFFFFA000  }
0x1e2: {  	s28 =	smul.u32 $0x1800, s28;
	_ =	swait.ge [sflag:s23], $0x6000  }
0x1e3: {  	s26 =	sand.u32 $0x380, s31;
	[sflag:s23] =	ssyncset.done $0x0  }
0x1e4: {  	s26 =	sor.u32 s26, s28;
	[sflag:s23] =	ssyncadd.s32 $0xFFFFA000  }
0x1e5: {  	v3 =	vld [tilespmem:s26+$0xD570]  }
0x1e6: {  	v4 =	vld [tilespmem:s26+$0x13570]  }
0x1e7: {  	v5 =	vld [tilespmem:s26+$0xC100]  }
0x1e8: {  	v6 =	vld [tilespmem:s26+$0x12100]  }
0x1e9: {  	v7 =	vld [tilespmem:s26+$0xC110]  }
0x1ea: {  	v8 =	vld [tilespmem:s26+$0x12110]  }
0x1eb: {  	v9 =	vld [tilespmem:s26+$0xC120]  }
0x1ec: {  	v10 =	vld [tilespmem:s26+$0xC130];
	v3 =	vadd.f32 v4, v3  }
0x1ed: {  	v4 =	vld [tilespmem:s26+$0x12120]  }
0x1ee: {  	v5 =	vadd.f32 v6, v5;
	[tilespmem:s26+$0xD570] =	vst v3;
	v3 =	vld [tilespmem:s26+$0x12130]  }
0x1ef: {  	v6 =	vld [tilespmem:s26+$0xC140]  }
0x1f0: {  	[tilespmem:s26+$0xC100] =	vst v5;
	v5 =	vadd.f32 v8, v7;
	v7 =	vld [tilespmem:s26+$0x12140]  }
0x1f1: {  	v8 =	vld [tilespmem:s26+$0x12150]  }
0x1f2: {  	[tilespmem:s26+$0xC110] =	vst v5;
	v5 =	vld [tilespmem:s26+$0xC150];
	v4 =	vadd.f32 v4, v9  }
0x1f3: {  	v9 =	vld [tilespmem:s26+$0x12160];
	v3 =	vadd.f32 v3, v10  }
0x1f4: {  	[tilespmem:s26+$0xC120] =	vst v4;
	v4 =	vld [tilespmem:s26+$0xC160]  }
0x1f5: {  	[tilespmem:s26+$0xC130] =	vst v3;
	v3 =	vadd.f32 v7, v6;
	v6 =	vld [tilespmem:s26+$0xC170]  }
0x1f6: {  	v7 =	vld [tilespmem:s26+$0x12170]  }
0x1f7: {  	[tilespmem:s26+$0xC140] =	vst v3;
	v3 =	vadd.f32 v8, v5;
	v5 =	vld [tilespmem:s26+$0xC500]  }
0x1f8: {  	v8 =	vld [tilespmem:s26+$0x12500]  }
0x1f9: {  	[tilespmem:s26+$0xC150] =	vst v3;
	v3 =	vadd.f32 v9, v4;
	v4 =	vld [tilespmem:s26+$0xC510]  }
0x1fa: {  	v9 =	vld [tilespmem:s26+$0x12510]  }
0x1fb: {  	[tilespmem:s26+$0xC160] =	vst v3;
	v3 =	vadd.f32 v7, v6;
	v6 =	vld [tilespmem:s26+$0xC520]  }
0x1fc: {  	v7 =	vld [tilespmem:s26+$0x12520]  }
0x1fd: {  	[tilespmem:s26+$0xC170] =	vst v3;
	v3 =	vadd.f32 v8, v5;
	v5 =	vld [tilespmem:s26+$0xC530]  }
0x1fe: {  	v8 =	vld [tilespmem:s26+$0x12530]  }
0x1ff: {  	[tilespmem:s26+$0xC500] =	vst v3;
	v3 =	vadd.f32 v9, v4;
	v4 =	vld [tilespmem:s26+$0xC540]  }
0x200: {  	v9 =	vld [tilespmem:s26+$0x12540]  }
0x201: {  	[tilespmem:s26+$0xC510] =	vst v3;
	v3 =	vadd.f32 v7, v6;
	v6 =	vld [tilespmem:s26+$0xC550]  }
0x202: {  	v7 =	vld [tilespmem:s26+$0x12550]  }
0x203: {  	[tilespmem:s26+$0xC520] =	vst v3;
	v3 =	vadd.f32 v8, v5;
	v5 =	vld [tilespmem:s26+$0xC560]  }
0x204: {  	v8 =	vld [tilespmem:s26+$0x12560]  }
0x205: {  	[tilespmem:s26+$0xC530] =	vst v3;
	v3 =	vadd.f32 v9, v4;
	v4 =	vld [tilespmem:s26+$0xC570]  }
0x206: {  	v9 =	vld [tilespmem:s26+$0x12570]  }
0x207: {  	[tilespmem:s26+$0xC540] =	vst v3;
	v3 =	vadd.f32 v7, v6;
	v6 =	vld [tilespmem:s26+$0xC900]  }
0x208: {  	v7 =	vld [tilespmem:s26+$0x12900]  }
0x209: {  	[tilespmem:s26+$0xC550] =	vst v3;
	v3 =	vadd.f32 v8, v5;
	v5 =	vld [tilespmem:s26+$0xC910]  }
0x20a: {  	v8 =	vld [tilespmem:s26+$0x12910]  }
0x20b: {  	[tilespmem:s26+$0xC560] =	vst v3;
	v3 =	vadd.f32 v9, v4;
	v4 =	vld [tilespmem:s26+$0xC920]  }
0x20c: {  	v9 =	vld [tilespmem:s26+$0x12920]  }
0x20d: {  	[tilespmem:s26+$0xC570] =	vst v3;
	v3 =	vadd.f32 v7, v6;
	v6 =	vld [tilespmem:s26+$0xC930]  }
0x20e: {  	v7 =	vld [tilespmem:s26+$0x12930]  }
0x20f: {  	[tilespmem:s26+$0xC900] =	vst v3;
	v3 =	vadd.f32 v8, v5;
	v5 =	vld [tilespmem:s26+$0xC940]  }
0x210: {  	v8 =	vld [tilespmem:s26+$0x12940]  }
0x211: {  	[tilespmem:s26+$0xC910] =	vst v3;
	v3 =	vadd.f32 v9, v4;
	v4 =	vld [tilespmem:s26+$0xC950]  }
0x212: {  	v9 =	vld [tilespmem:s26+$0x12950]  }
0x213: {  	[tilespmem:s26+$0xC920] =	vst v3;
	v3 =	vadd.f32 v7, v6;
	v6 =	vld [tilespmem:s26+$0xC960]  }
0x214: {  	v7 =	vld [tilespmem:s26+$0x12960]  }
0x215: {  	[tilespmem:s26+$0xC930] =	vst v3;
	v3 =	vadd.f32 v8, v5;
	v5 =	vld [tilespmem:s26+$0xC970]  }
0x216: {  	v8 =	vld [tilespmem:s26+$0x12970]  }
0x217: {  	[tilespmem:s26+$0xC940] =	vst v3;
	v3 =	vadd.f32 v9, v4;
	v4 =	vld [tilespmem:s26+$0xCD00]  }
0x218: {  	v9 =	vld [tilespmem:s26+$0x12D00]  }
0x219: {  	[tilespmem:s26+$0xC950] =	vst v3;
	v3 =	vadd.f32 v7, v6;
	v6 =	vld [tilespmem:s26+$0xCD10]  }
0x21a: {  	v7 =	vld [tilespmem:s26+$0x12D10]  }
0x21b: {  	[tilespmem:s26+$0xC960] =	vst v3;
	v3 =	vadd.f32 v8, v5;
	v5 =	vld [tilespmem:s26+$0xCD20]  }
0x21c: {  	v8 =	vld [tilespmem:s26+$0x12D20]  }
0x21d: {  	[tilespmem:s26+$0xC970] =	vst v3;
	v3 =	vadd.f32 v9, v4;
	v4 =	vld [tilespmem:s26+$0xCD30]  }
0x21e: {  	v9 =	vld [tilespmem:s26+$0x12D30]  }
0x21f: {  	[tilespmem:s26+$0xCD00] =	vst v3;
	v3 =	vadd.f32 v7, v6;
	v6 =	vld [tilespmem:s26+$0xCD40]  }
0x220: {  	v7 =	vld [tilespmem:s26+$0x12D40]  }
0x221: {  	[tilespmem:s26+$0xCD10] =	vst v3;
	v3 =	vadd.f32 v8, v5;
	v5 =	vld [tilespmem:s26+$0xCD50]  }
0x222: {  	v8 =	vld [tilespmem:s26+$0x12D50]  }
0x223: {  	[tilespmem:s26+$0xCD20] =	vst v3;
	v3 =	vadd.f32 v9, v4;
	v4 =	vld [tilespmem:s26+$0xCD60]  }
0x224: {  	v9 =	vld [tilespmem:s26+$0x12D60]  }
0x225: {  	[tilespmem:s26+$0xCD30] =	vst v3;
	v3 =	vadd.f32 v7, v6;
	v6 =	vld [tilespmem:s26+$0xCD70]  }
0x226: {  	v7 =	vld [tilespmem:s26+$0x12D70]  }
0x227: {  	[tilespmem:s26+$0xCD40] =	vst v3;
	v3 =	vadd.f32 v8, v5;
	v5 =	vld [tilespmem:s26+$0xD100]  }
0x228: {  	v8 =	vld [tilespmem:s26+$0x13100]  }
0x229: {  	[tilespmem:s26+$0xCD50] =	vst v3;
	v3 =	vadd.f32 v9, v4;
	v4 =	vld [tilespmem:s26+$0xD110]  }
0x22a: {  	v9 =	vld [tilespmem:s26+$0x13110]  }
0x22b: {  	[tilespmem:s26+$0xCD60] =	vst v3;
	v3 =	vadd.f32 v7, v6;
	v6 =	vld [tilespmem:s26+$0xD120]  }
0x22c: {  	v7 =	vld [tilespmem:s26+$0x13120]  }
0x22d: {  	[tilespmem:s26+$0xCD70] =	vst v3;
	v3 =	vadd.f32 v8, v5;
	v5 =	vld [tilespmem:s26+$0xD130]  }
0x22e: {  	v8 =	vld [tilespmem:s26+$0x13130]  }
0x22f: {  	[tilespmem:s26+$0xD100] =	vst v3;
	v3 =	vadd.f32 v9, v4;
	v4 =	vld [tilespmem:s26+$0xD140]  }
0x230: {  	v9 =	vld [tilespmem:s26+$0x13140]  }
0x231: {  	[tilespmem:s26+$0xD110] =	vst v3;
	v3 =	vadd.f32 v7, v6;
	v6 =	vld [tilespmem:s26+$0xD150]  }
0x232: {  	v7 =	vld [tilespmem:s26+$0x13150]  }
0x233: {  	[tilespmem:s26+$0xD120] =	vst v3;
	v3 =	vadd.f32 v8, v5;
	v5 =	vld [tilespmem:s26+$0xD160]  }
0x234: {  	v8 =	vld [tilespmem:s26+$0x13160]  }
0x235: {  	[tilespmem:s26+$0xD130] =	vst v3;
	v3 =	vadd.f32 v9, v4;
	v4 =	vld [tilespmem:s26+$0xD170]  }
0x236: {  	v9 =	vld [tilespmem:s26+$0x13170]  }
0x237: {  	[tilespmem:s26+$0xD140] =	vst v3;
	v3 =	vadd.f32 v7, v6;
	v6 =	vld [tilespmem:s26+$0xD500]  }
0x238: {  	v7 =	vld [tilespmem:s26+$0x13500]  }
0x239: {  	v10 =	vld [tilespmem:s26+$0x13520]  }
0x23a: {  	[tilespmem:s26+$0xD150] =	vst v3;
	v3 =	vadd.f32 v8, v5;
	v5 =	vld [tilespmem:s26+$0xD510]  }
0x23b: {  	v8 =	vld [tilespmem:s26+$0x13510]  }
0x23c: {  	[tilespmem:s26+$0xD160] =	vst v3;
	v3 =	vadd.f32 v9, v4;
	v9 =	vld [tilespmem:s26+$0xD520]  }
0x23d: {  	v4 =	vadd.f32 v7, v6;
	v6 =	vld [tilespmem:s26+$0x13530]  }
0x23e: {  	[tilespmem:s26+$0xD170] =	vst v3;
	v3 =	vld [tilespmem:s26+$0xD530]  }
0x23f: {  	v7 =	vld [tilespmem:s26+$0x13540]  }
0x240: {  	[tilespmem:s26+$0xD500] =	vst v4;
	v5 =	vadd.f32 v8, v5;
	v4 =	vld [tilespmem:s26+$0xD540]  }
0x241: {  	s28 =	simm.s32 $0x0;
	v8 =	vld [tilespmem:s26+$0x13550];
	v9 =	vadd.f32 v10, v9  }
0x242: {  	s29 =	simm.s32 $0x2;
	s30 =	smul.u32 $0x1800, s28;
	s28 =	simm.s32 $0x80;
	[tilespmem:s26+$0xD510] =	vst v5;
	v5 =	vld [tilespmem:s26+$0xD550]  }
.LBB2_4:
0x243: {  	p0 =	sne.s32 s29, $0x1F;
	s31 =	sand.u32 $0x380, s28;
	[tilespmem:s26+$0xD520] =	vst v9;
	v3 =	vadd.f32 v6, v3;
	v6 =	vld [tilespmem:s26+$0xD560]  }
0x244: {  	s30 =	sor.u32 s31, s30;
	v9 =	vld [tilespmem:s26+$0x13560]  }
0x245: {  	v10 =	vld [tilespmem:s30+$0xD570];
	[tilespmem:s26+$0xD530] =	vst v3;
	v3 =	vadd.f32 v7, v4  }
0x246: {  	v4 =	vld [tilespmem:s30+$0x13570]  }
0x247: {  	v7 =	vld [tilespmem:s30+$0xC100];
	[tilespmem:s26+$0xD540] =	vst v3;
	v3 =	vadd.f32 v8, v5  }
0x248: {  	v5 =	vld [tilespmem:s30+$0x12100]  }
0x249: {  	v8 =	vld [tilespmem:s30+$0xC110];
	[tilespmem:s26+$0xD550] =	vst v3;
	v3 =	vadd.f32 v9, v6  }
0x24a: {  	v6 =	vld [tilespmem:s30+$0x12110]  }
0x24b: {  	v9 =	vld [tilespmem:s30+$0xC120];
	v4 =	vadd.f32 v4, v10;
	[tilespmem:s26+$0xD560] =	vst v3;
	s26 =	smov.u32 s30  }
0x24c: {  	v3 =	vld [tilespmem:s26+$0x12120]  }
0x24d: {  	v5 =	vadd.f32 v5, v7;
	v7 =	vld [tilespmem:s26+$0xC130];
	[tilespmem:s26+$0xD570] =	vst v4  }
0x24e: {  	v4 =	vld [tilespmem:s26+$0x12130]  }
0x24f: {  	[tilespmem:s26+$0xC100] =	vst v5;
	v5 =	vadd.f32 v6, v8;
	v6 =	vld [tilespmem:s26+$0xC140]  }
0x250: {  	v8 =	vld [tilespmem:s26+$0x12140]  }
0x251: {  	[tilespmem:s26+$0xC110] =	vst v5;
	v3 =	vadd.f32 v3, v9;
	v5 =	vld [tilespmem:s26+$0xC150]  }
0x252: {  	v9 =	vld [tilespmem:s26+$0x12150]  }
0x253: {  	[tilespmem:s26+$0xC120] =	vst v3;
	v3 =	vadd.f32 v4, v7;
	v4 =	vld [tilespmem:s26+$0xC160]  }
0x254: {  	v7 =	vld [tilespmem:s26+$0x12160]  }
0x255: {  	[tilespmem:s26+$0xC130] =	vst v3;
	v3 =	vadd.f32 v8, v6;
	v6 =	vld [tilespmem:s26+$0xC170]  }
0x256: {  	v8 =	vld [tilespmem:s26+$0x12170]  }
0x257: {  	[tilespmem:s26+$0xC140] =	vst v3;
	v3 =	vadd.f32 v9, v5;
	v5 =	vld [tilespmem:s26+$0xC500]  }
0x258: {  	v9 =	vld [tilespmem:s26+$0x12500]  }
0x259: {  	[tilespmem:s26+$0xC150] =	vst v3;
	v3 =	vadd.f32 v7, v4;
	v4 =	vld [tilespmem:s26+$0xC510]  }
0x25a: {  	v7 =	vld [tilespmem:s26+$0x12510]  }
0x25b: {  	[tilespmem:s26+$0xC160] =	vst v3;
	v3 =	vadd.f32 v8, v6;
	v6 =	vld [tilespmem:s26+$0xC520]  }
0x25c: {  	v8 =	vld [tilespmem:s26+$0x12520]  }
0x25d: {  	[tilespmem:s26+$0xC170] =	vst v3;
	v3 =	vadd.f32 v9, v5;
	v5 =	vld [tilespmem:s26+$0xC530]  }
0x25e: {  	v9 =	vld [tilespmem:s26+$0x12530]  }
0x25f: {  	[tilespmem:s26+$0xC500] =	vst v3;
	v3 =	vadd.f32 v7, v4;
	v4 =	vld [tilespmem:s26+$0xC540]  }
0x260: {  	v7 =	vld [tilespmem:s26+$0x12540]  }
0x261: {  	[tilespmem:s26+$0xC510] =	vst v3;
	v3 =	vadd.f32 v8, v6;
	v6 =	vld [tilespmem:s26+$0xC550]  }
0x262: {  	v8 =	vld [tilespmem:s26+$0x12550]  }
0x263: {  	[tilespmem:s26+$0xC520] =	vst v3;
	v3 =	vadd.f32 v9, v5;
	v5 =	vld [tilespmem:s26+$0xC560]  }
0x264: {  	v9 =	vld [tilespmem:s26+$0x12560]  }
0x265: {  	[tilespmem:s26+$0xC530] =	vst v3;
	v3 =	vadd.f32 v7, v4;
	v4 =	vld [tilespmem:s26+$0xC570]  }
0x266: {  	v7 =	vld [tilespmem:s26+$0x12570]  }
0x267: {  	[tilespmem:s26+$0xC540] =	vst v3;
	v3 =	vadd.f32 v8, v6;
	v6 =	vld [tilespmem:s26+$0xC900]  }
0x268: {  	v8 =	vld [tilespmem:s26+$0x12900]  }
0x269: {  	[tilespmem:s26+$0xC550] =	vst v3;
	v3 =	vadd.f32 v9, v5;
	v5 =	vld [tilespmem:s26+$0xC910]  }
0x26a: {  	v9 =	vld [tilespmem:s26+$0x12910]  }
0x26b: {  	[tilespmem:s26+$0xC560] =	vst v3;
	v3 =	vadd.f32 v7, v4;
	v4 =	vld [tilespmem:s26+$0xC920]  }
0x26c: {  	v7 =	vld [tilespmem:s26+$0x12920]  }
0x26d: {  	[tilespmem:s26+$0xC570] =	vst v3;
	v3 =	vadd.f32 v8, v6;
	v6 =	vld [tilespmem:s26+$0xC930]  }
0x26e: {  	v8 =	vld [tilespmem:s26+$0x12930]  }
0x26f: {  	[tilespmem:s26+$0xC900] =	vst v3;
	v3 =	vadd.f32 v9, v5;
	v5 =	vld [tilespmem:s26+$0xC940]  }
0x270: {  	v9 =	vld [tilespmem:s26+$0x12940]  }
0x271: {  	[tilespmem:s26+$0xC910] =	vst v3;
	v3 =	vadd.f32 v7, v4;
	v4 =	vld [tilespmem:s26+$0xC950]  }
0x272: {  	v7 =	vld [tilespmem:s26+$0x12950]  }
0x273: {  	[tilespmem:s26+$0xC920] =	vst v3;
	v3 =	vadd.f32 v8, v6;
	v6 =	vld [tilespmem:s26+$0xC960]  }
0x274: {  	v8 =	vld [tilespmem:s26+$0x12960]  }
0x275: {  	[tilespmem:s26+$0xC930] =	vst v3;
	v3 =	vadd.f32 v9, v5;
	v5 =	vld [tilespmem:s26+$0xC970]  }
0x276: {  	v9 =	vld [tilespmem:s26+$0x12970]  }
0x277: {  	[tilespmem:s26+$0xC940] =	vst v3;
	v3 =	vadd.f32 v7, v4;
	v4 =	vld [tilespmem:s26+$0xCD00]  }
0x278: {  	v7 =	vld [tilespmem:s26+$0x12D00]  }
0x279: {  	[tilespmem:s26+$0xC950] =	vst v3;
	v3 =	vadd.f32 v8, v6;
	v6 =	vld [tilespmem:s26+$0xCD10]  }
0x27a: {  	v8 =	vld [tilespmem:s26+$0x12D10]  }
0x27b: {  	[tilespmem:s26+$0xC960] =	vst v3;
	v3 =	vadd.f32 v9, v5;
	v5 =	vld [tilespmem:s26+$0xCD20]  }
0x27c: {  	v9 =	vld [tilespmem:s26+$0x12D20]  }
0x27d: {  	[tilespmem:s26+$0xC970] =	vst v3;
	v3 =	vadd.f32 v7, v4;
	v4 =	vld [tilespmem:s26+$0xCD30]  }
0x27e: {  	v7 =	vld [tilespmem:s26+$0x12D30]  }
0x27f: {  	[tilespmem:s26+$0xCD00] =	vst v3;
	v3 =	vadd.f32 v8, v6;
	v6 =	vld [tilespmem:s26+$0xCD40]  }
0x280: {  	v8 =	vld [tilespmem:s26+$0x12D40]  }
0x281: {  	[tilespmem:s26+$0xCD10] =	vst v3;
	v3 =	vadd.f32 v9, v5;
	v5 =	vld [tilespmem:s26+$0xCD50]  }
0x282: {  	v9 =	vld [tilespmem:s26+$0x12D50]  }
0x283: {  	[tilespmem:s26+$0xCD20] =	vst v3;
	v3 =	vadd.f32 v7, v4;
	v4 =	vld [tilespmem:s26+$0xCD60]  }
0x284: {  	v7 =	vld [tilespmem:s26+$0x12D60]  }
0x285: {  	[tilespmem:s26+$0xCD30] =	vst v3;
	v3 =	vadd.f32 v8, v6;
	v6 =	vld [tilespmem:s26+$0xCD70]  }
0x286: {  	v8 =	vld [tilespmem:s26+$0x12D70]  }
0x287: {  	[tilespmem:s26+$0xCD40] =	vst v3;
	v3 =	vadd.f32 v9, v5;
	v5 =	vld [tilespmem:s26+$0xD100]  }
0x288: {  	v9 =	vld [tilespmem:s26+$0x13100]  }
0x289: {  	[tilespmem:s26+$0xCD50] =	vst v3;
	v3 =	vadd.f32 v7, v4;
	v4 =	vld [tilespmem:s26+$0xD110]  }
0x28a: {  	v7 =	vld [tilespmem:s26+$0x13110]  }
0x28b: {  	[tilespmem:s26+$0xCD60] =	vst v3;
	v3 =	vadd.f32 v8, v6;
	v6 =	vld [tilespmem:s26+$0xD120]  }
0x28c: {  	v8 =	vld [tilespmem:s26+$0x13120]  }
0x28d: {  	[tilespmem:s26+$0xCD70] =	vst v3;
	v3 =	vadd.f32 v9, v5;
	v5 =	vld [tilespmem:s26+$0xD130]  }
0x28e: {  	v9 =	vld [tilespmem:s26+$0x13130]  }
0x28f: {  	[tilespmem:s26+$0xD100] =	vst v3;
	v3 =	vadd.f32 v7, v4;
	v4 =	vld [tilespmem:s26+$0xD140]  }
0x290: {  	v7 =	vld [tilespmem:s26+$0x13140]  }
0x291: {  	[tilespmem:s26+$0xD110] =	vst v3;
	v3 =	vadd.f32 v8, v6;
	v6 =	vld [tilespmem:s26+$0xD150]  }
0x292: {  	v8 =	vld [tilespmem:s26+$0x13150]  }
0x293: {  	[tilespmem:s26+$0xD120] =	vst v3;
	v3 =	vadd.f32 v9, v5;
	v5 =	vld [tilespmem:s26+$0xD160]  }
0x294: {  	v9 =	vld [tilespmem:s26+$0x13160]  }
0x295: {  	[tilespmem:s26+$0xD130] =	vst v3;
	v3 =	vadd.f32 v7, v4;
	v4 =	vld [tilespmem:s26+$0xD170]  }
0x296: {  	v7 =	vld [tilespmem:s26+$0x13170]  }
0x297: {  	[tilespmem:s26+$0xD140] =	vst v3;
	v3 =	vadd.f32 v8, v6;
	v6 =	vld [tilespmem:s26+$0xD500]  }
0x298: {  	v8 =	vld [tilespmem:s26+$0x13500]  }
0x299: {  	[tilespmem:s26+$0xD150] =	vst v3;
	v3 =	vadd.f32 v9, v5;
	v5 =	vld [tilespmem:s26+$0xD510]  }
0x29a: {  	v9 =	vld [tilespmem:s26+$0x13510]  }
0x29b: {  	[tilespmem:s26+$0xD160] =	vst v3;
	v3 =	vadd.f32 v7, v4;
	v10 =	vld [tilespmem:s26+$0xD520]  }
0x29c: {  	v11 =	vld [tilespmem:s26+$0x13520]  }
0x29d: {  	[tilespmem:s26+$0xD170] =	vst v3;
	v4 =	vadd.f32 v8, v6;
	v3 =	vld [tilespmem:s26+$0xD530]  }
.Ltmp1:
0x29e: {  	v6 =	vld [tilespmem:s26+$0x13530];
	(pc) =	sbr.rel @p0 .LBB2_4-.Ltmp1, $4  }
0x29f: {  	[tilespmem:s26+$0xD500] =	vst v4;
	v5 =	vadd.f32 v9, v5;
	v4 =	vld [tilespmem:s26+$0xD540]  }
0x2a0: {  	v7 =	vld [tilespmem:s26+$0x13540]  }
0x2a1: {  	s30 =	sshrl.u32 s29, $0x3;
	[tilespmem:s26+$0xD510] =	vst v5;
	v9 =	vadd.f32 v11, v10;
	v5 =	vld [tilespmem:s26+$0xD550]  }
0x2a2: {  	s28 =	sadd.s32 $0x80, s28;
	s29 =	sadd.s32 $0x1, s29;
	s30 =	smul.u32 $0x1800, s30;
	v8 =	vld [tilespmem:s26+$0x13550]  }
0x2a3: {  	s28 =	sand.u32 $0x380, s28;
	v62 =	vld [tilespmem:s26+$0xD560]  }
0x2a4: {  	v10 =	vld [tilespmem:s26+$0x13560];
	s28 =	sor.u32 s28, s30  }
0x2a5: {  	v11 =	vld [tilespmem:s28+$0xD570]  }
0x2a6: {  	v12 =	vld [tilespmem:s28+$0x13570]  }
0x2a7: {  	v13 =	vld [tilespmem:s28+$0xC100]  }
0x2a8: {  	v14 =	vld [tilespmem:s28+$0x12100]  }
0x2a9: {  	v15 =	vld [tilespmem:s28+$0xC110]  }
0x2aa: {  	v16 =	vld [tilespmem:s28+$0x12110]  }
0x2ab: {  	v17 =	vld [tilespmem:s28+$0xC120]  }
0x2ac: {  	v18 =	vld [tilespmem:s28+$0x12120]  }
0x2ad: {  	v19 =	vld [tilespmem:s28+$0xC130]  }
0x2ae: {  	v20 =	vld [tilespmem:s28+$0x12130]  }
0x2af: {  	v21 =	vld [tilespmem:s28+$0xC140]  }
0x2b0: {  	v22 =	vld [tilespmem:s28+$0x12140]  }
0x2b1: {  	v23 =	vld [tilespmem:s28+$0xC150]  }
0x2b2: {  	v24 =	vld [tilespmem:s28+$0x12150]  }
0x2b3: {  	v25 =	vld [tilespmem:s28+$0xC160]  }
0x2b4: {  	v26 =	vld [tilespmem:s28+$0x12160]  }
0x2b5: {  	v27 =	vld [tilespmem:s28+$0xC170]  }
0x2b6: {  	v28 =	vld [tilespmem:s28+$0x12170]  }
0x2b7: {  	v29 =	vld [tilespmem:s28+$0xC500]  }
0x2b8: {  	v30 =	vld [tilespmem:s28+$0x12500]  }
0x2b9: {  	v31 =	vld [tilespmem:s28+$0xC510]  }
0x2ba: {  	v32 =	vld [tilespmem:s28+$0x12510]  }
0x2bb: {  	v33 =	vld [tilespmem:s28+$0xC520]  }
0x2bc: {  	v34 =	vld [tilespmem:s28+$0x12520]  }
0x2bd: {  	v35 =	vld [tilespmem:s28+$0xC530]  }
0x2be: {  	v36 =	vld [tilespmem:s28+$0x12530]  }
0x2bf: {  	v37 =	vld [tilespmem:s28+$0xC540]  }
0x2c0: {  	v38 =	vld [tilespmem:s28+$0x12540]  }
0x2c1: {  	v39 =	vld [tilespmem:s28+$0xC550]  }
0x2c2: {  	v40 =	vld [tilespmem:s28+$0x12550]  }
0x2c3: {  	v41 =	vld [tilespmem:s28+$0xC560]  }
0x2c4: {  	v42 =	vld [tilespmem:s28+$0x12560]  }
0x2c5: {  	v43 =	vld [tilespmem:s28+$0xC570]  }
0x2c6: {  	v44 =	vld [tilespmem:s28+$0x12570]  }
0x2c7: {  	v45 =	vld [tilespmem:s28+$0xC900]  }
0x2c8: {  	v46 =	vld [tilespmem:s28+$0x12900]  }
0x2c9: {  	v47 =	vld [tilespmem:s28+$0xC910]  }
0x2ca: {  	v48 =	vld [tilespmem:s28+$0x12910]  }
0x2cb: {  	v49 =	vld [tilespmem:s28+$0xC920]  }
0x2cc: {  	v50 =	vld [tilespmem:s28+$0x12920]  }
0x2cd: {  	v51 =	vld [tilespmem:s28+$0xC930]  }
0x2ce: {  	v52 =	vld [tilespmem:s28+$0x12930]  }
0x2cf: {  	v53 =	vld [tilespmem:s28+$0xC940]  }
0x2d0: {  	v54 =	vld [tilespmem:s28+$0x12940]  }
0x2d1: {  	v55 =	vld [tilespmem:s28+$0xC950]  }
0x2d2: {  	v56 =	vld [tilespmem:s28+$0x12950]  }
0x2d3: {  	v57 =	vld [tilespmem:s28+$0xC960]  }
0x2d4: {  	v58 =	vld [tilespmem:s28+$0x12960]  }
0x2d5: {  	v59 =	vld [tilespmem:s28+$0xC970]  }
0x2d6: {  	v3 =	vadd.f32 v6, v3;
	v6 =	vld [tilespmem:s28+$0x12970]  }
0x2d7: {  	[tilespmem:s26+$0xD520] =	vst v9;
	v4 =	vadd.f32 v7, v4;
	v7 =	vld [tilespmem:s28+$0xCD00]  }
0x2d8: {  	[tilespmem:s26+$0xD530] =	vst v3;
	v9 =	vld [tilespmem:s28+$0x12D10];
	v3 =	vadd.f32 v8, v5  }
0x2d9: {  	v60 =	vld [tilespmem:s28+$0xD140];
	[tilespmem:s26+$0xD540] =	vst v4;
	v63 =	vadd.f32 v10, v62  }
0x2da: {  	v61 =	vld [tilespmem:s28+$0x13140];
	[tilespmem:s26+$0xD550] =	vst v3;
	v3 =	vadd.f32 v12, v11  }
0x2db: {  	v5 =	vld [tilespmem:s28+$0x12D00];
	[tilespmem:s26+$0xD560] =	vst v63;
	v14 =	vadd.f32 v14, v13  }
0x2dc: {  	v8 =	vld [tilespmem:s28+$0xCD10];
	v18 =	vadd.f32 v18, v17;
	[tilespmem:s28+$0xD570] =	vst v3  }
0x2dd: {  	v10 =	vld [tilespmem:s28+$0xCD20];
	v3 =	vadd.f32 v16, v15;
	[tilespmem:s28+$0xC100] =	vst v14  }
0x2de: {  	v11 =	vld [tilespmem:s28+$0x12D20];
	v22 =	vadd.f32 v22, v21;
	[tilespmem:s28+$0xC120] =	vst v18  }
0x2df: {  	v12 =	vld [tilespmem:s28+$0xCD30];
	[tilespmem:s28+$0xC110] =	vst v3;
	v3 =	vadd.f32 v20, v19  }
0x2e0: {  	v13 =	vld [tilespmem:s28+$0x12D30];
	v26 =	vadd.f32 v26, v25;
	[tilespmem:s28+$0xC140] =	vst v22  }
0x2e1: {  	v17 =	vld [tilespmem:s28+$0x12D50];
	[tilespmem:s28+$0xC130] =	vst v3;
	v3 =	vadd.f32 v24, v23  }
0x2e2: {  	v30 =	vadd.f32 v30, v29;
	v21 =	vld [tilespmem:s28+$0x12D70];
	[tilespmem:s28+$0xC160] =	vst v26  }
0x2e3: {  	v25 =	vld [tilespmem:s28+$0x13110];
	[tilespmem:s28+$0xC150] =	vst v3;
	v3 =	vadd.f32 v28, v27  }
0x2e4: {  	v34 =	vadd.f32 v34, v33;
	v63 =	vld [tilespmem:s28+$0xD150];
	[tilespmem:s28+$0xC500] =	vst v30  }
0x2e5: {  	v33 =	vld [tilespmem:s28+$0x13150];
	[tilespmem:s28+$0xC170] =	vst v3;
	v3 =	vadd.f32 v32, v31  }
0x2e6: {  	v38 =	vadd.f32 v38, v37;
	v42 =	vadd.f32 v42, v41;
	v41 =	vld [tilespmem:s28+$0xD500];
	[tilespmem:s28+$0xC520] =	vst v34  }
0x2e7: {  	v46 =	vadd.f32 v46, v45;
	v45 =	vld [tilespmem:s28+$0x13510];
	[tilespmem:s28+$0xC510] =	vst v3;
	v3 =	vadd.f32 v36, v35  }
0x2e8: {  	v54 =	vadd.f32 v54, v53;
	v53 =	vld [tilespmem:s28+$0xD540];
	[tilespmem:s28+$0xC540] =	vst v38  }
0x2e9: {  	v62 =	vadd.f32 v58, v57;
	v57 =	vld [tilespmem:s28+$0x13550];
	[tilespmem:s28+$0xC530] =	vst v3;
	v3 =	vadd.f32 v40, v39  }
0x2ea: {  	v14 =	vld [tilespmem:s28+$0xCD40];
	[tilespmem:s28+$0xC560] =	vst v42  }
0x2eb: {  	v15 =	vld [tilespmem:s28+$0x12D40];
	[tilespmem:s28+$0xC550] =	vst v3;
	v3 =	vadd.f32 v44, v43  }
0x2ec: {  	v50 =	vadd.f32 v50, v49;
	v16 =	vld [tilespmem:s28+$0xCD50];
	[tilespmem:s28+$0xC900] =	vst v46  }
0x2ed: {  	v18 =	vld [tilespmem:s28+$0xCD60];
	[tilespmem:s28+$0xC570] =	vst v3;
	v3 =	vadd.f32 v48, v47  }
0x2ee: {  	v22 =	vld [tilespmem:s28+$0xD100];
	[tilespmem:s28+$0xC920] =	vst v50  }
0x2ef: {  	v26 =	vld [tilespmem:s28+$0xD120];
	[tilespmem:s28+$0xC910] =	vst v3;
	v3 =	vadd.f32 v52, v51  }
0x2f0: {  	[tilespmem:s28+$0xC940] =	vst v54;
	v38 =	vld [tilespmem:s28+$0xD170]  }
0x2f1: {  	v42 =	vld [tilespmem:s28+$0x13500];
	[tilespmem:s28+$0xC930] =	vst v3;
	v3 =	vadd.f32 v56, v55  }
0x2f2: {  	[tilespmem:s28+$0xC960] =	vst v62;
	v34 =	vadd.f32 v5, v7;
	v50 =	vld [tilespmem:s28+$0xD530]  }
0x2f3: {  	v54 =	vld [tilespmem:s28+$0x13540];
	[tilespmem:s28+$0xC950] =	vst v3;
	v3 =	vadd.f32 v6, v59  }
0x2f4: {  	v19 =	vld [tilespmem:s28+$0x12D60];
	[tilespmem:s28+$0xCD00] =	vst v34;
	v37 =	vadd.f32 v11, v10  }
0x2f5: {  	v23 =	vld [tilespmem:s28+$0x13100];
	[tilespmem:s28+$0xC970] =	vst v3;
	v3 =	vadd.f32 v9, v8  }
0x2f6: {  	v20 =	vld [tilespmem:s28+$0xCD70];
	[tilespmem:s28+$0xCD20] =	vst v37;
	v58 =	vadd.f32 v42, v41  }
0x2f7: {  	v27 =	vld [tilespmem:s28+$0x13120];
	[tilespmem:s28+$0xCD10] =	vst v3;
	v3 =	vadd.f32 v13, v12  }
0x2f8: {  	v24 =	vld [tilespmem:s28+$0xD110];
	v62 =	vadd.f32 v54, v53;
	[tilespmem:s28+$0xD500] =	vst v58  }
0x2f9: {  	v28 =	vld [tilespmem:s28+$0xD130];
	[tilespmem:s28+$0xCD30] =	vst v3;
	v3 =	vadd.f32 v17, v16  }
0x2fa: {  	[tilespmem:s28+$0xD540] =	vst v62;
	v46 =	vadd.f32 v23, v22;
	v52 =	vld [tilespmem:s28+$0x13130]  }
0x2fb: {  	v35 =	vld [tilespmem:s28+$0xD160];
	[tilespmem:s28+$0xCD50] =	vst v3;
	v3 =	vadd.f32 v21, v20  }
0x2fc: {  	v36 =	vld [tilespmem:s28+$0x13160];
	[tilespmem:s28+$0xD100] =	vst v46;
	v49 =	vadd.f32 v27, v26  }
0x2fd: {  	v39 =	vld [tilespmem:s28+$0x13170];
	[tilespmem:s28+$0xCD70] =	vst v3;
	v3 =	vadd.f32 v25, v24  }
0x2fe: {  	v40 =	vadd.f32 v15, v14;
	[tilespmem:s28+$0xD120] =	vst v49;
	v44 =	vld [tilespmem:s28+$0xD510]  }
0x2ff: {  	v47 =	vld [tilespmem:s28+$0xD520];
	[tilespmem:s28+$0xD110] =	vst v3;
	v3 =	vadd.f32 v52, v28  }
0x300: {  	[tilespmem:s28+$0xCD40] =	vst v40;
	v43 =	vadd.f32 v19, v18;
	v48 =	vld [tilespmem:s28+$0x13520]  }
0x301: {  	v51 =	vld [tilespmem:s28+$0x13530];
	[tilespmem:s28+$0xD130] =	vst v3;
	v3 =	vadd.f32 v33, v63  }
0x302: {  	[tilespmem:s28+$0xCD60] =	vst v43;
	v55 =	vadd.f32 v36, v35;
	v59 =	vld [tilespmem:s28+$0xD560]  }
0x303: {  	v52 =	vadd.f32 v61, v60;
	v60 =	vld [tilespmem:s28+$0x13560];
	[tilespmem:s28+$0xD150] =	vst v3;
	v3 =	vadd.f32 v39, v38  }
0x304: {  	v56 =	vld [tilespmem:s28+$0xD550];
	[tilespmem:s28+$0xD160] =	vst v55  }
0x305: {  	[tilespmem:s28+$0xD170] =	vst v3;
	v3 =	vadd.f32 v45, v44  }
0x306: {  	v61 =	vadd.f32 v48, v47;
	[tilespmem:s28+$0xD140] =	vst v52  }
0x307: {  	[tilespmem:s28+$0xD510] =	vst v3;
	v3 =	vadd.f32 v51, v50  }
0x308: {  	[tilespmem:s28+$0xD520] =	vst v61;
	v63 =	vadd.f32 v60, v59  }
0x309: {  	[tilespmem:s28+$0xD530] =	vst v3;
	v3 =	vadd.f32 v57, v56  }
0x30a: {  	[tilespmem:s28+$0xD560] =	vst v63  }
0x30b: {  	[tilespmem:s28+$0xD550] =	vst v3  }
0x30c: {  	s25 =	sadd.s32 $0x1, s25;
	_ =	swait.ge [sflag:s24], $0x6000  }
0x30d: {  	p0 =	sne.s32 s25, s10;
	[sflag:s24] =	ssyncset.done $0x0  }
.Ltmp2:
0x30e: {  	[sflag:s24] =	ssyncadd.s32 $0xFFFFA000;
	(pc) =	sbr.rel @p0 .LBB2_1-.Ltmp2, $4  }
0x30f: {  	[hbm4b:s9+s2] =	stream.linear.scatter [tilespmem:s17], [sflag:$0x4], $0x6000, $0x38;
	[tilespmem:$0x18100] =	vst v63  }
0x310: {  	_ =	swait.ge [sflag:s11], $0x6000  }
0x311: {  	[sflag:s11] =	ssyncset.done $0x0  }
0x312: {  	[sflag:s11] =	ssyncadd.s32 $0xFFFFA000  }
0x313: {  	_ =	sfence.sel $0x180000  }
0x314: {  	[bflag:$0x0] =	sbarrier.arrive $0xFFFF  }
0x315: {  	_ =	strace $0x9000004A  }
0x316: {  	s0 =	stileid.u32;
	[bflag:$0x2] =	sbarrier.arrive $0xFFFF  }
0x317: {  	p0 =	sne.s32 s0, $0x0;
	s0 =	rddreg [dreg:$0x2]  }
0x318: {  	s0 =	sadd.s32 @!p0 $0x100000, s0  }
0x319: {  	[sflag:s0] =	ssyncadd.tile.s32 @!p0 $0x1;
	_ =	shalt  }
.Lfunc_end2:
_tile_overlayer_lowered:
.L_overlay_start_2:
0x31a: {  	(tag) =	ssettag $0x2  }
0x31b: {  	s0 =	rddreg [dreg:$0x0];
	s2 =	stileid.u32  }
0x31c: {  	s1 =	rddreg [dreg:$0x1];
	p0 =	sne.s32 s2, $0x0  }
0x31d: {  	s3 =	rddreg [dreg:$0x2];
	[bflag:$0x3] =	sbarrier.arrive $0xFFFF;
	s2 =	simm.s32 @!p0 $0x1C04  }
0x31e: {  	[timem:s3], [sflag:s2] =	dma.local @!p0 [hbm:s0], s1  }
0x31f: {  	s0 =	simm.s32 @!p0 $0x4  }
0x320: {  	_ =	swait.ge @!p0 [sflag:s0], s1  }
0x321: {  	s1 =	ssub.s32 @!p0 $0x0, s1;
	[sflag:s0] =	ssyncset.done @!p0 $0x0  }
0x322: {  	[sflag:s0] =	ssyncadd.s32 @!p0 s1  }
0x323: {  	[bflag:$0x3] =	sbarrier.arrive $0xFFFF  }
0x324: {  	_ =	shalt  }

</sc_bundles>
